<compile_context>
chip_gen: v7x
topology: tpu7x:2x2x1
jax: 0.10.2.dev20260603
libtpu: 0.0.44.dev20260713+nightly
codegen_flags: <defaults>
</compile_context>

<pallas_src>
import functools

import jax
import jax.numpy as jnp
import numpy as np
from jax import lax
from jax.experimental import pallas as pl
from jax.experimental.pallas import tpu as pltpu
from jax.experimental.pallas import tpu_sc as plsc

NB = 32768
SHIFT = 16
NPIX = 512 * 512
C = 19
BATCH = 4
SLABS = 8
SLABPIX = BATCH * NPIX // SLABS
UNITS = C * SLABS
ROUNDS = (UNITS + 31) // 32
NWORKERS = 32
CHUNK = 8192
NCHUNK = SLABPIX // CHUNK
UNROLL = 16
ROWS = 256
LANES = 128


def _dv_table() -> np.ndarray:
    b = np.arange(NB, dtype=np.uint64)
    pat = np.minimum((b << SHIFT) + (1 << (SHIFT - 1)), 0x7F7FFFFF)
    v = pat.astype(np.uint32).view(np.float32).astype(np.float64)
    dv = np.diff(np.concatenate([[0.0], v]))
    return dv.reshape(ROWS, LANES).astype(np.float32)


_DV = _dv_table()


def _sc_hist_body(logits_ref, labels_ref, out_n_ref, out_g_ref,
                  nhist, ghist, logbuf, lblbuf, seml, semt):
    wid = lax.axis_index("s") * 2 + lax.axis_index("c")

    def run_unit(u):
        c = u // SLABS
        e = u % SLABS
        b = e // 2
        off0 = (e % 2) * SLABPIX

        def zero_body(i, _):
            z = jnp.zeros((16,), jnp.int32)
            nhist[pl.ds(i * 16, 16)] = z
            ghist[pl.ds(i * 16, 16)] = z
            return 0

        lax.fori_loop(0, NB // 16, zero_body, 0)

        def copies(k):
            s = k % 2
            off = off0 + k * CHUNK
            return (
                pltpu.make_async_copy(
                    logits_ref.at[b, c, pl.ds(off, CHUNK)], logbuf.at[s],
                    seml.at[s]),
                pltpu.make_async_copy(
                    labels_ref.at[b, pl.ds(off, CHUNK)], lblbuf.at[s],
                    semt.at[s]),
            )

        def process_vreg(lbl, p):
            fg = lbl == c
            e = jnp.abs(jnp.where(fg, 1.0 - p, p))
            key = lax.bitcast_convert_type(e, jnp.int32) >> SHIFT
            return key, fg

        for cp in copies(0):
            cp.start()

        def chunk_body(k, _):
            s = k % 2

            @pl.when(k + 1 < NCHUNK)
            def _():
                for cp in copies(k + 1):
                    cp.start()

            for cp in copies(k):
                cp.wait()

            def vreg_body(i, _):
                base = i * (16 * UNROLL)
                kfs = []
                for uu in range(UNROLL):
                    lbl = lblbuf[s, pl.ds(base + uu * 16, 16)]
                    p = logbuf[s, pl.ds(base + uu * 16, 16)]
                    kfs.append(process_vreg(lbl, p))
                scans = []
                for key, fg in kfs:
                    scans.append(plsc.scan_count(key))
                    scans.append(plsc.scan_count(key, mask=fg))
                for ui, (key, fg) in enumerate(kfs):
                    cnt_n, last_n = scans[2 * ui]
                    cnt_g, last_g = scans[2 * ui + 1]
                    plsc.addupdate_scatter(nhist, [key], cnt_n, mask=last_n)
                    plsc.addupdate_scatter(ghist, [key], cnt_g, mask=last_g)
                return 0

            lax.fori_loop(0, CHUNK // (16 * UNROLL), vreg_body, 0)
            return 0

        lax.fori_loop(0, NCHUNK, chunk_body, 0)

        pltpu.sync_copy(nhist, out_n_ref.at[c, e])
        pltpu.sync_copy(ghist, out_g_ref.at[c, e])

    for k in range(ROUNDS):
        u = wid + k * NWORKERS
        if k * NWORKERS + NWORKERS <= UNITS:
            run_unit(u)
        else:
            @pl.when(u < UNITS)
            def _():
                run_unit(u)


def _sc_histograms(logits_flat, labels_flat):
    mesh = plsc.VectorSubcoreMesh(core_axis_name="c", subcore_axis_name="s",
                                  num_cores=2, num_subcores=16)
    kern = pl.kernel(
        _sc_hist_body,
        out_type=(
            jax.ShapeDtypeStruct((C, SLABS, NB), jnp.int32),
            jax.ShapeDtypeStruct((C, SLABS, NB), jnp.int32),
        ),
        mesh=mesh,
        compiler_params=pltpu.CompilerParams(needs_layout_passes=False),
        scratch_types=[
            pltpu.VMEM((NB,), jnp.int32),
            pltpu.VMEM((NB,), jnp.int32),
            pltpu.VMEM((2, CHUNK), jnp.float32),
            pltpu.VMEM((2, CHUNK), jnp.int32),
            pltpu.SemaphoreType.DMA((2,)),
            pltpu.SemaphoreType.DMA((2,)),
        ],
    )
    return kern(logits_flat, labels_flat)


def _tc_body(nh_ref, gh_ref, dv_ref, out_ref, acc_ref):
    c = pl.program_id(0)

    n = jnp.sum(nh_ref[0], axis=0).astype(jnp.float32)
    g = jnp.sum(gh_ref[0], axis=0).astype(jnp.float32)

    ntot = jnp.sum(n)
    gtot = jnp.sum(g)

    li = lax.broadcasted_iota(jnp.int32, (LANES, LANES), 0)
    lj = lax.broadcasted_iota(jnp.int32, (LANES, LANES), 1)
    lower_incl = (li >= lj).astype(jnp.float32)
    ri = lax.broadcasted_iota(jnp.int32, (ROWS, ROWS), 0)
    rj = lax.broadcasted_iota(jnp.int32, (ROWS, ROWS), 1)
    ustrict = (rj > ri).astype(jnp.float32)

    def suffix_incl(x):
        row_suf = jnp.dot(x, lower_incl, preferred_element_type=jnp.float32,
                          precision=lax.Precision.HIGHEST)
        row_tot = row_suf[:, 0:1]
        row_off = jnp.dot(ustrict, row_tot, preferred_element_type=jnp.float32,
                          precision=lax.Precision.HIGHEST)
        return row_suf + row_off

    n_ge = suffix_incl(n)
    g_ge = suffix_incl(g)
    denom = gtot + n_ge - g_ge
    j = jnp.where(n_ge > 0, n_ge / jnp.maximum(denom, 1e-30), 0.0)
    loss_c = jnp.sum(dv_ref[...] * j)
    present = (gtot > 0).astype(jnp.float32)

    @pl.when(c == 0)
    def _():
        acc_ref[0] = 0.0
        acc_ref[1] = 0.0

    acc_ref[0] += loss_c * present
    acc_ref[1] += present

    @pl.when(c == C - 1)
    def _():
        out_ref[0, 0] = acc_ref[0] / jnp.maximum(acc_ref[1], 1.0)


def _tc_reduce(nh, gh):
    return pl.pallas_call(
        _tc_body,
        grid=(C,),
        in_specs=[
            pl.BlockSpec((1, SLABS, ROWS, LANES), lambda c: (c, 0, 0, 0)),
            pl.BlockSpec((1, SLABS, ROWS, LANES), lambda c: (c, 0, 0, 0)),
            pl.BlockSpec((ROWS, LANES), lambda c: (0, 0)),
        ],
        out_specs=pl.BlockSpec(memory_space=pltpu.SMEM),
        out_shape=jax.ShapeDtypeStruct((1, 1), jnp.float32),
        scratch_shapes=[pltpu.SMEM((2,), jnp.float32)],
    )(nh, gh, jnp.asarray(_DV))


def kernel(logits, targets):
    logits_flat = logits.reshape(BATCH, C, NPIX)
    labels_flat = targets.reshape(BATCH, NPIX).astype(jnp.int32)
    nh, gh = _sc_histograms(logits_flat, labels_flat)
    out = _tc_reduce(nh.reshape(C, SLABS, ROWS, LANES),
                     gh.reshape(C, SLABS, ROWS, LANES))
    return out.reshape(())

# --- scband reference (transcript-rebuilt; emitter-appended) ---
"""Pipeline reference for scband-softmax-lovasz-loss-77730318123470 (READ-ONLY COPY).

The authoritative reference and input builder live on the scoring server;
editing this copy changes nothing except your own understanding.
"""

import jax, jax.numpy as jnp
import numpy as np


def lovasz_grad(gt_sorted):
    # gt_sorted: float vector sorted by descending errors
    gts = jnp.sum(gt_sorted)
    intersection = gts - jnp.cumsum(gt_sorted)
    union = gts + jnp.cumsum(1.0 - gt_sorted)
    jaccard = 1.0 - intersection / union
    # jaccard[1:] = jaccard[1:] - jaccard[:-1]
    jaccard = jnp.concatenate([jaccard[:1], jaccard[1:] - jaccard[:-1]])
    return jaccard


def lovasz_softmax(probas, labels):
    # probas: [B, C, H, W] (module passes raw logits straight through, faithful to source)
    # labels: [B, H, W] int
    B, C, H, W = probas.shape
    probas_flat = jnp.transpose(probas, (0, 2, 3, 1)).reshape(-1, C)
    labels_flat = labels.reshape(-1)
    losses = []
    present = []
    for c in range(C):
        fg = (labels_flat == c).astype(probas_flat.dtype)
        errors = jnp.abs(fg - probas_flat[:, c])
        perm = jnp.argsort(-errors)  # descending sort of errors
        errors_sorted = errors[perm]
        fg_sorted = fg[perm]
        loss_c = jnp.dot(errors_sorted, lovasz_grad(fg_sorted))
        losses.append(loss_c)
        present.append((jnp.sum(fg) > 0).astype(probas_flat.dtype))
    losses = jnp.stack(losses)
    present = jnp.stack(present)
    # classes='present': mean over classes that appear in the labels
    return jnp.sum(losses * present) / jnp.maximum(jnp.sum(present), 1.0)


def setup_inputs(seed: int = 0) -> dict:
    key = jax.random.key(seed)
    k1, k2 = jax.random.split(key)
    logits = jax.random.normal(k1, (4, 19, 512, 512), dtype=jnp.float32)
    targets = jax.random.randint(k2, (4, 512, 512), 0, 19, dtype=jnp.int64)
    return {"logits": logits, "targets": targets}


def reference(logits, targets):
    return lovasz_softmax(logits, targets)

if __name__ == "__main__":
    import jax
    _d = setup_inputs()
    print(jax.jit(kernel)(*tuple(_d.values())))

</pallas_src>

<mosaic_0001>
#map = affine_map<(d0, d1) -> (0, 0, 0)>
#map1 = affine_map<(d0, d1) -> (0, 0)>
module attributes {stable_mosaic.version = 14 : i64} {
  func.func @_sc_hist_body(%arg0: i32, %arg1: i32, %arg2: memref<4x19x262144xf32, #tpu.memory_space<hbm>>, %arg3: memref<4x262144xi32, #tpu.memory_space<hbm>>, %arg4: memref<19x8x32768xi32, #tpu.memory_space<hbm>>, %arg5: memref<19x8x32768xi32, #tpu.memory_space<hbm>>, %arg6: memref<32768xi32, #tpu.memory_space<vmem>>, %arg7: memref<32768xi32, #tpu.memory_space<vmem>>, %arg8: memref<2x8192xf32, #tpu.memory_space<vmem>>, %arg9: memref<2x8192xi32, #tpu.memory_space<vmem>>, %arg10: memref<2x!tpu.dma_semaphore, #tpu.memory_space<semaphore_mem>>, %arg11: memref<2x!tpu.dma_semaphore, #tpu.memory_space<semaphore_mem>>) attributes {dimension_semantics = [#tpu.dimension_semantics<core_parallel>, #tpu.dimension_semantics<subcore_parallel>], iteration_bounds = array<i64: 2, 16>, scalar_prefetch = 0 : i64, scratch_operands = 6 : i64, tpu.core_type = #tpu.core_type<sc_vector_subcore>, window_params = [{transform_indices = #map}, {transform_indices = #map1}, {transform_indices = #map}, {transform_indices = #map}]} {
    %mul3A = arith.constant 2 : i32
    %mul3A_0 = arith.muli %arg1, %mul3A : i32
    %add3A = arith.addi %mul3A_0, %arg0 : i32
    %add3A_1 = arith.constant 0 : i32
    %add3A_2 = arith.addi %add3A, %add3A_1 : i32
    %jit3A = arith.constant 8 : i32
    %div3A = arith.divsi %add3A_2, %jit3A : i32
    %sign3A = arith.constant 0 : i32
    %sign3A_3 = arith.cmpi sgt, %add3A_2, %sign3A : i32
    %sign3A_4 = arith.extui %sign3A_3 : i1 to i32
    %sign3A_5 = arith.constant 0 : i32
    %sign3A_6 = arith.cmpi slt, %add3A_2, %sign3A_5 : i32
    %sign3A_7 = arith.extui %sign3A_6 : i1 to i32
    %sign3A_8 = arith.subi %sign3A_4, %sign3A_7 : i32
    %sign3A_9 = arith.constant 0 : i32
    %sign3A_10 = arith.cmpi sgt, %jit3A, %sign3A_9 : i32
    %sign3A_11 = arith.extui %sign3A_10 : i1 to i32
    %sign3A_12 = arith.constant 0 : i32
    %sign3A_13 = arith.cmpi slt, %jit3A, %sign3A_12 : i32
    %sign3A_14 = arith.extui %sign3A_13 : i1 to i32
    %sign3A_15 = arith.subi %sign3A_11, %sign3A_14 : i32
    %ne3A = arith.cmpi ne, %sign3A_8, %sign3A_15 : i32
    %rem3A = arith.remsi %add3A_2, %jit3A : i32
    %ne3A_16 = arith.constant 0 : i32
    %ne3A_17 = arith.cmpi ne, %rem3A, %ne3A_16 : i32
    %and3A = arith.andi %ne3A, %ne3A_17 : i1
    %sub3A = arith.constant 1 : i32
    %sub3A_18 = arith.subi %div3A, %sub3A : i32
    %select_n3A = arith.select %and3A, %sub3A_18, %div3A : i32
    %jit3A_19 = arith.constant 8 : i32
    %eq3A = arith.constant 0 : i32
    %eq3A_20 = arith.cmpi eq, %jit3A_19, %eq3A : i32
    %jit3A_21 = arith.constant 1 : i32
    %select_n3A_22 = arith.select %eq3A_20, %jit3A_21, %jit3A_19 : i32
    %rem3A_23 = arith.remsi %add3A_2, %select_n3A_22 : i32
    %ne3A_24 = arith.constant 0 : i32
    %ne3A_25 = arith.cmpi ne, %rem3A_23, %ne3A_24 : i32
    %lt3A = arith.constant 0 : i32
    %lt3A_26 = arith.cmpi slt, %rem3A_23, %lt3A : i32
    %lt3A_27 = arith.constant 0 : i32
    %lt3A_28 = arith.cmpi slt, %select_n3A_22, %lt3A_27 : i32
    %ne3A_29 = arith.xori %lt3A_26, %lt3A_28 : i1
    %and3A_30 = arith.andi %ne3A_29, %ne3A_25 : i1
    %add3A_31 = arith.addi %rem3A_23, %select_n3A_22 : i32
    %select_n3A_32 = arith.select %and3A_30, %add3A_31, %rem3A_23 : i32
    %jit3A_33 = arith.constant 2 : i32
    %div3A_34 = arith.divsi %select_n3A_32, %jit3A_33 : i32
    %sign3A_35 = arith.constant 0 : i32
    %sign3A_36 = arith.cmpi sgt, %select_n3A_32, %sign3A_35 : i32
    %sign3A_37 = arith.extui %sign3A_36 : i1 to i32
    %sign3A_38 = arith.constant 0 : i32
    %sign3A_39 = arith.cmpi slt, %select_n3A_32, %sign3A_38 : i32
    %sign3A_40 = arith.extui %sign3A_39 : i1 to i32
    %sign3A_41 = arith.subi %sign3A_37, %sign3A_40 : i32
    %sign3A_42 = arith.constant 0 : i32
    %sign3A_43 = arith.cmpi sgt, %jit3A_33, %sign3A_42 : i32
    %sign3A_44 = arith.extui %sign3A_43 : i1 to i32
    %sign3A_45 = arith.constant 0 : i32
    %sign3A_46 = arith.cmpi slt, %jit3A_33, %sign3A_45 : i32
    %sign3A_47 = arith.extui %sign3A_46 : i1 to i32
    %sign3A_48 = arith.subi %sign3A_44, %sign3A_47 : i32
    %ne3A_49 = arith.cmpi ne, %sign3A_41, %sign3A_48 : i32
    %rem3A_50 = arith.remsi %select_n3A_32, %jit3A_33 : i32
    %ne3A_51 = arith.constant 0 : i32
    %ne3A_52 = arith.cmpi ne, %rem3A_50, %ne3A_51 : i32
    %and3A_53 = arith.andi %ne3A_49, %ne3A_52 : i1
    %sub3A_54 = arith.constant 1 : i32
    %sub3A_55 = arith.subi %div3A_34, %sub3A_54 : i32
    %select_n3A_56 = arith.select %and3A_53, %sub3A_55, %div3A_34 : i32
    %jit3A_57 = arith.constant 2 : i32
    %eq3A_58 = arith.constant 0 : i32
    %eq3A_59 = arith.cmpi eq, %jit3A_57, %eq3A_58 : i32
    %jit3A_60 = arith.constant 1 : i32
    %select_n3A_61 = arith.select %eq3A_59, %jit3A_60, %jit3A_57 : i32
    %rem3A_62 = arith.remsi %select_n3A_32, %select_n3A_61 : i32
    %ne3A_63 = arith.constant 0 : i32
    %ne3A_64 = arith.cmpi ne, %rem3A_62, %ne3A_63 : i32
    %lt3A_65 = arith.constant 0 : i32
    %lt3A_66 = arith.cmpi slt, %rem3A_62, %lt3A_65 : i32
    %lt3A_67 = arith.constant 0 : i32
    %lt3A_68 = arith.cmpi slt, %select_n3A_61, %lt3A_67 : i32
    %ne3A_69 = arith.xori %lt3A_66, %lt3A_68 : i1
    %and3A_70 = arith.andi %ne3A_69, %ne3A_64 : i1
    %add3A_71 = arith.addi %rem3A_62, %select_n3A_61 : i32
    %select_n3A_72 = arith.select %and3A_70, %add3A_71, %rem3A_62 : i32
    %mul3A_73 = arith.constant 131072 : i32
    %mul3A_74 = arith.muli %select_n3A_72, %mul3A_73 : i32
    %scan3A = arith.constant 0 : i32
    %scan3A_75 = arith.constant 0 : i32
    %scan3A_76 = arith.constant 2048 : i32
    %scan3A_77 = arith.addi %scan3A_75, %scan3A_76 : i32
    %scan3A_78 = arith.constant 1 : i32
    %scan3A_79 = scf.for %scan3A_506 = %scan3A_75 to %scan3A_77 step %scan3A_78 iter_args(%scan3A_507 = %scan3A) -> (i32)  : i32 {
      %broadcast_in_dim3A = arith.constant 0 : i32
      %broadcast_in_dim3A_508 = vector.broadcast %broadcast_in_dim3A : i32 to vector<16xi32>
      %mul3A_509 = arith.constant 16 : i32
      %mul3A_510 = arith.muli %scan3A_506, %mul3A_509 : i32
      %swap3A = arith.index_cast %mul3A_510 : i32 to index
      %swap3A_511 = tpu.vector_load %arg6[%swap3A] {strides = array<i32>} : memref<32768xi32, #tpu.memory_space<vmem>>, vector<16xi32>,
      tpu.vector_store %arg6[%swap3A], %broadcast_in_dim3A_508 {strides = array<i32>} : memref<32768xi32, #tpu.memory_space<vmem>>, vector<16xi32>,
      %mul3A_512 = arith.constant 16 : i32
      %mul3A_513 = arith.muli %scan3A_506, %mul3A_512 : i32
      %swap3A_514 = arith.index_cast %mul3A_513 : i32 to index
      %swap3A_515 = tpu.vector_load %arg7[%swap3A_514] {strides = array<i32>} : memref<32768xi32, #tpu.memory_space<vmem>>, vector<16xi32>,
      tpu.vector_store %arg7[%swap3A_514], %broadcast_in_dim3A_508 {strides = array<i32>} : memref<32768xi32, #tpu.memory_space<vmem>>, vector<16xi32>,
      %scan3A_516 = arith.constant 0 : i32
      scf.yield %scan3A_516 : i32
    }
    %scan3A_80 = arith.constant 2048 : i32
    %add3A_81 = arith.constant 0 : i32
    %add3A_82 = arith.addi %mul3A_74, %add3A_81 : i32
    %dma_start3A = arith.constant 0 : i32
    %dma_start3A_83 = arith.constant 0 : i32
    %dma_start3A_84 = arith.constant 0 : i32
    %dma_start3A_85 = tpu.memref_slice %arg8[%dma_start3A, %dma_start3A_84] : memref<2x8192xf32, #tpu.memory_space<vmem>> -> memref<1x8192xf32, #tpu.memory_space<vmem>>
    %dma_start3A_86 = tpu.memref_squeeze %dma_start3A_85 : memref<1x8192xf32, #tpu.memory_space<vmem>> -> memref<8192xf32, #tpu.memory_space<vmem>>
    %dma_start3A_87 = tpu.memref_slice %arg2[%select_n3A_56, %select_n3A, %add3A_82] : memref<4x19x262144xf32, #tpu.memory_space<hbm>> -> memref<1x1x8192xf32, #tpu.memory_space<hbm>>
    %dma_start3A_88 = tpu.memref_squeeze %dma_start3A_87 : memref<1x1x8192xf32, #tpu.memory_space<hbm>> -> memref<8192xf32, #tpu.memory_space<hbm>>
    %dma_start3A_89 = tpu.memref_slice %arg10[%dma_start3A_83] : memref<2x!tpu.dma_semaphore, #tpu.memory_space<semaphore_mem>> -> memref<1x!tpu.dma_semaphore, #tpu.memory_space<semaphore_mem>>
    %dma_start3A_90 = tpu.memref_squeeze %dma_start3A_89 : memref<1x!tpu.dma_semaphore, #tpu.memory_space<semaphore_mem>> -> memref<!tpu.dma_semaphore, #tpu.memory_space<semaphore_mem>>
    %dma_start3A_91 = arith.constant 0 : i32
    %dma_start3A_92 = tpu.memref_slice %arg8[%dma_start3A, %dma_start3A_91] : memref<2x8192xf32, #tpu.memory_space<vmem>> -> memref<1x8192xf32, #tpu.memory_space<vmem>>
    %dma_start3A_93 = tpu.memref_squeeze %dma_start3A_92 : memref<1x8192xf32, #tpu.memory_space<vmem>> -> memref<8192xf32, #tpu.memory_space<vmem>>
    %dma_start3A_94 = tpu.memref_slice %arg2[%select_n3A_56, %select_n3A, %add3A_82] : memref<4x19x262144xf32, #tpu.memory_space<hbm>> -> memref<1x1x8192xf32, #tpu.memory_space<hbm>>
    %dma_start3A_95 = tpu.memref_squeeze %dma_start3A_94 : memref<1x1x8192xf32, #tpu.memory_space<hbm>> -> memref<8192xf32, #tpu.memory_space<hbm>>
    tpu.enqueue_dma source(%dma_start3A_95 : memref<8192xf32, #tpu.memory_space<hbm>>) target(%dma_start3A_93 : memref<8192xf32, #tpu.memory_space<vmem>>) target_semaphore(%dma_start3A_90 : memref<!tpu.dma_semaphore, #tpu.memory_space<semaphore_mem>>)
    %dma_start3A_96 = arith.constant 0 : i32
    %dma_start3A_97 = arith.constant 0 : i32
    %dma_start3A_98 = arith.constant 0 : i32
    %dma_start3A_99 = tpu.memref_slice %arg9[%dma_start3A_96, %dma_start3A_98] : memref<2x8192xi32, #tpu.memory_space<vmem>> -> memref<1x8192xi32, #tpu.memory_space<vmem>>
    %dma_start3A_100 = tpu.memref_squeeze %dma_start3A_99 : memref<1x8192xi32, #tpu.memory_space<vmem>> -> memref<8192xi32, #tpu.memory_space<vmem>>
    %dma_start3A_101 = tpu.memref_slice %arg3[%select_n3A_56, %add3A_82] : memref<4x262144xi32, #tpu.memory_space<hbm>> -> memref<1x8192xi32, #tpu.memory_space<hbm>>
    %dma_start3A_102 = tpu.memref_squeeze %dma_start3A_101 : memref<1x8192xi32, #tpu.memory_space<hbm>> -> memref<8192xi32, #tpu.memory_space<hbm>>
    %dma_start3A_103 = tpu.memref_slice %arg11[%dma_start3A_97] : memref<2x!tpu.dma_semaphore, #tpu.memory_space<semaphore_mem>> -> memref<1x!tpu.dma_semaphore, #tpu.memory_space<semaphore_mem>>
    %dma_start3A_104 = tpu.memref_squeeze %dma_start3A_103 : memref<1x!tpu.dma_semaphore, #tpu.memory_space<semaphore_mem>> -> memref<!tpu.dma_semaphore, #tpu.memory_space<semaphore_mem>>
    %dma_start3A_105 = arith.constant 0 : i32
    %dma_start3A_106 = tpu.memref_slice %arg9[%dma_start3A_96, %dma_start3A_105] : memref<2x8192xi32, #tpu.memory_space<vmem>> -> memref<1x8192xi32, #tpu.memory_space<vmem>>
    %dma_start3A_107 = tpu.memref_squeeze %dma_start3A_106 : memref<1x8192xi32, #tpu.memory_space<vmem>> -> memref<8192xi32, #tpu.memory_space<vmem>>
    %dma_start3A_108 = tpu.memref_slice %arg3[%select_n3A_56, %add3A_82] : memref<4x262144xi32, #tpu.memory_space<hbm>> -> memref<1x8192xi32, #tpu.memory_space<hbm>>
    %dma_start3A_109 = tpu.memref_squeeze %dma_start3A_108 : memref<1x8192xi32, #tpu.memory_space<hbm>> -> memref<8192xi32, #tpu.memory_space<hbm>>
    tpu.enqueue_dma source(%dma_start3A_109 : memref<8192xi32, #tpu.memory_space<hbm>>) target(%dma_start3A_107 : memref<8192xi32, #tpu.memory_space<vmem>>) target_semaphore(%dma_start3A_104 : memref<!tpu.dma_semaphore, #tpu.memory_space<semaphore_mem>>)
    %scan3A_110 = arith.constant 0 : i32
    %scan3A_111 = arith.constant 0 : i32
    %scan3A_112 = arith.constant 16 : i32
    %scan3A_113 = arith.addi %scan3A_111, %scan3A_112 : i32
    %scan3A_114 = arith.constant 1 : i32
    %scan3A_115 = scf.for %scan3A_506 = %scan3A_111 to %scan3A_113 step %scan3A_114 iter_args(%scan3A_507 = %scan3A_110) -> (i32)  : i32 {
      %jit3A_508 = arith.constant 2 : i32
      %eq3A_509 = arith.constant 0 : i32
      %eq3A_510 = arith.cmpi eq, %jit3A_508, %eq3A_509 : i32
      %jit3A_511 = arith.constant 1 : i32
      %select_n3A_512 = arith.select %eq3A_510, %jit3A_511, %jit3A_508 : i32
      %rem3A_513 = arith.remsi %scan3A_506, %select_n3A_512 : i32
      %ne3A_514 = arith.constant 0 : i32
      %ne3A_515 = arith.cmpi ne, %rem3A_513, %ne3A_514 : i32
      %lt3A_516 = arith.constant 0 : i32
      %lt3A_517 = arith.cmpi slt, %rem3A_513, %lt3A_516 : i32
      %lt3A_518 = arith.constant 0 : i32
      %lt3A_519 = arith.cmpi slt, %select_n3A_512, %lt3A_518 : i32
      %ne3A_520 = arith.xori %lt3A_517, %lt3A_519 : i1
      %and3A_521 = arith.andi %ne3A_520, %ne3A_515 : i1
      %add3A_522 = arith.addi %rem3A_513, %select_n3A_512 : i32
      %select_n3A_523 = arith.select %and3A_521, %add3A_522, %rem3A_513 : i32
      %add3A_524 = arith.constant 1 : i32
      %add3A_525 = arith.addi %scan3A_506, %add3A_524 : i32
      %lt3A_526 = arith.constant 16 : i32
      %lt3A_527 = arith.cmpi slt, %add3A_525, %lt3A_526 : i32
      %convert_element_type3A_528 = arith.extui %lt3A_527 : i1 to i32
      %cond3A_529 = arith.constant 0 : i32
      %cond3A_530 = arith.cmpi ne, %convert_element_type3A_528, %cond3A_529 : i32
      scf.if %cond3A_530 {
        %add3A_581 = arith.constant 1 : i32
        %add3A_582 = arith.addi %scan3A_506, %add3A_581 : i32
        %jit3A_583 = arith.constant 2 : i32
        %eq3A_584 = arith.constant 0 : i32
        %eq3A_585 = arith.cmpi eq, %jit3A_583, %eq3A_584 : i32
        %jit3A_586 = arith.constant 1 : i32
        %select_n3A_587 = arith.select %eq3A_585, %jit3A_586, %jit3A_583 : i32
        %rem3A_588 = arith.remsi %add3A_582, %select_n3A_587 : i32
        %ne3A_589 = arith.constant 0 : i32
        %ne3A_590 = arith.cmpi ne, %rem3A_588, %ne3A_589 : i32
        %lt3A_591 = arith.constant 0 : i32
        %lt3A_592 = arith.cmpi slt, %rem3A_588, %lt3A_591 : i32
        %lt3A_593 = arith.constant 0 : i32
        %lt3A_594 = arith.cmpi slt, %select_n3A_587, %lt3A_593 : i32
        %ne3A_595 = arith.xori %lt3A_592, %lt3A_594 : i1
        %and3A_596 = arith.andi %ne3A_595, %ne3A_590 : i1
        %add3A_597 = arith.addi %rem3A_588, %select_n3A_587 : i32
        %select_n3A_598 = arith.select %and3A_596, %add3A_597, %rem3A_588 : i32
        %mul3A_599 = arith.constant 8192 : i32
        %mul3A_600 = arith.muli %add3A_582, %mul3A_599 : i32
        %add3A_601 = arith.addi %mul3A_74, %mul3A_600 : i32
        %dma_start3A_602 = arith.constant 0 : i32
        %dma_start3A_603 = tpu.memref_slice %arg8[%select_n3A_598, %dma_start3A_602] : memref<2x8192xf32, #tpu.memory_space<vmem>> -> memref<1x8192xf32, #tpu.memory_space<vmem>>
        %dma_start3A_604 = tpu.memref_squeeze %dma_start3A_603 : memref<1x8192xf32, #tpu.memory_space<vmem>> -> memref<8192xf32, #tpu.memory_space<vmem>>
        %dma_start3A_605 = tpu.memref_slice %arg2[%select_n3A_56, %select_n3A, %add3A_601] : memref<4x19x262144xf32, #tpu.memory_space<hbm>> -> memref<1x1x8192xf32, #tpu.memory_space<hbm>>
        %dma_start3A_606 = tpu.memref_squeeze %dma_start3A_605 : memref<1x1x8192xf32, #tpu.memory_space<hbm>> -> memref<8192xf32, #tpu.memory_space<hbm>>
        %dma_start3A_607 = tpu.memref_slice %arg10[%select_n3A_598] : memref<2x!tpu.dma_semaphore, #tpu.memory_space<semaphore_mem>> -> memref<1x!tpu.dma_semaphore, #tpu.memory_space<semaphore_mem>>
        %dma_start3A_608 = tpu.memref_squeeze %dma_start3A_607 : memref<1x!tpu.dma_semaphore, #tpu.memory_space<semaphore_mem>> -> memref<!tpu.dma_semaphore, #tpu.memory_space<semaphore_mem>>
        %dma_start3A_609 = arith.constant 0 : i32
        %dma_start3A_610 = tpu.memref_slice %arg8[%select_n3A_598, %dma_start3A_609] : memref<2x8192xf32, #tpu.memory_space<vmem>> -> memref<1x8192xf32, #tpu.memory_space<vmem>>
        %dma_start3A_611 = tpu.memref_squeeze %dma_start3A_610 : memref<1x8192xf32, #tpu.memory_space<vmem>> -> memref<8192xf32, #tpu.memory_space<vmem>>
        %dma_start3A_612 = tpu.memref_slice %arg2[%select_n3A_56, %select_n3A, %add3A_601] : memref<4x19x262144xf32, #tpu.memory_space<hbm>> -> memref<1x1x8192xf32, #tpu.memory_space<hbm>>
        %dma_start3A_613 = tpu.memref_squeeze %dma_start3A_612 : memref<1x1x8192xf32, #tpu.memory_space<hbm>> -> memref<8192xf32, #tpu.memory_space<hbm>>
        tpu.enqueue_dma source(%dma_start3A_613 : memref<8192xf32, #tpu.memory_space<hbm>>) target(%dma_start3A_611 : memref<8192xf32, #tpu.memory_space<vmem>>) target_semaphore(%dma_start3A_608 : memref<!tpu.dma_semaphore, #tpu.memory_space<semaphore_mem>>)
        %dma_start3A_614 = arith.constant 0 : i32
        %dma_start3A_615 = tpu.memref_slice %arg9[%select_n3A_598, %dma_start3A_614] : memref<2x8192xi32, #tpu.memory_space<vmem>> -> memref<1x8192xi32, #tpu.memory_space<vmem>>
        %dma_start3A_616 = tpu.memref_squeeze %dma_start3A_615 : memref<1x8192xi32, #tpu.memory_space<vmem>> -> memref<8192xi32, #tpu.memory_space<vmem>>
        %dma_start3A_617 = tpu.memref_slice %arg3[%select_n3A_56, %add3A_601] : memref<4x262144xi32, #tpu.memory_space<hbm>> -> memref<1x8192xi32, #tpu.memory_space<hbm>>
        %dma_start3A_618 = tpu.memref_squeeze %dma_start3A_617 : memref<1x8192xi32, #tpu.memory_space<hbm>> -> memref<8192xi32, #tpu.memory_space<hbm>>
        %dma_start3A_619 = tpu.memref_slice %arg11[%select_n3A_598] : memref<2x!tpu.dma_semaphore, #tpu.memory_space<semaphore_mem>> -> memref<1x!tpu.dma_semaphore, #tpu.memory_space<semaphore_mem>>
        %dma_start3A_620 = tpu.memref_squeeze %dma_start3A_619 : memref<1x!tpu.dma_semaphore, #tpu.memory_space<semaphore_mem>> -> memref<!tpu.dma_semaphore, #tpu.memory_space<semaphore_mem>>
        %dma_start3A_621 = arith.constant 0 : i32
        %dma_start3A_622 = tpu.memref_slice %arg9[%select_n3A_598, %dma_start3A_621] : memref<2x8192xi32, #tpu.memory_space<vmem>> -> memref<1x8192xi32, #tpu.memory_space<vmem>>
        %dma_start3A_623 = tpu.memref_squeeze %dma_start3A_622 : memref<1x8192xi32, #tpu.memory_space<vmem>> -> memref<8192xi32, #tpu.memory_space<vmem>>
        %dma_start3A_624 = tpu.memref_slice %arg3[%select_n3A_56, %add3A_601] : memref<4x262144xi32, #tpu.memory_space<hbm>> -> memref<1x8192xi32, #tpu.memory_space<hbm>>
        %dma_start3A_625 = tpu.memref_squeeze %dma_start3A_624 : memref<1x8192xi32, #tpu.memory_space<hbm>> -> memref<8192xi32, #tpu.memory_space<hbm>>
        tpu.enqueue_dma source(%dma_start3A_625 : memref<8192xi32, #tpu.memory_space<hbm>>) target(%dma_start3A_623 : memref<8192xi32, #tpu.memory_space<vmem>>) target_semaphore(%dma_start3A_620 : memref<!tpu.dma_semaphore, #tpu.memory_space<semaphore_mem>>)
      } else {
      }
      %jit3A_531 = arith.constant 2 : i32
      %eq3A_532 = arith.constant 0 : i32
      %eq3A_533 = arith.cmpi eq, %jit3A_531, %eq3A_532 : i32
      %jit3A_534 = arith.constant 1 : i32
      %select_n3A_535 = arith.select %eq3A_533, %jit3A_534, %jit3A_531 : i32
      %rem3A_536 = arith.remsi %scan3A_506, %select_n3A_535 : i32
      %ne3A_537 = arith.constant 0 : i32
      %ne3A_538 = arith.cmpi ne, %rem3A_536, %ne3A_537 : i32
      %lt3A_539 = arith.constant 0 : i32
      %lt3A_540 = arith.cmpi slt, %rem3A_536, %lt3A_539 : i32
      %lt3A_541 = arith.constant 0 : i32
      %lt3A_542 = arith.cmpi slt, %select_n3A_535, %lt3A_541 : i32
      %ne3A_543 = arith.xori %lt3A_540, %lt3A_542 : i1
      %and3A_544 = arith.andi %ne3A_543, %ne3A_538 : i1
      %add3A_545 = arith.addi %rem3A_536, %select_n3A_535 : i32
      %select_n3A_546 = arith.select %and3A_544, %add3A_545, %rem3A_536 : i32
      %mul3A_547 = arith.constant 8192 : i32
      %mul3A_548 = arith.muli %scan3A_506, %mul3A_547 : i32
      %add3A_549 = arith.addi %mul3A_74, %mul3A_548 : i32
      %dma_wait3A = arith.constant 0 : i32
      %dma_wait3A_550 = tpu.memref_slice %arg8[%select_n3A_546, %dma_wait3A] : memref<2x8192xf32, #tpu.memory_space<vmem>> -> memref<1x8192xf32, #tpu.memory_space<vmem>>
      %dma_wait3A_551 = tpu.memref_squeeze %dma_wait3A_550 : memref<1x8192xf32, #tpu.memory_space<vmem>> -> memref<8192xf32, #tpu.memory_space<vmem>>
      %dma_wait3A_552 = tpu.memref_slice %arg2[%select_n3A_56, %select_n3A, %add3A_549] : memref<4x19x262144xf32, #tpu.memory_space<hbm>> -> memref<1x1x8192xf32, #tpu.memory_space<hbm>>
      %dma_wait3A_553 = tpu.memref_squeeze %dma_wait3A_552 : memref<1x1x8192xf32, #tpu.memory_space<hbm>> -> memref<8192xf32, #tpu.memory_space<hbm>>
      %dma_wait3A_554 = tpu.memref_slice %arg10[%select_n3A_546] : memref<2x!tpu.dma_semaphore, #tpu.memory_space<semaphore_mem>> -> memref<1x!tpu.dma_semaphore, #tpu.memory_space<semaphore_mem>>
      %dma_wait3A_555 = tpu.memref_squeeze %dma_wait3A_554 : memref<1x!tpu.dma_semaphore, #tpu.memory_space<semaphore_mem>> -> memref<!tpu.dma_semaphore, #tpu.memory_space<semaphore_mem>>
      %dma_wait3A_556 = arith.constant 0 : i32
      %dma_wait3A_557 = tpu.memref_slice %arg8[%select_n3A_546, %dma_wait3A_556] : memref<2x8192xf32, #tpu.memory_space<vmem>> -> memref<1x8192xf32, #tpu.memory_space<vmem>>
      %dma_wait3A_558 = tpu.memref_squeeze %dma_wait3A_557 : memref<1x8192xf32, #tpu.memory_space<vmem>> -> memref<8192xf32, #tpu.memory_space<vmem>>
      %dma_wait3A_559 = tpu.memref_slice %arg2[%select_n3A_56, %select_n3A, %add3A_549] : memref<4x19x262144xf32, #tpu.memory_space<hbm>> -> memref<1x1x8192xf32, #tpu.memory_space<hbm>>
      %dma_wait3A_560 = tpu.memref_squeeze %dma_wait3A_559 : memref<1x1x8192xf32, #tpu.memory_space<hbm>> -> memref<8192xf32, #tpu.memory_space<hbm>>
      tpu.wait_dma2 semaphore(%dma_wait3A_555 : memref<!tpu.dma_semaphore, #tpu.memory_space<semaphore_mem>>) src(%dma_wait3A_560 : memref<8192xf32, #tpu.memory_space<hbm>>) dst(%dma_wait3A_558 : memref<8192xf32, #tpu.memory_space<vmem>>)
      %dma_wait3A_561 = arith.constant 0 : i32
      %dma_wait3A_562 = tpu.memref_slice %arg9[%select_n3A_546, %dma_wait3A_561] : memref<2x8192xi32, #tpu.memory_space<vmem>> -> memref<1x8192xi32, #tpu.memory_space<vmem>>
      %dma_wait3A_563 = tpu.memref_squeeze %dma_wait3A_562 : memref<1x8192xi32, #tpu.memory_space<vmem>> -> memref<8192xi32, #tpu.memory_space<vmem>>
      %dma_wait3A_564 = tpu.memref_slice %arg3[%select_n3A_56, %add3A_549] : memref<4x262144xi32, #tpu.memory_space<hbm>> -> memref<1x8192xi32, #tpu.memory_space<hbm>>
      %dma_wait3A_565 = tpu.memref_squeeze %dma_wait3A_564 : memref<1x8192xi32, #tpu.memory_space<hbm>> -> memref<8192xi32, #tpu.memory_space<hbm>>
      %dma_wait3A_566 = tpu.memref_slice %arg11[%select_n3A_546] : memref<2x!tpu.dma_semaphore, #tpu.memory_space<semaphore_mem>> -> memref<1x!tpu.dma_semaphore, #tpu.memory_space<semaphore_mem>>
      %dma_wait3A_567 = tpu.memref_squeeze %dma_wait3A_566 : memref<1x!tpu.dma_semaphore, #tpu.memory_space<semaphore_mem>> -> memref<!tpu.dma_semaphore, #tpu.memory_space<semaphore_mem>>
      %dma_wait3A_568 = arith.constant 0 : i32
      %dma_wait3A_569 = tpu.memref_slice %arg9[%select_n3A_546, %dma_wait3A_568] : memref<2x8192xi32, #tpu.memory_space<vmem>> -> memref<1x8192xi32, #tpu.memory_space<vmem>>
      %dma_wait3A_570 = tpu.memref_squeeze %dma_wait3A_569 : memref<1x8192xi32, #tpu.memory_space<vmem>> -> memref<8192xi32, #tpu.memory_space<vmem>>
      %dma_wait3A_571 = tpu.memref_slice %arg3[%select_n3A_56, %add3A_549] : memref<4x262144xi32, #tpu.memory_space<hbm>> -> memref<1x8192xi32, #tpu.memory_space<hbm>>
      %dma_wait3A_572 = tpu.memref_squeeze %dma_wait3A_571 : memref<1x8192xi32, #tpu.memory_space<hbm>> -> memref<8192xi32, #tpu.memory_space<hbm>>
      tpu.wait_dma2 semaphore(%dma_wait3A_567 : memref<!tpu.dma_semaphore, #tpu.memory_space<semaphore_mem>>) src(%dma_wait3A_572 : memref<8192xi32, #tpu.memory_space<hbm>>) dst(%dma_wait3A_570 : memref<8192xi32, #tpu.memory_space<vmem>>)
      %scan3A_573 = arith.constant 0 : i32
      %scan3A_574 = arith.constant 0 : i32
      %scan3A_575 = arith.constant 32 : i32
      %scan3A_576 = arith.addi %scan3A_574, %scan3A_575 : i32
      %scan3A_577 = arith.constant 1 : i32
      %scan3A_578 = scf.for %scan3A_581 = %scan3A_574 to %scan3A_576 step %scan3A_577 iter_args(%scan3A_582 = %scan3A_573) -> (i32)  : i32 {
        %mul3A_583 = arith.constant 256 : i32
        %mul3A_584 = arith.muli %scan3A_581, %mul3A_583 : i32
        %add3A_585 = arith.constant 0 : i32
        %add3A_586 = arith.addi %mul3A_584, %add3A_585 : i32
        %get3A = arith.index_cast %select_n3A_523 : i32 to index
        %get3A_587 = arith.index_cast %add3A_586 : i32 to index
        %get3A_588 = tpu.vector_load %arg9[%get3A, %get3A_587] {strides = array<i32>} : memref<2x8192xi32, #tpu.memory_space<vmem>>, vector<16xi32>,
        %add3A_589 = arith.constant 0 : i32
        %add3A_590 = arith.addi %mul3A_584, %add3A_589 : i32
        %get3A_591 = arith.index_cast %select_n3A_523 : i32 to index
        %get3A_592 = arith.index_cast %add3A_590 : i32 to index
        %get3A_593 = tpu.vector_load %arg8[%get3A_591, %get3A_592] {strides = array<i32>} : memref<2x8192xf32, #tpu.memory_space<vmem>>, vector<16xf32>,
        %eq3A_594 = vector.broadcast %select_n3A : i32 to vector<16xi32>
        %eq3A_595 = arith.cmpi eq, %get3A_588, %eq3A_594 : vector<16xi32>
        %sub3A_596 = arith.constant 1.000000e+00 : f32
        %sub3A_597 = vector.broadcast %sub3A_596 : f32 to vector<16xf32>
        %sub3A_598 = arith.subf %sub3A_597, %get3A_593 : vector<16xf32>
        %select_n3A_599 = arith.select %eq3A_595, %sub3A_598, %get3A_593 : vector<16xi1>, vector<16xf32>
        %abs3A = math.absf %select_n3A_599 : vector<16xf32>
        %bitcast_convert_type3A = tpu.bitcast %abs3A : vector<16xf32> -> vector<16xi32>
        %shift_right_arithmetic3A = arith.constant 16 : i32
        %shift_right_arithmetic3A_600 = vector.broadcast %shift_right_arithmetic3A : i32 to vector<16xi32>
        %shift_right_arithmetic3A_601 = arith.shrsi %bitcast_convert_type3A, %shift_right_arithmetic3A_600 : vector<16xi32>
        %add3A_602 = arith.constant 16 : i32
        %add3A_603 = arith.addi %mul3A_584, %add3A_602 : i32
        %get3A_604 = arith.index_cast %select_n3A_523 : i32 to index
        %get3A_605 = arith.index_cast %add3A_603 : i32 to index
        %get3A_606 = tpu.vector_load %arg9[%get3A_604, %get3A_605] {strides = array<i32>} : memref<2x8192xi32, #tpu.memory_space<vmem>>, vector<16xi32>,
        %add3A_607 = arith.constant 16 : i32
        %add3A_608 = arith.addi %mul3A_584, %add3A_607 : i32
        %get3A_609 = arith.index_cast %select_n3A_523 : i32 to index
        %get3A_610 = arith.index_cast %add3A_608 : i32 to index
        %get3A_611 = tpu.vector_load %arg8[%get3A_609, %get3A_610] {strides = array<i32>} : memref<2x8192xf32, #tpu.memory_space<vmem>>, vector<16xf32>,
        %eq3A_612 = vector.broadcast %select_n3A : i32 to vector<16xi32>
        %eq3A_613 = arith.cmpi eq, %get3A_606, %eq3A_612 : vector<16xi32>
        %sub3A_614 = arith.constant 1.000000e+00 : f32
        %sub3A_615 = vector.broadcast %sub3A_614 : f32 to vector<16xf32>
        %sub3A_616 = arith.subf %sub3A_615, %get3A_611 : vector<16xf32>
        %select_n3A_617 = arith.select %eq3A_613, %sub3A_616, %get3A_611 : vector<16xi1>, vector<16xf32>
        %abs3A_618 = math.absf %select_n3A_617 : vector<16xf32>
        %bitcast_convert_type3A_619 = tpu.bitcast %abs3A_618 : vector<16xf32> -> vector<16xi32>
        %shift_right_arithmetic3A_620 = arith.constant 16 : i32
        %shift_right_arithmetic3A_621 = vector.broadcast %shift_right_arithmetic3A_620 : i32 to vector<16xi32>
        %shift_right_arithmetic3A_622 = arith.shrsi %bitcast_convert_type3A_619, %shift_right_arithmetic3A_621 : vector<16xi32>
        %add3A_623 = arith.constant 32 : i32
        %add3A_624 = arith.addi %mul3A_584, %add3A_623 : i32
        %get3A_625 = arith.index_cast %select_n3A_523 : i32 to index
        %get3A_626 = arith.index_cast %add3A_624 : i32 to index
        %get3A_627 = tpu.vector_load %arg9[%get3A_625, %get3A_626] {strides = array<i32>} : memref<2x8192xi32, #tpu.memory_space<vmem>>, vector<16xi32>,
        %add3A_628 = arith.constant 32 : i32
        %add3A_629 = arith.addi %mul3A_584, %add3A_628 : i32
        %get3A_630 = arith.index_cast %select_n3A_523 : i32 to index
        %get3A_631 = arith.index_cast %add3A_629 : i32 to index
        %get3A_632 = tpu.vector_load %arg8[%get3A_630, %get3A_631] {strides = array<i32>} : memref<2x8192xf32, #tpu.memory_space<vmem>>, vector<16xf32>,
        %eq3A_633 = vector.broadcast %select_n3A : i32 to vector<16xi32>
        %eq3A_634 = arith.cmpi eq, %get3A_627, %eq3A_633 : vector<16xi32>
        %sub3A_635 = arith.constant 1.000000e+00 : f32
        %sub3A_636 = vector.broadcast %sub3A_635 : f32 to vector<16xf32>
        %sub3A_637 = arith.subf %sub3A_636, %get3A_632 : vector<16xf32>
        %select_n3A_638 = arith.select %eq3A_634, %sub3A_637, %get3A_632 : vector<16xi1>, vector<16xf32>
        %abs3A_639 = math.absf %select_n3A_638 : vector<16xf32>
        %bitcast_convert_type3A_640 = tpu.bitcast %abs3A_639 : vector<16xf32> -> vector<16xi32>
        %shift_right_arithmetic3A_641 = arith.constant 16 : i32
        %shift_right_arithmetic3A_642 = vector.broadcast %shift_right_arithmetic3A_641 : i32 to vector<16xi32>
        %shift_right_arithmetic3A_643 = arith.shrsi %bitcast_convert_type3A_640, %shift_right_arithmetic3A_642 : vector<16xi32>
        %add3A_644 = arith.constant 48 : i32
        %add3A_645 = arith.addi %mul3A_584, %add3A_644 : i32
        %get3A_646 = arith.index_cast %select_n3A_523 : i32 to index
        %get3A_647 = arith.index_cast %add3A_645 : i32 to index
        %get3A_648 = tpu.vector_load %arg9[%get3A_646, %get3A_647] {strides = array<i32>} : memref<2x8192xi32, #tpu.memory_space<vmem>>, vector<16xi32>,
        %add3A_649 = arith.constant 48 : i32
        %add3A_650 = arith.addi %mul3A_584, %add3A_649 : i32
        %get3A_651 = arith.index_cast %select_n3A_523 : i32 to index
        %get3A_652 = arith.index_cast %add3A_650 : i32 to index
        %get3A_653 = tpu.vector_load %arg8[%get3A_651, %get3A_652] {strides = array<i32>} : memref<2x8192xf32, #tpu.memory_space<vmem>>, vector<16xf32>,
        %eq3A_654 = vector.broadcast %select_n3A : i32 to vector<16xi32>
        %eq3A_655 = arith.cmpi eq, %get3A_648, %eq3A_654 : vector<16xi32>
        %sub3A_656 = arith.constant 1.000000e+00 : f32
        %sub3A_657 = vector.broadcast %sub3A_656 : f32 to vector<16xf32>
        %sub3A_658 = arith.subf %sub3A_657, %get3A_653 : vector<16xf32>
        %select_n3A_659 = arith.select %eq3A_655, %sub3A_658, %get3A_653 : vector<16xi1>, vector<16xf32>
        %abs3A_660 = math.absf %select_n3A_659 : vector<16xf32>
        %bitcast_convert_type3A_661 = tpu.bitcast %abs3A_660 : vector<16xf32> -> vector<16xi32>
        %shift_right_arithmetic3A_662 = arith.constant 16 : i32
        %shift_right_arithmetic3A_663 = vector.broadcast %shift_right_arithmetic3A_662 : i32 to vector<16xi32>
        %shift_right_arithmetic3A_664 = arith.shrsi %bitcast_convert_type3A_661, %shift_right_arithmetic3A_663 : vector<16xi32>
        %add3A_665 = arith.constant 64 : i32
        %add3A_666 = arith.addi %mul3A_584, %add3A_665 : i32
        %get3A_667 = arith.index_cast %select_n3A_523 : i32 to index
        %get3A_668 = arith.index_cast %add3A_666 : i32 to index
        %get3A_669 = tpu.vector_load %arg9[%get3A_667, %get3A_668] {strides = array<i32>} : memref<2x8192xi32, #tpu.memory_space<vmem>>, vector<16xi32>,
        %add3A_670 = arith.constant 64 : i32
        %add3A_671 = arith.addi %mul3A_584, %add3A_670 : i32
        %get3A_672 = arith.index_cast %select_n3A_523 : i32 to index
        %get3A_673 = arith.index_cast %add3A_671 : i32 to index
        %get3A_674 = tpu.vector_load %arg8[%get3A_672, %get3A_673] {strides = array<i32>} : memref<2x8192xf32, #tpu.memory_space<vmem>>, vector<16xf32>,
        %eq3A_675 = vector.broadcast %select_n3A : i32 to vector<16xi32>
        %eq3A_676 = arith.cmpi eq, %get3A_669, %eq3A_675 : vector<16xi32>
        %sub3A_677 = arith.constant 1.000000e+00 : f32
        %sub3A_678 = vector.broadcast %sub3A_677 : f32 to vector<16xf32>
        %sub3A_679 = arith.subf %sub3A_678, %get3A_674 : vector<16xf32>
        %select_n3A_680 = arith.select %eq3A_676, %sub3A_679, %get3A_674 : vector<16xi1>, vector<16xf32>
        %abs3A_681 = math.absf %select_n3A_680 : vector<16xf32>
        %bitcast_convert_type3A_682 = tpu.bitcast %abs3A_681 : vector<16xf32> -> vector<16xi32>
        %shift_right_arithmetic3A_683 = arith.constant 16 : i32
        %shift_right_arithmetic3A_684 = vector.broadcast %shift_right_arithmetic3A_683 : i32 to vector<16xi32>
        %shift_right_arithmetic3A_685 = arith.shrsi %bitcast_convert_type3A_682, %shift_right_arithmetic3A_684 : vector<16xi32>
        %add3A_686 = arith.constant 80 : i32
        %add3A_687 = arith.addi %mul3A_584, %add3A_686 : i32
        %get3A_688 = arith.index_cast %select_n3A_523 : i32 to index
        %get3A_689 = arith.index_cast %add3A_687 : i32 to index
        %get3A_690 = tpu.vector_load %arg9[%get3A_688, %get3A_689] {strides = array<i32>} : memref<2x8192xi32, #tpu.memory_space<vmem>>, vector<16xi32>,
        %add3A_691 = arith.constant 80 : i32
        %add3A_692 = arith.addi %mul3A_584, %add3A_691 : i32
        %get3A_693 = arith.index_cast %select_n3A_523 : i32 to index
        %get3A_694 = arith.index_cast %add3A_692 : i32 to index
        %get3A_695 = tpu.vector_load %arg8[%get3A_693, %get3A_694] {strides = array<i32>} : memref<2x8192xf32, #tpu.memory_space<vmem>>, vector<16xf32>,
        %eq3A_696 = vector.broadcast %select_n3A : i32 to vector<16xi32>
        %eq3A_697 = arith.cmpi eq, %get3A_690, %eq3A_696 : vector<16xi32>
        %sub3A_698 = arith.constant 1.000000e+00 : f32
        %sub3A_699 = vector.broadcast %sub3A_698 : f32 to vector<16xf32>
        %sub3A_700 = arith.subf %sub3A_699, %get3A_695 : vector<16xf32>
        %select_n3A_701 = arith.select %eq3A_697, %sub3A_700, %get3A_695 : vector<16xi1>, vector<16xf32>
        %abs3A_702 = math.absf %select_n3A_701 : vector<16xf32>
        %bitcast_convert_type3A_703 = tpu.bitcast %abs3A_702 : vector<16xf32> -> vector<16xi32>
        %shift_right_arithmetic3A_704 = arith.constant 16 : i32
        %shift_right_arithmetic3A_705 = vector.broadcast %shift_right_arithmetic3A_704 : i32 to vector<16xi32>
        %shift_right_arithmetic3A_706 = arith.shrsi %bitcast_convert_type3A_703, %shift_right_arithmetic3A_705 : vector<16xi32>
        %add3A_707 = arith.constant 96 : i32
        %add3A_708 = arith.addi %mul3A_584, %add3A_707 : i32
        %get3A_709 = arith.index_cast %select_n3A_523 : i32 to index
        %get3A_710 = arith.index_cast %add3A_708 : i32 to index
        %get3A_711 = tpu.vector_load %arg9[%get3A_709, %get3A_710] {strides = array<i32>} : memref<2x8192xi32, #tpu.memory_space<vmem>>, vector<16xi32>,
        %add3A_712 = arith.constant 96 : i32
        %add3A_713 = arith.addi %mul3A_584, %add3A_712 : i32
        %get3A_714 = arith.index_cast %select_n3A_523 : i32 to index
        %get3A_715 = arith.index_cast %add3A_713 : i32 to index
        %get3A_716 = tpu.vector_load %arg8[%get3A_714, %get3A_715] {strides = array<i32>} : memref<2x8192xf32, #tpu.memory_space<vmem>>, vector<16xf32>,
        %eq3A_717 = vector.broadcast %select_n3A : i32 to vector<16xi32>
        %eq3A_718 = arith.cmpi eq, %get3A_711, %eq3A_717 : vector<16xi32>
        %sub3A_719 = arith.constant 1.000000e+00 : f32
        %sub3A_720 = vector.broadcast %sub3A_719 : f32 to vector<16xf32>
        %sub3A_721 = arith.subf %sub3A_720, %get3A_716 : vector<16xf32>
        %select_n3A_722 = arith.select %eq3A_718, %sub3A_721, %get3A_716 : vector<16xi1>, vector<16xf32>
        %abs3A_723 = math.absf %select_n3A_722 : vector<16xf32>
        %bitcast_convert_type3A_724 = tpu.bitcast %abs3A_723 : vector<16xf32> -> vector<16xi32>
        %shift_right_arithmetic3A_725 = arith.constant 16 : i32
        %shift_right_arithmetic3A_726 = vector.broadcast %shift_right_arithmetic3A_725 : i32 to vector<16xi32>
        %shift_right_arithmetic3A_727 = arith.shrsi %bitcast_convert_type3A_724, %shift_right_arithmetic3A_726 : vector<16xi32>
        %add3A_728 = arith.constant 112 : i32
        %add3A_729 = arith.addi %mul3A_584, %add3A_728 : i32
        %get3A_730 = arith.index_cast %select_n3A_523 : i32 to index
        %get3A_731 = arith.index_cast %add3A_729 : i32 to index
        %get3A_732 = tpu.vector_load %arg9[%get3A_730, %get3A_731] {strides = array<i32>} : memref<2x8192xi32, #tpu.memory_space<vmem>>, vector<16xi32>,
        %add3A_733 = arith.constant 112 : i32
        %add3A_734 = arith.addi %mul3A_584, %add3A_733 : i32
        %get3A_735 = arith.index_cast %select_n3A_523 : i32 to index
        %get3A_736 = arith.index_cast %add3A_734 : i32 to index
        %get3A_737 = tpu.vector_load %arg8[%get3A_735, %get3A_736] {strides = array<i32>} : memref<2x8192xf32, #tpu.memory_space<vmem>>, vector<16xf32>,
        %eq3A_738 = vector.broadcast %select_n3A : i32 to vector<16xi32>
        %eq3A_739 = arith.cmpi eq, %get3A_732, %eq3A_738 : vector<16xi32>
        %sub3A_740 = arith.constant 1.000000e+00 : f32
        %sub3A_741 = vector.broadcast %sub3A_740 : f32 to vector<16xf32>
        %sub3A_742 = arith.subf %sub3A_741, %get3A_737 : vector<16xf32>
        %select_n3A_743 = arith.select %eq3A_739, %sub3A_742, %get3A_737 : vector<16xi1>, vector<16xf32>
        %abs3A_744 = math.absf %select_n3A_743 : vector<16xf32>
        %bitcast_convert_type3A_745 = tpu.bitcast %abs3A_744 : vector<16xf32> -> vector<16xi32>
        %shift_right_arithmetic3A_746 = arith.constant 16 : i32
        %shift_right_arithmetic3A_747 = vector.broadcast %shift_right_arithmetic3A_746 : i32 to vector<16xi32>
        %shift_right_arithmetic3A_748 = arith.shrsi %bitcast_convert_type3A_745, %shift_right_arithmetic3A_747 : vector<16xi32>
        %add3A_749 = arith.constant 128 : i32
        %add3A_750 = arith.addi %mul3A_584, %add3A_749 : i32
        %get3A_751 = arith.index_cast %select_n3A_523 : i32 to index
        %get3A_752 = arith.index_cast %add3A_750 : i32 to index
        %get3A_753 = tpu.vector_load %arg9[%get3A_751, %get3A_752] {strides = array<i32>} : memref<2x8192xi32, #tpu.memory_space<vmem>>, vector<16xi32>,
        %add3A_754 = arith.constant 128 : i32
        %add3A_755 = arith.addi %mul3A_584, %add3A_754 : i32
        %get3A_756 = arith.index_cast %select_n3A_523 : i32 to index
        %get3A_757 = arith.index_cast %add3A_755 : i32 to index
        %get3A_758 = tpu.vector_load %arg8[%get3A_756, %get3A_757] {strides = array<i32>} : memref<2x8192xf32, #tpu.memory_space<vmem>>, vector<16xf32>,
        %eq3A_759 = vector.broadcast %select_n3A : i32 to vector<16xi32>
        %eq3A_760 = arith.cmpi eq, %get3A_753, %eq3A_759 : vector<16xi32>
        %sub3A_761 = arith.constant 1.000000e+00 : f32
        %sub3A_762 = vector.broadcast %sub3A_761 : f32 to vector<16xf32>
        %sub3A_763 = arith.subf %sub3A_762, %get3A_758 : vector<16xf32>
        %select_n3A_764 = arith.select %eq3A_760, %sub3A_763, %get3A_758 : vector<16xi1>, vector<16xf32>
        %abs3A_765 = math.absf %select_n3A_764 : vector<16xf32>
        %bitcast_convert_type3A_766 = tpu.bitcast %abs3A_765 : vector<16xf32> -> vector<16xi32>
        %shift_right_arithmetic3A_767 = arith.constant 16 : i32
        %shift_right_arithmetic3A_768 = vector.broadcast %shift_right_arithmetic3A_767 : i32 to vector<16xi32>
        %shift_right_arithmetic3A_769 = arith.shrsi %bitcast_convert_type3A_766, %shift_right_arithmetic3A_768 : vector<16xi32>
        %add3A_770 = arith.constant 144 : i32
        %add3A_771 = arith.addi %mul3A_584, %add3A_770 : i32
        %get3A_772 = arith.index_cast %select_n3A_523 : i32 to index
        %get3A_773 = arith.index_cast %add3A_771 : i32 to index
        %get3A_774 = tpu.vector_load %arg9[%get3A_772, %get3A_773] {strides = array<i32>} : memref<2x8192xi32, #tpu.memory_space<vmem>>, vector<16xi32>,
        %add3A_775 = arith.constant 144 : i32
        %add3A_776 = arith.addi %mul3A_584, %add3A_775 : i32
        %get3A_777 = arith.index_cast %select_n3A_523 : i32 to index
        %get3A_778 = arith.index_cast %add3A_776 : i32 to index
        %get3A_779 = tpu.vector_load %arg8[%get3A_777, %get3A_778] {strides = array<i32>} : memref<2x8192xf32, #tpu.memory_space<vmem>>, vector<16xf32>,
        %eq3A_780 = vector.broadcast %select_n3A : i32 to vector<16xi32>
        %eq3A_781 = arith.cmpi eq, %get3A_774, %eq3A_780 : vector<16xi32>
        %sub3A_782 = arith.constant 1.000000e+00 : f32
        %sub3A_783 = vector.broadcast %sub3A_782 : f32 to vector<16xf32>
        %sub3A_784 = arith.subf %sub3A_783, %get3A_779 : vector<16xf32>
        %select_n3A_785 = arith.select %eq3A_781, %sub3A_784, %get3A_779 : vector<16xi1>, vector<16xf32>
        %abs3A_786 = math.absf %select_n3A_785 : vector<16xf32>
        %bitcast_convert_type3A_787 = tpu.bitcast %abs3A_786 : vector<16xf32> -> vector<16xi32>
        %shift_right_arithmetic3A_788 = arith.constant 16 : i32
        %shift_right_arithmetic3A_789 = vector.broadcast %shift_right_arithmetic3A_788 : i32 to vector<16xi32>
        %shift_right_arithmetic3A_790 = arith.shrsi %bitcast_convert_type3A_787, %shift_right_arithmetic3A_789 : vector<16xi32>
        %add3A_791 = arith.constant 160 : i32
        %add3A_792 = arith.addi %mul3A_584, %add3A_791 : i32
        %get3A_793 = arith.index_cast %select_n3A_523 : i32 to index
        %get3A_794 = arith.index_cast %add3A_792 : i32 to index
        %get3A_795 = tpu.vector_load %arg9[%get3A_793, %get3A_794] {strides = array<i32>} : memref<2x8192xi32, #tpu.memory_space<vmem>>, vector<16xi32>,
        %add3A_796 = arith.constant 160 : i32
        %add3A_797 = arith.addi %mul3A_584, %add3A_796 : i32
        %get3A_798 = arith.index_cast %select_n3A_523 : i32 to index
        %get3A_799 = arith.index_cast %add3A_797 : i32 to index
        %get3A_800 = tpu.vector_load %arg8[%get3A_798, %get3A_799] {strides = array<i32>} : memref<2x8192xf32, #tpu.memory_space<vmem>>, vector<16xf32>,
        %eq3A_801 = vector.broadcast %select_n3A : i32 to vector<16xi32>
        %eq3A_802 = arith.cmpi eq, %get3A_795, %eq3A_801 : vector<16xi32>
        %sub3A_803 = arith.constant 1.000000e+00 : f32
        %sub3A_804 = vector.broadcast %sub3A_803 : f32 to vector<16xf32>
        %sub3A_805 = arith.subf %sub3A_804, %get3A_800 : vector<16xf32>
        %select_n3A_806 = arith.select %eq3A_802, %sub3A_805, %get3A_800 : vector<16xi1>, vector<16xf32>
        %abs3A_807 = math.absf %select_n3A_806 : vector<16xf32>
        %bitcast_convert_type3A_808 = tpu.bitcast %abs3A_807 : vector<16xf32> -> vector<16xi32>
        %shift_right_arithmetic3A_809 = arith.constant 16 : i32
        %shift_right_arithmetic3A_810 = vector.broadcast %shift_right_arithmetic3A_809 : i32 to vector<16xi32>
        %shift_right_arithmetic3A_811 = arith.shrsi %bitcast_convert_type3A_808, %shift_right_arithmetic3A_810 : vector<16xi32>
        %add3A_812 = arith.constant 176 : i32
        %add3A_813 = arith.addi %mul3A_584, %add3A_812 : i32
        %get3A_814 = arith.index_cast %select_n3A_523 : i32 to index
        %get3A_815 = arith.index_cast %add3A_813 : i32 to index
        %get3A_816 = tpu.vector_load %arg9[%get3A_814, %get3A_815] {strides = array<i32>} : memref<2x8192xi32, #tpu.memory_space<vmem>>, vector<16xi32>,
        %add3A_817 = arith.constant 176 : i32
        %add3A_818 = arith.addi %mul3A_584, %add3A_817 : i32
        %get3A_819 = arith.index_cast %select_n3A_523 : i32 to index
        %get3A_820 = arith.index_cast %add3A_818 : i32 to index
        %get3A_821 = tpu.vector_load %arg8[%get3A_819, %get3A_820] {strides = array<i32>} : memref<2x8192xf32, #tpu.memory_space<vmem>>, vector<16xf32>,
        %eq3A_822 = vector.broadcast %select_n3A : i32 to vector<16xi32>
        %eq3A_823 = arith.cmpi eq, %get3A_816, %eq3A_822 : vector<16xi32>
        %sub3A_824 = arith.constant 1.000000e+00 : f32
        %sub3A_825 = vector.broadcast %sub3A_824 : f32 to vector<16xf32>
        %sub3A_826 = arith.subf %sub3A_825, %get3A_821 : vector<16xf32>
        %select_n3A_827 = arith.select %eq3A_823, %sub3A_826, %get3A_821 : vector<16xi1>, vector<16xf32>
        %abs3A_828 = math.absf %select_n3A_827 : vector<16xf32>
        %bitcast_convert_type3A_829 = tpu.bitcast %abs3A_828 : vector<16xf32> -> vector<16xi32>
        %shift_right_arithmetic3A_830 = arith.constant 16 : i32
        %shift_right_arithmetic3A_831 = vector.broadcast %shift_right_arithmetic3A_830 : i32 to vector<16xi32>
        %shift_right_arithmetic3A_832 = arith.shrsi %bitcast_convert_type3A_829, %shift_right_arithmetic3A_831 : vector<16xi32>
        %add3A_833 = arith.constant 192 : i32
        %add3A_834 = arith.addi %mul3A_584, %add3A_833 : i32
        %get3A_835 = arith.index_cast %select_n3A_523 : i32 to index
        %get3A_836 = arith.index_cast %add3A_834 : i32 to index
        %get3A_837 = tpu.vector_load %arg9[%get3A_835, %get3A_836] {strides = array<i32>} : memref<2x8192xi32, #tpu.memory_space<vmem>>, vector<16xi32>,
        %add3A_838 = arith.constant 192 : i32
        %add3A_839 = arith.addi %mul3A_584, %add3A_838 : i32
        %get3A_840 = arith.index_cast %select_n3A_523 : i32 to index
        %get3A_841 = arith.index_cast %add3A_839 : i32 to index
        %get3A_842 = tpu.vector_load %arg8[%get3A_840, %get3A_841] {strides = array<i32>} : memref<2x8192xf32, #tpu.memory_space<vmem>>, vector<16xf32>,
        %eq3A_843 = vector.broadcast %select_n3A : i32 to vector<16xi32>
        %eq3A_844 = arith.cmpi eq, %get3A_837, %eq3A_843 : vector<16xi32>
        %sub3A_845 = arith.constant 1.000000e+00 : f32
        %sub3A_846 = vector.broadcast %sub3A_845 : f32 to vector<16xf32>
        %sub3A_847 = arith.subf %sub3A_846, %get3A_842 : vector<16xf32>
        %select_n3A_848 = arith.select %eq3A_844, %sub3A_847, %get3A_842 : vector<16xi1>, vector<16xf32>
        %abs3A_849 = math.absf %select_n3A_848 : vector<16xf32>
        %bitcast_convert_type3A_850 = tpu.bitcast %abs3A_849 : vector<16xf32> -> vector<16xi32>
        %shift_right_arithmetic3A_851 = arith.constant 16 : i32
        %shift_right_arithmetic3A_852 = vector.broadcast %shift_right_arithmetic3A_851 : i32 to vector<16xi32>
        %shift_right_arithmetic3A_853 = arith.shrsi %bitcast_convert_type3A_850, %shift_right_arithmetic3A_852 : vector<16xi32>
        %add3A_854 = arith.constant 208 : i32
        %add3A_855 = arith.addi %mul3A_584, %add3A_854 : i32
        %get3A_856 = arith.index_cast %select_n3A_523 : i32 to index
        %get3A_857 = arith.index_cast %add3A_855 : i32 to index
        %get3A_858 = tpu.vector_load %arg9[%get3A_856, %get3A_857] {strides = array<i32>} : memref<2x8192xi32, #tpu.memory_space<vmem>>, vector<16xi32>,
        %add3A_859 = arith.constant 208 : i32
        %add3A_860 = arith.addi %mul3A_584, %add3A_859 : i32
        %get3A_861 = arith.index_cast %select_n3A_523 : i32 to index
        %get3A_862 = arith.index_cast %add3A_860 : i32 to index
        %get3A_863 = tpu.vector_load %arg8[%get3A_861, %get3A_862] {strides = array<i32>} : memref<2x8192xf32, #tpu.memory_space<vmem>>, vector<16xf32>,
        %eq3A_864 = vector.broadcast %select_n3A : i32 to vector<16xi32>
        %eq3A_865 = arith.cmpi eq, %get3A_858, %eq3A_864 : vector<16xi32>
        %sub3A_866 = arith.constant 1.000000e+00 : f32
        %sub3A_867 = vector.broadcast %sub3A_866 : f32 to vector<16xf32>
        %sub3A_868 = arith.subf %sub3A_867, %get3A_863 : vector<16xf32>
        %select_n3A_869 = arith.select %eq3A_865, %sub3A_868, %get3A_863 : vector<16xi1>, vector<16xf32>
        %abs3A_870 = math.absf %select_n3A_869 : vector<16xf32>
        %bitcast_convert_type3A_871 = tpu.bitcast %abs3A_870 : vector<16xf32> -> vector<16xi32>
        %shift_right_arithmetic3A_872 = arith.constant 16 : i32
        %shift_right_arithmetic3A_873 = vector.broadcast %shift_right_arithmetic3A_872 : i32 to vector<16xi32>
        %shift_right_arithmetic3A_874 = arith.shrsi %bitcast_convert_type3A_871, %shift_right_arithmetic3A_873 : vector<16xi32>
        %add3A_875 = arith.constant 224 : i32
        %add3A_876 = arith.addi %mul3A_584, %add3A_875 : i32
        %get3A_877 = arith.index_cast %select_n3A_523 : i32 to index
        %get3A_878 = arith.index_cast %add3A_876 : i32 to index
        %get3A_879 = tpu.vector_load %arg9[%get3A_877, %get3A_878] {strides = array<i32>} : memref<2x8192xi32, #tpu.memory_space<vmem>>, vector<16xi32>,
        %add3A_880 = arith.constant 224 : i32
        %add3A_881 = arith.addi %mul3A_584, %add3A_880 : i32
        %get3A_882 = arith.index_cast %select_n3A_523 : i32 to index
        %get3A_883 = arith.index_cast %add3A_881 : i32 to index
        %get3A_884 = tpu.vector_load %arg8[%get3A_882, %get3A_883] {strides = array<i32>} : memref<2x8192xf32, #tpu.memory_space<vmem>>, vector<16xf32>,
        %eq3A_885 = vector.broadcast %select_n3A : i32 to vector<16xi32>
        %eq3A_886 = arith.cmpi eq, %get3A_879, %eq3A_885 : vector<16xi32>
        %sub3A_887 = arith.constant 1.000000e+00 : f32
        %sub3A_888 = vector.broadcast %sub3A_887 : f32 to vector<16xf32>
        %sub3A_889 = arith.subf %sub3A_888, %get3A_884 : vector<16xf32>
        %select_n3A_890 = arith.select %eq3A_886, %sub3A_889, %get3A_884 : vector<16xi1>, vector<16xf32>
        %abs3A_891 = math.absf %select_n3A_890 : vector<16xf32>
        %bitcast_convert_type3A_892 = tpu.bitcast %abs3A_891 : vector<16xf32> -> vector<16xi32>
        %shift_right_arithmetic3A_893 = arith.constant 16 : i32
        %shift_right_arithmetic3A_894 = vector.broadcast %shift_right_arithmetic3A_893 : i32 to vector<16xi32>
        %shift_right_arithmetic3A_895 = arith.shrsi %bitcast_convert_type3A_892, %shift_right_arithmetic3A_894 : vector<16xi32>
        %add3A_896 = arith.constant 240 : i32
        %add3A_897 = arith.addi %mul3A_584, %add3A_896 : i32
        %get3A_898 = arith.index_cast %select_n3A_523 : i32 to index
        %get3A_899 = arith.index_cast %add3A_897 : i32 to index
        %get3A_900 = tpu.vector_load %arg9[%get3A_898, %get3A_899] {strides = array<i32>} : memref<2x8192xi32, #tpu.memory_space<vmem>>, vector<16xi32>,
        %add3A_901 = arith.constant 240 : i32
        %add3A_902 = arith.addi %mul3A_584, %add3A_901 : i32
        %get3A_903 = arith.index_cast %select_n3A_523 : i32 to index
        %get3A_904 = arith.index_cast %add3A_902 : i32 to index
        %get3A_905 = tpu.vector_load %arg8[%get3A_903, %get3A_904] {strides = array<i32>} : memref<2x8192xf32, #tpu.memory_space<vmem>>, vector<16xf32>,
        %eq3A_906 = vector.broadcast %select_n3A : i32 to vector<16xi32>
        %eq3A_907 = arith.cmpi eq, %get3A_900, %eq3A_906 : vector<16xi32>
        %sub3A_908 = arith.constant 1.000000e+00 : f32
        %sub3A_909 = vector.broadcast %sub3A_908 : f32 to vector<16xf32>
        %sub3A_910 = arith.subf %sub3A_909, %get3A_905 : vector<16xf32>
        %select_n3A_911 = arith.select %eq3A_907, %sub3A_910, %get3A_905 : vector<16xi1>, vector<16xf32>
        %abs3A_912 = math.absf %select_n3A_911 : vector<16xf32>
        %bitcast_convert_type3A_913 = tpu.bitcast %abs3A_912 : vector<16xf32> -> vector<16xi32>
        %shift_right_arithmetic3A_914 = arith.constant 16 : i32
        %shift_right_arithmetic3A_915 = vector.broadcast %shift_right_arithmetic3A_914 : i32 to vector<16xi32>
        %shift_right_arithmetic3A_916 = arith.shrsi %bitcast_convert_type3A_913, %shift_right_arithmetic3A_915 : vector<16xi32>
        %broadcast_in_dim3A = arith.constant true
        %broadcast_in_dim3A_917 = vector.broadcast %broadcast_in_dim3A : i1 to vector<16xi1>
        %unique3A, %unique3A_918 = tpu.scan_count mask(%broadcast_in_dim3A_917 : vector<16xi1>) value(%shift_right_arithmetic3A_601 : vector<16xi32>) : vector<16xi1>, vector<16xi32>
        %unique3A_919, %unique3A_920 = tpu.scan_count mask(%eq3A_595 : vector<16xi1>) value(%shift_right_arithmetic3A_601 : vector<16xi32>) : vector<16xi1>, vector<16xi32>
        %broadcast_in_dim3A_921 = arith.constant true
        %broadcast_in_dim3A_922 = vector.broadcast %broadcast_in_dim3A_921 : i1 to vector<16xi1>
        %unique3A_923, %unique3A_924 = tpu.scan_count mask(%broadcast_in_dim3A_922 : vector<16xi1>) value(%shift_right_arithmetic3A_622 : vector<16xi32>) : vector<16xi1>, vector<16xi32>
        %unique3A_925, %unique3A_926 = tpu.scan_count mask(%eq3A_613 : vector<16xi1>) value(%shift_right_arithmetic3A_622 : vector<16xi32>) : vector<16xi1>, vector<16xi32>
        %broadcast_in_dim3A_927 = arith.constant true
        %broadcast_in_dim3A_928 = vector.broadcast %broadcast_in_dim3A_927 : i1 to vector<16xi1>
        %unique3A_929, %unique3A_930 = tpu.scan_count mask(%broadcast_in_dim3A_928 : vector<16xi1>) value(%shift_right_arithmetic3A_643 : vector<16xi32>) : vector<16xi1>, vector<16xi32>
        %unique3A_931, %unique3A_932 = tpu.scan_count mask(%eq3A_634 : vector<16xi1>) value(%shift_right_arithmetic3A_643 : vector<16xi32>) : vector<16xi1>, vector<16xi32>
        %broadcast_in_dim3A_933 = arith.constant true
        %broadcast_in_dim3A_934 = vector.broadcast %broadcast_in_dim3A_933 : i1 to vector<16xi1>
        %unique3A_935, %unique3A_936 = tpu.scan_count mask(%broadcast_in_dim3A_934 : vector<16xi1>) value(%shift_right_arithmetic3A_664 : vector<16xi32>) : vector<16xi1>, vector<16xi32>
        %unique3A_937, %unique3A_938 = tpu.scan_count mask(%eq3A_655 : vector<16xi1>) value(%shift_right_arithmetic3A_664 : vector<16xi32>) : vector<16xi1>, vector<16xi32>
        %broadcast_in_dim3A_939 = arith.constant true
        %broadcast_in_dim3A_940 = vector.broadcast %broadcast_in_dim3A_939 : i1 to vector<16xi1>
        %unique3A_941, %unique3A_942 = tpu.scan_count mask(%broadcast_in_dim3A_940 : vector<16xi1>) value(%shift_right_arithmetic3A_685 : vector<16xi32>) : vector<16xi1>, vector<16xi32>
        %unique3A_943, %unique3A_944 = tpu.scan_count mask(%eq3A_676 : vector<16xi1>) value(%shift_right_arithmetic3A_685 : vector<16xi32>) : vector<16xi1>, vector<16xi32>
        %broadcast_in_dim3A_945 = arith.constant true
        %broadcast_in_dim3A_946 = vector.broadcast %broadcast_in_dim3A_945 : i1 to vector<16xi1>
        %unique3A_947, %unique3A_948 = tpu.scan_count mask(%broadcast_in_dim3A_946 : vector<16xi1>) value(%shift_right_arithmetic3A_706 : vector<16xi32>) : vector<16xi1>, vector<16xi32>
        %unique3A_949, %unique3A_950 = tpu.scan_count mask(%eq3A_697 : vector<16xi1>) value(%shift_right_arithmetic3A_706 : vector<16xi32>) : vector<16xi1>, vector<16xi32>
        %broadcast_in_dim3A_951 = arith.constant true
        %broadcast_in_dim3A_952 = vector.broadcast %broadcast_in_dim3A_951 : i1 to vector<16xi1>
        %unique3A_953, %unique3A_954 = tpu.scan_count mask(%broadcast_in_dim3A_952 : vector<16xi1>) value(%shift_right_arithmetic3A_727 : vector<16xi32>) : vector<16xi1>, vector<16xi32>
        %unique3A_955, %unique3A_956 = tpu.scan_count mask(%eq3A_718 : vector<16xi1>) value(%shift_right_arithmetic3A_727 : vector<16xi32>) : vector<16xi1>, vector<16xi32>
        %broadcast_in_dim3A_957 = arith.constant true
        %broadcast_in_dim3A_958 = vector.broadcast %broadcast_in_dim3A_957 : i1 to vector<16xi1>
        %unique3A_959, %unique3A_960 = tpu.scan_count mask(%broadcast_in_dim3A_958 : vector<16xi1>) value(%shift_right_arithmetic3A_748 : vector<16xi32>) : vector<16xi1>, vector<16xi32>
        %unique3A_961, %unique3A_962 = tpu.scan_count mask(%eq3A_739 : vector<16xi1>) value(%shift_right_arithmetic3A_748 : vector<16xi32>) : vector<16xi1>, vector<16xi32>
        %broadcast_in_dim3A_963 = arith.constant true
        %broadcast_in_dim3A_964 = vector.broadcast %broadcast_in_dim3A_963 : i1 to vector<16xi1>
        %unique3A_965, %unique3A_966 = tpu.scan_count mask(%broadcast_in_dim3A_964 : vector<16xi1>) value(%shift_right_arithmetic3A_769 : vector<16xi32>) : vector<16xi1>, vector<16xi32>
        %unique3A_967, %unique3A_968 = tpu.scan_count mask(%eq3A_760 : vector<16xi1>) value(%shift_right_arithmetic3A_769 : vector<16xi32>) : vector<16xi1>, vector<16xi32>
        %broadcast_in_dim3A_969 = arith.constant true
        %broadcast_in_dim3A_970 = vector.broadcast %broadcast_in_dim3A_969 : i1 to vector<16xi1>
        %unique3A_971, %unique3A_972 = tpu.scan_count mask(%broadcast_in_dim3A_970 : vector<16xi1>) value(%shift_right_arithmetic3A_790 : vector<16xi32>) : vector<16xi1>, vector<16xi32>
        %unique3A_973, %unique3A_974 = tpu.scan_count mask(%eq3A_781 : vector<16xi1>) value(%shift_right_arithmetic3A_790 : vector<16xi32>) : vector<16xi1>, vector<16xi32>
        %broadcast_in_dim3A_975 = arith.constant true
        %broadcast_in_dim3A_976 = vector.broadcast %broadcast_in_dim3A_975 : i1 to vector<16xi1>
        %unique3A_977, %unique3A_978 = tpu.scan_count mask(%broadcast_in_dim3A_976 : vector<16xi1>) value(%shift_right_arithmetic3A_811 : vector<16xi32>) : vector<16xi1>, vector<16xi32>
        %unique3A_979, %unique3A_980 = tpu.scan_count mask(%eq3A_802 : vector<16xi1>) value(%shift_right_arithmetic3A_811 : vector<16xi32>) : vector<16xi1>, vector<16xi32>
        %broadcast_in_dim3A_981 = arith.constant true
        %broadcast_in_dim3A_982 = vector.broadcast %broadcast_in_dim3A_981 : i1 to vector<16xi1>
        %unique3A_983, %unique3A_984 = tpu.scan_count mask(%broadcast_in_dim3A_982 : vector<16xi1>) value(%shift_right_arithmetic3A_832 : vector<16xi32>) : vector<16xi1>, vector<16xi32>
        %unique3A_985, %unique3A_986 = tpu.scan_count mask(%eq3A_823 : vector<16xi1>) value(%shift_right_arithmetic3A_832 : vector<16xi32>) : vector<16xi1>, vector<16xi32>
        %broadcast_in_dim3A_987 = arith.constant true
        %broadcast_in_dim3A_988 = vector.broadcast %broadcast_in_dim3A_987 : i1 to vector<16xi1>
        %unique3A_989, %unique3A_990 = tpu.scan_count mask(%broadcast_in_dim3A_988 : vector<16xi1>) value(%shift_right_arithmetic3A_853 : vector<16xi32>) : vector<16xi1>, vector<16xi32>
        %unique3A_991, %unique3A_992 = tpu.scan_count mask(%eq3A_844 : vector<16xi1>) value(%shift_right_arithmetic3A_853 : vector<16xi32>) : vector<16xi1>, vector<16xi32>
        %broadcast_in_dim3A_993 = arith.constant true
        %broadcast_in_dim3A_994 = vector.broadcast %broadcast_in_dim3A_993 : i1 to vector<16xi1>
        %unique3A_995, %unique3A_996 = tpu.scan_count mask(%broadcast_in_dim3A_994 : vector<16xi1>) value(%shift_right_arithmetic3A_874 : vector<16xi32>) : vector<16xi1>, vector<16xi32>
        %unique3A_997, %unique3A_998 = tpu.scan_count mask(%eq3A_865 : vector<16xi1>) value(%shift_right_arithmetic3A_874 : vector<16xi32>) : vector<16xi1>, vector<16xi32>
        %broadcast_in_dim3A_999 = arith.constant true
        %broadcast_in_dim3A_1000 = vector.broadcast %broadcast_in_dim3A_999 : i1 to vector<16xi1>
        %unique3A_1001, %unique3A_1002 = tpu.scan_count mask(%broadcast_in_dim3A_1000 : vector<16xi1>) value(%shift_right_arithmetic3A_895 : vector<16xi32>) : vector<16xi1>, vector<16xi32>
        %unique3A_1003, %unique3A_1004 = tpu.scan_count mask(%eq3A_886 : vector<16xi1>) value(%shift_right_arithmetic3A_895 : vector<16xi32>) : vector<16xi1>, vector<16xi32>
        %broadcast_in_dim3A_1005 = arith.constant true
        %broadcast_in_dim3A_1006 = vector.broadcast %broadcast_in_dim3A_1005 : i1 to vector<16xi1>
        %unique3A_1007, %unique3A_1008 = tpu.scan_count mask(%broadcast_in_dim3A_1006 : vector<16xi1>) value(%shift_right_arithmetic3A_916 : vector<16xi32>) : vector<16xi1>, vector<16xi32>
        %unique3A_1009, %unique3A_1010 = tpu.scan_count mask(%eq3A_907 : vector<16xi1>) value(%shift_right_arithmetic3A_916 : vector<16xi32>) : vector<16xi1>, vector<16xi32>
        tpu.vector_store_idx %arg6[%shift_right_arithmetic3A_601], %unique3A_918 masked %unique3A {add = true} : memref<32768xi32, #tpu.memory_space<vmem>>[vector<16xi32>], vector<16xi32>, vector<16xi1>
        tpu.vector_store_idx %arg7[%shift_right_arithmetic3A_601], %unique3A_920 masked %unique3A_919 {add = true} : memref<32768xi32, #tpu.memory_space<vmem>>[vector<16xi32>], vector<16xi32>, vector<16xi1>
        tpu.vector_store_idx %arg6[%shift_right_arithmetic3A_622], %unique3A_924 masked %unique3A_923 {add = true} : memref<32768xi32, #tpu.memory_space<vmem>>[vector<16xi32>], vector<16xi32>, vector<16xi1>
        tpu.vector_store_idx %arg7[%shift_right_arithmetic3A_622], %unique3A_926 masked %unique3A_925 {add = true} : memref<32768xi32, #tpu.memory_space<vmem>>[vector<16xi32>], vector<16xi32>, vector<16xi1>
        tpu.vector_store_idx %arg6[%shift_right_arithmetic3A_643], %unique3A_930 masked %unique3A_929 {add = true} : memref<32768xi32, #tpu.memory_space<vmem>>[vector<16xi32>], vector<16xi32>, vector<16xi1>
        tpu.vector_store_idx %arg7[%shift_right_arithmetic3A_643], %unique3A_932 masked %unique3A_931 {add = true} : memref<32768xi32, #tpu.memory_space<vmem>>[vector<16xi32>], vector<16xi32>, vector<16xi1>
        tpu.vector_store_idx %arg6[%shift_right_arithmetic3A_664], %unique3A_936 masked %unique3A_935 {add = true} : memref<32768xi32, #tpu.memory_space<vmem>>[vector<16xi32>], vector<16xi32>, vector<16xi1>
        tpu.vector_store_idx %arg7[%shift_right_arithmetic3A_664], %unique3A_938 masked %unique3A_937 {add = true} : memref<32768xi32, #tpu.memory_space<vmem>>[vector<16xi32>], vector<16xi32>, vector<16xi1>
        tpu.vector_store_idx %arg6[%shift_right_arithmetic3A_685], %unique3A_942 masked %unique3A_941 {add = true} : memref<32768xi32, #tpu.memory_space<vmem>>[vector<16xi32>], vector<16xi32>, vector<16xi1>
        tpu.vector_store_idx %arg7[%shift_right_arithmetic3A_685], %unique3A_944 masked %unique3A_943 {add = true} : memref<32768xi32, #tpu.memory_space<vmem>>[vector<16xi32>], vector<16xi32>, vector<16xi1>
        tpu.vector_store_idx %arg6[%shift_right_arithmetic3A_706], %unique3A_948 masked %unique3A_947 {add = true} : memref<32768xi32, #tpu.memory_space<vmem>>[vector<16xi32>], vector<16xi32>, vector<16xi1>
        tpu.vector_store_idx %arg7[%shift_right_arithmetic3A_706], %unique3A_950 masked %unique3A_949 {add = true} : memref<32768xi32, #tpu.memory_space<vmem>>[vector<16xi32>], vector<16xi32>, vector<16xi1>
        tpu.vector_store_idx %arg6[%shift_right_arithmetic3A_727], %unique3A_954 masked %unique3A_953 {add = true} : memref<32768xi32, #tpu.memory_space<vmem>>[vector<16xi32>], vector<16xi32>, vector<16xi1>
        tpu.vector_store_idx %arg7[%shift_right_arithmetic3A_727], %unique3A_956 masked %unique3A_955 {add = true} : memref<32768xi32, #tpu.memory_space<vmem>>[vector<16xi32>], vector<16xi32>, vector<16xi1>
        tpu.vector_store_idx %arg6[%shift_right_arithmetic3A_748], %unique3A_960 masked %unique3A_959 {add = true} : memref<32768xi32, #tpu.memory_space<vmem>>[vector<16xi32>], vector<16xi32>, vector<16xi1>
        tpu.vector_store_idx %arg7[%shift_right_arithmetic3A_748], %unique3A_962 masked %unique3A_961 {add = true} : memref<32768xi32, #tpu.memory_space<vmem>>[vector<16xi32>], vector<16xi32>, vector<16xi1>
        tpu.vector_store_idx %arg6[%shift_right_arithmetic3A_769], %unique3A_966 masked %unique3A_965 {add = true} : memref<32768xi32, #tpu.memory_space<vmem>>[vector<16xi32>], vector<16xi32>, vector<16xi1>
        tpu.vector_store_idx %arg7[%shift_right_arithmetic3A_769], %unique3A_968 masked %unique3A_967 {add = true} : memref<32768xi32, #tpu.memory_space<vmem>>[vector<16xi32>], vector<16xi32>, vector<16xi1>
        tpu.vector_store_idx %arg6[%shift_right_arithmetic3A_790], %unique3A_972 masked %unique3A_971 {add = true} : memref<32768xi32, #tpu.memory_space<vmem>>[vector<16xi32>], vector<16xi32>, vector<16xi1>
        tpu.vector_store_idx %arg7[%shift_right_arithmetic3A_790], %unique3A_974 masked %unique3A_973 {add = true} : memref<32768xi32, #tpu.memory_space<vmem>>[vector<16xi32>], vector<16xi32>, vector<16xi1>
        tpu.vector_store_idx %arg6[%shift_right_arithmetic3A_811], %unique3A_978 masked %unique3A_977 {add = true} : memref<32768xi32, #tpu.memory_space<vmem>>[vector<16xi32>], vector<16xi32>, vector<16xi1>
        tpu.vector_store_idx %arg7[%shift_right_arithmetic3A_811], %unique3A_980 masked %unique3A_979 {add = true} : memref<32768xi32, #tpu.memory_space<vmem>>[vector<16xi32>], vector<16xi32>, vector<16xi1>
        tpu.vector_store_idx %arg6[%shift_right_arithmetic3A_832], %unique3A_984 masked %unique3A_983 {add = true} : memref<32768xi32, #tpu.memory_space<vmem>>[vector<16xi32>], vector<16xi32>, vector<16xi1>
        tpu.vector_store_idx %arg7[%shift_right_arithmetic3A_832], %unique3A_986 masked %unique3A_985 {add = true} : memref<32768xi32, #tpu.memory_space<vmem>>[vector<16xi32>], vector<16xi32>, vector<16xi1>
        tpu.vector_store_idx %arg6[%shift_right_arithmetic3A_853], %unique3A_990 masked %unique3A_989 {add = true} : memref<32768xi32, #tpu.memory_space<vmem>>[vector<16xi32>], vector<16xi32>, vector<16xi1>
        tpu.vector_store_idx %arg7[%shift_right_arithmetic3A_853], %unique3A_992 masked %unique3A_991 {add = true} : memref<32768xi32, #tpu.memory_space<vmem>>[vector<16xi32>], vector<16xi32>, vector<16xi1>
        tpu.vector_store_idx %arg6[%shift_right_arithmetic3A_874], %unique3A_996 masked %unique3A_995 {add = true} : memref<32768xi32, #tpu.memory_space<vmem>>[vector<16xi32>], vector<16xi32>, vector<16xi1>
        tpu.vector_store_idx %arg7[%shift_right_arithmetic3A_874], %unique3A_998 masked %unique3A_997 {add = true} : memref<32768xi32, #tpu.memory_space<vmem>>[vector<16xi32>], vector<16xi32>, vector<16xi1>
        tpu.vector_store_idx %arg6[%shift_right_arithmetic3A_895], %unique3A_1002 masked %unique3A_1001 {add = true} : memref<32768xi32, #tpu.memory_space<vmem>>[vector<16xi32>], vector<16xi32>, vector<16xi1>
        tpu.vector_store_idx %arg7[%shift_right_arithmetic3A_895], %unique3A_1004 masked %unique3A_1003 {add = true} : memref<32768xi32, #tpu.memory_space<vmem>>[vector<16xi32>], vector<16xi32>, vector<16xi1>
        tpu.vector_store_idx %arg6[%shift_right_arithmetic3A_916], %unique3A_1008 masked %unique3A_1007 {add = true} : memref<32768xi32, #tpu.memory_space<vmem>>[vector<16xi32>], vector<16xi32>, vector<16xi1>
        tpu.vector_store_idx %arg7[%shift_right_arithmetic3A_916], %unique3A_1010 masked %unique3A_1009 {add = true} : memref<32768xi32, #tpu.memory_space<vmem>>[vector<16xi32>], vector<16xi32>, vector<16xi1>
        %scan3A_1011 = arith.constant 0 : i32
        scf.yield %scan3A_1011 : i32
      }
      %scan3A_579 = arith.constant 32 : i32
      %scan3A_580 = arith.constant 0 : i32
      scf.yield %scan3A_580 : i32
    }
    %scan3A_116 = arith.constant 16 : i32
    "tpu.region"() ({
      %run_scoped3A = tpu.sem_alloc : memref<!tpu.dma_semaphore, #tpu.memory_space<semaphore_mem>>
      %dma_start3A_506 = arith.constant 0 : i32
      %dma_start3A_507 = tpu.memref_slice %arg4[%select_n3A, %select_n3A_32, %dma_start3A_506] : memref<19x8x32768xi32, #tpu.memory_space<hbm>> -> memref<1x1x32768xi32, #tpu.memory_space<hbm>>
      %dma_start3A_508 = tpu.memref_squeeze %dma_start3A_507 : memref<1x1x32768xi32, #tpu.memory_space<hbm>> -> memref<32768xi32, #tpu.memory_space<hbm>>
      %dma_start3A_509 = arith.constant 0 : i32
      %dma_start3A_510 = tpu.memref_slice %arg4[%select_n3A, %select_n3A_32, %dma_start3A_509] : memref<19x8x32768xi32, #tpu.memory_space<hbm>> -> memref<1x1x32768xi32, #tpu.memory_space<hbm>>
      %dma_start3A_511 = tpu.memref_squeeze %dma_start3A_510 : memref<1x1x32768xi32, #tpu.memory_space<hbm>> -> memref<32768xi32, #tpu.memory_space<hbm>>
      tpu.enqueue_dma source(%arg6 : memref<32768xi32, #tpu.memory_space<vmem>>) target(%dma_start3A_511 : memref<32768xi32, #tpu.memory_space<hbm>>) target_semaphore(%run_scoped3A : memref<!tpu.dma_semaphore, #tpu.memory_space<semaphore_mem>>)
      %dma_wait3A = arith.constant 0 : i32
      %dma_wait3A_512 = tpu.memref_slice %arg4[%select_n3A, %select_n3A_32, %dma_wait3A] : memref<19x8x32768xi32, #tpu.memory_space<hbm>> -> memref<1x1x32768xi32, #tpu.memory_space<hbm>>
      %dma_wait3A_513 = tpu.memref_squeeze %dma_wait3A_512 : memref<1x1x32768xi32, #tpu.memory_space<hbm>> -> memref<32768xi32, #tpu.memory_space<hbm>>
      %dma_wait3A_514 = arith.constant 0 : i32
      %dma_wait3A_515 = tpu.memref_slice %arg4[%select_n3A, %select_n3A_32, %dma_wait3A_514] : memref<19x8x32768xi32, #tpu.memory_space<hbm>> -> memref<1x1x32768xi32, #tpu.memory_space<hbm>>
      %dma_wait3A_516 = tpu.memref_squeeze %dma_wait3A_515 : memref<1x1x32768xi32, #tpu.memory_space<hbm>> -> memref<32768xi32, #tpu.memory_space<hbm>>
      tpu.wait_dma2 semaphore(%run_scoped3A : memref<!tpu.dma_semaphore, #tpu.memory_space<semaphore_mem>>) src(%arg6 : memref<32768xi32, #tpu.memory_space<vmem>>) dst(%dma_wait3A_516 : memref<32768xi32, #tpu.memory_space<hbm>>)
      tpu.yield
    }) : () -> ()
    "tpu.region"() ({
      %run_scoped3A = tpu.sem_alloc : memref<!tpu.dma_semaphore, #tpu.memory_space<semaphore_mem>>
      %dma_start3A_506 = arith.constant 0 : i32
      %dma_start3A_507 = tpu.memref_slice %arg5[%select_n3A, %select_n3A_32, %dma_start3A_506] : memref<19x8x32768xi32, #tpu.memory_space<hbm>> -> memref<1x1x32768xi32, #tpu.memory_space<hbm>>
      %dma_start3A_508 = tpu.memref_squeeze %dma_start3A_507 : memref<1x1x32768xi32, #tpu.memory_space<hbm>> -> memref<32768xi32, #tpu.memory_space<hbm>>
      %dma_start3A_509 = arith.constant 0 : i32
      %dma_start3A_510 = tpu.memref_slice %arg5[%select_n3A, %select_n3A_32, %dma_start3A_509] : memref<19x8x32768xi32, #tpu.memory_space<hbm>> -> memref<1x1x32768xi32, #tpu.memory_space<hbm>>
      %dma_start3A_511 = tpu.memref_squeeze %dma_start3A_510 : memref<1x1x32768xi32, #tpu.memory_space<hbm>> -> memref<32768xi32, #tpu.memory_space<hbm>>
      tpu.enqueue_dma source(%arg7 : memref<32768xi32, #tpu.memory_space<vmem>>) target(%dma_start3A_511 : memref<32768xi32, #tpu.memory_space<hbm>>) target_semaphore(%run_scoped3A : memref<!tpu.dma_semaphore, #tpu.memory_space<semaphore_mem>>)
      %dma_wait3A = arith.constant 0 : i32
      %dma_wait3A_512 = tpu.memref_slice %arg5[%select_n3A, %select_n3A_32, %dma_wait3A] : memref<19x8x32768xi32, #tpu.memory_space<hbm>> -> memref<1x1x32768xi32, #tpu.memory_space<hbm>>
      %dma_wait3A_513 = tpu.memref_squeeze %dma_wait3A_512 : memref<1x1x32768xi32, #tpu.memory_space<hbm>> -> memref<32768xi32, #tpu.memory_space<hbm>>
      %dma_wait3A_514 = arith.constant 0 : i32
      %dma_wait3A_515 = tpu.memref_slice %arg5[%select_n3A, %select_n3A_32, %dma_wait3A_514] : memref<19x8x32768xi32, #tpu.memory_space<hbm>> -> memref<1x1x32768xi32, #tpu.memory_space<hbm>>
      %dma_wait3A_516 = tpu.memref_squeeze %dma_wait3A_515 : memref<1x1x32768xi32, #tpu.memory_space<hbm>> -> memref<32768xi32, #tpu.memory_space<hbm>>
      tpu.wait_dma2 semaphore(%run_scoped3A : memref<!tpu.dma_semaphore, #tpu.memory_space<semaphore_mem>>) src(%arg7 : memref<32768xi32, #tpu.memory_space<vmem>>) dst(%dma_wait3A_516 : memref<32768xi32, #tpu.memory_space<hbm>>)
      tpu.yield
    }) : () -> ()
    %add3A_117 = arith.constant 32 : i32
    %add3A_118 = arith.addi %add3A, %add3A_117 : i32
    %jit3A_119 = arith.constant 8 : i32
    %div3A_120 = arith.divsi %add3A_118, %jit3A_119 : i32
    %sign3A_121 = arith.constant 0 : i32
    %sign3A_122 = arith.cmpi sgt, %add3A_118, %sign3A_121 : i32
    %sign3A_123 = arith.extui %sign3A_122 : i1 to i32
    %sign3A_124 = arith.constant 0 : i32
    %sign3A_125 = arith.cmpi slt, %add3A_118, %sign3A_124 : i32
    %sign3A_126 = arith.extui %sign3A_125 : i1 to i32
    %sign3A_127 = arith.subi %sign3A_123, %sign3A_126 : i32
    %sign3A_128 = arith.constant 0 : i32
    %sign3A_129 = arith.cmpi sgt, %jit3A_119, %sign3A_128 : i32
    %sign3A_130 = arith.extui %sign3A_129 : i1 to i32
    %sign3A_131 = arith.constant 0 : i32
    %sign3A_132 = arith.cmpi slt, %jit3A_119, %sign3A_131 : i32
    %sign3A_133 = arith.extui %sign3A_132 : i1 to i32
    %sign3A_134 = arith.subi %sign3A_130, %sign3A_133 : i32
    %ne3A_135 = arith.cmpi ne, %sign3A_127, %sign3A_134 : i32
    %rem3A_136 = arith.remsi %add3A_118, %jit3A_119 : i32
    %ne3A_137 = arith.constant 0 : i32
    %ne3A_138 = arith.cmpi ne, %rem3A_136, %ne3A_137 : i32
    %and3A_139 = arith.andi %ne3A_135, %ne3A_138 : i1
    %sub3A_140 = arith.constant 1 : i32
    %sub3A_141 = arith.subi %div3A_120, %sub3A_140 : i32
    %select_n3A_142 = arith.select %and3A_139, %sub3A_141, %div3A_120 : i32
    %jit3A_143 = arith.constant 8 : i32
    %eq3A_144 = arith.constant 0 : i32
    %eq3A_145 = arith.cmpi eq, %jit3A_143, %eq3A_144 : i32
    %jit3A_146 = arith.constant 1 : i32
    %select_n3A_147 = arith.select %eq3A_145, %jit3A_146, %jit3A_143 : i32
    %rem3A_148 = arith.remsi %add3A_118, %select_n3A_147 : i32
    %ne3A_149 = arith.constant 0 : i32
    %ne3A_150 = arith.cmpi ne, %rem3A_148, %ne3A_149 : i32
    %lt3A_151 = arith.constant 0 : i32
    %lt3A_152 = arith.cmpi slt, %rem3A_148, %lt3A_151 : i32
    %lt3A_153 = arith.constant 0 : i32
    %lt3A_154 = arith.cmpi slt, %select_n3A_147, %lt3A_153 : i32
    %ne3A_155 = arith.xori %lt3A_152, %lt3A_154 : i1
    %and3A_156 = arith.andi %ne3A_155, %ne3A_150 : i1
    %add3A_157 = arith.addi %rem3A_148, %select_n3A_147 : i32
    %select_n3A_158 = arith.select %and3A_156, %add3A_157, %rem3A_148 : i32
    %jit3A_159 = arith.constant 2 : i32
    %div3A_160 = arith.divsi %select_n3A_158, %jit3A_159 : i32
    %sign3A_161 = arith.constant 0 : i32
    %sign3A_162 = arith.cmpi sgt, %select_n3A_158, %sign3A_161 : i32
    %sign3A_163 = arith.extui %sign3A_162 : i1 to i32
    %sign3A_164 = arith.constant 0 : i32
    %sign3A_165 = arith.cmpi slt, %select_n3A_158, %sign3A_164 : i32
    %sign3A_166 = arith.extui %sign3A_165 : i1 to i32
    %sign3A_167 = arith.subi %sign3A_163, %sign3A_166 : i32
    %sign3A_168 = arith.constant 0 : i32
    %sign3A_169 = arith.cmpi sgt, %jit3A_159, %sign3A_168 : i32
    %sign3A_170 = arith.extui %sign3A_169 : i1 to i32
    %sign3A_171 = arith.constant 0 : i32
    %sign3A_172 = arith.cmpi slt, %jit3A_159, %sign3A_171 : i32
    %sign3A_173 = arith.extui %sign3A_172 : i1 to i32
    %sign3A_174 = arith.subi %sign3A_170, %sign3A_173 : i32
    %ne3A_175 = arith.cmpi ne, %sign3A_167, %sign3A_174 : i32
    %rem3A_176 = arith.remsi %select_n3A_158, %jit3A_159 : i32
    %ne3A_177 = arith.constant 0 : i32
    %ne3A_178 = arith.cmpi ne, %rem3A_176, %ne3A_177 : i32
    %and3A_179 = arith.andi %ne3A_175, %ne3A_178 : i1
    %sub3A_180 = arith.constant 1 : i32
    %sub3A_181 = arith.subi %div3A_160, %sub3A_180 : i32
    %select_n3A_182 = arith.select %and3A_179, %sub3A_181, %div3A_160 : i32
    %jit3A_183 = arith.constant 2 : i32
    %eq3A_184 = arith.constant 0 : i32
    %eq3A_185 = arith.cmpi eq, %jit3A_183, %eq3A_184 : i32
    %jit3A_186 = arith.constant 1 : i32
    %select_n3A_187 = arith.select %eq3A_185, %jit3A_186, %jit3A_183 : i32
    %rem3A_188 = arith.remsi %select_n3A_158, %select_n3A_187 : i32
    %ne3A_189 = arith.constant 0 : i32
    %ne3A_190 = arith.cmpi ne, %rem3A_188, %ne3A_189 : i32
    %lt3A_191 = arith.constant 0 : i32
    %lt3A_192 = arith.cmpi slt, %rem3A_188, %lt3A_191 : i32
    %lt3A_193 = arith.constant 0 : i32
    %lt3A_194 = arith.cmpi slt, %select_n3A_187, %lt3A_193 : i32
    %ne3A_195 = arith.xori %lt3A_192, %lt3A_194 : i1
    %and3A_196 = arith.andi %ne3A_195, %ne3A_190 : i1
    %add3A_197 = arith.addi %rem3A_188, %select_n3A_187 : i32
    %select_n3A_198 = arith.select %and3A_196, %add3A_197, %rem3A_188 : i32
    %mul3A_199 = arith.constant 131072 : i32
    %mul3A_200 = arith.muli %select_n3A_198, %mul3A_199 : i32
    %scan3A_201 = arith.constant 0 : i32
    %scan3A_202 = arith.constant 0 : i32
    %scan3A_203 = arith.constant 2048 : i32
    %scan3A_204 = arith.addi %scan3A_202, %scan3A_203 : i32
    %scan3A_205 = arith.constant 1 : i32
    %scan3A_206 = scf.for %scan3A_506 = %scan3A_202 to %scan3A_204 step %scan3A_205 iter_args(%scan3A_507 = %scan3A_201) -> (i32)  : i32 {
      %broadcast_in_dim3A = arith.constant 0 : i32
      %broadcast_in_dim3A_508 = vector.broadcast %broadcast_in_dim3A : i32 to vector<16xi32>
      %mul3A_509 = arith.constant 16 : i32
      %mul3A_510 = arith.muli %scan3A_506, %mul3A_509 : i32
      %swap3A = arith.index_cast %mul3A_510 : i32 to index
      %swap3A_511 = tpu.vector_load %arg6[%swap3A] {strides = array<i32>} : memref<32768xi32, #tpu.memory_space<vmem>>, vector<16xi32>,
      tpu.vector_store %arg6[%swap3A], %broadcast_in_dim3A_508 {strides = array<i32>} : memref<32768xi32, #tpu.memory_space<vmem>>, vector<16xi32>,
      %mul3A_512 = arith.constant 16 : i32
      %mul3A_513 = arith.muli %scan3A_506, %mul3A_512 : i32
      %swap3A_514 = arith.index_cast %mul3A_513 : i32 to index
      %swap3A_515 = tpu.vector_load %arg7[%swap3A_514] {strides = array<i32>} : memref<32768xi32, #tpu.memory_space<vmem>>, vector<16xi32>,
      tpu.vector_store %arg7[%swap3A_514], %broadcast_in_dim3A_508 {strides = array<i32>} : memref<32768xi32, #tpu.memory_space<vmem>>, vector<16xi32>,
      %scan3A_516 = arith.constant 0 : i32
      scf.yield %scan3A_516 : i32
    }
    %scan3A_207 = arith.constant 2048 : i32
    %add3A_208 = arith.constant 0 : i32
    %add3A_209 = arith.addi %mul3A_200, %add3A_208 : i32
    %dma_start3A_210 = arith.constant 0 : i32
    %dma_start3A_211 = arith.constant 0 : i32
    %dma_start3A_212 = arith.constant 0 : i32
    %dma_start3A_213 = tpu.memref_slice %arg8[%dma_start3A_210, %dma_start3A_212] : memref<2x8192xf32, #tpu.memory_space<vmem>> -> memref<1x8192xf32, #tpu.memory_space<vmem>>
    %dma_start3A_214 = tpu.memref_squeeze %dma_start3A_213 : memref<1x8192xf32, #tpu.memory_space<vmem>> -> memref<8192xf32, #tpu.memory_space<vmem>>
    %dma_start3A_215 = tpu.memref_slice %arg2[%select_n3A_182, %select_n3A_142, %add3A_209] : memref<4x19x262144xf32, #tpu.memory_space<hbm>> -> memref<1x1x8192xf32, #tpu.memory_space<hbm>>
    %dma_start3A_216 = tpu.memref_squeeze %dma_start3A_215 : memref<1x1x8192xf32, #tpu.memory_space<hbm>> -> memref<8192xf32, #tpu.memory_space<hbm>>
    %dma_start3A_217 = tpu.memref_slice %arg10[%dma_start3A_211] : memref<2x!tpu.dma_semaphore, #tpu.memory_space<semaphore_mem>> -> memref<1x!tpu.dma_semaphore, #tpu.memory_space<semaphore_mem>>
    %dma_start3A_218 = tpu.memref_squeeze %dma_start3A_217 : memref<1x!tpu.dma_semaphore, #tpu.memory_space<semaphore_mem>> -> memref<!tpu.dma_semaphore, #tpu.memory_space<semaphore_mem>>
    %dma_start3A_219 = arith.constant 0 : i32
    %dma_start3A_220 = tpu.memref_slice %arg8[%dma_start3A_210, %dma_start3A_219] : memref<2x8192xf32, #tpu.memory_space<vmem>> -> memref<1x8192xf32, #tpu.memory_space<vmem>>
    %dma_start3A_221 = tpu.memref_squeeze %dma_start3A_220 : memref<1x8192xf32, #tpu.memory_space<vmem>> -> memref<8192xf32, #tpu.memory_space<vmem>>
    %dma_start3A_222 = tpu.memref_slice %arg2[%select_n3A_182, %select_n3A_142, %add3A_209] : memref<4x19x262144xf32, #tpu.memory_space<hbm>> -> memref<1x1x8192xf32, #tpu.memory_space<hbm>>
    %dma_start3A_223 = tpu.memref_squeeze %dma_start3A_222 : memref<1x1x8192xf32, #tpu.memory_space<hbm>> -> memref<8192xf32, #tpu.memory_space<hbm>>
    tpu.enqueue_dma source(%dma_start3A_223 : memref<8192xf32, #tpu.memory_space<hbm>>) target(%dma_start3A_221 : memref<8192xf32, #tpu.memory_space<vmem>>) target_semaphore(%dma_start3A_218 : memref<!tpu.dma_semaphore, #tpu.memory_space<semaphore_mem>>)
    %dma_start3A_224 = arith.constant 0 : i32
    %dma_start3A_225 = arith.constant 0 : i32
    %dma_start3A_226 = arith.constant 0 : i32
    %dma_start3A_227 = tpu.memref_slice %arg9[%dma_start3A_224, %dma_start3A_226] : memref<2x8192xi32, #tpu.memory_space<vmem>> -> memref<1x8192xi32, #tpu.memory_space<vmem>>
    %dma_start3A_228 = tpu.memref_squeeze %dma_start3A_227 : memref<1x8192xi32, #tpu.memory_space<vmem>> -> memref<8192xi32, #tpu.memory_space<vmem>>
    %dma_start3A_229 = tpu.memref_slice %arg3[%select_n3A_182, %add3A_209] : memref<4x262144xi32, #tpu.memory_space<hbm>> -> memref<1x8192xi32, #tpu.memory_space<hbm>>
    %dma_start3A_230 = tpu.memref_squeeze %dma_start3A_229 : memref<1x8192xi32, #tpu.memory_space<hbm>> -> memref<8192xi32, #tpu.memory_space<hbm>>
    %dma_start3A_231 = tpu.memref_slice %arg11[%dma_start3A_225] : memref<2x!tpu.dma_semaphore, #tpu.memory_space<semaphore_mem>> -> memref<1x!tpu.dma_semaphore, #tpu.memory_space<semaphore_mem>>
    %dma_start3A_232 = tpu.memref_squeeze %dma_start3A_231 : memref<1x!tpu.dma_semaphore, #tpu.memory_space<semaphore_mem>> -> memref<!tpu.dma_semaphore, #tpu.memory_space<semaphore_mem>>
    %dma_start3A_233 = arith.constant 0 : i32
    %dma_start3A_234 = tpu.memref_slice %arg9[%dma_start3A_224, %dma_start3A_233] : memref<2x8192xi32, #tpu.memory_space<vmem>> -> memref<1x8192xi32, #tpu.memory_space<vmem>>
    %dma_start3A_235 = tpu.memref_squeeze %dma_start3A_234 : memref<1x8192xi32, #tpu.memory_space<vmem>> -> memref<8192xi32, #tpu.memory_space<vmem>>
    %dma_start3A_236 = tpu.memref_slice %arg3[%select_n3A_182, %add3A_209] : memref<4x262144xi32, #tpu.memory_space<hbm>> -> memref<1x8192xi32, #tpu.memory_space<hbm>>
    %dma_start3A_237 = tpu.memref_squeeze %dma_start3A_236 : memref<1x8192xi32, #tpu.memory_space<hbm>> -> memref<8192xi32, #tpu.memory_space<hbm>>
    tpu.enqueue_dma source(%dma_start3A_237 : memref<8192xi32, #tpu.memory_space<hbm>>) target(%dma_start3A_235 : memref<8192xi32, #tpu.memory_space<vmem>>) target_semaphore(%dma_start3A_232 : memref<!tpu.dma_semaphore, #tpu.memory_space<semaphore_mem>>)
    %scan3A_238 = arith.constant 0 : i32
    %scan3A_239 = arith.constant 0 : i32
    %scan3A_240 = arith.constant 16 : i32
    %scan3A_241 = arith.addi %scan3A_239, %scan3A_240 : i32
    %scan3A_242 = arith.constant 1 : i32
    %scan3A_243 = scf.for %scan3A_506 = %scan3A_239 to %scan3A_241 step %scan3A_242 iter_args(%scan3A_507 = %scan3A_238) -> (i32)  : i32 {
      %jit3A_508 = arith.constant 2 : i32
      %eq3A_509 = arith.constant 0 : i32
      %eq3A_510 = arith.cmpi eq, %jit3A_508, %eq3A_509 : i32
      %jit3A_511 = arith.constant 1 : i32
      %select_n3A_512 = arith.select %eq3A_510, %jit3A_511, %jit3A_508 : i32
      %rem3A_513 = arith.remsi %scan3A_506, %select_n3A_512 : i32
      %ne3A_514 = arith.constant 0 : i32
      %ne3A_515 = arith.cmpi ne, %rem3A_513, %ne3A_514 : i32
      %lt3A_516 = arith.constant 0 : i32
      %lt3A_517 = arith.cmpi slt, %rem3A_513, %lt3A_516 : i32
      %lt3A_518 = arith.constant 0 : i32
      %lt3A_519 = arith.cmpi slt, %select_n3A_512, %lt3A_518 : i32
      %ne3A_520 = arith.xori %lt3A_517, %lt3A_519 : i1
      %and3A_521 = arith.andi %ne3A_520, %ne3A_515 : i1
      %add3A_522 = arith.addi %rem3A_513, %select_n3A_512 : i32
      %select_n3A_523 = arith.select %and3A_521, %add3A_522, %rem3A_513 : i32
      %add3A_524 = arith.constant 1 : i32
      %add3A_525 = arith.addi %scan3A_506, %add3A_524 : i32
      %lt3A_526 = arith.constant 16 : i32
      %lt3A_527 = arith.cmpi slt, %add3A_525, %lt3A_526 : i32
      %convert_element_type3A_528 = arith.extui %lt3A_527 : i1 to i32
      %cond3A_529 = arith.constant 0 : i32
      %cond3A_530 = arith.cmpi ne, %convert_element_type3A_528, %cond3A_529 : i32
      scf.if %cond3A_530 {
        %add3A_581 = arith.constant 1 : i32
        %add3A_582 = arith.addi %scan3A_506, %add3A_581 : i32
        %jit3A_583 = arith.constant 2 : i32
        %eq3A_584 = arith.constant 0 : i32
        %eq3A_585 = arith.cmpi eq, %jit3A_583, %eq3A_584 : i32
        %jit3A_586 = arith.constant 1 : i32
        %select_n3A_587 = arith.select %eq3A_585, %jit3A_586, %jit3A_583 : i32
        %rem3A_588 = arith.remsi %add3A_582, %select_n3A_587 : i32
        %ne3A_589 = arith.constant 0 : i32
        %ne3A_590 = arith.cmpi ne, %rem3A_588, %ne3A_589 : i32
        %lt3A_591 = arith.constant 0 : i32
        %lt3A_592 = arith.cmpi slt, %rem3A_588, %lt3A_591 : i32
        %lt3A_593 = arith.constant 0 : i32
        %lt3A_594 = arith.cmpi slt, %select_n3A_587, %lt3A_593 : i32
        %ne3A_595 = arith.xori %lt3A_592, %lt3A_594 : i1
        %and3A_596 = arith.andi %ne3A_595, %ne3A_590 : i1
        %add3A_597 = arith.addi %rem3A_588, %select_n3A_587 : i32
        %select_n3A_598 = arith.select %and3A_596, %add3A_597, %rem3A_588 : i32
        %mul3A_599 = arith.constant 8192 : i32
        %mul3A_600 = arith.muli %add3A_582, %mul3A_599 : i32
        %add3A_601 = arith.addi %mul3A_200, %mul3A_600 : i32
        %dma_start3A_602 = arith.constant 0 : i32
        %dma_start3A_603 = tpu.memref_slice %arg8[%select_n3A_598, %dma_start3A_602] : memref<2x8192xf32, #tpu.memory_space<vmem>> -> memref<1x8192xf32, #tpu.memory_space<vmem>>
        %dma_start3A_604 = tpu.memref_squeeze %dma_start3A_603 : memref<1x8192xf32, #tpu.memory_space<vmem>> -> memref<8192xf32, #tpu.memory_space<vmem>>
        %dma_start3A_605 = tpu.memref_slice %arg2[%select_n3A_182, %select_n3A_142, %add3A_601] : memref<4x19x262144xf32, #tpu.memory_space<hbm>> -> memref<1x1x8192xf32, #tpu.memory_space<hbm>>
        %dma_start3A_606 = tpu.memref_squeeze %dma_start3A_605 : memref<1x1x8192xf32, #tpu.memory_space<hbm>> -> memref<8192xf32, #tpu.memory_space<hbm>>
        %dma_start3A_607 = tpu.memref_slice %arg10[%select_n3A_598] : memref<2x!tpu.dma_semaphore, #tpu.memory_space<semaphore_mem>> -> memref<1x!tpu.dma_semaphore, #tpu.memory_space<semaphore_mem>>
        %dma_start3A_608 = tpu.memref_squeeze %dma_start3A_607 : memref<1x!tpu.dma_semaphore, #tpu.memory_space<semaphore_mem>> -> memref<!tpu.dma_semaphore, #tpu.memory_space<semaphore_mem>>
        %dma_start3A_609 = arith.constant 0 : i32
        %dma_start3A_610 = tpu.memref_slice %arg8[%select_n3A_598, %dma_start3A_609] : memref<2x8192xf32, #tpu.memory_space<vmem>> -> memref<1x8192xf32, #tpu.memory_space<vmem>>
        %dma_start3A_611 = tpu.memref_squeeze %dma_start3A_610 : memref<1x8192xf32, #tpu.memory_space<vmem>> -> memref<8192xf32, #tpu.memory_space<vmem>>
        %dma_start3A_612 = tpu.memref_slice %arg2[%select_n3A_182, %select_n3A_142, %add3A_601] : memref<4x19x262144xf32, #tpu.memory_space<hbm>> -> memref<1x1x8192xf32, #tpu.memory_space<hbm>>
        %dma_start3A_613 = tpu.memref_squeeze %dma_start3A_612 : memref<1x1x8192xf32, #tpu.memory_space<hbm>> -> memref<8192xf32, #tpu.memory_space<hbm>>
        tpu.enqueue_dma source(%dma_start3A_613 : memref<8192xf32, #tpu.memory_space<hbm>>) target(%dma_start3A_611 : memref<8192xf32, #tpu.memory_space<vmem>>) target_semaphore(%dma_start3A_608 : memref<!tpu.dma_semaphore, #tpu.memory_space<semaphore_mem>>)
        %dma_start3A_614 = arith.constant 0 : i32
        %dma_start3A_615 = tpu.memref_slice %arg9[%select_n3A_598, %dma_start3A_614] : memref<2x8192xi32, #tpu.memory_space<vmem>> -> memref<1x8192xi32, #tpu.memory_space<vmem>>
        %dma_start3A_616 = tpu.memref_squeeze %dma_start3A_615 : memref<1x8192xi32, #tpu.memory_space<vmem>> -> memref<8192xi32, #tpu.memory_space<vmem>>
        %dma_start3A_617 = tpu.memref_slice %arg3[%select_n3A_182, %add3A_601] : memref<4x262144xi32, #tpu.memory_space<hbm>> -> memref<1x8192xi32, #tpu.memory_space<hbm>>
        %dma_start3A_618 = tpu.memref_squeeze %dma_start3A_617 : memref<1x8192xi32, #tpu.memory_space<hbm>> -> memref<8192xi32, #tpu.memory_space<hbm>>
        %dma_start3A_619 = tpu.memref_slice %arg11[%select_n3A_598] : memref<2x!tpu.dma_semaphore, #tpu.memory_space<semaphore_mem>> -> memref<1x!tpu.dma_semaphore, #tpu.memory_space<semaphore_mem>>
        %dma_start3A_620 = tpu.memref_squeeze %dma_start3A_619 : memref<1x!tpu.dma_semaphore, #tpu.memory_space<semaphore_mem>> -> memref<!tpu.dma_semaphore, #tpu.memory_space<semaphore_mem>>
        %dma_start3A_621 = arith.constant 0 : i32
        %dma_start3A_622 = tpu.memref_slice %arg9[%select_n3A_598, %dma_start3A_621] : memref<2x8192xi32, #tpu.memory_space<vmem>> -> memref<1x8192xi32, #tpu.memory_space<vmem>>
        %dma_start3A_623 = tpu.memref_squeeze %dma_start3A_622 : memref<1x8192xi32, #tpu.memory_space<vmem>> -> memref<8192xi32, #tpu.memory_space<vmem>>
        %dma_start3A_624 = tpu.memref_slice %arg3[%select_n3A_182, %add3A_601] : memref<4x262144xi32, #tpu.memory_space<hbm>> -> memref<1x8192xi32, #tpu.memory_space<hbm>>
        %dma_start3A_625 = tpu.memref_squeeze %dma_start3A_624 : memref<1x8192xi32, #tpu.memory_space<hbm>> -> memref<8192xi32, #tpu.memory_space<hbm>>
        tpu.enqueue_dma source(%dma_start3A_625 : memref<8192xi32, #tpu.memory_space<hbm>>) target(%dma_start3A_623 : memref<8192xi32, #tpu.memory_space<vmem>>) target_semaphore(%dma_start3A_620 : memref<!tpu.dma_semaphore, #tpu.memory_space<semaphore_mem>>)
      } else {
      }
      %jit3A_531 = arith.constant 2 : i32
      %eq3A_532 = arith.constant 0 : i32
      %eq3A_533 = arith.cmpi eq, %jit3A_531, %eq3A_532 : i32
      %jit3A_534 = arith.constant 1 : i32
      %select_n3A_535 = arith.select %eq3A_533, %jit3A_534, %jit3A_531 : i32
      %rem3A_536 = arith.remsi %scan3A_506, %select_n3A_535 : i32
      %ne3A_537 = arith.constant 0 : i32
      %ne3A_538 = arith.cmpi ne, %rem3A_536, %ne3A_537 : i32
      %lt3A_539 = arith.constant 0 : i32
      %lt3A_540 = arith.cmpi slt, %rem3A_536, %lt3A_539 : i32
      %lt3A_541 = arith.constant 0 : i32
      %lt3A_542 = arith.cmpi slt, %select_n3A_535, %lt3A_541 : i32
      %ne3A_543 = arith.xori %lt3A_540, %lt3A_542 : i1
      %and3A_544 = arith.andi %ne3A_543, %ne3A_538 : i1
      %add3A_545 = arith.addi %rem3A_536, %select_n3A_535 : i32
      %select_n3A_546 = arith.select %and3A_544, %add3A_545, %rem3A_536 : i32
      %mul3A_547 = arith.constant 8192 : i32
      %mul3A_548 = arith.muli %scan3A_506, %mul3A_547 : i32
      %add3A_549 = arith.addi %mul3A_200, %mul3A_548 : i32
      %dma_wait3A = arith.constant 0 : i32
      %dma_wait3A_550 = tpu.memref_slice %arg8[%select_n3A_546, %dma_wait3A] : memref<2x8192xf32, #tpu.memory_space<vmem>> -> memref<1x8192xf32, #tpu.memory_space<vmem>>
      %dma_wait3A_551 = tpu.memref_squeeze %dma_wait3A_550 : memref<1x8192xf32, #tpu.memory_space<vmem>> -> memref<8192xf32, #tpu.memory_space<vmem>>
      %dma_wait3A_552 = tpu.memref_slice %arg2[%select_n3A_182, %select_n3A_142, %add3A_549] : memref<4x19x262144xf32, #tpu.memory_space<hbm>> -> memref<1x1x8192xf32, #tpu.memory_space<hbm>>
      %dma_wait3A_553 = tpu.memref_squeeze %dma_wait3A_552 : memref<1x1x8192xf32, #tpu.memory_space<hbm>> -> memref<8192xf32, #tpu.memory_space<hbm>>
      %dma_wait3A_554 = tpu.memref_slice %arg10[%select_n3A_546] : memref<2x!tpu.dma_semaphore, #tpu.memory_space<semaphore_mem>> -> memref<1x!tpu.dma_semaphore, #tpu.memory_space<semaphore_mem>>
      %dma_wait3A_555 = tpu.memref_squeeze %dma_wait3A_554 : memref<1x!tpu.dma_semaphore, #tpu.memory_space<semaphore_mem>> -> memref<!tpu.dma_semaphore, #tpu.memory_space<semaphore_mem>>
      %dma_wait3A_556 = arith.constant 0 : i32
      %dma_wait3A_557 = tpu.memref_slice %arg8[%select_n3A_546, %dma_wait3A_556] : memref<2x8192xf32, #tpu.memory_space<vmem>> -> memref<1x8192xf32, #tpu.memory_space<vmem>>
      %dma_wait3A_558 = tpu.memref_squeeze %dma_wait3A_557 : memref<1x8192xf32, #tpu.memory_space<vmem>> -> memref<8192xf32, #tpu.memory_space<vmem>>
      %dma_wait3A_559 = tpu.memref_slice %arg2[%select_n3A_182, %select_n3A_142, %add3A_549] : memref<4x19x262144xf32, #tpu.memory_space<hbm>> -> memref<1x1x8192xf32, #tpu.memory_space<hbm>>
      %dma_wait3A_560 = tpu.memref_squeeze %dma_wait3A_559 : memref<1x1x8192xf32, #tpu.memory_space<hbm>> -> memref<8192xf32, #tpu.memory_space<hbm>>
      tpu.wait_dma2 semaphore(%dma_wait3A_555 : memref<!tpu.dma_semaphore, #tpu.memory_space<semaphore_mem>>) src(%dma_wait3A_560 : memref<8192xf32, #tpu.memory_space<hbm>>) dst(%dma_wait3A_558 : memref<8192xf32, #tpu.memory_space<vmem>>)
      %dma_wait3A_561 = arith.constant 0 : i32
      %dma_wait3A_562 = tpu.memref_slice %arg9[%select_n3A_546, %dma_wait3A_561] : memref<2x8192xi32, #tpu.memory_space<vmem>> -> memref<1x8192xi32, #tpu.memory_space<vmem>>
      %dma_wait3A_563 = tpu.memref_squeeze %dma_wait3A_562 : memref<1x8192xi32, #tpu.memory_space<vmem>> -> memref<8192xi32, #tpu.memory_space<vmem>>
      %dma_wait3A_564 = tpu.memref_slice %arg3[%select_n3A_182, %add3A_549] : memref<4x262144xi32, #tpu.memory_space<hbm>> -> memref<1x8192xi32, #tpu.memory_space<hbm>>
      %dma_wait3A_565 = tpu.memref_squeeze %dma_wait3A_564 : memref<1x8192xi32, #tpu.memory_space<hbm>> -> memref<8192xi32, #tpu.memory_space<hbm>>
      %dma_wait3A_566 = tpu.memref_slice %arg11[%select_n3A_546] : memref<2x!tpu.dma_semaphore, #tpu.memory_space<semaphore_mem>> -> memref<1x!tpu.dma_semaphore, #tpu.memory_space<semaphore_mem>>
      %dma_wait3A_567 = tpu.memref_squeeze %dma_wait3A_566 : memref<1x!tpu.dma_semaphore, #tpu.memory_space<semaphore_mem>> -> memref<!tpu.dma_semaphore, #tpu.memory_space<semaphore_mem>>
      %dma_wait3A_568 = arith.constant 0 : i32
      %dma_wait3A_569 = tpu.memref_slice %arg9[%select_n3A_546, %dma_wait3A_568] : memref<2x8192xi32, #tpu.memory_space<vmem>> -> memref<1x8192xi32, #tpu.memory_space<vmem>>
      %dma_wait3A_570 = tpu.memref_squeeze %dma_wait3A_569 : memref<1x8192xi32, #tpu.memory_space<vmem>> -> memref<8192xi32, #tpu.memory_space<vmem>>
      %dma_wait3A_571 = tpu.memref_slice %arg3[%select_n3A_182, %add3A_549] : memref<4x262144xi32, #tpu.memory_space<hbm>> -> memref<1x8192xi32, #tpu.memory_space<hbm>>
      %dma_wait3A_572 = tpu.memref_squeeze %dma_wait3A_571 : memref<1x8192xi32, #tpu.memory_space<hbm>> -> memref<8192xi32, #tpu.memory_space<hbm>>
      tpu.wait_dma2 semaphore(%dma_wait3A_567 : memref<!tpu.dma_semaphore, #tpu.memory_space<semaphore_mem>>) src(%dma_wait3A_572 : memref<8192xi32, #tpu.memory_space<hbm>>) dst(%dma_wait3A_570 : memref<8192xi32, #tpu.memory_space<vmem>>)
      %scan3A_573 = arith.constant 0 : i32
      %scan3A_574 = arith.constant 0 : i32
      %scan3A_575 = arith.constant 32 : i32
      %scan3A_576 = arith.addi %scan3A_574, %scan3A_575 : i32
      %scan3A_577 = arith.constant 1 : i32
      %scan3A_578 = scf.for %scan3A_581 = %scan3A_574 to %scan3A_576 step %scan3A_577 iter_args(%scan3A_582 = %scan3A_573) -> (i32)  : i32 {
        %mul3A_583 = arith.constant 256 : i32
        %mul3A_584 = arith.muli %scan3A_581, %mul3A_583 : i32
        %add3A_585 = arith.constant 0 : i32
        %add3A_586 = arith.addi %mul3A_584, %add3A_585 : i32
        %get3A = arith.index_cast %select_n3A_523 : i32 to index
        %get3A_587 = arith.index_cast %add3A_586 : i32 to index
        %get3A_588 = tpu.vector_load %arg9[%get3A, %get3A_587] {strides = array<i32>} : memref<2x8192xi32, #tpu.memory_space<vmem>>, vector<16xi32>,
        %add3A_589 = arith.constant 0 : i32
        %add3A_590 = arith.addi %mul3A_584, %add3A_589 : i32
        %get3A_591 = arith.index_cast %select_n3A_523 : i32 to index
        %get3A_592 = arith.index_cast %add3A_590 : i32 to index
        %get3A_593 = tpu.vector_load %arg8[%get3A_591, %get3A_592] {strides = array<i32>} : memref<2x8192xf32, #tpu.memory_space<vmem>>, vector<16xf32>,
        %eq3A_594 = vector.broadcast %select_n3A_142 : i32 to vector<16xi32>
        %eq3A_595 = arith.cmpi eq, %get3A_588, %eq3A_594 : vector<16xi32>
        %sub3A_596 = arith.constant 1.000000e+00 : f32
        %sub3A_597 = vector.broadcast %sub3A_596 : f32 to vector<16xf32>
        %sub3A_598 = arith.subf %sub3A_597, %get3A_593 : vector<16xf32>
        %select_n3A_599 = arith.select %eq3A_595, %sub3A_598, %get3A_593 : vector<16xi1>, vector<16xf32>
        %abs3A = math.absf %select_n3A_599 : vector<16xf32>
        %bitcast_convert_type3A = tpu.bitcast %abs3A : vector<16xf32> -> vector<16xi32>
        %shift_right_arithmetic3A = arith.constant 16 : i32
        %shift_right_arithmetic3A_600 = vector.broadcast %shift_right_arithmetic3A : i32 to vector<16xi32>
        %shift_right_arithmetic3A_601 = arith.shrsi %bitcast_convert_type3A, %shift_right_arithmetic3A_600 : vector<16xi32>
        %add3A_602 = arith.constant 16 : i32
        %add3A_603 = arith.addi %mul3A_584, %add3A_602 : i32
        %get3A_604 = arith.index_cast %select_n3A_523 : i32 to index
        %get3A_605 = arith.index_cast %add3A_603 : i32 to index
        %get3A_606 = tpu.vector_load %arg9[%get3A_604, %get3A_605] {strides = array<i32>} : memref<2x8192xi32, #tpu.memory_space<vmem>>, vector<16xi32>,
        %add3A_607 = arith.constant 16 : i32
        %add3A_608 = arith.addi %mul3A_584, %add3A_607 : i32
        %get3A_609 = arith.index_cast %select_n3A_523 : i32 to index
        %get3A_610 = arith.index_cast %add3A_608 : i32 to index
        %get3A_611 = tpu.vector_load %arg8[%get3A_609, %get3A_610] {strides = array<i32>} : memref<2x8192xf32, #tpu.memory_space<vmem>>, vector<16xf32>,
        %eq3A_612 = vector.broadcast %select_n3A_142 : i32 to vector<16xi32>
        %eq3A_613 = arith.cmpi eq, %get3A_606, %eq3A_612 : vector<16xi32>
        %sub3A_614 = arith.constant 1.000000e+00 : f32
        %sub3A_615 = vector.broadcast %sub3A_614 : f32 to vector<16xf32>
        %sub3A_616 = arith.subf %sub3A_615, %get3A_611 : vector<16xf32>
        %select_n3A_617 = arith.select %eq3A_613, %sub3A_616, %get3A_611 : vector<16xi1>, vector<16xf32>
        %abs3A_618 = math.absf %select_n3A_617 : vector<16xf32>
        %bitcast_convert_type3A_619 = tpu.bitcast %abs3A_618 : vector<16xf32> -> vector<16xi32>
        %shift_right_arithmetic3A_620 = arith.constant 16 : i32
        %shift_right_arithmetic3A_621 = vector.broadcast %shift_right_arithmetic3A_620 : i32 to vector<16xi32>
        %shift_right_arithmetic3A_622 = arith.shrsi %bitcast_convert_type3A_619, %shift_right_arithmetic3A_621 : vector<16xi32>
        %add3A_623 = arith.constant 32 : i32
        %add3A_624 = arith.addi %mul3A_584, %add3A_623 : i32
        %get3A_625 = arith.index_cast %select_n3A_523 : i32 to index
        %get3A_626 = arith.index_cast %add3A_624 : i32 to index
        %get3A_627 = tpu.vector_load %arg9[%get3A_625, %get3A_626] {strides = array<i32>} : memref<2x8192xi32, #tpu.memory_space<vmem>>, vector<16xi32>,
        %add3A_628 = arith.constant 32 : i32
        %add3A_629 = arith.addi %mul3A_584, %add3A_628 : i32
        %get3A_630 = arith.index_cast %select_n3A_523 : i32 to index
        %get3A_631 = arith.index_cast %add3A_629 : i32 to index
        %get3A_632 = tpu.vector_load %arg8[%get3A_630, %get3A_631] {strides = array<i32>} : memref<2x8192xf32, #tpu.memory_space<vmem>>, vector<16xf32>,
        %eq3A_633 = vector.broadcast %select_n3A_142 : i32 to vector<16xi32>
        %eq3A_634 = arith.cmpi eq, %get3A_627, %eq3A_633 : vector<16xi32>
        %sub3A_635 = arith.constant 1.000000e+00 : f32
        %sub3A_636 = vector.broadcast %sub3A_635 : f32 to vector<16xf32>
        %sub3A_637 = arith.subf %sub3A_636, %get3A_632 : vector<16xf32>
        %select_n3A_638 = arith.select %eq3A_634, %sub3A_637, %get3A_632 : vector<16xi1>, vector<16xf32>
        %abs3A_639 = math.absf %select_n3A_638 : vector<16xf32>
        %bitcast_convert_type3A_640 = tpu.bitcast %abs3A_639 : vector<16xf32> -> vector<16xi32>
        %shift_right_arithmetic3A_641 = arith.constant 16 : i32
        %shift_right_arithmetic3A_642 = vector.broadcast %shift_right_arithmetic3A_641 : i32 to vector<16xi32>
        %shift_right_arithmetic3A_643 = arith.shrsi %bitcast_convert_type3A_640, %shift_right_arithmetic3A_642 : vector<16xi32>
        %add3A_644 = arith.constant 48 : i32
        %add3A_645 = arith.addi %mul3A_584, %add3A_644 : i32
        %get3A_646 = arith.index_cast %select_n3A_523 : i32 to index
        %get3A_647 = arith.index_cast %add3A_645 : i32 to index
        %get3A_648 = tpu.vector_load %arg9[%get3A_646, %get3A_647] {strides = array<i32>} : memref<2x8192xi32, #tpu.memory_space<vmem>>, vector<16xi32>,
        %add3A_649 = arith.constant 48 : i32
        %add3A_650 = arith.addi %mul3A_584, %add3A_649 : i32
        %get3A_651 = arith.index_cast %select_n3A_523 : i32 to index
        %get3A_652 = arith.index_cast %add3A_650 : i32 to index
        %get3A_653 = tpu.vector_load %arg8[%get3A_651, %get3A_652] {strides = array<i32>} : memref<2x8192xf32, #tpu.memory_space<vmem>>, vector<16xf32>,
        %eq3A_654 = vector.broadcast %select_n3A_142 : i32 to vector<16xi32>
        %eq3A_655 = arith.cmpi eq, %get3A_648, %eq3A_654 : vector<16xi32>
        %sub3A_656 = arith.constant 1.000000e+00 : f32
        %sub3A_657 = vector.broadcast %sub3A_656 : f32 to vector<16xf32>
        %sub3A_658 = arith.subf %sub3A_657, %get3A_653 : vector<16xf32>
        %select_n3A_659 = arith.select %eq3A_655, %sub3A_658, %get3A_653 : vector<16xi1>, vector<16xf32>
        %abs3A_660 = math.absf %select_n3A_659 : vector<16xf32>
        %bitcast_convert_type3A_661 = tpu.bitcast %abs3A_660 : vector<16xf32> -> vector<16xi32>
        %shift_right_arithmetic3A_662 = arith.constant 16 : i32
        %shift_right_arithmetic3A_663 = vector.broadcast %shift_right_arithmetic3A_662 : i32 to vector<16xi32>
        %shift_right_arithmetic3A_664 = arith.shrsi %bitcast_convert_type3A_661, %shift_right_arithmetic3A_663 : vector<16xi32>
        %add3A_665 = arith.constant 64 : i32
        %add3A_666 = arith.addi %mul3A_584, %add3A_665 : i32
        %get3A_667 = arith.index_cast %select_n3A_523 : i32 to index
        %get3A_668 = arith.index_cast %add3A_666 : i32 to index
        %get3A_669 = tpu.vector_load %arg9[%get3A_667, %get3A_668] {strides = array<i32>} : memref<2x8192xi32, #tpu.memory_space<vmem>>, vector<16xi32>,
        %add3A_670 = arith.constant 64 : i32
        %add3A_671 = arith.addi %mul3A_584, %add3A_670 : i32
        %get3A_672 = arith.index_cast %select_n3A_523 : i32 to index
        %get3A_673 = arith.index_cast %add3A_671 : i32 to index
        %get3A_674 = tpu.vector_load %arg8[%get3A_672, %get3A_673] {strides = array<i32>} : memref<2x8192xf32, #tpu.memory_space<vmem>>, vector<16xf32>,
        %eq3A_675 = vector.broadcast %select_n3A_142 : i32 to vector<16xi32>
        %eq3A_676 = arith.cmpi eq, %get3A_669, %eq3A_675 : vector<16xi32>
        %sub3A_677 = arith.constant 1.000000e+00 : f32
        %sub3A_678 = vector.broadcast %sub3A_677 : f32 to vector<16xf32>
        %sub3A_679 = arith.subf %sub3A_678, %get3A_674 : vector<16xf32>
        %select_n3A_680 = arith.select %eq3A_676, %sub3A_679, %get3A_674 : vector<16xi1>, vector<16xf32>
        %abs3A_681 = math.absf %select_n3A_680 : vector<16xf32>
        %bitcast_convert_type3A_682 = tpu.bitcast %abs3A_681 : vector<16xf32> -> vector<16xi32>
        %shift_right_arithmetic3A_683 = arith.constant 16 : i32
        %shift_right_arithmetic3A_684 = vector.broadcast %shift_right_arithmetic3A_683 : i32 to vector<16xi32>
        %shift_right_arithmetic3A_685 = arith.shrsi %bitcast_convert_type3A_682, %shift_right_arithmetic3A_684 : vector<16xi32>
        %add3A_686 = arith.constant 80 : i32
        %add3A_687 = arith.addi %mul3A_584, %add3A_686 : i32
        %get3A_688 = arith.index_cast %select_n3A_523 : i32 to index
        %get3A_689 = arith.index_cast %add3A_687 : i32 to index
        %get3A_690 = tpu.vector_load %arg9[%get3A_688, %get3A_689] {strides = array<i32>} : memref<2x8192xi32, #tpu.memory_space<vmem>>, vector<16xi32>,
        %add3A_691 = arith.constant 80 : i32
        %add3A_692 = arith.addi %mul3A_584, %add3A_691 : i32
        %get3A_693 = arith.index_cast %select_n3A_523 : i32 to index
        %get3A_694 = arith.index_cast %add3A_692 : i32 to index
        %get3A_695 = tpu.vector_load %arg8[%get3A_693, %get3A_694] {strides = array<i32>} : memref<2x8192xf32, #tpu.memory_space<vmem>>, vector<16xf32>,
        %eq3A_696 = vector.broadcast %select_n3A_142 : i32 to vector<16xi32>
        %eq3A_697 = arith.cmpi eq, %get3A_690, %eq3A_696 : vector<16xi32>
        %sub3A_698 = arith.constant 1.000000e+00 : f32
        %sub3A_699 = vector.broadcast %sub3A_698 : f32 to vector<16xf32>
        %sub3A_700 = arith.subf %sub3A_699, %get3A_695 : vector<16xf32>
        %select_n3A_701 = arith.select %eq3A_697, %sub3A_700, %get3A_695 : vector<16xi1>, vector<16xf32>
        %abs3A_702 = math.absf %select_n3A_701 : vector<16xf32>
        %bitcast_convert_type3A_703 = tpu.bitcast %abs3A_702 : vector<16xf32> -> vector<16xi32>
        %shift_right_arithmetic3A_704 = arith.constant 16 : i32
        %shift_right_arithmetic3A_705 = vector.broadcast %shift_right_arithmetic3A_704 : i32 to vector<16xi32>
        %shift_right_arithmetic3A_706 = arith.shrsi %bitcast_convert_type3A_703, %shift_right_arithmetic3A_705 : vector<16xi32>
        %add3A_707 = arith.constant 96 : i32
        %add3A_708 = arith.addi %mul3A_584, %add3A_707 : i32
        %get3A_709 = arith.index_cast %select_n3A_523 : i32 to index
        %get3A_710 = arith.index_cast %add3A_708 : i32 to index
        %get3A_711 = tpu.vector_load %arg9[%get3A_709, %get3A_710] {strides = array<i32>} : memref<2x8192xi32, #tpu.memory_space<vmem>>, vector<16xi32>,
        %add3A_712 = arith.constant 96 : i32
        %add3A_713 = arith.addi %mul3A_584, %add3A_712 : i32
        %get3A_714 = arith.index_cast %select_n3A_523 : i32 to index
        %get3A_715 = arith.index_cast %add3A_713 : i32 to index
        %get3A_716 = tpu.vector_load %arg8[%get3A_714, %get3A_715] {strides = array<i32>} : memref<2x8192xf32, #tpu.memory_space<vmem>>, vector<16xf32>,
        %eq3A_717 = vector.broadcast %select_n3A_142 : i32 to vector<16xi32>
        %eq3A_718 = arith.cmpi eq, %get3A_711, %eq3A_717 : vector<16xi32>
        %sub3A_719 = arith.constant 1.000000e+00 : f32
        %sub3A_720 = vector.broadcast %sub3A_719 : f32 to vector<16xf32>
        %sub3A_721 = arith.subf %sub3A_720, %get3A_716 : vector<16xf32>
        %select_n3A_722 = arith.select %eq3A_718, %sub3A_721, %get3A_716 : vector<16xi1>, vector<16xf32>
        %abs3A_723 = math.absf %select_n3A_722 : vector<16xf32>
        %bitcast_convert_type3A_724 = tpu.bitcast %abs3A_723 : vector<16xf32> -> vector<16xi32>
        %shift_right_arithmetic3A_725 = arith.constant 16 : i32
        %shift_right_arithmetic3A_726 = vector.broadcast %shift_right_arithmetic3A_725 : i32 to vector<16xi32>
        %shift_right_arithmetic3A_727 = arith.shrsi %bitcast_convert_type3A_724, %shift_right_arithmetic3A_726 : vector<16xi32>
        %add3A_728 = arith.constant 112 : i32
        %add3A_729 = arith.addi %mul3A_584, %add3A_728 : i32
        %get3A_730 = arith.index_cast %select_n3A_523 : i32 to index
        %get3A_731 = arith.index_cast %add3A_729 : i32 to index
        %get3A_732 = tpu.vector_load %arg9[%get3A_730, %get3A_731] {strides = array<i32>} : memref<2x8192xi32, #tpu.memory_space<vmem>>, vector<16xi32>,
        %add3A_733 = arith.constant 112 : i32
        %add3A_734 = arith.addi %mul3A_584, %add3A_733 : i32
        %get3A_735 = arith.index_cast %select_n3A_523 : i32 to index
        %get3A_736 = arith.index_cast %add3A_734 : i32 to index
        %get3A_737 = tpu.vector_load %arg8[%get3A_735, %get3A_736] {strides = array<i32>} : memref<2x8192xf32, #tpu.memory_space<vmem>>, vector<16xf32>,
        %eq3A_738 = vector.broadcast %select_n3A_142 : i32 to vector<16xi32>
        %eq3A_739 = arith.cmpi eq, %get3A_732, %eq3A_738 : vector<16xi32>
        %sub3A_740 = arith.constant 1.000000e+00 : f32
        %sub3A_741 = vector.broadcast %sub3A_740 : f32 to vector<16xf32>
        %sub3A_742 = arith.subf %sub3A_741, %get3A_737 : vector<16xf32>
        %select_n3A_743 = arith.select %eq3A_739, %sub3A_742, %get3A_737 : vector<16xi1>, vector<16xf32>
        %abs3A_744 = math.absf %select_n3A_743 : vector<16xf32>
        %bitcast_convert_type3A_745 = tpu.bitcast %abs3A_744 : vector<16xf32> -> vector<16xi32>
        %shift_right_arithmetic3A_746 = arith.constant 16 : i32
        %shift_right_arithmetic3A_747 = vector.broadcast %shift_right_arithmetic3A_746 : i32 to vector<16xi32>
        %shift_right_arithmetic3A_748 = arith.shrsi %bitcast_convert_type3A_745, %shift_right_arithmetic3A_747 : vector<16xi32>
        %add3A_749 = arith.constant 128 : i32
        %add3A_750 = arith.addi %mul3A_584, %add3A_749 : i32
        %get3A_751 = arith.index_cast %select_n3A_523 : i32 to index
        %get3A_752 = arith.index_cast %add3A_750 : i32 to index
        %get3A_753 = tpu.vector_load %arg9[%get3A_751, %get3A_752] {strides = array<i32>} : memref<2x8192xi32, #tpu.memory_space<vmem>>, vector<16xi32>,
        %add3A_754 = arith.constant 128 : i32
        %add3A_755 = arith.addi %mul3A_584, %add3A_754 : i32
        %get3A_756 = arith.index_cast %select_n3A_523 : i32 to index
        %get3A_757 = arith.index_cast %add3A_755 : i32 to index
        %get3A_758 = tpu.vector_load %arg8[%get3A_756, %get3A_757] {strides = array<i32>} : memref<2x8192xf32, #tpu.memory_space<vmem>>, vector<16xf32>,
        %eq3A_759 = vector.broadcast %select_n3A_142 : i32 to vector<16xi32>
        %eq3A_760 = arith.cmpi eq, %get3A_753, %eq3A_759 : vector<16xi32>
        %sub3A_761 = arith.constant 1.000000e+00 : f32
        %sub3A_762 = vector.broadcast %sub3A_761 : f32 to vector<16xf32>
        %sub3A_763 = arith.subf %sub3A_762, %get3A_758 : vector<16xf32>
        %select_n3A_764 = arith.select %eq3A_760, %sub3A_763, %get3A_758 : vector<16xi1>, vector<16xf32>
        %abs3A_765 = math.absf %select_n3A_764 : vector<16xf32>
        %bitcast_convert_type3A_766 = tpu.bitcast %abs3A_765 : vector<16xf32> -> vector<16xi32>
        %shift_right_arithmetic3A_767 = arith.constant 16 : i32
        %shift_right_arithmetic3A_768 = vector.broadcast %shift_right_arithmetic3A_767 : i32 to vector<16xi32>
        %shift_right_arithmetic3A_769 = arith.shrsi %bitcast_convert_type3A_766, %shift_right_arithmetic3A_768 : vector<16xi32>
        %add3A_770 = arith.constant 144 : i32
        %add3A_771 = arith.addi %mul3A_584, %add3A_770 : i32
        %get3A_772 = arith.index_cast %select_n3A_523 : i32 to index
        %get3A_773 = arith.index_cast %add3A_771 : i32 to index
        %get3A_774 = tpu.vector_load %arg9[%get3A_772, %get3A_773] {strides = array<i32>} : memref<2x8192xi32, #tpu.memory_space<vmem>>, vector<16xi32>,
        %add3A_775 = arith.constant 144 : i32
        %add3A_776 = arith.addi %mul3A_584, %add3A_775 : i32
        %get3A_777 = arith.index_cast %select_n3A_523 : i32 to index
        %get3A_778 = arith.index_cast %add3A_776 : i32 to index
        %get3A_779 = tpu.vector_load %arg8[%get3A_777, %get3A_778] {strides = array<i32>} : memref<2x8192xf32, #tpu.memory_space<vmem>>, vector<16xf32>,
        %eq3A_780 = vector.broadcast %select_n3A_142 : i32 to vector<16xi32>
        %eq3A_781 = arith.cmpi eq, %get3A_774, %eq3A_780 : vector<16xi32>
        %sub3A_782 = arith.constant 1.000000e+00 : f32
        %sub3A_783 = vector.broadcast %sub3A_782 : f32 to vector<16xf32>
        %sub3A_784 = arith.subf %sub3A_783, %get3A_779 : vector<16xf32>
        %select_n3A_785 = arith.select %eq3A_781, %sub3A_784, %get3A_779 : vector<16xi1>, vector<16xf32>
        %abs3A_786 = math.absf %select_n3A_785 : vector<16xf32>
        %bitcast_convert_type3A_787 = tpu.bitcast %abs3A_786 : vector<16xf32> -> vector<16xi32>
        %shift_right_arithmetic3A_788 = arith.constant 16 : i32
        %shift_right_arithmetic3A_789 = vector.broadcast %shift_right_arithmetic3A_788 : i32 to vector<16xi32>
        %shift_right_arithmetic3A_790 = arith.shrsi %bitcast_convert_type3A_787, %shift_right_arithmetic3A_789 : vector<16xi32>
        %add3A_791 = arith.constant 160 : i32
        %add3A_792 = arith.addi %mul3A_584, %add3A_791 : i32
        %get3A_793 = arith.index_cast %select_n3A_523 : i32 to index
        %get3A_794 = arith.index_cast %add3A_792 : i32 to index
        %get3A_795 = tpu.vector_load %arg9[%get3A_793, %get3A_794] {strides = array<i32>} : memref<2x8192xi32, #tpu.memory_space<vmem>>, vector<16xi32>,
        %add3A_796 = arith.constant 160 : i32
        %add3A_797 = arith.addi %mul3A_584, %add3A_796 : i32
        %get3A_798 = arith.index_cast %select_n3A_523 : i32 to index
        %get3A_799 = arith.index_cast %add3A_797 : i32 to index
        %get3A_800 = tpu.vector_load %arg8[%get3A_798, %get3A_799] {strides = array<i32>} : memref<2x8192xf32, #tpu.memory_space<vmem>>, vector<16xf32>,
        %eq3A_801 = vector.broadcast %select_n3A_142 : i32 to vector<16xi32>
        %eq3A_802 = arith.cmpi eq, %get3A_795, %eq3A_801 : vector<16xi32>
        %sub3A_803 = arith.constant 1.000000e+00 : f32
        %sub3A_804 = vector.broadcast %sub3A_803 : f32 to vector<16xf32>
        %sub3A_805 = arith.subf %sub3A_804, %get3A_800 : vector<16xf32>
        %select_n3A_806 = arith.select %eq3A_802, %sub3A_805, %get3A_800 : vector<16xi1>, vector<16xf32>
        %abs3A_807 = math.absf %select_n3A_806 : vector<16xf32>
        %bitcast_convert_type3A_808 = tpu.bitcast %abs3A_807 : vector<16xf32> -> vector<16xi32>
        %shift_right_arithmetic3A_809 = arith.constant 16 : i32
        %shift_right_arithmetic3A_810 = vector.broadcast %shift_right_arithmetic3A_809 : i32 to vector<16xi32>
        %shift_right_arithmetic3A_811 = arith.shrsi %bitcast_convert_type3A_808, %shift_right_arithmetic3A_810 : vector<16xi32>
        %add3A_812 = arith.constant 176 : i32
        %add3A_813 = arith.addi %mul3A_584, %add3A_812 : i32
        %get3A_814 = arith.index_cast %select_n3A_523 : i32 to index
        %get3A_815 = arith.index_cast %add3A_813 : i32 to index
        %get3A_816 = tpu.vector_load %arg9[%get3A_814, %get3A_815] {strides = array<i32>} : memref<2x8192xi32, #tpu.memory_space<vmem>>, vector<16xi32>,
        %add3A_817 = arith.constant 176 : i32
        %add3A_818 = arith.addi %mul3A_584, %add3A_817 : i32
        %get3A_819 = arith.index_cast %select_n3A_523 : i32 to index
        %get3A_820 = arith.index_cast %add3A_818 : i32 to index
        %get3A_821 = tpu.vector_load %arg8[%get3A_819, %get3A_820] {strides = array<i32>} : memref<2x8192xf32, #tpu.memory_space<vmem>>, vector<16xf32>,
        %eq3A_822 = vector.broadcast %select_n3A_142 : i32 to vector<16xi32>
        %eq3A_823 = arith.cmpi eq, %get3A_816, %eq3A_822 : vector<16xi32>
        %sub3A_824 = arith.constant 1.000000e+00 : f32
        %sub3A_825 = vector.broadcast %sub3A_824 : f32 to vector<16xf32>
        %sub3A_826 = arith.subf %sub3A_825, %get3A_821 : vector<16xf32>
        %select_n3A_827 = arith.select %eq3A_823, %sub3A_826, %get3A_821 : vector<16xi1>, vector<16xf32>
        %abs3A_828 = math.absf %select_n3A_827 : vector<16xf32>
        %bitcast_convert_type3A_829 = tpu.bitcast %abs3A_828 : vector<16xf32> -> vector<16xi32>
        %shift_right_arithmetic3A_830 = arith.constant 16 : i32
        %shift_right_arithmetic3A_831 = vector.broadcast %shift_right_arithmetic3A_830 : i32 to vector<16xi32>
        %shift_right_arithmetic3A_832 = arith.shrsi %bitcast_convert_type3A_829, %shift_right_arithmetic3A_831 : vector<16xi32>
        %add3A_833 = arith.constant 192 : i32
        %add3A_834 = arith.addi %mul3A_584, %add3A_833 : i32
        %get3A_835 = arith.index_cast %select_n3A_523 : i32 to index
        %get3A_836 = arith.index_cast %add3A_834 : i32 to index
        %get3A_837 = tpu.vector_load %arg9[%get3A_835, %get3A_836] {strides = array<i32>} : memref<2x8192xi32, #tpu.memory_space<vmem>>, vector<16xi32>,
        %add3A_838 = arith.constant 192 : i32
        %add3A_839 = arith.addi %mul3A_584, %add3A_838 : i32
        %get3A_840 = arith.index_cast %select_n3A_523 : i32 to index
        %get3A_841 = arith.index_cast %add3A_839 : i32 to index
        %get3A_842 = tpu.vector_load %arg8[%get3A_840, %get3A_841] {strides = array<i32>} : memref<2x8192xf32, #tpu.memory_space<vmem>>, vector<16xf32>,
        %eq3A_843 = vector.broadcast %select_n3A_142 : i32 to vector<16xi32>
        %eq3A_844 = arith.cmpi eq, %get3A_837, %eq3A_843 : vector<16xi32>
        %sub3A_845 = arith.constant 1.000000e+00 : f32
        %sub3A_846 = vector.broadcast %sub3A_845 : f32 to vector<16xf32>
        %sub3A_847 = arith.subf %sub3A_846, %get3A_842 : vector<16xf32>
        %select_n3A_848 = arith.select %eq3A_844, %sub3A_847, %get3A_842 : vector<16xi1>, vector<16xf32>
        %abs3A_849 = math.absf %select_n3A_848 : vector<16xf32>
        %bitcast_convert_type3A_850 = tpu.bitcast %abs3A_849 : vector<16xf32> -> vector<16xi32>
        %shift_right_arithmetic3A_851 = arith.constant 16 : i32
        %shift_right_arithmetic3A_852 = vector.broadcast %shift_right_arithmetic3A_851 : i32 to vector<16xi32>
        %shift_right_arithmetic3A_853 = arith.shrsi %bitcast_convert_type3A_850, %shift_right_arithmetic3A_852 : vector<16xi32>
        %add3A_854 = arith.constant 208 : i32
        %add3A_855 = arith.addi %mul3A_584, %add3A_854 : i32
        %get3A_856 = arith.index_cast %select_n3A_523 : i32 to index
        %get3A_857 = arith.index_cast %add3A_855 : i32 to index
        %get3A_858 = tpu.vector_load %arg9[%get3A_856, %get3A_857] {strides = array<i32>} : memref<2x8192xi32, #tpu.memory_space<vmem>>, vector<16xi32>,
        %add3A_859 = arith.constant 208 : i32
        %add3A_860 = arith.addi %mul3A_584, %add3A_859 : i32
        %get3A_861 = arith.index_cast %select_n3A_523 : i32 to index
        %get3A_862 = arith.index_cast %add3A_860 : i32 to index
        %get3A_863 = tpu.vector_load %arg8[%get3A_861, %get3A_862] {strides = array<i32>} : memref<2x8192xf32, #tpu.memory_space<vmem>>, vector<16xf32>,
        %eq3A_864 = vector.broadcast %select_n3A_142 : i32 to vector<16xi32>
        %eq3A_865 = arith.cmpi eq, %get3A_858, %eq3A_864 : vector<16xi32>
        %sub3A_866 = arith.constant 1.000000e+00 : f32
        %sub3A_867 = vector.broadcast %sub3A_866 : f32 to vector<16xf32>
        %sub3A_868 = arith.subf %sub3A_867, %get3A_863 : vector<16xf32>
        %select_n3A_869 = arith.select %eq3A_865, %sub3A_868, %get3A_863 : vector<16xi1>, vector<16xf32>
        %abs3A_870 = math.absf %select_n3A_869 : vector<16xf32>
        %bitcast_convert_type3A_871 = tpu.bitcast %abs3A_870 : vector<16xf32> -> vector<16xi32>
        %shift_right_arithmetic3A_872 = arith.constant 16 : i32
        %shift_right_arithmetic3A_873 = vector.broadcast %shift_right_arithmetic3A_872 : i32 to vector<16xi32>
        %shift_right_arithmetic3A_874 = arith.shrsi %bitcast_convert_type3A_871, %shift_right_arithmetic3A_873 : vector<16xi32>
        %add3A_875 = arith.constant 224 : i32
        %add3A_876 = arith.addi %mul3A_584, %add3A_875 : i32
        %get3A_877 = arith.index_cast %select_n3A_523 : i32 to index
        %get3A_878 = arith.index_cast %add3A_876 : i32 to index
        %get3A_879 = tpu.vector_load %arg9[%get3A_877, %get3A_878] {strides = array<i32>} : memref<2x8192xi32, #tpu.memory_space<vmem>>, vector<16xi32>,
        %add3A_880 = arith.constant 224 : i32
        %add3A_881 = arith.addi %mul3A_584, %add3A_880 : i32
        %get3A_882 = arith.index_cast %select_n3A_523 : i32 to index
        %get3A_883 = arith.index_cast %add3A_881 : i32 to index
        %get3A_884 = tpu.vector_load %arg8[%get3A_882, %get3A_883] {strides = array<i32>} : memref<2x8192xf32, #tpu.memory_space<vmem>>, vector<16xf32>,
        %eq3A_885 = vector.broadcast %select_n3A_142 : i32 to vector<16xi32>
        %eq3A_886 = arith.cmpi eq, %get3A_879, %eq3A_885 : vector<16xi32>
        %sub3A_887 = arith.constant 1.000000e+00 : f32
        %sub3A_888 = vector.broadcast %sub3A_887 : f32 to vector<16xf32>
        %sub3A_889 = arith.subf %sub3A_888, %get3A_884 : vector<16xf32>
        %select_n3A_890 = arith.select %eq3A_886, %sub3A_889, %get3A_884 : vector<16xi1>, vector<16xf32>
        %abs3A_891 = math.absf %select_n3A_890 : vector<16xf32>
        %bitcast_convert_type3A_892 = tpu.bitcast %abs3A_891 : vector<16xf32> -> vector<16xi32>
        %shift_right_arithmetic3A_893 = arith.constant 16 : i32
        %shift_right_arithmetic3A_894 = vector.broadcast %shift_right_arithmetic3A_893 : i32 to vector<16xi32>
        %shift_right_arithmetic3A_895 = arith.shrsi %bitcast_convert_type3A_892, %shift_right_arithmetic3A_894 : vector<16xi32>
        %add3A_896 = arith.constant 240 : i32
        %add3A_897 = arith.addi %mul3A_584, %add3A_896 : i32
        %get3A_898 = arith.index_cast %select_n3A_523 : i32 to index
        %get3A_899 = arith.index_cast %add3A_897 : i32 to index
        %get3A_900 = tpu.vector_load %arg9[%get3A_898, %get3A_899] {strides = array<i32>} : memref<2x8192xi32, #tpu.memory_space<vmem>>, vector<16xi32>,
        %add3A_901 = arith.constant 240 : i32
        %add3A_902 = arith.addi %mul3A_584, %add3A_901 : i32
        %get3A_903 = arith.index_cast %select_n3A_523 : i32 to index
        %get3A_904 = arith.index_cast %add3A_902 : i32 to index
        %get3A_905 = tpu.vector_load %arg8[%get3A_903, %get3A_904] {strides = array<i32>} : memref<2x8192xf32, #tpu.memory_space<vmem>>, vector<16xf32>,
        %eq3A_906 = vector.broadcast %select_n3A_142 : i32 to vector<16xi32>
        %eq3A_907 = arith.cmpi eq, %get3A_900, %eq3A_906 : vector<16xi32>
        %sub3A_908 = arith.constant 1.000000e+00 : f32
        %sub3A_909 = vector.broadcast %sub3A_908 : f32 to vector<16xf32>
        %sub3A_910 = arith.subf %sub3A_909, %get3A_905 : vector<16xf32>
        %select_n3A_911 = arith.select %eq3A_907, %sub3A_910, %get3A_905 : vector<16xi1>, vector<16xf32>
        %abs3A_912 = math.absf %select_n3A_911 : vector<16xf32>
        %bitcast_convert_type3A_913 = tpu.bitcast %abs3A_912 : vector<16xf32> -> vector<16xi32>
        %shift_right_arithmetic3A_914 = arith.constant 16 : i32
        %shift_right_arithmetic3A_915 = vector.broadcast %shift_right_arithmetic3A_914 : i32 to vector<16xi32>
        %shift_right_arithmetic3A_916 = arith.shrsi %bitcast_convert_type3A_913, %shift_right_arithmetic3A_915 : vector<16xi32>
        %broadcast_in_dim3A = arith.constant true
        %broadcast_in_dim3A_917 = vector.broadcast %broadcast_in_dim3A : i1 to vector<16xi1>
        %unique3A, %unique3A_918 = tpu.scan_count mask(%broadcast_in_dim3A_917 : vector<16xi1>) value(%shift_right_arithmetic3A_601 : vector<16xi32>) : vector<16xi1>, vector<16xi32>
        %unique3A_919, %unique3A_920 = tpu.scan_count mask(%eq3A_595 : vector<16xi1>) value(%shift_right_arithmetic3A_601 : vector<16xi32>) : vector<16xi1>, vector<16xi32>
        %broadcast_in_dim3A_921 = arith.constant true
        %broadcast_in_dim3A_922 = vector.broadcast %broadcast_in_dim3A_921 : i1 to vector<16xi1>
        %unique3A_923, %unique3A_924 = tpu.scan_count mask(%broadcast_in_dim3A_922 : vector<16xi1>) value(%shift_right_arithmetic3A_622 : vector<16xi32>) : vector<16xi1>, vector<16xi32>
        %unique3A_925, %unique3A_926 = tpu.scan_count mask(%eq3A_613 : vector<16xi1>) value(%shift_right_arithmetic3A_622 : vector<16xi32>) : vector<16xi1>, vector<16xi32>
        %broadcast_in_dim3A_927 = arith.constant true
        %broadcast_in_dim3A_928 = vector.broadcast %broadcast_in_dim3A_927 : i1 to vector<16xi1>
        %unique3A_929, %unique3A_930 = tpu.scan_count mask(%broadcast_in_dim3A_928 : vector<16xi1>) value(%shift_right_arithmetic3A_643 : vector<16xi32>) : vector<16xi1>, vector<16xi32>
        %unique3A_931, %unique3A_932 = tpu.scan_count mask(%eq3A_634 : vector<16xi1>) value(%shift_right_arithmetic3A_643 : vector<16xi32>) : vector<16xi1>, vector<16xi32>
        %broadcast_in_dim3A_933 = arith.constant true
        %broadcast_in_dim3A_934 = vector.broadcast %broadcast_in_dim3A_933 : i1 to vector<16xi1>
        %unique3A_935, %unique3A_936 = tpu.scan_count mask(%broadcast_in_dim3A_934 : vector<16xi1>) value(%shift_right_arithmetic3A_664 : vector<16xi32>) : vector<16xi1>, vector<16xi32>
        %unique3A_937, %unique3A_938 = tpu.scan_count mask(%eq3A_655 : vector<16xi1>) value(%shift_right_arithmetic3A_664 : vector<16xi32>) : vector<16xi1>, vector<16xi32>
        %broadcast_in_dim3A_939 = arith.constant true
        %broadcast_in_dim3A_940 = vector.broadcast %broadcast_in_dim3A_939 : i1 to vector<16xi1>
        %unique3A_941, %unique3A_942 = tpu.scan_count mask(%broadcast_in_dim3A_940 : vector<16xi1>) value(%shift_right_arithmetic3A_685 : vector<16xi32>) : vector<16xi1>, vector<16xi32>
        %unique3A_943, %unique3A_944 = tpu.scan_count mask(%eq3A_676 : vector<16xi1>) value(%shift_right_arithmetic3A_685 : vector<16xi32>) : vector<16xi1>, vector<16xi32>
        %broadcast_in_dim3A_945 = arith.constant true
        %broadcast_in_dim3A_946 = vector.broadcast %broadcast_in_dim3A_945 : i1 to vector<16xi1>
        %unique3A_947, %unique3A_948 = tpu.scan_count mask(%broadcast_in_dim3A_946 : vector<16xi1>) value(%shift_right_arithmetic3A_706 : vector<16xi32>) : vector<16xi1>, vector<16xi32>
        %unique3A_949, %unique3A_950 = tpu.scan_count mask(%eq3A_697 : vector<16xi1>) value(%shift_right_arithmetic3A_706 : vector<16xi32>) : vector<16xi1>, vector<16xi32>
        %broadcast_in_dim3A_951 = arith.constant true
        %broadcast_in_dim3A_952 = vector.broadcast %broadcast_in_dim3A_951 : i1 to vector<16xi1>
        %unique3A_953, %unique3A_954 = tpu.scan_count mask(%broadcast_in_dim3A_952 : vector<16xi1>) value(%shift_right_arithmetic3A_727 : vector<16xi32>) : vector<16xi1>, vector<16xi32>
        %unique3A_955, %unique3A_956 = tpu.scan_count mask(%eq3A_718 : vector<16xi1>) value(%shift_right_arithmetic3A_727 : vector<16xi32>) : vector<16xi1>, vector<16xi32>
        %broadcast_in_dim3A_957 = arith.constant true
        %broadcast_in_dim3A_958 = vector.broadcast %broadcast_in_dim3A_957 : i1 to vector<16xi1>
        %unique3A_959, %unique3A_960 = tpu.scan_count mask(%broadcast_in_dim3A_958 : vector<16xi1>) value(%shift_right_arithmetic3A_748 : vector<16xi32>) : vector<16xi1>, vector<16xi32>
        %unique3A_961, %unique3A_962 = tpu.scan_count mask(%eq3A_739 : vector<16xi1>) value(%shift_right_arithmetic3A_748 : vector<16xi32>) : vector<16xi1>, vector<16xi32>
        %broadcast_in_dim3A_963 = arith.constant true
        %broadcast_in_dim3A_964 = vector.broadcast %broadcast_in_dim3A_963 : i1 to vector<16xi1>
        %unique3A_965, %unique3A_966 = tpu.scan_count mask(%broadcast_in_dim3A_964 : vector<16xi1>) value(%shift_right_arithmetic3A_769 : vector<16xi32>) : vector<16xi1>, vector<16xi32>
        %unique3A_967, %unique3A_968 = tpu.scan_count mask(%eq3A_760 : vector<16xi1>) value(%shift_right_arithmetic3A_769 : vector<16xi32>) : vector<16xi1>, vector<16xi32>
        %broadcast_in_dim3A_969 = arith.constant true
        %broadcast_in_dim3A_970 = vector.broadcast %broadcast_in_dim3A_969 : i1 to vector<16xi1>
        %unique3A_971, %unique3A_972 = tpu.scan_count mask(%broadcast_in_dim3A_970 : vector<16xi1>) value(%shift_right_arithmetic3A_790 : vector<16xi32>) : vector<16xi1>, vector<16xi32>
        %unique3A_973, %unique3A_974 = tpu.scan_count mask(%eq3A_781 : vector<16xi1>) value(%shift_right_arithmetic3A_790 : vector<16xi32>) : vector<16xi1>, vector<16xi32>
        %broadcast_in_dim3A_975 = arith.constant true
        %broadcast_in_dim3A_976 = vector.broadcast %broadcast_in_dim3A_975 : i1 to vector<16xi1>
        %unique3A_977, %unique3A_978 = tpu.scan_count mask(%broadcast_in_dim3A_976 : vector<16xi1>) value(%shift_right_arithmetic3A_811 : vector<16xi32>) : vector<16xi1>, vector<16xi32>
        %unique3A_979, %unique3A_980 = tpu.scan_count mask(%eq3A_802 : vector<16xi1>) value(%shift_right_arithmetic3A_811 : vector<16xi32>) : vector<16xi1>, vector<16xi32>
        %broadcast_in_dim3A_981 = arith.constant true
        %broadcast_in_dim3A_982 = vector.broadcast %broadcast_in_dim3A_981 : i1 to vector<16xi1>
        %unique3A_983, %unique3A_984 = tpu.scan_count mask(%broadcast_in_dim3A_982 : vector<16xi1>) value(%shift_right_arithmetic3A_832 : vector<16xi32>) : vector<16xi1>, vector<16xi32>
        %unique3A_985, %unique3A_986 = tpu.scan_count mask(%eq3A_823 : vector<16xi1>) value(%shift_right_arithmetic3A_832 : vector<16xi32>) : vector<16xi1>, vector<16xi32>
        %broadcast_in_dim3A_987 = arith.constant true
        %broadcast_in_dim3A_988 = vector.broadcast %broadcast_in_dim3A_987 : i1 to vector<16xi1>
        %unique3A_989, %unique3A_990 = tpu.scan_count mask(%broadcast_in_dim3A_988 : vector<16xi1>) value(%shift_right_arithmetic3A_853 : vector<16xi32>) : vector<16xi1>, vector<16xi32>
        %unique3A_991, %unique3A_992 = tpu.scan_count mask(%eq3A_844 : vector<16xi1>) value(%shift_right_arithmetic3A_853 : vector<16xi32>) : vector<16xi1>, vector<16xi32>
        %broadcast_in_dim3A_993 = arith.constant true
        %broadcast_in_dim3A_994 = vector.broadcast %broadcast_in_dim3A_993 : i1 to vector<16xi1>
        %unique3A_995, %unique3A_996 = tpu.scan_count mask(%broadcast_in_dim3A_994 : vector<16xi1>) value(%shift_right_arithmetic3A_874 : vector<16xi32>) : vector<16xi1>, vector<16xi32>
        %unique3A_997, %unique3A_998 = tpu.scan_count mask(%eq3A_865 : vector<16xi1>) value(%shift_right_arithmetic3A_874 : vector<16xi32>) : vector<16xi1>, vector<16xi32>
        %broadcast_in_dim3A_999 = arith.constant true
        %broadcast_in_dim3A_1000 = vector.broadcast %broadcast_in_dim3A_999 : i1 to vector<16xi1>
        %unique3A_1001, %unique3A_1002 = tpu.scan_count mask(%broadcast_in_dim3A_1000 : vector<16xi1>) value(%shift_right_arithmetic3A_895 : vector<16xi32>) : vector<16xi1>, vector<16xi32>
        %unique3A_1003, %unique3A_1004 = tpu.scan_count mask(%eq3A_886 : vector<16xi1>) value(%shift_right_arithmetic3A_895 : vector<16xi32>) : vector<16xi1>, vector<16xi32>
        %broadcast_in_dim3A_1005 = arith.constant true
        %broadcast_in_dim3A_1006 = vector.broadcast %broadcast_in_dim3A_1005 : i1 to vector<16xi1>
        %unique3A_1007, %unique3A_1008 = tpu.scan_count mask(%broadcast_in_dim3A_1006 : vector<16xi1>) value(%shift_right_arithmetic3A_916 : vector<16xi32>) : vector<16xi1>, vector<16xi32>
        %unique3A_1009, %unique3A_1010 = tpu.scan_count mask(%eq3A_907 : vector<16xi1>) value(%shift_right_arithmetic3A_916 : vector<16xi32>) : vector<16xi1>, vector<16xi32>
        tpu.vector_store_idx %arg6[%shift_right_arithmetic3A_601], %unique3A_918 masked %unique3A {add = true} : memref<32768xi32, #tpu.memory_space<vmem>>[vector<16xi32>], vector<16xi32>, vector<16xi1>
        tpu.vector_store_idx %arg7[%shift_right_arithmetic3A_601], %unique3A_920 masked %unique3A_919 {add = true} : memref<32768xi32, #tpu.memory_space<vmem>>[vector<16xi32>], vector<16xi32>, vector<16xi1>
        tpu.vector_store_idx %arg6[%shift_right_arithmetic3A_622], %unique3A_924 masked %unique3A_923 {add = true} : memref<32768xi32, #tpu.memory_space<vmem>>[vector<16xi32>], vector<16xi32>, vector<16xi1>
        tpu.vector_store_idx %arg7[%shift_right_arithmetic3A_622], %unique3A_926 masked %unique3A_925 {add = true} : memref<32768xi32, #tpu.memory_space<vmem>>[vector<16xi32>], vector<16xi32>, vector<16xi1>
        tpu.vector_store_idx %arg6[%shift_right_arithmetic3A_643], %unique3A_930 masked %unique3A_929 {add = true} : memref<32768xi32, #tpu.memory_space<vmem>>[vector<16xi32>], vector<16xi32>, vector<16xi1>
        tpu.vector_store_idx %arg7[%shift_right_arithmetic3A_643], %unique3A_932 masked %unique3A_931 {add = true} : memref<32768xi32, #tpu.memory_space<vmem>>[vector<16xi32>], vector<16xi32>, vector<16xi1>
        tpu.vector_store_idx %arg6[%shift_right_arithmetic3A_664], %unique3A_936 masked %unique3A_935 {add = true} : memref<32768xi32, #tpu.memory_space<vmem>>[vector<16xi32>], vector<16xi32>, vector<16xi1>
        tpu.vector_store_idx %arg7[%shift_right_arithmetic3A_664], %unique3A_938 masked %unique3A_937 {add = true} : memref<32768xi32, #tpu.memory_space<vmem>>[vector<16xi32>], vector<16xi32>, vector<16xi1>
        tpu.vector_store_idx %arg6[%shift_right_arithmetic3A_685], %unique3A_942 masked %unique3A_941 {add = true} : memref<32768xi32, #tpu.memory_space<vmem>>[vector<16xi32>], vector<16xi32>, vector<16xi1>
        tpu.vector_store_idx %arg7[%shift_right_arithmetic3A_685], %unique3A_944 masked %unique3A_943 {add = true} : memref<32768xi32, #tpu.memory_space<vmem>>[vector<16xi32>], vector<16xi32>, vector<16xi1>
        tpu.vector_store_idx %arg6[%shift_right_arithmetic3A_706], %unique3A_948 masked %unique3A_947 {add = true} : memref<32768xi32, #tpu.memory_space<vmem>>[vector<16xi32>], vector<16xi32>, vector<16xi1>
        tpu.vector_store_idx %arg7[%shift_right_arithmetic3A_706], %unique3A_950 masked %unique3A_949 {add = true} : memref<32768xi32, #tpu.memory_space<vmem>>[vector<16xi32>], vector<16xi32>, vector<16xi1>
        tpu.vector_store_idx %arg6[%shift_right_arithmetic3A_727], %unique3A_954 masked %unique3A_953 {add = true} : memref<32768xi32, #tpu.memory_space<vmem>>[vector<16xi32>], vector<16xi32>, vector<16xi1>
        tpu.vector_store_idx %arg7[%shift_right_arithmetic3A_727], %unique3A_956 masked %unique3A_955 {add = true} : memref<32768xi32, #tpu.memory_space<vmem>>[vector<16xi32>], vector<16xi32>, vector<16xi1>
        tpu.vector_store_idx %arg6[%shift_right_arithmetic3A_748], %unique3A_960 masked %unique3A_959 {add = true} : memref<32768xi32, #tpu.memory_space<vmem>>[vector<16xi32>], vector<16xi32>, vector<16xi1>
        tpu.vector_store_idx %arg7[%shift_right_arithmetic3A_748], %unique3A_962 masked %unique3A_961 {add = true} : memref<32768xi32, #tpu.memory_space<vmem>>[vector<16xi32>], vector<16xi32>, vector<16xi1>
        tpu.vector_store_idx %arg6[%shift_right_arithmetic3A_769], %unique3A_966 masked %unique3A_965 {add = true} : memref<32768xi32, #tpu.memory_space<vmem>>[vector<16xi32>], vector<16xi32>, vector<16xi1>
        tpu.vector_store_idx %arg7[%shift_right_arithmetic3A_769], %unique3A_968 masked %unique3A_967 {add = true} : memref<32768xi32, #tpu.memory_space<vmem>>[vector<16xi32>], vector<16xi32>, vector<16xi1>
        tpu.vector_store_idx %arg6[%shift_right_arithmetic3A_790], %unique3A_972 masked %unique3A_971 {add = true} : memref<32768xi32, #tpu.memory_space<vmem>>[vector<16xi32>], vector<16xi32>, vector<16xi1>
        tpu.vector_store_idx %arg7[%shift_right_arithmetic3A_790], %unique3A_974 masked %unique3A_973 {add = true} : memref<32768xi32, #tpu.memory_space<vmem>>[vector<16xi32>], vector<16xi32>, vector<16xi1>
        tpu.vector_store_idx %arg6[%shift_right_arithmetic3A_811], %unique3A_978 masked %unique3A_977 {add = true} : memref<32768xi32, #tpu.memory_space<vmem>>[vector<16xi32>], vector<16xi32>, vector<16xi1>
        tpu.vector_store_idx %arg7[%shift_right_arithmetic3A_811], %unique3A_980 masked %unique3A_979 {add = true} : memref<32768xi32, #tpu.memory_space<vmem>>[vector<16xi32>], vector<16xi32>, vector<16xi1>
        tpu.vector_store_idx %arg6[%shift_right_arithmetic3A_832], %unique3A_984 masked %unique3A_983 {add = true} : memref<32768xi32, #tpu.memory_space<vmem>>[vector<16xi32>], vector<16xi32>, vector<16xi1>
        tpu.vector_store_idx %arg7[%shift_right_arithmetic3A_832], %unique3A_986 masked %unique3A_985 {add = true} : memref<32768xi32, #tpu.memory_space<vmem>>[vector<16xi32>], vector<16xi32>, vector<16xi1>
        tpu.vector_store_idx %arg6[%shift_right_arithmetic3A_853], %unique3A_990 masked %unique3A_989 {add = true} : memref<32768xi32, #tpu.memory_space<vmem>>[vector<16xi32>], vector<16xi32>, vector<16xi1>
        tpu.vector_store_idx %arg7[%shift_right_arithmetic3A_853], %unique3A_992 masked %unique3A_991 {add = true} : memref<32768xi32, #tpu.memory_space<vmem>>[vector<16xi32>], vector<16xi32>, vector<16xi1>
        tpu.vector_store_idx %arg6[%shift_right_arithmetic3A_874], %unique3A_996 masked %unique3A_995 {add = true} : memref<32768xi32, #tpu.memory_space<vmem>>[vector<16xi32>], vector<16xi32>, vector<16xi1>
        tpu.vector_store_idx %arg7[%shift_right_arithmetic3A_874], %unique3A_998 masked %unique3A_997 {add = true} : memref<32768xi32, #tpu.memory_space<vmem>>[vector<16xi32>], vector<16xi32>, vector<16xi1>
        tpu.vector_store_idx %arg6[%shift_right_arithmetic3A_895], %unique3A_1002 masked %unique3A_1001 {add = true} : memref<32768xi32, #tpu.memory_space<vmem>>[vector<16xi32>], vector<16xi32>, vector<16xi1>
        tpu.vector_store_idx %arg7[%shift_right_arithmetic3A_895], %unique3A_1004 masked %unique3A_1003 {add = true} : memref<32768xi32, #tpu.memory_space<vmem>>[vector<16xi32>], vector<16xi32>, vector<16xi1>
        tpu.vector_store_idx %arg6[%shift_right_arithmetic3A_916], %unique3A_1008 masked %unique3A_1007 {add = true} : memref<32768xi32, #tpu.memory_space<vmem>>[vector<16xi32>], vector<16xi32>, vector<16xi1>
        tpu.vector_store_idx %arg7[%shift_right_arithmetic3A_916], %unique3A_1010 masked %unique3A_1009 {add = true} : memref<32768xi32, #tpu.memory_space<vmem>>[vector<16xi32>], vector<16xi32>, vector<16xi1>
        %scan3A_1011 = arith.constant 0 : i32
        scf.yield %scan3A_1011 : i32
      }
      %scan3A_579 = arith.constant 32 : i32
      %scan3A_580 = arith.constant 0 : i32
      scf.yield %scan3A_580 : i32
    }
    %scan3A_244 = arith.constant 16 : i32
    "tpu.region"() ({
      %run_scoped3A = tpu.sem_alloc : memref<!tpu.dma_semaphore, #tpu.memory_space<semaphore_mem>>
      %dma_start3A_506 = arith.constant 0 : i32
      %dma_start3A_507 = tpu.memref_slice %arg4[%select_n3A_142, %select_n3A_158, %dma_start3A_506] : memref<19x8x32768xi32, #tpu.memory_space<hbm>> -> memref<1x1x32768xi32, #tpu.memory_space<hbm>>
      %dma_start3A_508 = tpu.memref_squeeze %dma_start3A_507 : memref<1x1x32768xi32, #tpu.memory_space<hbm>> -> memref<32768xi32, #tpu.memory_space<hbm>>
      %dma_start3A_509 = arith.constant 0 : i32
      %dma_start3A_510 = tpu.memref_slice %arg4[%select_n3A_142, %select_n3A_158, %dma_start3A_509] : memref<19x8x32768xi32, #tpu.memory_space<hbm>> -> memref<1x1x32768xi32, #tpu.memory_space<hbm>>
      %dma_start3A_511 = tpu.memref_squeeze %dma_start3A_510 : memref<1x1x32768xi32, #tpu.memory_space<hbm>> -> memref<32768xi32, #tpu.memory_space<hbm>>
      tpu.enqueue_dma source(%arg6 : memref<32768xi32, #tpu.memory_space<vmem>>) target(%dma_start3A_511 : memref<32768xi32, #tpu.memory_space<hbm>>) target_semaphore(%run_scoped3A : memref<!tpu.dma_semaphore, #tpu.memory_space<semaphore_mem>>)
      %dma_wait3A = arith.constant 0 : i32
      %dma_wait3A_512 = tpu.memref_slice %arg4[%select_n3A_142, %select_n3A_158, %dma_wait3A] : memref<19x8x32768xi32, #tpu.memory_space<hbm>> -> memref<1x1x32768xi32, #tpu.memory_space<hbm>>
      %dma_wait3A_513 = tpu.memref_squeeze %dma_wait3A_512 : memref<1x1x32768xi32, #tpu.memory_space<hbm>> -> memref<32768xi32, #tpu.memory_space<hbm>>
      %dma_wait3A_514 = arith.constant 0 : i32
      %dma_wait3A_515 = tpu.memref_slice %arg4[%select_n3A_142, %select_n3A_158, %dma_wait3A_514] : memref<19x8x32768xi32, #tpu.memory_space<hbm>> -> memref<1x1x32768xi32, #tpu.memory_space<hbm>>
      %dma_wait3A_516 = tpu.memref_squeeze %dma_wait3A_515 : memref<1x1x32768xi32, #tpu.memory_space<hbm>> -> memref<32768xi32, #tpu.memory_space<hbm>>
      tpu.wait_dma2 semaphore(%run_scoped3A : memref<!tpu.dma_semaphore, #tpu.memory_space<semaphore_mem>>) src(%arg6 : memref<32768xi32, #tpu.memory_space<vmem>>) dst(%dma_wait3A_516 : memref<32768xi32, #tpu.memory_space<hbm>>)
      tpu.yield
    }) : () -> ()
    "tpu.region"() ({
      %run_scoped3A = tpu.sem_alloc : memref<!tpu.dma_semaphore, #tpu.memory_space<semaphore_mem>>
      %dma_start3A_506 = arith.constant 0 : i32
      %dma_start3A_507 = tpu.memref_slice %arg5[%select_n3A_142, %select_n3A_158, %dma_start3A_506] : memref<19x8x32768xi32, #tpu.memory_space<hbm>> -> memref<1x1x32768xi32, #tpu.memory_space<hbm>>
      %dma_start3A_508 = tpu.memref_squeeze %dma_start3A_507 : memref<1x1x32768xi32, #tpu.memory_space<hbm>> -> memref<32768xi32, #tpu.memory_space<hbm>>
      %dma_start3A_509 = arith.constant 0 : i32
      %dma_start3A_510 = tpu.memref_slice %arg5[%select_n3A_142, %select_n3A_158, %dma_start3A_509] : memref<19x8x32768xi32, #tpu.memory_space<hbm>> -> memref<1x1x32768xi32, #tpu.memory_space<hbm>>
      %dma_start3A_511 = tpu.memref_squeeze %dma_start3A_510 : memref<1x1x32768xi32, #tpu.memory_space<hbm>> -> memref<32768xi32, #tpu.memory_space<hbm>>
      tpu.enqueue_dma source(%arg7 : memref<32768xi32, #tpu.memory_space<vmem>>) target(%dma_start3A_511 : memref<32768xi32, #tpu.memory_space<hbm>>) target_semaphore(%run_scoped3A : memref<!tpu.dma_semaphore, #tpu.memory_space<semaphore_mem>>)
      %dma_wait3A = arith.constant 0 : i32
      %dma_wait3A_512 = tpu.memref_slice %arg5[%select_n3A_142, %select_n3A_158, %dma_wait3A] : memref<19x8x32768xi32, #tpu.memory_space<hbm>> -> memref<1x1x32768xi32, #tpu.memory_space<hbm>>
      %dma_wait3A_513 = tpu.memref_squeeze %dma_wait3A_512 : memref<1x1x32768xi32, #tpu.memory_space<hbm>> -> memref<32768xi32, #tpu.memory_space<hbm>>
      %dma_wait3A_514 = arith.constant 0 : i32
      %dma_wait3A_515 = tpu.memref_slice %arg5[%select_n3A_142, %select_n3A_158, %dma_wait3A_514] : memref<19x8x32768xi32, #tpu.memory_space<hbm>> -> memref<1x1x32768xi32, #tpu.memory_space<hbm>>
      %dma_wait3A_516 = tpu.memref_squeeze %dma_wait3A_515 : memref<1x1x32768xi32, #tpu.memory_space<hbm>> -> memref<32768xi32, #tpu.memory_space<hbm>>
      tpu.wait_dma2 semaphore(%run_scoped3A : memref<!tpu.dma_semaphore, #tpu.memory_space<semaphore_mem>>) src(%arg7 : memref<32768xi32, #tpu.memory_space<vmem>>) dst(%dma_wait3A_516 : memref<32768xi32, #tpu.memory_space<hbm>>)
      tpu.yield
    }) : () -> ()
    %add3A_245 = arith.constant 64 : i32
    %add3A_246 = arith.addi %add3A, %add3A_245 : i32
    %jit3A_247 = arith.constant 8 : i32
    %div3A_248 = arith.divsi %add3A_246, %jit3A_247 : i32
    %sign3A_249 = arith.constant 0 : i32
    %sign3A_250 = arith.cmpi sgt, %add3A_246, %sign3A_249 : i32
    %sign3A_251 = arith.extui %sign3A_250 : i1 to i32
    %sign3A_252 = arith.constant 0 : i32
    %sign3A_253 = arith.cmpi slt, %add3A_246, %sign3A_252 : i32
    %sign3A_254 = arith.extui %sign3A_253 : i1 to i32
    %sign3A_255 = arith.subi %sign3A_251, %sign3A_254 : i32
    %sign3A_256 = arith.constant 0 : i32
    %sign3A_257 = arith.cmpi sgt, %jit3A_247, %sign3A_256 : i32
    %sign3A_258 = arith.extui %sign3A_257 : i1 to i32
    %sign3A_259 = arith.constant 0 : i32
    %sign3A_260 = arith.cmpi slt, %jit3A_247, %sign3A_259 : i32
    %sign3A_261 = arith.extui %sign3A_260 : i1 to i32
    %sign3A_262 = arith.subi %sign3A_258, %sign3A_261 : i32
    %ne3A_263 = arith.cmpi ne, %sign3A_255, %sign3A_262 : i32
    %rem3A_264 = arith.remsi %add3A_246, %jit3A_247 : i32
    %ne3A_265 = arith.constant 0 : i32
    %ne3A_266 = arith.cmpi ne, %rem3A_264, %ne3A_265 : i32
    %and3A_267 = arith.andi %ne3A_263, %ne3A_266 : i1
    %sub3A_268 = arith.constant 1 : i32
    %sub3A_269 = arith.subi %div3A_248, %sub3A_268 : i32
    %select_n3A_270 = arith.select %and3A_267, %sub3A_269, %div3A_248 : i32
    %jit3A_271 = arith.constant 8 : i32
    %eq3A_272 = arith.constant 0 : i32
    %eq3A_273 = arith.cmpi eq, %jit3A_271, %eq3A_272 : i32
    %jit3A_274 = arith.constant 1 : i32
    %select_n3A_275 = arith.select %eq3A_273, %jit3A_274, %jit3A_271 : i32
    %rem3A_276 = arith.remsi %add3A_246, %select_n3A_275 : i32
    %ne3A_277 = arith.constant 0 : i32
    %ne3A_278 = arith.cmpi ne, %rem3A_276, %ne3A_277 : i32
    %lt3A_279 = arith.constant 0 : i32
    %lt3A_280 = arith.cmpi slt, %rem3A_276, %lt3A_279 : i32
    %lt3A_281 = arith.constant 0 : i32
    %lt3A_282 = arith.cmpi slt, %select_n3A_275, %lt3A_281 : i32
    %ne3A_283 = arith.xori %lt3A_280, %lt3A_282 : i1
    %and3A_284 = arith.andi %ne3A_283, %ne3A_278 : i1
    %add3A_285 = arith.addi %rem3A_276, %select_n3A_275 : i32
    %select_n3A_286 = arith.select %and3A_284, %add3A_285, %rem3A_276 : i32
    %jit3A_287 = arith.constant 2 : i32
    %div3A_288 = arith.divsi %select_n3A_286, %jit3A_287 : i32
    %sign3A_289 = arith.constant 0 : i32
    %sign3A_290 = arith.cmpi sgt, %select_n3A_286, %sign3A_289 : i32
    %sign3A_291 = arith.extui %sign3A_290 : i1 to i32
    %sign3A_292 = arith.constant 0 : i32
    %sign3A_293 = arith.cmpi slt, %select_n3A_286, %sign3A_292 : i32
    %sign3A_294 = arith.extui %sign3A_293 : i1 to i32
    %sign3A_295 = arith.subi %sign3A_291, %sign3A_294 : i32
    %sign3A_296 = arith.constant 0 : i32
    %sign3A_297 = arith.cmpi sgt, %jit3A_287, %sign3A_296 : i32
    %sign3A_298 = arith.extui %sign3A_297 : i1 to i32
    %sign3A_299 = arith.constant 0 : i32
    %sign3A_300 = arith.cmpi slt, %jit3A_287, %sign3A_299 : i32
    %sign3A_301 = arith.extui %sign3A_300 : i1 to i32
    %sign3A_302 = arith.subi %sign3A_298, %sign3A_301 : i32
    %ne3A_303 = arith.cmpi ne, %sign3A_295, %sign3A_302 : i32
    %rem3A_304 = arith.remsi %select_n3A_286, %jit3A_287 : i32
    %ne3A_305 = arith.constant 0 : i32
    %ne3A_306 = arith.cmpi ne, %rem3A_304, %ne3A_305 : i32
    %and3A_307 = arith.andi %ne3A_303, %ne3A_306 : i1
    %sub3A_308 = arith.constant 1 : i32
    %sub3A_309 = arith.subi %div3A_288, %sub3A_308 : i32
    %select_n3A_310 = arith.select %and3A_307, %sub3A_309, %div3A_288 : i32
    %jit3A_311 = arith.constant 2 : i32
    %eq3A_312 = arith.constant 0 : i32
    %eq3A_313 = arith.cmpi eq, %jit3A_311, %eq3A_312 : i32
    %jit3A_314 = arith.constant 1 : i32
    %select_n3A_315 = arith.select %eq3A_313, %jit3A_314, %jit3A_311 : i32
    %rem3A_316 = arith.remsi %select_n3A_286, %select_n3A_315 : i32
    %ne3A_317 = arith.constant 0 : i32
    %ne3A_318 = arith.cmpi ne, %rem3A_316, %ne3A_317 : i32
    %lt3A_319 = arith.constant 0 : i32
    %lt3A_320 = arith.cmpi slt, %rem3A_316, %lt3A_319 : i32
    %lt3A_321 = arith.constant 0 : i32
    %lt3A_322 = arith.cmpi slt, %select_n3A_315, %lt3A_321 : i32
    %ne3A_323 = arith.xori %lt3A_320, %lt3A_322 : i1
    %and3A_324 = arith.andi %ne3A_323, %ne3A_318 : i1
    %add3A_325 = arith.addi %rem3A_316, %select_n3A_315 : i32
    %select_n3A_326 = arith.select %and3A_324, %add3A_325, %rem3A_316 : i32
    %mul3A_327 = arith.constant 131072 : i32
    %mul3A_328 = arith.muli %select_n3A_326, %mul3A_327 : i32
    %scan3A_329 = arith.constant 0 : i32
    %scan3A_330 = arith.constant 0 : i32
    %scan3A_331 = arith.constant 2048 : i32
    %scan3A_332 = arith.addi %scan3A_330, %scan3A_331 : i32
    %scan3A_333 = arith.constant 1 : i32
    %scan3A_334 = scf.for %scan3A_506 = %scan3A_330 to %scan3A_332 step %scan3A_333 iter_args(%scan3A_507 = %scan3A_329) -> (i32)  : i32 {
      %broadcast_in_dim3A = arith.constant 0 : i32
      %broadcast_in_dim3A_508 = vector.broadcast %broadcast_in_dim3A : i32 to vector<16xi32>
      %mul3A_509 = arith.constant 16 : i32
      %mul3A_510 = arith.muli %scan3A_506, %mul3A_509 : i32
      %swap3A = arith.index_cast %mul3A_510 : i32 to index
      %swap3A_511 = tpu.vector_load %arg6[%swap3A] {strides = array<i32>} : memref<32768xi32, #tpu.memory_space<vmem>>, vector<16xi32>,
      tpu.vector_store %arg6[%swap3A], %broadcast_in_dim3A_508 {strides = array<i32>} : memref<32768xi32, #tpu.memory_space<vmem>>, vector<16xi32>,
      %mul3A_512 = arith.constant 16 : i32
      %mul3A_513 = arith.muli %scan3A_506, %mul3A_512 : i32
      %swap3A_514 = arith.index_cast %mul3A_513 : i32 to index
      %swap3A_515 = tpu.vector_load %arg7[%swap3A_514] {strides = array<i32>} : memref<32768xi32, #tpu.memory_space<vmem>>, vector<16xi32>,
      tpu.vector_store %arg7[%swap3A_514], %broadcast_in_dim3A_508 {strides = array<i32>} : memref<32768xi32, #tpu.memory_space<vmem>>, vector<16xi32>,
      %scan3A_516 = arith.constant 0 : i32
      scf.yield %scan3A_516 : i32
    }
    %scan3A_335 = arith.constant 2048 : i32
    %add3A_336 = arith.constant 0 : i32
    %add3A_337 = arith.addi %mul3A_328, %add3A_336 : i32
    %dma_start3A_338 = arith.constant 0 : i32
    %dma_start3A_339 = arith.constant 0 : i32
    %dma_start3A_340 = arith.constant 0 : i32
    %dma_start3A_341 = tpu.memref_slice %arg8[%dma_start3A_338, %dma_start3A_340] : memref<2x8192xf32, #tpu.memory_space<vmem>> -> memref<1x8192xf32, #tpu.memory_space<vmem>>
    %dma_start3A_342 = tpu.memref_squeeze %dma_start3A_341 : memref<1x8192xf32, #tpu.memory_space<vmem>> -> memref<8192xf32, #tpu.memory_space<vmem>>
    %dma_start3A_343 = tpu.memref_slice %arg2[%select_n3A_310, %select_n3A_270, %add3A_337] : memref<4x19x262144xf32, #tpu.memory_space<hbm>> -> memref<1x1x8192xf32, #tpu.memory_space<hbm>>
    %dma_start3A_344 = tpu.memref_squeeze %dma_start3A_343 : memref<1x1x8192xf32, #tpu.memory_space<hbm>> -> memref<8192xf32, #tpu.memory_space<hbm>>
    %dma_start3A_345 = tpu.memref_slice %arg10[%dma_start3A_339] : memref<2x!tpu.dma_semaphore, #tpu.memory_space<semaphore_mem>> -> memref<1x!tpu.dma_semaphore, #tpu.memory_space<semaphore_mem>>
    %dma_start3A_346 = tpu.memref_squeeze %dma_start3A_345 : memref<1x!tpu.dma_semaphore, #tpu.memory_space<semaphore_mem>> -> memref<!tpu.dma_semaphore, #tpu.memory_space<semaphore_mem>>
    %dma_start3A_347 = arith.constant 0 : i32
    %dma_start3A_348 = tpu.memref_slice %arg8[%dma_start3A_338, %dma_start3A_347] : memref<2x8192xf32, #tpu.memory_space<vmem>> -> memref<1x8192xf32, #tpu.memory_space<vmem>>
    %dma_start3A_349 = tpu.memref_squeeze %dma_start3A_348 : memref<1x8192xf32, #tpu.memory_space<vmem>> -> memref<8192xf32, #tpu.memory_space<vmem>>
    %dma_start3A_350 = tpu.memref_slice %arg2[%select_n3A_310, %select_n3A_270, %add3A_337] : memref<4x19x262144xf32, #tpu.memory_space<hbm>> -> memref<1x1x8192xf32, #tpu.memory_space<hbm>>
    %dma_start3A_351 = tpu.memref_squeeze %dma_start3A_350 : memref<1x1x8192xf32, #tpu.memory_space<hbm>> -> memref<8192xf32, #tpu.memory_space<hbm>>
    tpu.enqueue_dma source(%dma_start3A_351 : memref<8192xf32, #tpu.memory_space<hbm>>) target(%dma_start3A_349 : memref<8192xf32, #tpu.memory_space<vmem>>) target_semaphore(%dma_start3A_346 : memref<!tpu.dma_semaphore, #tpu.memory_space<semaphore_mem>>)
    %dma_start3A_352 = arith.constant 0 : i32
    %dma_start3A_353 = arith.constant 0 : i32
    %dma_start3A_354 = arith.constant 0 : i32
    %dma_start3A_355 = tpu.memref_slice %arg9[%dma_start3A_352, %dma_start3A_354] : memref<2x8192xi32, #tpu.memory_space<vmem>> -> memref<1x8192xi32, #tpu.memory_space<vmem>>
    %dma_start3A_356 = tpu.memref_squeeze %dma_start3A_355 : memref<1x8192xi32, #tpu.memory_space<vmem>> -> memref<8192xi32, #tpu.memory_space<vmem>>
    %dma_start3A_357 = tpu.memref_slice %arg3[%select_n3A_310, %add3A_337] : memref<4x262144xi32, #tpu.memory_space<hbm>> -> memref<1x8192xi32, #tpu.memory_space<hbm>>
    %dma_start3A_358 = tpu.memref_squeeze %dma_start3A_357 : memref<1x8192xi32, #tpu.memory_space<hbm>> -> memref<8192xi32, #tpu.memory_space<hbm>>
    %dma_start3A_359 = tpu.memref_slice %arg11[%dma_start3A_353] : memref<2x!tpu.dma_semaphore, #tpu.memory_space<semaphore_mem>> -> memref<1x!tpu.dma_semaphore, #tpu.memory_space<semaphore_mem>>
    %dma_start3A_360 = tpu.memref_squeeze %dma_start3A_359 : memref<1x!tpu.dma_semaphore, #tpu.memory_space<semaphore_mem>> -> memref<!tpu.dma_semaphore, #tpu.memory_space<semaphore_mem>>
    %dma_start3A_361 = arith.constant 0 : i32
    %dma_start3A_362 = tpu.memref_slice %arg9[%dma_start3A_352, %dma_start3A_361] : memref<2x8192xi32, #tpu.memory_space<vmem>> -> memref<1x8192xi32, #tpu.memory_space<vmem>>
    %dma_start3A_363 = tpu.memref_squeeze %dma_start3A_362 : memref<1x8192xi32, #tpu.memory_space<vmem>> -> memref<8192xi32, #tpu.memory_space<vmem>>
    %dma_start3A_364 = tpu.memref_slice %arg3[%select_n3A_310, %add3A_337] : memref<4x262144xi32, #tpu.memory_space<hbm>> -> memref<1x8192xi32, #tpu.memory_space<hbm>>
    %dma_start3A_365 = tpu.memref_squeeze %dma_start3A_364 : memref<1x8192xi32, #tpu.memory_space<hbm>> -> memref<8192xi32, #tpu.memory_space<hbm>>
    tpu.enqueue_dma source(%dma_start3A_365 : memref<8192xi32, #tpu.memory_space<hbm>>) target(%dma_start3A_363 : memref<8192xi32, #tpu.memory_space<vmem>>) target_semaphore(%dma_start3A_360 : memref<!tpu.dma_semaphore, #tpu.memory_space<semaphore_mem>>)
    %scan3A_366 = arith.constant 0 : i32
    %scan3A_367 = arith.constant 0 : i32
    %scan3A_368 = arith.constant 16 : i32
    %scan3A_369 = arith.addi %scan3A_367, %scan3A_368 : i32
    %scan3A_370 = arith.constant 1 : i32
    %scan3A_371 = scf.for %scan3A_506 = %scan3A_367 to %scan3A_369 step %scan3A_370 iter_args(%scan3A_507 = %scan3A_366) -> (i32)  : i32 {
      %jit3A_508 = arith.constant 2 : i32
      %eq3A_509 = arith.constant 0 : i32
      %eq3A_510 = arith.cmpi eq, %jit3A_508, %eq3A_509 : i32
      %jit3A_511 = arith.constant 1 : i32
      %select_n3A_512 = arith.select %eq3A_510, %jit3A_511, %jit3A_508 : i32
      %rem3A_513 = arith.remsi %scan3A_506, %select_n3A_512 : i32
      %ne3A_514 = arith.constant 0 : i32
      %ne3A_515 = arith.cmpi ne, %rem3A_513, %ne3A_514 : i32
      %lt3A_516 = arith.constant 0 : i32
      %lt3A_517 = arith.cmpi slt, %rem3A_513, %lt3A_516 : i32
      %lt3A_518 = arith.constant 0 : i32
      %lt3A_519 = arith.cmpi slt, %select_n3A_512, %lt3A_518 : i32
      %ne3A_520 = arith.xori %lt3A_517, %lt3A_519 : i1
      %and3A_521 = arith.andi %ne3A_520, %ne3A_515 : i1
      %add3A_522 = arith.addi %rem3A_513, %select_n3A_512 : i32
      %select_n3A_523 = arith.select %and3A_521, %add3A_522, %rem3A_513 : i32
      %add3A_524 = arith.constant 1 : i32
      %add3A_525 = arith.addi %scan3A_506, %add3A_524 : i32
      %lt3A_526 = arith.constant 16 : i32
      %lt3A_527 = arith.cmpi slt, %add3A_525, %lt3A_526 : i32
      %convert_element_type3A_528 = arith.extui %lt3A_527 : i1 to i32
      %cond3A_529 = arith.constant 0 : i32
      %cond3A_530 = arith.cmpi ne, %convert_element_type3A_528, %cond3A_529 : i32
      scf.if %cond3A_530 {
        %add3A_581 = arith.constant 1 : i32
        %add3A_582 = arith.addi %scan3A_506, %add3A_581 : i32
        %jit3A_583 = arith.constant 2 : i32
        %eq3A_584 = arith.constant 0 : i32
        %eq3A_585 = arith.cmpi eq, %jit3A_583, %eq3A_584 : i32
        %jit3A_586 = arith.constant 1 : i32
        %select_n3A_587 = arith.select %eq3A_585, %jit3A_586, %jit3A_583 : i32
        %rem3A_588 = arith.remsi %add3A_582, %select_n3A_587 : i32
        %ne3A_589 = arith.constant 0 : i32
        %ne3A_590 = arith.cmpi ne, %rem3A_588, %ne3A_589 : i32
        %lt3A_591 = arith.constant 0 : i32
        %lt3A_592 = arith.cmpi slt, %rem3A_588, %lt3A_591 : i32
        %lt3A_593 = arith.constant 0 : i32
        %lt3A_594 = arith.cmpi slt, %select_n3A_587, %lt3A_593 : i32
        %ne3A_595 = arith.xori %lt3A_592, %lt3A_594 : i1
        %and3A_596 = arith.andi %ne3A_595, %ne3A_590 : i1
        %add3A_597 = arith.addi %rem3A_588, %select_n3A_587 : i32
        %select_n3A_598 = arith.select %and3A_596, %add3A_597, %rem3A_588 : i32
        %mul3A_599 = arith.constant 8192 : i32
        %mul3A_600 = arith.muli %add3A_582, %mul3A_599 : i32
        %add3A_601 = arith.addi %mul3A_328, %mul3A_600 : i32
        %dma_start3A_602 = arith.constant 0 : i32
        %dma_start3A_603 = tpu.memref_slice %arg8[%select_n3A_598, %dma_start3A_602] : memref<2x8192xf32, #tpu.memory_space<vmem>> -> memref<1x8192xf32, #tpu.memory_space<vmem>>
        %dma_start3A_604 = tpu.memref_squeeze %dma_start3A_603 : memref<1x8192xf32, #tpu.memory_space<vmem>> -> memref<8192xf32, #tpu.memory_space<vmem>>
        %dma_start3A_605 = tpu.memref_slice %arg2[%select_n3A_310, %select_n3A_270, %add3A_601] : memref<4x19x262144xf32, #tpu.memory_space<hbm>> -> memref<1x1x8192xf32, #tpu.memory_space<hbm>>
        %dma_start3A_606 = tpu.memref_squeeze %dma_start3A_605 : memref<1x1x8192xf32, #tpu.memory_space<hbm>> -> memref<8192xf32, #tpu.memory_space<hbm>>
        %dma_start3A_607 = tpu.memref_slice %arg10[%select_n3A_598] : memref<2x!tpu.dma_semaphore, #tpu.memory_space<semaphore_mem>> -> memref<1x!tpu.dma_semaphore, #tpu.memory_space<semaphore_mem>>
        %dma_start3A_608 = tpu.memref_squeeze %dma_start3A_607 : memref<1x!tpu.dma_semaphore, #tpu.memory_space<semaphore_mem>> -> memref<!tpu.dma_semaphore, #tpu.memory_space<semaphore_mem>>
        %dma_start3A_609 = arith.constant 0 : i32
        %dma_start3A_610 = tpu.memref_slice %arg8[%select_n3A_598, %dma_start3A_609] : memref<2x8192xf32, #tpu.memory_space<vmem>> -> memref<1x8192xf32, #tpu.memory_space<vmem>>
        %dma_start3A_611 = tpu.memref_squeeze %dma_start3A_610 : memref<1x8192xf32, #tpu.memory_space<vmem>> -> memref<8192xf32, #tpu.memory_space<vmem>>
        %dma_start3A_612 = tpu.memref_slice %arg2[%select_n3A_310, %select_n3A_270, %add3A_601] : memref<4x19x262144xf32, #tpu.memory_space<hbm>> -> memref<1x1x8192xf32, #tpu.memory_space<hbm>>
        %dma_start3A_613 = tpu.memref_squeeze %dma_start3A_612 : memref<1x1x8192xf32, #tpu.memory_space<hbm>> -> memref<8192xf32, #tpu.memory_space<hbm>>
        tpu.enqueue_dma source(%dma_start3A_613 : memref<8192xf32, #tpu.memory_space<hbm>>) target(%dma_start3A_611 : memref<8192xf32, #tpu.memory_space<vmem>>) target_semaphore(%dma_start3A_608 : memref<!tpu.dma_semaphore, #tpu.memory_space<semaphore_mem>>)
        %dma_start3A_614 = arith.constant 0 : i32
        %dma_start3A_615 = tpu.memref_slice %arg9[%select_n3A_598, %dma_start3A_614] : memref<2x8192xi32, #tpu.memory_space<vmem>> -> memref<1x8192xi32, #tpu.memory_space<vmem>>
        %dma_start3A_616 = tpu.memref_squeeze %dma_start3A_615 : memref<1x8192xi32, #tpu.memory_space<vmem>> -> memref<8192xi32, #tpu.memory_space<vmem>>
        %dma_start3A_617 = tpu.memref_slice %arg3[%select_n3A_310, %add3A_601] : memref<4x262144xi32, #tpu.memory_space<hbm>> -> memref<1x8192xi32, #tpu.memory_space<hbm>>
        %dma_start3A_618 = tpu.memref_squeeze %dma_start3A_617 : memref<1x8192xi32, #tpu.memory_space<hbm>> -> memref<8192xi32, #tpu.memory_space<hbm>>
        %dma_start3A_619 = tpu.memref_slice %arg11[%select_n3A_598] : memref<2x!tpu.dma_semaphore, #tpu.memory_space<semaphore_mem>> -> memref<1x!tpu.dma_semaphore, #tpu.memory_space<semaphore_mem>>
        %dma_start3A_620 = tpu.memref_squeeze %dma_start3A_619 : memref<1x!tpu.dma_semaphore, #tpu.memory_space<semaphore_mem>> -> memref<!tpu.dma_semaphore, #tpu.memory_space<semaphore_mem>>
        %dma_start3A_621 = arith.constant 0 : i32
        %dma_start3A_622 = tpu.memref_slice %arg9[%select_n3A_598, %dma_start3A_621] : memref<2x8192xi32, #tpu.memory_space<vmem>> -> memref<1x8192xi32, #tpu.memory_space<vmem>>
        %dma_start3A_623 = tpu.memref_squeeze %dma_start3A_622 : memref<1x8192xi32, #tpu.memory_space<vmem>> -> memref<8192xi32, #tpu.memory_space<vmem>>
        %dma_start3A_624 = tpu.memref_slice %arg3[%select_n3A_310, %add3A_601] : memref<4x262144xi32, #tpu.memory_space<hbm>> -> memref<1x8192xi32, #tpu.memory_space<hbm>>
        %dma_start3A_625 = tpu.memref_squeeze %dma_start3A_624 : memref<1x8192xi32, #tpu.memory_space<hbm>> -> memref<8192xi32, #tpu.memory_space<hbm>>
        tpu.enqueue_dma source(%dma_start3A_625 : memref<8192xi32, #tpu.memory_space<hbm>>) target(%dma_start3A_623 : memref<8192xi32, #tpu.memory_space<vmem>>) target_semaphore(%dma_start3A_620 : memref<!tpu.dma_semaphore, #tpu.memory_space<semaphore_mem>>)
      } else {
      }
      %jit3A_531 = arith.constant 2 : i32
      %eq3A_532 = arith.constant 0 : i32
      %eq3A_533 = arith.cmpi eq, %jit3A_531, %eq3A_532 : i32
      %jit3A_534 = arith.constant 1 : i32
      %select_n3A_535 = arith.select %eq3A_533, %jit3A_534, %jit3A_531 : i32
      %rem3A_536 = arith.remsi %scan3A_506, %select_n3A_535 : i32
      %ne3A_537 = arith.constant 0 : i32
      %ne3A_538 = arith.cmpi ne, %rem3A_536, %ne3A_537 : i32
      %lt3A_539 = arith.constant 0 : i32
      %lt3A_540 = arith.cmpi slt, %rem3A_536, %lt3A_539 : i32
      %lt3A_541 = arith.constant 0 : i32
      %lt3A_542 = arith.cmpi slt, %select_n3A_535, %lt3A_541 : i32
      %ne3A_543 = arith.xori %lt3A_540, %lt3A_542 : i1
      %and3A_544 = arith.andi %ne3A_543, %ne3A_538 : i1
      %add3A_545 = arith.addi %rem3A_536, %select_n3A_535 : i32
      %select_n3A_546 = arith.select %and3A_544, %add3A_545, %rem3A_536 : i32
      %mul3A_547 = arith.constant 8192 : i32
      %mul3A_548 = arith.muli %scan3A_506, %mul3A_547 : i32
      %add3A_549 = arith.addi %mul3A_328, %mul3A_548 : i32
      %dma_wait3A = arith.constant 0 : i32
      %dma_wait3A_550 = tpu.memref_slice %arg8[%select_n3A_546, %dma_wait3A] : memref<2x8192xf32, #tpu.memory_space<vmem>> -> memref<1x8192xf32, #tpu.memory_space<vmem>>
      %dma_wait3A_551 = tpu.memref_squeeze %dma_wait3A_550 : memref<1x8192xf32, #tpu.memory_space<vmem>> -> memref<8192xf32, #tpu.memory_space<vmem>>
      %dma_wait3A_552 = tpu.memref_slice %arg2[%select_n3A_310, %select_n3A_270, %add3A_549] : memref<4x19x262144xf32, #tpu.memory_space<hbm>> -> memref<1x1x8192xf32, #tpu.memory_space<hbm>>
      %dma_wait3A_553 = tpu.memref_squeeze %dma_wait3A_552 : memref<1x1x8192xf32, #tpu.memory_space<hbm>> -> memref<8192xf32, #tpu.memory_space<hbm>>
      %dma_wait3A_554 = tpu.memref_slice %arg10[%select_n3A_546] : memref<2x!tpu.dma_semaphore, #tpu.memory_space<semaphore_mem>> -> memref<1x!tpu.dma_semaphore, #tpu.memory_space<semaphore_mem>>
      %dma_wait3A_555 = tpu.memref_squeeze %dma_wait3A_554 : memref<1x!tpu.dma_semaphore, #tpu.memory_space<semaphore_mem>> -> memref<!tpu.dma_semaphore, #tpu.memory_space<semaphore_mem>>
      %dma_wait3A_556 = arith.constant 0 : i32
      %dma_wait3A_557 = tpu.memref_slice %arg8[%select_n3A_546, %dma_wait3A_556] : memref<2x8192xf32, #tpu.memory_space<vmem>> -> memref<1x8192xf32, #tpu.memory_space<vmem>>
      %dma_wait3A_558 = tpu.memref_squeeze %dma_wait3A_557 : memref<1x8192xf32, #tpu.memory_space<vmem>> -> memref<8192xf32, #tpu.memory_space<vmem>>
      %dma_wait3A_559 = tpu.memref_slice %arg2[%select_n3A_310, %select_n3A_270, %add3A_549] : memref<4x19x262144xf32, #tpu.memory_space<hbm>> -> memref<1x1x8192xf32, #tpu.memory_space<hbm>>
      %dma_wait3A_560 = tpu.memref_squeeze %dma_wait3A_559 : memref<1x1x8192xf32, #tpu.memory_space<hbm>> -> memref<8192xf32, #tpu.memory_space<hbm>>
      tpu.wait_dma2 semaphore(%dma_wait3A_555 : memref<!tpu.dma_semaphore, #tpu.memory_space<semaphore_mem>>) src(%dma_wait3A_560 : memref<8192xf32, #tpu.memory_space<hbm>>) dst(%dma_wait3A_558 : memref<8192xf32, #tpu.memory_space<vmem>>)
      %dma_wait3A_561 = arith.constant 0 : i32
      %dma_wait3A_562 = tpu.memref_slice %arg9[%select_n3A_546, %dma_wait3A_561] : memref<2x8192xi32, #tpu.memory_space<vmem>> -> memref<1x8192xi32, #tpu.memory_space<vmem>>
      %dma_wait3A_563 = tpu.memref_squeeze %dma_wait3A_562 : memref<1x8192xi32, #tpu.memory_space<vmem>> -> memref<8192xi32, #tpu.memory_space<vmem>>
      %dma_wait3A_564 = tpu.memref_slice %arg3[%select_n3A_310, %add3A_549] : memref<4x262144xi32, #tpu.memory_space<hbm>> -> memref<1x8192xi32, #tpu.memory_space<hbm>>
      %dma_wait3A_565 = tpu.memref_squeeze %dma_wait3A_564 : memref<1x8192xi32, #tpu.memory_space<hbm>> -> memref<8192xi32, #tpu.memory_space<hbm>>
      %dma_wait3A_566 = tpu.memref_slice %arg11[%select_n3A_546] : memref<2x!tpu.dma_semaphore, #tpu.memory_space<semaphore_mem>> -> memref<1x!tpu.dma_semaphore, #tpu.memory_space<semaphore_mem>>
      %dma_wait3A_567 = tpu.memref_squeeze %dma_wait3A_566 : memref<1x!tpu.dma_semaphore, #tpu.memory_space<semaphore_mem>> -> memref<!tpu.dma_semaphore, #tpu.memory_space<semaphore_mem>>
      %dma_wait3A_568 = arith.constant 0 : i32
      %dma_wait3A_569 = tpu.memref_slice %arg9[%select_n3A_546, %dma_wait3A_568] : memref<2x8192xi32, #tpu.memory_space<vmem>> -> memref<1x8192xi32, #tpu.memory_space<vmem>>
      %dma_wait3A_570 = tpu.memref_squeeze %dma_wait3A_569 : memref<1x8192xi32, #tpu.memory_space<vmem>> -> memref<8192xi32, #tpu.memory_space<vmem>>
      %dma_wait3A_571 = tpu.memref_slice %arg3[%select_n3A_310, %add3A_549] : memref<4x262144xi32, #tpu.memory_space<hbm>> -> memref<1x8192xi32, #tpu.memory_space<hbm>>
      %dma_wait3A_572 = tpu.memref_squeeze %dma_wait3A_571 : memref<1x8192xi32, #tpu.memory_space<hbm>> -> memref<8192xi32, #tpu.memory_space<hbm>>
      tpu.wait_dma2 semaphore(%dma_wait3A_567 : memref<!tpu.dma_semaphore, #tpu.memory_space<semaphore_mem>>) src(%dma_wait3A_572 : memref<8192xi32, #tpu.memory_space<hbm>>) dst(%dma_wait3A_570 : memref<8192xi32, #tpu.memory_space<vmem>>)
      %scan3A_573 = arith.constant 0 : i32
      %scan3A_574 = arith.constant 0 : i32
      %scan3A_575 = arith.constant 32 : i32
      %scan3A_576 = arith.addi %scan3A_574, %scan3A_575 : i32
      %scan3A_577 = arith.constant 1 : i32
      %scan3A_578 = scf.for %scan3A_581 = %scan3A_574 to %scan3A_576 step %scan3A_577 iter_args(%scan3A_582 = %scan3A_573) -> (i32)  : i32 {
        %mul3A_583 = arith.constant 256 : i32
        %mul3A_584 = arith.muli %scan3A_581, %mul3A_583 : i32
        %add3A_585 = arith.constant 0 : i32
        %add3A_586 = arith.addi %mul3A_584, %add3A_585 : i32
        %get3A = arith.index_cast %select_n3A_523 : i32 to index
        %get3A_587 = arith.index_cast %add3A_586 : i32 to index
        %get3A_588 = tpu.vector_load %arg9[%get3A, %get3A_587] {strides = array<i32>} : memref<2x8192xi32, #tpu.memory_space<vmem>>, vector<16xi32>,
        %add3A_589 = arith.constant 0 : i32
        %add3A_590 = arith.addi %mul3A_584, %add3A_589 : i32
        %get3A_591 = arith.index_cast %select_n3A_523 : i32 to index
        %get3A_592 = arith.index_cast %add3A_590 : i32 to index
        %get3A_593 = tpu.vector_load %arg8[%get3A_591, %get3A_592] {strides = array<i32>} : memref<2x8192xf32, #tpu.memory_space<vmem>>, vector<16xf32>,
        %eq3A_594 = vector.broadcast %select_n3A_270 : i32 to vector<16xi32>
        %eq3A_595 = arith.cmpi eq, %get3A_588, %eq3A_594 : vector<16xi32>
        %sub3A_596 = arith.constant 1.000000e+00 : f32
        %sub3A_597 = vector.broadcast %sub3A_596 : f32 to vector<16xf32>
        %sub3A_598 = arith.subf %sub3A_597, %get3A_593 : vector<16xf32>
        %select_n3A_599 = arith.select %eq3A_595, %sub3A_598, %get3A_593 : vector<16xi1>, vector<16xf32>
        %abs3A = math.absf %select_n3A_599 : vector<16xf32>
        %bitcast_convert_type3A = tpu.bitcast %abs3A : vector<16xf32> -> vector<16xi32>
        %shift_right_arithmetic3A = arith.constant 16 : i32
        %shift_right_arithmetic3A_600 = vector.broadcast %shift_right_arithmetic3A : i32 to vector<16xi32>
        %shift_right_arithmetic3A_601 = arith.shrsi %bitcast_convert_type3A, %shift_right_arithmetic3A_600 : vector<16xi32>
        %add3A_602 = arith.constant 16 : i32
        %add3A_603 = arith.addi %mul3A_584, %add3A_602 : i32
        %get3A_604 = arith.index_cast %select_n3A_523 : i32 to index
        %get3A_605 = arith.index_cast %add3A_603 : i32 to index
        %get3A_606 = tpu.vector_load %arg9[%get3A_604, %get3A_605] {strides = array<i32>} : memref<2x8192xi32, #tpu.memory_space<vmem>>, vector<16xi32>,
        %add3A_607 = arith.constant 16 : i32
        %add3A_608 = arith.addi %mul3A_584, %add3A_607 : i32
        %get3A_609 = arith.index_cast %select_n3A_523 : i32 to index
        %get3A_610 = arith.index_cast %add3A_608 : i32 to index
        %get3A_611 = tpu.vector_load %arg8[%get3A_609, %get3A_610] {strides = array<i32>} : memref<2x8192xf32, #tpu.memory_space<vmem>>, vector<16xf32>,
        %eq3A_612 = vector.broadcast %select_n3A_270 : i32 to vector<16xi32>
        %eq3A_613 = arith.cmpi eq, %get3A_606, %eq3A_612 : vector<16xi32>
        %sub3A_614 = arith.constant 1.000000e+00 : f32
        %sub3A_615 = vector.broadcast %sub3A_614 : f32 to vector<16xf32>
        %sub3A_616 = arith.subf %sub3A_615, %get3A_611 : vector<16xf32>
        %select_n3A_617 = arith.select %eq3A_613, %sub3A_616, %get3A_611 : vector<16xi1>, vector<16xf32>
        %abs3A_618 = math.absf %select_n3A_617 : vector<16xf32>
        %bitcast_convert_type3A_619 = tpu.bitcast %abs3A_618 : vector<16xf32> -> vector<16xi32>
        %shift_right_arithmetic3A_620 = arith.constant 16 : i32
        %shift_right_arithmetic3A_621 = vector.broadcast %shift_right_arithmetic3A_620 : i32 to vector<16xi32>
        %shift_right_arithmetic3A_622 = arith.shrsi %bitcast_convert_type3A_619, %shift_right_arithmetic3A_621 : vector<16xi32>
        %add3A_623 = arith.constant 32 : i32
        %add3A_624 = arith.addi %mul3A_584, %add3A_623 : i32
        %get3A_625 = arith.index_cast %select_n3A_523 : i32 to index
        %get3A_626 = arith.index_cast %add3A_624 : i32 to index
        %get3A_627 = tpu.vector_load %arg9[%get3A_625, %get3A_626] {strides = array<i32>} : memref<2x8192xi32, #tpu.memory_space<vmem>>, vector<16xi32>,
        %add3A_628 = arith.constant 32 : i32
        %add3A_629 = arith.addi %mul3A_584, %add3A_628 : i32
        %get3A_630 = arith.index_cast %select_n3A_523 : i32 to index
        %get3A_631 = arith.index_cast %add3A_629 : i32 to index
        %get3A_632 = tpu.vector_load %arg8[%get3A_630, %get3A_631] {strides = array<i32>} : memref<2x8192xf32, #tpu.memory_space<vmem>>, vector<16xf32>,
        %eq3A_633 = vector.broadcast %select_n3A_270 : i32 to vector<16xi32>
        %eq3A_634 = arith.cmpi eq, %get3A_627, %eq3A_633 : vector<16xi32>
        %sub3A_635 = arith.constant 1.000000e+00 : f32
        %sub3A_636 = vector.broadcast %sub3A_635 : f32 to vector<16xf32>
        %sub3A_637 = arith.subf %sub3A_636, %get3A_632 : vector<16xf32>
        %select_n3A_638 = arith.select %eq3A_634, %sub3A_637, %get3A_632 : vector<16xi1>, vector<16xf32>
        %abs3A_639 = math.absf %select_n3A_638 : vector<16xf32>
        %bitcast_convert_type3A_640 = tpu.bitcast %abs3A_639 : vector<16xf32> -> vector<16xi32>
        %shift_right_arithmetic3A_641 = arith.constant 16 : i32
        %shift_right_arithmetic3A_642 = vector.broadcast %shift_right_arithmetic3A_641 : i32 to vector<16xi32>
        %shift_right_arithmetic3A_643 = arith.shrsi %bitcast_convert_type3A_640, %shift_right_arithmetic3A_642 : vector<16xi32>
        %add3A_644 = arith.constant 48 : i32
        %add3A_645 = arith.addi %mul3A_584, %add3A_644 : i32
        %get3A_646 = arith.index_cast %select_n3A_523 : i32 to index
        %get3A_647 = arith.index_cast %add3A_645 : i32 to index
        %get3A_648 = tpu.vector_load %arg9[%get3A_646, %get3A_647] {strides = array<i32>} : memref<2x8192xi32, #tpu.memory_space<vmem>>, vector<16xi32>,
        %add3A_649 = arith.constant 48 : i32
        %add3A_650 = arith.addi %mul3A_584, %add3A_649 : i32
        %get3A_651 = arith.index_cast %select_n3A_523 : i32 to index
        %get3A_652 = arith.index_cast %add3A_650 : i32 to index
        %get3A_653 = tpu.vector_load %arg8[%get3A_651, %get3A_652] {strides = array<i32>} : memref<2x8192xf32, #tpu.memory_space<vmem>>, vector<16xf32>,
        %eq3A_654 = vector.broadcast %select_n3A_270 : i32 to vector<16xi32>
        %eq3A_655 = arith.cmpi eq, %get3A_648, %eq3A_654 : vector<16xi32>
        %sub3A_656 = arith.constant 1.000000e+00 : f32
        %sub3A_657 = vector.broadcast %sub3A_656 : f32 to vector<16xf32>
        %sub3A_658 = arith.subf %sub3A_657, %get3A_653 : vector<16xf32>
        %select_n3A_659 = arith.select %eq3A_655, %sub3A_658, %get3A_653 : vector<16xi1>, vector<16xf32>
        %abs3A_660 = math.absf %select_n3A_659 : vector<16xf32>
        %bitcast_convert_type3A_661 = tpu.bitcast %abs3A_660 : vector<16xf32> -> vector<16xi32>
        %shift_right_arithmetic3A_662 = arith.constant 16 : i32
        %shift_right_arithmetic3A_663 = vector.broadcast %shift_right_arithmetic3A_662 : i32 to vector<16xi32>
        %shift_right_arithmetic3A_664 = arith.shrsi %bitcast_convert_type3A_661, %shift_right_arithmetic3A_663 : vector<16xi32>
        %add3A_665 = arith.constant 64 : i32
        %add3A_666 = arith.addi %mul3A_584, %add3A_665 : i32
        %get3A_667 = arith.index_cast %select_n3A_523 : i32 to index
        %get3A_668 = arith.index_cast %add3A_666 : i32 to index
        %get3A_669 = tpu.vector_load %arg9[%get3A_667, %get3A_668] {strides = array<i32>} : memref<2x8192xi32, #tpu.memory_space<vmem>>, vector<16xi32>,
        %add3A_670 = arith.constant 64 : i32
        %add3A_671 = arith.addi %mul3A_584, %add3A_670 : i32
        %get3A_672 = arith.index_cast %select_n3A_523 : i32 to index
        %get3A_673 = arith.index_cast %add3A_671 : i32 to index
        %get3A_674 = tpu.vector_load %arg8[%get3A_672, %get3A_673] {strides = array<i32>} : memref<2x8192xf32, #tpu.memory_space<vmem>>, vector<16xf32>,
        %eq3A_675 = vector.broadcast %select_n3A_270 : i32 to vector<16xi32>
        %eq3A_676 = arith.cmpi eq, %get3A_669, %eq3A_675 : vector<16xi32>
        %sub3A_677 = arith.constant 1.000000e+00 : f32
        %sub3A_678 = vector.broadcast %sub3A_677 : f32 to vector<16xf32>
        %sub3A_679 = arith.subf %sub3A_678, %get3A_674 : vector<16xf32>
        %select_n3A_680 = arith.select %eq3A_676, %sub3A_679, %get3A_674 : vector<16xi1>, vector<16xf32>
        %abs3A_681 = math.absf %select_n3A_680 : vector<16xf32>
        %bitcast_convert_type3A_682 = tpu.bitcast %abs3A_681 : vector<16xf32> -> vector<16xi32>
        %shift_right_arithmetic3A_683 = arith.constant 16 : i32
        %shift_right_arithmetic3A_684 = vector.broadcast %shift_right_arithmetic3A_683 : i32 to vector<16xi32>
        %shift_right_arithmetic3A_685 = arith.shrsi %bitcast_convert_type3A_682, %shift_right_arithmetic3A_684 : vector<16xi32>
        %add3A_686 = arith.constant 80 : i32
        %add3A_687 = arith.addi %mul3A_584, %add3A_686 : i32
        %get3A_688 = arith.index_cast %select_n3A_523 : i32 to index
        %get3A_689 = arith.index_cast %add3A_687 : i32 to index
        %get3A_690 = tpu.vector_load %arg9[%get3A_688, %get3A_689] {strides = array<i32>} : memref<2x8192xi32, #tpu.memory_space<vmem>>, vector<16xi32>,
        %add3A_691 = arith.constant 80 : i32
        %add3A_692 = arith.addi %mul3A_584, %add3A_691 : i32
        %get3A_693 = arith.index_cast %select_n3A_523 : i32 to index
        %get3A_694 = arith.index_cast %add3A_692 : i32 to index
        %get3A_695 = tpu.vector_load %arg8[%get3A_693, %get3A_694] {strides = array<i32>} : memref<2x8192xf32, #tpu.memory_space<vmem>>, vector<16xf32>,
        %eq3A_696 = vector.broadcast %select_n3A_270 : i32 to vector<16xi32>
        %eq3A_697 = arith.cmpi eq, %get3A_690, %eq3A_696 : vector<16xi32>
        %sub3A_698 = arith.constant 1.000000e+00 : f32
        %sub3A_699 = vector.broadcast %sub3A_698 : f32 to vector<16xf32>
        %sub3A_700 = arith.subf %sub3A_699, %get3A_695 : vector<16xf32>
        %select_n3A_701 = arith.select %eq3A_697, %sub3A_700, %get3A_695 : vector<16xi1>, vector<16xf32>
        %abs3A_702 = math.absf %select_n3A_701 : vector<16xf32>
        %bitcast_convert_type3A_703 = tpu.bitcast %abs3A_702 : vector<16xf32> -> vector<16xi32>
        %shift_right_arithmetic3A_704 = arith.constant 16 : i32
        %shift_right_arithmetic3A_705 = vector.broadcast %shift_right_arithmetic3A_704 : i32 to vector<16xi32>
        %shift_right_arithmetic3A_706 = arith.shrsi %bitcast_convert_type3A_703, %shift_right_arithmetic3A_705 : vector<16xi32>
        %add3A_707 = arith.constant 96 : i32
        %add3A_708 = arith.addi %mul3A_584, %add3A_707 : i32
        %get3A_709 = arith.index_cast %select_n3A_523 : i32 to index
        %get3A_710 = arith.index_cast %add3A_708 : i32 to index
        %get3A_711 = tpu.vector_load %arg9[%get3A_709, %get3A_710] {strides = array<i32>} : memref<2x8192xi32, #tpu.memory_space<vmem>>, vector<16xi32>,
        %add3A_712 = arith.constant 96 : i32
        %add3A_713 = arith.addi %mul3A_584, %add3A_712 : i32
        %get3A_714 = arith.index_cast %select_n3A_523 : i32 to index
        %get3A_715 = arith.index_cast %add3A_713 : i32 to index
        %get3A_716 = tpu.vector_load %arg8[%get3A_714, %get3A_715] {strides = array<i32>} : memref<2x8192xf32, #tpu.memory_space<vmem>>, vector<16xf32>,
        %eq3A_717 = vector.broadcast %select_n3A_270 : i32 to vector<16xi32>
        %eq3A_718 = arith.cmpi eq, %get3A_711, %eq3A_717 : vector<16xi32>
        %sub3A_719 = arith.constant 1.000000e+00 : f32
        %sub3A_720 = vector.broadcast %sub3A_719 : f32 to vector<16xf32>
        %sub3A_721 = arith.subf %sub3A_720, %get3A_716 : vector<16xf32>
        %select_n3A_722 = arith.select %eq3A_718, %sub3A_721, %get3A_716 : vector<16xi1>, vector<16xf32>
        %abs3A_723 = math.absf %select_n3A_722 : vector<16xf32>
        %bitcast_convert_type3A_724 = tpu.bitcast %abs3A_723 : vector<16xf32> -> vector<16xi32>
        %shift_right_arithmetic3A_725 = arith.constant 16 : i32
        %shift_right_arithmetic3A_726 = vector.broadcast %shift_right_arithmetic3A_725 : i32 to vector<16xi32>
        %shift_right_arithmetic3A_727 = arith.shrsi %bitcast_convert_type3A_724, %shift_right_arithmetic3A_726 : vector<16xi32>
        %add3A_728 = arith.constant 112 : i32
        %add3A_729 = arith.addi %mul3A_584, %add3A_728 : i32
        %get3A_730 = arith.index_cast %select_n3A_523 : i32 to index
        %get3A_731 = arith.index_cast %add3A_729 : i32 to index
        %get3A_732 = tpu.vector_load %arg9[%get3A_730, %get3A_731] {strides = array<i32>} : memref<2x8192xi32, #tpu.memory_space<vmem>>, vector<16xi32>,
        %add3A_733 = arith.constant 112 : i32
        %add3A_734 = arith.addi %mul3A_584, %add3A_733 : i32
        %get3A_735 = arith.index_cast %select_n3A_523 : i32 to index
        %get3A_736 = arith.index_cast %add3A_734 : i32 to index
        %get3A_737 = tpu.vector_load %arg8[%get3A_735, %get3A_736] {strides = array<i32>} : memref<2x8192xf32, #tpu.memory_space<vmem>>, vector<16xf32>,
        %eq3A_738 = vector.broadcast %select_n3A_270 : i32 to vector<16xi32>
        %eq3A_739 = arith.cmpi eq, %get3A_732, %eq3A_738 : vector<16xi32>
        %sub3A_740 = arith.constant 1.000000e+00 : f32
        %sub3A_741 = vector.broadcast %sub3A_740 : f32 to vector<16xf32>
        %sub3A_742 = arith.subf %sub3A_741, %get3A_737 : vector<16xf32>
        %select_n3A_743 = arith.select %eq3A_739, %sub3A_742, %get3A_737 : vector<16xi1>, vector<16xf32>
        %abs3A_744 = math.absf %select_n3A_743 : vector<16xf32>
        %bitcast_convert_type3A_745 = tpu.bitcast %abs3A_744 : vector<16xf32> -> vector<16xi32>
        %shift_right_arithmetic3A_746 = arith.constant 16 : i32
        %shift_right_arithmetic3A_747 = vector.broadcast %shift_right_arithmetic3A_746 : i32 to vector<16xi32>
        %shift_right_arithmetic3A_748 = arith.shrsi %bitcast_convert_type3A_745, %shift_right_arithmetic3A_747 : vector<16xi32>
        %add3A_749 = arith.constant 128 : i32
        %add3A_750 = arith.addi %mul3A_584, %add3A_749 : i32
        %get3A_751 = arith.index_cast %select_n3A_523 : i32 to index
        %get3A_752 = arith.index_cast %add3A_750 : i32 to index
        %get3A_753 = tpu.vector_load %arg9[%get3A_751, %get3A_752] {strides = array<i32>} : memref<2x8192xi32, #tpu.memory_space<vmem>>, vector<16xi32>,
        %add3A_754 = arith.constant 128 : i32
        %add3A_755 = arith.addi %mul3A_584, %add3A_754 : i32
        %get3A_756 = arith.index_cast %select_n3A_523 : i32 to index
        %get3A_757 = arith.index_cast %add3A_755 : i32 to index
        %get3A_758 = tpu.vector_load %arg8[%get3A_756, %get3A_757] {strides = array<i32>} : memref<2x8192xf32, #tpu.memory_space<vmem>>, vector<16xf32>,
        %eq3A_759 = vector.broadcast %select_n3A_270 : i32 to vector<16xi32>
        %eq3A_760 = arith.cmpi eq, %get3A_753, %eq3A_759 : vector<16xi32>
        %sub3A_761 = arith.constant 1.000000e+00 : f32
        %sub3A_762 = vector.broadcast %sub3A_761 : f32 to vector<16xf32>
        %sub3A_763 = arith.subf %sub3A_762, %get3A_758 : vector<16xf32>
        %select_n3A_764 = arith.select %eq3A_760, %sub3A_763, %get3A_758 : vector<16xi1>, vector<16xf32>
        %abs3A_765 = math.absf %select_n3A_764 : vector<16xf32>
        %bitcast_convert_type3A_766 = tpu.bitcast %abs3A_765 : vector<16xf32> -> vector<16xi32>
        %shift_right_arithmetic3A_767 = arith.constant 16 : i32
        %shift_right_arithmetic3A_768 = vector.broadcast %shift_right_arithmetic3A_767 : i32 to vector<16xi32>
        %shift_right_arithmetic3A_769 = arith.shrsi %bitcast_convert_type3A_766, %shift_right_arithmetic3A_768 : vector<16xi32>
        %add3A_770 = arith.constant 144 : i32
        %add3A_771 = arith.addi %mul3A_584, %add3A_770 : i32
        %get3A_772 = arith.index_cast %select_n3A_523 : i32 to index
        %get3A_773 = arith.index_cast %add3A_771 : i32 to index
        %get3A_774 = tpu.vector_load %arg9[%get3A_772, %get3A_773] {strides = array<i32>} : memref<2x8192xi32, #tpu.memory_space<vmem>>, vector<16xi32>,
        %add3A_775 = arith.constant 144 : i32
        %add3A_776 = arith.addi %mul3A_584, %add3A_775 : i32
        %get3A_777 = arith.index_cast %select_n3A_523 : i32 to index
        %get3A_778 = arith.index_cast %add3A_776 : i32 to index
        %get3A_779 = tpu.vector_load %arg8[%get3A_777, %get3A_778] {strides = array<i32>} : memref<2x8192xf32, #tpu.memory_space<vmem>>, vector<16xf32>,
        %eq3A_780 = vector.broadcast %select_n3A_270 : i32 to vector<16xi32>
        %eq3A_781 = arith.cmpi eq, %get3A_774, %eq3A_780 : vector<16xi32>
        %sub3A_782 = arith.constant 1.000000e+00 : f32
        %sub3A_783 = vector.broadcast %sub3A_782 : f32 to vector<16xf32>
        %sub3A_784 = arith.subf %sub3A_783, %get3A_779 : vector<16xf32>
        %select_n3A_785 = arith.select %eq3A_781, %sub3A_784, %get3A_779 : vector<16xi1>, vector<16xf32>
        %abs3A_786 = math.absf %select_n3A_785 : vector<16xf32>
        %bitcast_convert_type3A_787 = tpu.bitcast %abs3A_786 : vector<16xf32> -> vector<16xi32>
        %shift_right_arithmetic3A_788 = arith.constant 16 : i32
        %shift_right_arithmetic3A_789 = vector.broadcast %shift_right_arithmetic3A_788 : i32 to vector<16xi32>
        %shift_right_arithmetic3A_790 = arith.shrsi %bitcast_convert_type3A_787, %shift_right_arithmetic3A_789 : vector<16xi32>
        %add3A_791 = arith.constant 160 : i32
        %add3A_792 = arith.addi %mul3A_584, %add3A_791 : i32
        %get3A_793 = arith.index_cast %select_n3A_523 : i32 to index
        %get3A_794 = arith.index_cast %add3A_792 : i32 to index
        %get3A_795 = tpu.vector_load %arg9[%get3A_793, %get3A_794] {strides = array<i32>} : memref<2x8192xi32, #tpu.memory_space<vmem>>, vector<16xi32>,
        %add3A_796 = arith.constant 160 : i32
        %add3A_797 = arith.addi %mul3A_584, %add3A_796 : i32
        %get3A_798 = arith.index_cast %select_n3A_523 : i32 to index
        %get3A_799 = arith.index_cast %add3A_797 : i32 to index
        %get3A_800 = tpu.vector_load %arg8[%get3A_798, %get3A_799] {strides = array<i32>} : memref<2x8192xf32, #tpu.memory_space<vmem>>, vector<16xf32>,
        %eq3A_801 = vector.broadcast %select_n3A_270 : i32 to vector<16xi32>
        %eq3A_802 = arith.cmpi eq, %get3A_795, %eq3A_801 : vector<16xi32>
        %sub3A_803 = arith.constant 1.000000e+00 : f32
        %sub3A_804 = vector.broadcast %sub3A_803 : f32 to vector<16xf32>
        %sub3A_805 = arith.subf %sub3A_804, %get3A_800 : vector<16xf32>
        %select_n3A_806 = arith.select %eq3A_802, %sub3A_805, %get3A_800 : vector<16xi1>, vector<16xf32>
        %abs3A_807 = math.absf %select_n3A_806 : vector<16xf32>
        %bitcast_convert_type3A_808 = tpu.bitcast %abs3A_807 : vector<16xf32> -> vector<16xi32>
        %shift_right_arithmetic3A_809 = arith.constant 16 : i32
        %shift_right_arithmetic3A_810 = vector.broadcast %shift_right_arithmetic3A_809 : i32 to vector<16xi32>
        %shift_right_arithmetic3A_811 = arith.shrsi %bitcast_convert_type3A_808, %shift_right_arithmetic3A_810 : vector<16xi32>
        %add3A_812 = arith.constant 176 : i32
        %add3A_813 = arith.addi %mul3A_584, %add3A_812 : i32
        %get3A_814 = arith.index_cast %select_n3A_523 : i32 to index
        %get3A_815 = arith.index_cast %add3A_813 : i32 to index
        %get3A_816 = tpu.vector_load %arg9[%get3A_814, %get3A_815] {strides = array<i32>} : memref<2x8192xi32, #tpu.memory_space<vmem>>, vector<16xi32>,
        %add3A_817 = arith.constant 176 : i32
        %add3A_818 = arith.addi %mul3A_584, %add3A_817 : i32
        %get3A_819 = arith.index_cast %select_n3A_523 : i32 to index
        %get3A_820 = arith.index_cast %add3A_818 : i32 to index
        %get3A_821 = tpu.vector_load %arg8[%get3A_819, %get3A_820] {strides = array<i32>} : memref<2x8192xf32, #tpu.memory_space<vmem>>, vector<16xf32>,
        %eq3A_822 = vector.broadcast %select_n3A_270 : i32 to vector<16xi32>
        %eq3A_823 = arith.cmpi eq, %get3A_816, %eq3A_822 : vector<16xi32>
        %sub3A_824 = arith.constant 1.000000e+00 : f32
        %sub3A_825 = vector.broadcast %sub3A_824 : f32 to vector<16xf32>
        %sub3A_826 = arith.subf %sub3A_825, %get3A_821 : vector<16xf32>
        %select_n3A_827 = arith.select %eq3A_823, %sub3A_826, %get3A_821 : vector<16xi1>, vector<16xf32>
        %abs3A_828 = math.absf %select_n3A_827 : vector<16xf32>
        %bitcast_convert_type3A_829 = tpu.bitcast %abs3A_828 : vector<16xf32> -> vector<16xi32>
        %shift_right_arithmetic3A_830 = arith.constant 16 : i32
        %shift_right_arithmetic3A_831 = vector.broadcast %shift_right_arithmetic3A_830 : i32 to vector<16xi32>
        %shift_right_arithmetic3A_832 = arith.shrsi %bitcast_convert_type3A_829, %shift_right_arithmetic3A_831 : vector<16xi32>
        %add3A_833 = arith.constant 192 : i32
        %add3A_834 = arith.addi %mul3A_584, %add3A_833 : i32
        %get3A_835 = arith.index_cast %select_n3A_523 : i32 to index
        %get3A_836 = arith.index_cast %add3A_834 : i32 to index
        %get3A_837 = tpu.vector_load %arg9[%get3A_835, %get3A_836] {strides = array<i32>} : memref<2x8192xi32, #tpu.memory_space<vmem>>, vector<16xi32>,
        %add3A_838 = arith.constant 192 : i32
        %add3A_839 = arith.addi %mul3A_584, %add3A_838 : i32
        %get3A_840 = arith.index_cast %select_n3A_523 : i32 to index
        %get3A_841 = arith.index_cast %add3A_839 : i32 to index
        %get3A_842 = tpu.vector_load %arg8[%get3A_840, %get3A_841] {strides = array<i32>} : memref<2x8192xf32, #tpu.memory_space<vmem>>, vector<16xf32>,
        %eq3A_843 = vector.broadcast %select_n3A_270 : i32 to vector<16xi32>
        %eq3A_844 = arith.cmpi eq, %get3A_837, %eq3A_843 : vector<16xi32>
        %sub3A_845 = arith.constant 1.000000e+00 : f32
        %sub3A_846 = vector.broadcast %sub3A_845 : f32 to vector<16xf32>
        %sub3A_847 = arith.subf %sub3A_846, %get3A_842 : vector<16xf32>
        %select_n3A_848 = arith.select %eq3A_844, %sub3A_847, %get3A_842 : vector<16xi1>, vector<16xf32>
        %abs3A_849 = math.absf %select_n3A_848 : vector<16xf32>
        %bitcast_convert_type3A_850 = tpu.bitcast %abs3A_849 : vector<16xf32> -> vector<16xi32>
        %shift_right_arithmetic3A_851 = arith.constant 16 : i32
        %shift_right_arithmetic3A_852 = vector.broadcast %shift_right_arithmetic3A_851 : i32 to vector<16xi32>
        %shift_right_arithmetic3A_853 = arith.shrsi %bitcast_convert_type3A_850, %shift_right_arithmetic3A_852 : vector<16xi32>
        %add3A_854 = arith.constant 208 : i32
        %add3A_855 = arith.addi %mul3A_584, %add3A_854 : i32
        %get3A_856 = arith.index_cast %select_n3A_523 : i32 to index
        %get3A_857 = arith.index_cast %add3A_855 : i32 to index
        %get3A_858 = tpu.vector_load %arg9[%get3A_856, %get3A_857] {strides = array<i32>} : memref<2x8192xi32, #tpu.memory_space<vmem>>, vector<16xi32>,
        %add3A_859 = arith.constant 208 : i32
        %add3A_860 = arith.addi %mul3A_584, %add3A_859 : i32
        %get3A_861 = arith.index_cast %select_n3A_523 : i32 to index
        %get3A_862 = arith.index_cast %add3A_860 : i32 to index
        %get3A_863 = tpu.vector_load %arg8[%get3A_861, %get3A_862] {strides = array<i32>} : memref<2x8192xf32, #tpu.memory_space<vmem>>, vector<16xf32>,
        %eq3A_864 = vector.broadcast %select_n3A_270 : i32 to vector<16xi32>
        %eq3A_865 = arith.cmpi eq, %get3A_858, %eq3A_864 : vector<16xi32>
        %sub3A_866 = arith.constant 1.000000e+00 : f32
        %sub3A_867 = vector.broadcast %sub3A_866 : f32 to vector<16xf32>
        %sub3A_868 = arith.subf %sub3A_867, %get3A_863 : vector<16xf32>
        %select_n3A_869 = arith.select %eq3A_865, %sub3A_868, %get3A_863 : vector<16xi1>, vector<16xf32>
        %abs3A_870 = math.absf %select_n3A_869 : vector<16xf32>
        %bitcast_convert_type3A_871 = tpu.bitcast %abs3A_870 : vector<16xf32> -> vector<16xi32>
        %shift_right_arithmetic3A_872 = arith.constant 16 : i32
        %shift_right_arithmetic3A_873 = vector.broadcast %shift_right_arithmetic3A_872 : i32 to vector<16xi32>
        %shift_right_arithmetic3A_874 = arith.shrsi %bitcast_convert_type3A_871, %shift_right_arithmetic3A_873 : vector<16xi32>
        %add3A_875 = arith.constant 224 : i32
        %add3A_876 = arith.addi %mul3A_584, %add3A_875 : i32
        %get3A_877 = arith.index_cast %select_n3A_523 : i32 to index
        %get3A_878 = arith.index_cast %add3A_876 : i32 to index
        %get3A_879 = tpu.vector_load %arg9[%get3A_877, %get3A_878] {strides = array<i32>} : memref<2x8192xi32, #tpu.memory_space<vmem>>, vector<16xi32>,
        %add3A_880 = arith.constant 224 : i32
        %add3A_881 = arith.addi %mul3A_584, %add3A_880 : i32
        %get3A_882 = arith.index_cast %select_n3A_523 : i32 to index
        %get3A_883 = arith.index_cast %add3A_881 : i32 to index
        %get3A_884 = tpu.vector_load %arg8[%get3A_882, %get3A_883] {strides = array<i32>} : memref<2x8192xf32, #tpu.memory_space<vmem>>, vector<16xf32>,
        %eq3A_885 = vector.broadcast %select_n3A_270 : i32 to vector<16xi32>
        %eq3A_886 = arith.cmpi eq, %get3A_879, %eq3A_885 : vector<16xi32>
        %sub3A_887 = arith.constant 1.000000e+00 : f32
        %sub3A_888 = vector.broadcast %sub3A_887 : f32 to vector<16xf32>
        %sub3A_889 = arith.subf %sub3A_888, %get3A_884 : vector<16xf32>
        %select_n3A_890 = arith.select %eq3A_886, %sub3A_889, %get3A_884 : vector<16xi1>, vector<16xf32>
        %abs3A_891 = math.absf %select_n3A_890 : vector<16xf32>
        %bitcast_convert_type3A_892 = tpu.bitcast %abs3A_891 : vector<16xf32> -> vector<16xi32>
        %shift_right_arithmetic3A_893 = arith.constant 16 : i32
        %shift_right_arithmetic3A_894 = vector.broadcast %shift_right_arithmetic3A_893 : i32 to vector<16xi32>
        %shift_right_arithmetic3A_895 = arith.shrsi %bitcast_convert_type3A_892, %shift_right_arithmetic3A_894 : vector<16xi32>
        %add3A_896 = arith.constant 240 : i32
        %add3A_897 = arith.addi %mul3A_584, %add3A_896 : i32
        %get3A_898 = arith.index_cast %select_n3A_523 : i32 to index
        %get3A_899 = arith.index_cast %add3A_897 : i32 to index
        %get3A_900 = tpu.vector_load %arg9[%get3A_898, %get3A_899] {strides = array<i32>} : memref<2x8192xi32, #tpu.memory_space<vmem>>, vector<16xi32>,
        %add3A_901 = arith.constant 240 : i32
        %add3A_902 = arith.addi %mul3A_584, %add3A_901 : i32
        %get3A_903 = arith.index_cast %select_n3A_523 : i32 to index
        %get3A_904 = arith.index_cast %add3A_902 : i32 to index
        %get3A_905 = tpu.vector_load %arg8[%get3A_903, %get3A_904] {strides = array<i32>} : memref<2x8192xf32, #tpu.memory_space<vmem>>, vector<16xf32>,
        %eq3A_906 = vector.broadcast %select_n3A_270 : i32 to vector<16xi32>
        %eq3A_907 = arith.cmpi eq, %get3A_900, %eq3A_906 : vector<16xi32>
        %sub3A_908 = arith.constant 1.000000e+00 : f32
        %sub3A_909 = vector.broadcast %sub3A_908 : f32 to vector<16xf32>
        %sub3A_910 = arith.subf %sub3A_909, %get3A_905 : vector<16xf32>
        %select_n3A_911 = arith.select %eq3A_907, %sub3A_910, %get3A_905 : vector<16xi1>, vector<16xf32>
        %abs3A_912 = math.absf %select_n3A_911 : vector<16xf32>
        %bitcast_convert_type3A_913 = tpu.bitcast %abs3A_912 : vector<16xf32> -> vector<16xi32>
        %shift_right_arithmetic3A_914 = arith.constant 16 : i32
        %shift_right_arithmetic3A_915 = vector.broadcast %shift_right_arithmetic3A_914 : i32 to vector<16xi32>
        %shift_right_arithmetic3A_916 = arith.shrsi %bitcast_convert_type3A_913, %shift_right_arithmetic3A_915 : vector<16xi32>
        %broadcast_in_dim3A = arith.constant true
        %broadcast_in_dim3A_917 = vector.broadcast %broadcast_in_dim3A : i1 to vector<16xi1>
        %unique3A, %unique3A_918 = tpu.scan_count mask(%broadcast_in_dim3A_917 : vector<16xi1>) value(%shift_right_arithmetic3A_601 : vector<16xi32>) : vector<16xi1>, vector<16xi32>
        %unique3A_919, %unique3A_920 = tpu.scan_count mask(%eq3A_595 : vector<16xi1>) value(%shift_right_arithmetic3A_601 : vector<16xi32>) : vector<16xi1>, vector<16xi32>
        %broadcast_in_dim3A_921 = arith.constant true
        %broadcast_in_dim3A_922 = vector.broadcast %broadcast_in_dim3A_921 : i1 to vector<16xi1>
        %unique3A_923, %unique3A_924 = tpu.scan_count mask(%broadcast_in_dim3A_922 : vector<16xi1>) value(%shift_right_arithmetic3A_622 : vector<16xi32>) : vector<16xi1>, vector<16xi32>
        %unique3A_925, %unique3A_926 = tpu.scan_count mask(%eq3A_613 : vector<16xi1>) value(%shift_right_arithmetic3A_622 : vector<16xi32>) : vector<16xi1>, vector<16xi32>
        %broadcast_in_dim3A_927 = arith.constant true
        %broadcast_in_dim3A_928 = vector.broadcast %broadcast_in_dim3A_927 : i1 to vector<16xi1>
        %unique3A_929, %unique3A_930 = tpu.scan_count mask(%broadcast_in_dim3A_928 : vector<16xi1>) value(%shift_right_arithmetic3A_643 : vector<16xi32>) : vector<16xi1>, vector<16xi32>
        %unique3A_931, %unique3A_932 = tpu.scan_count mask(%eq3A_634 : vector<16xi1>) value(%shift_right_arithmetic3A_643 : vector<16xi32>) : vector<16xi1>, vector<16xi32>
        %broadcast_in_dim3A_933 = arith.constant true
        %broadcast_in_dim3A_934 = vector.broadcast %broadcast_in_dim3A_933 : i1 to vector<16xi1>
        %unique3A_935, %unique3A_936 = tpu.scan_count mask(%broadcast_in_dim3A_934 : vector<16xi1>) value(%shift_right_arithmetic3A_664 : vector<16xi32>) : vector<16xi1>, vector<16xi32>
        %unique3A_937, %unique3A_938 = tpu.scan_count mask(%eq3A_655 : vector<16xi1>) value(%shift_right_arithmetic3A_664 : vector<16xi32>) : vector<16xi1>, vector<16xi32>
        %broadcast_in_dim3A_939 = arith.constant true
        %broadcast_in_dim3A_940 = vector.broadcast %broadcast_in_dim3A_939 : i1 to vector<16xi1>
        %unique3A_941, %unique3A_942 = tpu.scan_count mask(%broadcast_in_dim3A_940 : vector<16xi1>) value(%shift_right_arithmetic3A_685 : vector<16xi32>) : vector<16xi1>, vector<16xi32>
        %unique3A_943, %unique3A_944 = tpu.scan_count mask(%eq3A_676 : vector<16xi1>) value(%shift_right_arithmetic3A_685 : vector<16xi32>) : vector<16xi1>, vector<16xi32>
        %broadcast_in_dim3A_945 = arith.constant true
        %broadcast_in_dim3A_946 = vector.broadcast %broadcast_in_dim3A_945 : i1 to vector<16xi1>
        %unique3A_947, %unique3A_948 = tpu.scan_count mask(%broadcast_in_dim3A_946 : vector<16xi1>) value(%shift_right_arithmetic3A_706 : vector<16xi32>) : vector<16xi1>, vector<16xi32>
        %unique3A_949, %unique3A_950 = tpu.scan_count mask(%eq3A_697 : vector<16xi1>) value(%shift_right_arithmetic3A_706 : vector<16xi32>) : vector<16xi1>, vector<16xi32>
        %broadcast_in_dim3A_951 = arith.constant true
        %broadcast_in_dim3A_952 = vector.broadcast %broadcast_in_dim3A_951 : i1 to vector<16xi1>
        %unique3A_953, %unique3A_954 = tpu.scan_count mask(%broadcast_in_dim3A_952 : vector<16xi1>) value(%shift_right_arithmetic3A_727 : vector<16xi32>) : vector<16xi1>, vector<16xi32>
        %unique3A_955, %unique3A_956 = tpu.scan_count mask(%eq3A_718 : vector<16xi1>) value(%shift_right_arithmetic3A_727 : vector<16xi32>) : vector<16xi1>, vector<16xi32>
        %broadcast_in_dim3A_957 = arith.constant true
        %broadcast_in_dim3A_958 = vector.broadcast %broadcast_in_dim3A_957 : i1 to vector<16xi1>
        %unique3A_959, %unique3A_960 = tpu.scan_count mask(%broadcast_in_dim3A_958 : vector<16xi1>) value(%shift_right_arithmetic3A_748 : vector<16xi32>) : vector<16xi1>, vector<16xi32>
        %unique3A_961, %unique3A_962 = tpu.scan_count mask(%eq3A_739 : vector<16xi1>) value(%shift_right_arithmetic3A_748 : vector<16xi32>) : vector<16xi1>, vector<16xi32>
        %broadcast_in_dim3A_963 = arith.constant true
        %broadcast_in_dim3A_964 = vector.broadcast %broadcast_in_dim3A_963 : i1 to vector<16xi1>
        %unique3A_965, %unique3A_966 = tpu.scan_count mask(%broadcast_in_dim3A_964 : vector<16xi1>) value(%shift_right_arithmetic3A_769 : vector<16xi32>) : vector<16xi1>, vector<16xi32>
        %unique3A_967, %unique3A_968 = tpu.scan_count mask(%eq3A_760 : vector<16xi1>) value(%shift_right_arithmetic3A_769 : vector<16xi32>) : vector<16xi1>, vector<16xi32>
        %broadcast_in_dim3A_969 = arith.constant true
        %broadcast_in_dim3A_970 = vector.broadcast %broadcast_in_dim3A_969 : i1 to vector<16xi1>
        %unique3A_971, %unique3A_972 = tpu.scan_count mask(%broadcast_in_dim3A_970 : vector<16xi1>) value(%shift_right_arithmetic3A_790 : vector<16xi32>) : vector<16xi1>, vector<16xi32>
        %unique3A_973, %unique3A_974 = tpu.scan_count mask(%eq3A_781 : vector<16xi1>) value(%shift_right_arithmetic3A_790 : vector<16xi32>) : vector<16xi1>, vector<16xi32>
        %broadcast_in_dim3A_975 = arith.constant true
        %broadcast_in_dim3A_976 = vector.broadcast %broadcast_in_dim3A_975 : i1 to vector<16xi1>
        %unique3A_977, %unique3A_978 = tpu.scan_count mask(%broadcast_in_dim3A_976 : vector<16xi1>) value(%shift_right_arithmetic3A_811 : vector<16xi32>) : vector<16xi1>, vector<16xi32>
        %unique3A_979, %unique3A_980 = tpu.scan_count mask(%eq3A_802 : vector<16xi1>) value(%shift_right_arithmetic3A_811 : vector<16xi32>) : vector<16xi1>, vector<16xi32>
        %broadcast_in_dim3A_981 = arith.constant true
        %broadcast_in_dim3A_982 = vector.broadcast %broadcast_in_dim3A_981 : i1 to vector<16xi1>
        %unique3A_983, %unique3A_984 = tpu.scan_count mask(%broadcast_in_dim3A_982 : vector<16xi1>) value(%shift_right_arithmetic3A_832 : vector<16xi32>) : vector<16xi1>, vector<16xi32>
        %unique3A_985, %unique3A_986 = tpu.scan_count mask(%eq3A_823 : vector<16xi1>) value(%shift_right_arithmetic3A_832 : vector<16xi32>) : vector<16xi1>, vector<16xi32>
        %broadcast_in_dim3A_987 = arith.constant true
        %broadcast_in_dim3A_988 = vector.broadcast %broadcast_in_dim3A_987 : i1 to vector<16xi1>
        %unique3A_989, %unique3A_990 = tpu.scan_count mask(%broadcast_in_dim3A_988 : vector<16xi1>) value(%shift_right_arithmetic3A_853 : vector<16xi32>) : vector<16xi1>, vector<16xi32>
        %unique3A_991, %unique3A_992 = tpu.scan_count mask(%eq3A_844 : vector<16xi1>) value(%shift_right_arithmetic3A_853 : vector<16xi32>) : vector<16xi1>, vector<16xi32>
        %broadcast_in_dim3A_993 = arith.constant true
        %broadcast_in_dim3A_994 = vector.broadcast %broadcast_in_dim3A_993 : i1 to vector<16xi1>
        %unique3A_995, %unique3A_996 = tpu.scan_count mask(%broadcast_in_dim3A_994 : vector<16xi1>) value(%shift_right_arithmetic3A_874 : vector<16xi32>) : vector<16xi1>, vector<16xi32>
        %unique3A_997, %unique3A_998 = tpu.scan_count mask(%eq3A_865 : vector<16xi1>) value(%shift_right_arithmetic3A_874 : vector<16xi32>) : vector<16xi1>, vector<16xi32>
        %broadcast_in_dim3A_999 = arith.constant true
        %broadcast_in_dim3A_1000 = vector.broadcast %broadcast_in_dim3A_999 : i1 to vector<16xi1>
        %unique3A_1001, %unique3A_1002 = tpu.scan_count mask(%broadcast_in_dim3A_1000 : vector<16xi1>) value(%shift_right_arithmetic3A_895 : vector<16xi32>) : vector<16xi1>, vector<16xi32>
        %unique3A_1003, %unique3A_1004 = tpu.scan_count mask(%eq3A_886 : vector<16xi1>) value(%shift_right_arithmetic3A_895 : vector<16xi32>) : vector<16xi1>, vector<16xi32>
        %broadcast_in_dim3A_1005 = arith.constant true
        %broadcast_in_dim3A_1006 = vector.broadcast %broadcast_in_dim3A_1005 : i1 to vector<16xi1>
        %unique3A_1007, %unique3A_1008 = tpu.scan_count mask(%broadcast_in_dim3A_1006 : vector<16xi1>) value(%shift_right_arithmetic3A_916 : vector<16xi32>) : vector<16xi1>, vector<16xi32>
        %unique3A_1009, %unique3A_1010 = tpu.scan_count mask(%eq3A_907 : vector<16xi1>) value(%shift_right_arithmetic3A_916 : vector<16xi32>) : vector<16xi1>, vector<16xi32>
        tpu.vector_store_idx %arg6[%shift_right_arithmetic3A_601], %unique3A_918 masked %unique3A {add = true} : memref<32768xi32, #tpu.memory_space<vmem>>[vector<16xi32>], vector<16xi32>, vector<16xi1>
        tpu.vector_store_idx %arg7[%shift_right_arithmetic3A_601], %unique3A_920 masked %unique3A_919 {add = true} : memref<32768xi32, #tpu.memory_space<vmem>>[vector<16xi32>], vector<16xi32>, vector<16xi1>
        tpu.vector_store_idx %arg6[%shift_right_arithmetic3A_622], %unique3A_924 masked %unique3A_923 {add = true} : memref<32768xi32, #tpu.memory_space<vmem>>[vector<16xi32>], vector<16xi32>, vector<16xi1>
        tpu.vector_store_idx %arg7[%shift_right_arithmetic3A_622], %unique3A_926 masked %unique3A_925 {add = true} : memref<32768xi32, #tpu.memory_space<vmem>>[vector<16xi32>], vector<16xi32>, vector<16xi1>
        tpu.vector_store_idx %arg6[%shift_right_arithmetic3A_643], %unique3A_930 masked %unique3A_929 {add = true} : memref<32768xi32, #tpu.memory_space<vmem>>[vector<16xi32>], vector<16xi32>, vector<16xi1>
        tpu.vector_store_idx %arg7[%shift_right_arithmetic3A_643], %unique3A_932 masked %unique3A_931 {add = true} : memref<32768xi32, #tpu.memory_space<vmem>>[vector<16xi32>], vector<16xi32>, vector<16xi1>
        tpu.vector_store_idx %arg6[%shift_right_arithmetic3A_664], %unique3A_936 masked %unique3A_935 {add = true} : memref<32768xi32, #tpu.memory_space<vmem>>[vector<16xi32>], vector<16xi32>, vector<16xi1>
        tpu.vector_store_idx %arg7[%shift_right_arithmetic3A_664], %unique3A_938 masked %unique3A_937 {add = true} : memref<32768xi32, #tpu.memory_space<vmem>>[vector<16xi32>], vector<16xi32>, vector<16xi1>
        tpu.vector_store_idx %arg6[%shift_right_arithmetic3A_685], %unique3A_942 masked %unique3A_941 {add = true} : memref<32768xi32, #tpu.memory_space<vmem>>[vector<16xi32>], vector<16xi32>, vector<16xi1>
        tpu.vector_store_idx %arg7[%shift_right_arithmetic3A_685], %unique3A_944 masked %unique3A_943 {add = true} : memref<32768xi32, #tpu.memory_space<vmem>>[vector<16xi32>], vector<16xi32>, vector<16xi1>
        tpu.vector_store_idx %arg6[%shift_right_arithmetic3A_706], %unique3A_948 masked %unique3A_947 {add = true} : memref<32768xi32, #tpu.memory_space<vmem>>[vector<16xi32>], vector<16xi32>, vector<16xi1>
        tpu.vector_store_idx %arg7[%shift_right_arithmetic3A_706], %unique3A_950 masked %unique3A_949 {add = true} : memref<32768xi32, #tpu.memory_space<vmem>>[vector<16xi32>], vector<16xi32>, vector<16xi1>
        tpu.vector_store_idx %arg6[%shift_right_arithmetic3A_727], %unique3A_954 masked %unique3A_953 {add = true} : memref<32768xi32, #tpu.memory_space<vmem>>[vector<16xi32>], vector<16xi32>, vector<16xi1>
        tpu.vector_store_idx %arg7[%shift_right_arithmetic3A_727], %unique3A_956 masked %unique3A_955 {add = true} : memref<32768xi32, #tpu.memory_space<vmem>>[vector<16xi32>], vector<16xi32>, vector<16xi1>
        tpu.vector_store_idx %arg6[%shift_right_arithmetic3A_748], %unique3A_960 masked %unique3A_959 {add = true} : memref<32768xi32, #tpu.memory_space<vmem>>[vector<16xi32>], vector<16xi32>, vector<16xi1>
        tpu.vector_store_idx %arg7[%shift_right_arithmetic3A_748], %unique3A_962 masked %unique3A_961 {add = true} : memref<32768xi32, #tpu.memory_space<vmem>>[vector<16xi32>], vector<16xi32>, vector<16xi1>
        tpu.vector_store_idx %arg6[%shift_right_arithmetic3A_769], %unique3A_966 masked %unique3A_965 {add = true} : memref<32768xi32, #tpu.memory_space<vmem>>[vector<16xi32>], vector<16xi32>, vector<16xi1>
        tpu.vector_store_idx %arg7[%shift_right_arithmetic3A_769], %unique3A_968 masked %unique3A_967 {add = true} : memref<32768xi32, #tpu.memory_space<vmem>>[vector<16xi32>], vector<16xi32>, vector<16xi1>
        tpu.vector_store_idx %arg6[%shift_right_arithmetic3A_790], %unique3A_972 masked %unique3A_971 {add = true} : memref<32768xi32, #tpu.memory_space<vmem>>[vector<16xi32>], vector<16xi32>, vector<16xi1>
        tpu.vector_store_idx %arg7[%shift_right_arithmetic3A_790], %unique3A_974 masked %unique3A_973 {add = true} : memref<32768xi32, #tpu.memory_space<vmem>>[vector<16xi32>], vector<16xi32>, vector<16xi1>
        tpu.vector_store_idx %arg6[%shift_right_arithmetic3A_811], %unique3A_978 masked %unique3A_977 {add = true} : memref<32768xi32, #tpu.memory_space<vmem>>[vector<16xi32>], vector<16xi32>, vector<16xi1>
        tpu.vector_store_idx %arg7[%shift_right_arithmetic3A_811], %unique3A_980 masked %unique3A_979 {add = true} : memref<32768xi32, #tpu.memory_space<vmem>>[vector<16xi32>], vector<16xi32>, vector<16xi1>
        tpu.vector_store_idx %arg6[%shift_right_arithmetic3A_832], %unique3A_984 masked %unique3A_983 {add = true} : memref<32768xi32, #tpu.memory_space<vmem>>[vector<16xi32>], vector<16xi32>, vector<16xi1>
        tpu.vector_store_idx %arg7[%shift_right_arithmetic3A_832], %unique3A_986 masked %unique3A_985 {add = true} : memref<32768xi32, #tpu.memory_space<vmem>>[vector<16xi32>], vector<16xi32>, vector<16xi1>
        tpu.vector_store_idx %arg6[%shift_right_arithmetic3A_853], %unique3A_990 masked %unique3A_989 {add = true} : memref<32768xi32, #tpu.memory_space<vmem>>[vector<16xi32>], vector<16xi32>, vector<16xi1>
        tpu.vector_store_idx %arg7[%shift_right_arithmetic3A_853], %unique3A_992 masked %unique3A_991 {add = true} : memref<32768xi32, #tpu.memory_space<vmem>>[vector<16xi32>], vector<16xi32>, vector<16xi1>
        tpu.vector_store_idx %arg6[%shift_right_arithmetic3A_874], %unique3A_996 masked %unique3A_995 {add = true} : memref<32768xi32, #tpu.memory_space<vmem>>[vector<16xi32>], vector<16xi32>, vector<16xi1>
        tpu.vector_store_idx %arg7[%shift_right_arithmetic3A_874], %unique3A_998 masked %unique3A_997 {add = true} : memref<32768xi32, #tpu.memory_space<vmem>>[vector<16xi32>], vector<16xi32>, vector<16xi1>
        tpu.vector_store_idx %arg6[%shift_right_arithmetic3A_895], %unique3A_1002 masked %unique3A_1001 {add = true} : memref<32768xi32, #tpu.memory_space<vmem>>[vector<16xi32>], vector<16xi32>, vector<16xi1>
        tpu.vector_store_idx %arg7[%shift_right_arithmetic3A_895], %unique3A_1004 masked %unique3A_1003 {add = true} : memref<32768xi32, #tpu.memory_space<vmem>>[vector<16xi32>], vector<16xi32>, vector<16xi1>
        tpu.vector_store_idx %arg6[%shift_right_arithmetic3A_916], %unique3A_1008 masked %unique3A_1007 {add = true} : memref<32768xi32, #tpu.memory_space<vmem>>[vector<16xi32>], vector<16xi32>, vector<16xi1>
        tpu.vector_store_idx %arg7[%shift_right_arithmetic3A_916], %unique3A_1010 masked %unique3A_1009 {add = true} : memref<32768xi32, #tpu.memory_space<vmem>>[vector<16xi32>], vector<16xi32>, vector<16xi1>
        %scan3A_1011 = arith.constant 0 : i32
        scf.yield %scan3A_1011 : i32
      }
      %scan3A_579 = arith.constant 32 : i32
      %scan3A_580 = arith.constant 0 : i32
      scf.yield %scan3A_580 : i32
    }
    %scan3A_372 = arith.constant 16 : i32
    "tpu.region"() ({
      %run_scoped3A = tpu.sem_alloc : memref<!tpu.dma_semaphore, #tpu.memory_space<semaphore_mem>>
      %dma_start3A_506 = arith.constant 0 : i32
      %dma_start3A_507 = tpu.memref_slice %arg4[%select_n3A_270, %select_n3A_286, %dma_start3A_506] : memref<19x8x32768xi32, #tpu.memory_space<hbm>> -> memref<1x1x32768xi32, #tpu.memory_space<hbm>>
      %dma_start3A_508 = tpu.memref_squeeze %dma_start3A_507 : memref<1x1x32768xi32, #tpu.memory_space<hbm>> -> memref<32768xi32, #tpu.memory_space<hbm>>
      %dma_start3A_509 = arith.constant 0 : i32
      %dma_start3A_510 = tpu.memref_slice %arg4[%select_n3A_270, %select_n3A_286, %dma_start3A_509] : memref<19x8x32768xi32, #tpu.memory_space<hbm>> -> memref<1x1x32768xi32, #tpu.memory_space<hbm>>
      %dma_start3A_511 = tpu.memref_squeeze %dma_start3A_510 : memref<1x1x32768xi32, #tpu.memory_space<hbm>> -> memref<32768xi32, #tpu.memory_space<hbm>>
      tpu.enqueue_dma source(%arg6 : memref<32768xi32, #tpu.memory_space<vmem>>) target(%dma_start3A_511 : memref<32768xi32, #tpu.memory_space<hbm>>) target_semaphore(%run_scoped3A : memref<!tpu.dma_semaphore, #tpu.memory_space<semaphore_mem>>)
      %dma_wait3A = arith.constant 0 : i32
      %dma_wait3A_512 = tpu.memref_slice %arg4[%select_n3A_270, %select_n3A_286, %dma_wait3A] : memref<19x8x32768xi32, #tpu.memory_space<hbm>> -> memref<1x1x32768xi32, #tpu.memory_space<hbm>>
      %dma_wait3A_513 = tpu.memref_squeeze %dma_wait3A_512 : memref<1x1x32768xi32, #tpu.memory_space<hbm>> -> memref<32768xi32, #tpu.memory_space<hbm>>
      %dma_wait3A_514 = arith.constant 0 : i32
      %dma_wait3A_515 = tpu.memref_slice %arg4[%select_n3A_270, %select_n3A_286, %dma_wait3A_514] : memref<19x8x32768xi32, #tpu.memory_space<hbm>> -> memref<1x1x32768xi32, #tpu.memory_space<hbm>>
      %dma_wait3A_516 = tpu.memref_squeeze %dma_wait3A_515 : memref<1x1x32768xi32, #tpu.memory_space<hbm>> -> memref<32768xi32, #tpu.memory_space<hbm>>
      tpu.wait_dma2 semaphore(%run_scoped3A : memref<!tpu.dma_semaphore, #tpu.memory_space<semaphore_mem>>) src(%arg6 : memref<32768xi32, #tpu.memory_space<vmem>>) dst(%dma_wait3A_516 : memref<32768xi32, #tpu.memory_space<hbm>>)
      tpu.yield
    }) : () -> ()
    "tpu.region"() ({
      %run_scoped3A = tpu.sem_alloc : memref<!tpu.dma_semaphore, #tpu.memory_space<semaphore_mem>>
      %dma_start3A_506 = arith.constant 0 : i32
      %dma_start3A_507 = tpu.memref_slice %arg5[%select_n3A_270, %select_n3A_286, %dma_start3A_506] : memref<19x8x32768xi32, #tpu.memory_space<hbm>> -> memref<1x1x32768xi32, #tpu.memory_space<hbm>>
      %dma_start3A_508 = tpu.memref_squeeze %dma_start3A_507 : memref<1x1x32768xi32, #tpu.memory_space<hbm>> -> memref<32768xi32, #tpu.memory_space<hbm>>
      %dma_start3A_509 = arith.constant 0 : i32
      %dma_start3A_510 = tpu.memref_slice %arg5[%select_n3A_270, %select_n3A_286, %dma_start3A_509] : memref<19x8x32768xi32, #tpu.memory_space<hbm>> -> memref<1x1x32768xi32, #tpu.memory_space<hbm>>
      %dma_start3A_511 = tpu.memref_squeeze %dma_start3A_510 : memref<1x1x32768xi32, #tpu.memory_space<hbm>> -> memref<32768xi32, #tpu.memory_space<hbm>>
      tpu.enqueue_dma source(%arg7 : memref<32768xi32, #tpu.memory_space<vmem>>) target(%dma_start3A_511 : memref<32768xi32, #tpu.memory_space<hbm>>) target_semaphore(%run_scoped3A : memref<!tpu.dma_semaphore, #tpu.memory_space<semaphore_mem>>)
      %dma_wait3A = arith.constant 0 : i32
      %dma_wait3A_512 = tpu.memref_slice %arg5[%select_n3A_270, %select_n3A_286, %dma_wait3A] : memref<19x8x32768xi32, #tpu.memory_space<hbm>> -> memref<1x1x32768xi32, #tpu.memory_space<hbm>>
      %dma_wait3A_513 = tpu.memref_squeeze %dma_wait3A_512 : memref<1x1x32768xi32, #tpu.memory_space<hbm>> -> memref<32768xi32, #tpu.memory_space<hbm>>
      %dma_wait3A_514 = arith.constant 0 : i32
      %dma_wait3A_515 = tpu.memref_slice %arg5[%select_n3A_270, %select_n3A_286, %dma_wait3A_514] : memref<19x8x32768xi32, #tpu.memory_space<hbm>> -> memref<1x1x32768xi32, #tpu.memory_space<hbm>>
      %dma_wait3A_516 = tpu.memref_squeeze %dma_wait3A_515 : memref<1x1x32768xi32, #tpu.memory_space<hbm>> -> memref<32768xi32, #tpu.memory_space<hbm>>
      tpu.wait_dma2 semaphore(%run_scoped3A : memref<!tpu.dma_semaphore, #tpu.memory_space<semaphore_mem>>) src(%arg7 : memref<32768xi32, #tpu.memory_space<vmem>>) dst(%dma_wait3A_516 : memref<32768xi32, #tpu.memory_space<hbm>>)
      tpu.yield
    }) : () -> ()
    %add3A_373 = arith.constant 96 : i32
    %add3A_374 = arith.addi %add3A, %add3A_373 : i32
    %jit3A_375 = arith.constant 8 : i32
    %div3A_376 = arith.divsi %add3A_374, %jit3A_375 : i32
    %sign3A_377 = arith.constant 0 : i32
    %sign3A_378 = arith.cmpi sgt, %add3A_374, %sign3A_377 : i32
    %sign3A_379 = arith.extui %sign3A_378 : i1 to i32
    %sign3A_380 = arith.constant 0 : i32
    %sign3A_381 = arith.cmpi slt, %add3A_374, %sign3A_380 : i32
    %sign3A_382 = arith.extui %sign3A_381 : i1 to i32
    %sign3A_383 = arith.subi %sign3A_379, %sign3A_382 : i32
    %sign3A_384 = arith.constant 0 : i32
    %sign3A_385 = arith.cmpi sgt, %jit3A_375, %sign3A_384 : i32
    %sign3A_386 = arith.extui %sign3A_385 : i1 to i32
    %sign3A_387 = arith.constant 0 : i32
    %sign3A_388 = arith.cmpi slt, %jit3A_375, %sign3A_387 : i32
    %sign3A_389 = arith.extui %sign3A_388 : i1 to i32
    %sign3A_390 = arith.subi %sign3A_386, %sign3A_389 : i32
    %ne3A_391 = arith.cmpi ne, %sign3A_383, %sign3A_390 : i32
    %rem3A_392 = arith.remsi %add3A_374, %jit3A_375 : i32
    %ne3A_393 = arith.constant 0 : i32
    %ne3A_394 = arith.cmpi ne, %rem3A_392, %ne3A_393 : i32
    %and3A_395 = arith.andi %ne3A_391, %ne3A_394 : i1
    %sub3A_396 = arith.constant 1 : i32
    %sub3A_397 = arith.subi %div3A_376, %sub3A_396 : i32
    %select_n3A_398 = arith.select %and3A_395, %sub3A_397, %div3A_376 : i32
    %jit3A_399 = arith.constant 8 : i32
    %eq3A_400 = arith.constant 0 : i32
    %eq3A_401 = arith.cmpi eq, %jit3A_399, %eq3A_400 : i32
    %jit3A_402 = arith.constant 1 : i32
    %select_n3A_403 = arith.select %eq3A_401, %jit3A_402, %jit3A_399 : i32
    %rem3A_404 = arith.remsi %add3A_374, %select_n3A_403 : i32
    %ne3A_405 = arith.constant 0 : i32
    %ne3A_406 = arith.cmpi ne, %rem3A_404, %ne3A_405 : i32
    %lt3A_407 = arith.constant 0 : i32
    %lt3A_408 = arith.cmpi slt, %rem3A_404, %lt3A_407 : i32
    %lt3A_409 = arith.constant 0 : i32
    %lt3A_410 = arith.cmpi slt, %select_n3A_403, %lt3A_409 : i32
    %ne3A_411 = arith.xori %lt3A_408, %lt3A_410 : i1
    %and3A_412 = arith.andi %ne3A_411, %ne3A_406 : i1
    %add3A_413 = arith.addi %rem3A_404, %select_n3A_403 : i32
    %select_n3A_414 = arith.select %and3A_412, %add3A_413, %rem3A_404 : i32
    %jit3A_415 = arith.constant 2 : i32
    %div3A_416 = arith.divsi %select_n3A_414, %jit3A_415 : i32
    %sign3A_417 = arith.constant 0 : i32
    %sign3A_418 = arith.cmpi sgt, %select_n3A_414, %sign3A_417 : i32
    %sign3A_419 = arith.extui %sign3A_418 : i1 to i32
    %sign3A_420 = arith.constant 0 : i32
    %sign3A_421 = arith.cmpi slt, %select_n3A_414, %sign3A_420 : i32
    %sign3A_422 = arith.extui %sign3A_421 : i1 to i32
    %sign3A_423 = arith.subi %sign3A_419, %sign3A_422 : i32
    %sign3A_424 = arith.constant 0 : i32
    %sign3A_425 = arith.cmpi sgt, %jit3A_415, %sign3A_424 : i32
    %sign3A_426 = arith.extui %sign3A_425 : i1 to i32
    %sign3A_427 = arith.constant 0 : i32
    %sign3A_428 = arith.cmpi slt, %jit3A_415, %sign3A_427 : i32
    %sign3A_429 = arith.extui %sign3A_428 : i1 to i32
    %sign3A_430 = arith.subi %sign3A_426, %sign3A_429 : i32
    %ne3A_431 = arith.cmpi ne, %sign3A_423, %sign3A_430 : i32
    %rem3A_432 = arith.remsi %select_n3A_414, %jit3A_415 : i32
    %ne3A_433 = arith.constant 0 : i32
    %ne3A_434 = arith.cmpi ne, %rem3A_432, %ne3A_433 : i32
    %and3A_435 = arith.andi %ne3A_431, %ne3A_434 : i1
    %sub3A_436 = arith.constant 1 : i32
    %sub3A_437 = arith.subi %div3A_416, %sub3A_436 : i32
    %select_n3A_438 = arith.select %and3A_435, %sub3A_437, %div3A_416 : i32
    %jit3A_439 = arith.constant 2 : i32
    %eq3A_440 = arith.constant 0 : i32
    %eq3A_441 = arith.cmpi eq, %jit3A_439, %eq3A_440 : i32
    %jit3A_442 = arith.constant 1 : i32
    %select_n3A_443 = arith.select %eq3A_441, %jit3A_442, %jit3A_439 : i32
    %rem3A_444 = arith.remsi %select_n3A_414, %select_n3A_443 : i32
    %ne3A_445 = arith.constant 0 : i32
    %ne3A_446 = arith.cmpi ne, %rem3A_444, %ne3A_445 : i32
    %lt3A_447 = arith.constant 0 : i32
    %lt3A_448 = arith.cmpi slt, %rem3A_444, %lt3A_447 : i32
    %lt3A_449 = arith.constant 0 : i32
    %lt3A_450 = arith.cmpi slt, %select_n3A_443, %lt3A_449 : i32
    %ne3A_451 = arith.xori %lt3A_448, %lt3A_450 : i1
    %and3A_452 = arith.andi %ne3A_451, %ne3A_446 : i1
    %add3A_453 = arith.addi %rem3A_444, %select_n3A_443 : i32
    %select_n3A_454 = arith.select %and3A_452, %add3A_453, %rem3A_444 : i32
    %mul3A_455 = arith.constant 131072 : i32
    %mul3A_456 = arith.muli %select_n3A_454, %mul3A_455 : i32
    %scan3A_457 = arith.constant 0 : i32
    %scan3A_458 = arith.constant 0 : i32
    %scan3A_459 = arith.constant 2048 : i32
    %scan3A_460 = arith.addi %scan3A_458, %scan3A_459 : i32
    %scan3A_461 = arith.constant 1 : i32
    %scan3A_462 = scf.for %scan3A_506 = %scan3A_458 to %scan3A_460 step %scan3A_461 iter_args(%scan3A_507 = %scan3A_457) -> (i32)  : i32 {
      %broadcast_in_dim3A = arith.constant 0 : i32
      %broadcast_in_dim3A_508 = vector.broadcast %broadcast_in_dim3A : i32 to vector<16xi32>
      %mul3A_509 = arith.constant 16 : i32
      %mul3A_510 = arith.muli %scan3A_506, %mul3A_509 : i32
      %swap3A = arith.index_cast %mul3A_510 : i32 to index
      %swap3A_511 = tpu.vector_load %arg6[%swap3A] {strides = array<i32>} : memref<32768xi32, #tpu.memory_space<vmem>>, vector<16xi32>,
      tpu.vector_store %arg6[%swap3A], %broadcast_in_dim3A_508 {strides = array<i32>} : memref<32768xi32, #tpu.memory_space<vmem>>, vector<16xi32>,
      %mul3A_512 = arith.constant 16 : i32
      %mul3A_513 = arith.muli %scan3A_506, %mul3A_512 : i32
      %swap3A_514 = arith.index_cast %mul3A_513 : i32 to index
      %swap3A_515 = tpu.vector_load %arg7[%swap3A_514] {strides = array<i32>} : memref<32768xi32, #tpu.memory_space<vmem>>, vector<16xi32>,
      tpu.vector_store %arg7[%swap3A_514], %broadcast_in_dim3A_508 {strides = array<i32>} : memref<32768xi32, #tpu.memory_space<vmem>>, vector<16xi32>,
      %scan3A_516 = arith.constant 0 : i32
      scf.yield %scan3A_516 : i32
    }
    %scan3A_463 = arith.constant 2048 : i32
    %add3A_464 = arith.constant 0 : i32
    %add3A_465 = arith.addi %mul3A_456, %add3A_464 : i32
    %dma_start3A_466 = arith.constant 0 : i32
    %dma_start3A_467 = arith.constant 0 : i32
    %dma_start3A_468 = arith.constant 0 : i32
    %dma_start3A_469 = tpu.memref_slice %arg8[%dma_start3A_466, %dma_start3A_468] : memref<2x8192xf32, #tpu.memory_space<vmem>> -> memref<1x8192xf32, #tpu.memory_space<vmem>>
    %dma_start3A_470 = tpu.memref_squeeze %dma_start3A_469 : memref<1x8192xf32, #tpu.memory_space<vmem>> -> memref<8192xf32, #tpu.memory_space<vmem>>
    %dma_start3A_471 = tpu.memref_slice %arg2[%select_n3A_438, %select_n3A_398, %add3A_465] : memref<4x19x262144xf32, #tpu.memory_space<hbm>> -> memref<1x1x8192xf32, #tpu.memory_space<hbm>>
    %dma_start3A_472 = tpu.memref_squeeze %dma_start3A_471 : memref<1x1x8192xf32, #tpu.memory_space<hbm>> -> memref<8192xf32, #tpu.memory_space<hbm>>
    %dma_start3A_473 = tpu.memref_slice %arg10[%dma_start3A_467] : memref<2x!tpu.dma_semaphore, #tpu.memory_space<semaphore_mem>> -> memref<1x!tpu.dma_semaphore, #tpu.memory_space<semaphore_mem>>
    %dma_start3A_474 = tpu.memref_squeeze %dma_start3A_473 : memref<1x!tpu.dma_semaphore, #tpu.memory_space<semaphore_mem>> -> memref<!tpu.dma_semaphore, #tpu.memory_space<semaphore_mem>>
    %dma_start3A_475 = arith.constant 0 : i32
    %dma_start3A_476 = tpu.memref_slice %arg8[%dma_start3A_466, %dma_start3A_475] : memref<2x8192xf32, #tpu.memory_space<vmem>> -> memref<1x8192xf32, #tpu.memory_space<vmem>>
    %dma_start3A_477 = tpu.memref_squeeze %dma_start3A_476 : memref<1x8192xf32, #tpu.memory_space<vmem>> -> memref<8192xf32, #tpu.memory_space<vmem>>
    %dma_start3A_478 = tpu.memref_slice %arg2[%select_n3A_438, %select_n3A_398, %add3A_465] : memref<4x19x262144xf32, #tpu.memory_space<hbm>> -> memref<1x1x8192xf32, #tpu.memory_space<hbm>>
    %dma_start3A_479 = tpu.memref_squeeze %dma_start3A_478 : memref<1x1x8192xf32, #tpu.memory_space<hbm>> -> memref<8192xf32, #tpu.memory_space<hbm>>
    tpu.enqueue_dma source(%dma_start3A_479 : memref<8192xf32, #tpu.memory_space<hbm>>) target(%dma_start3A_477 : memref<8192xf32, #tpu.memory_space<vmem>>) target_semaphore(%dma_start3A_474 : memref<!tpu.dma_semaphore, #tpu.memory_space<semaphore_mem>>)
    %dma_start3A_480 = arith.constant 0 : i32
    %dma_start3A_481 = arith.constant 0 : i32
    %dma_start3A_482 = arith.constant 0 : i32
    %dma_start3A_483 = tpu.memref_slice %arg9[%dma_start3A_480, %dma_start3A_482] : memref<2x8192xi32, #tpu.memory_space<vmem>> -> memref<1x8192xi32, #tpu.memory_space<vmem>>
    %dma_start3A_484 = tpu.memref_squeeze %dma_start3A_483 : memref<1x8192xi32, #tpu.memory_space<vmem>> -> memref<8192xi32, #tpu.memory_space<vmem>>
    %dma_start3A_485 = tpu.memref_slice %arg3[%select_n3A_438, %add3A_465] : memref<4x262144xi32, #tpu.memory_space<hbm>> -> memref<1x8192xi32, #tpu.memory_space<hbm>>
    %dma_start3A_486 = tpu.memref_squeeze %dma_start3A_485 : memref<1x8192xi32, #tpu.memory_space<hbm>> -> memref<8192xi32, #tpu.memory_space<hbm>>
    %dma_start3A_487 = tpu.memref_slice %arg11[%dma_start3A_481] : memref<2x!tpu.dma_semaphore, #tpu.memory_space<semaphore_mem>> -> memref<1x!tpu.dma_semaphore, #tpu.memory_space<semaphore_mem>>
    %dma_start3A_488 = tpu.memref_squeeze %dma_start3A_487 : memref<1x!tpu.dma_semaphore, #tpu.memory_space<semaphore_mem>> -> memref<!tpu.dma_semaphore, #tpu.memory_space<semaphore_mem>>
    %dma_start3A_489 = arith.constant 0 : i32
    %dma_start3A_490 = tpu.memref_slice %arg9[%dma_start3A_480, %dma_start3A_489] : memref<2x8192xi32, #tpu.memory_space<vmem>> -> memref<1x8192xi32, #tpu.memory_space<vmem>>
    %dma_start3A_491 = tpu.memref_squeeze %dma_start3A_490 : memref<1x8192xi32, #tpu.memory_space<vmem>> -> memref<8192xi32, #tpu.memory_space<vmem>>
    %dma_start3A_492 = tpu.memref_slice %arg3[%select_n3A_438, %add3A_465] : memref<4x262144xi32, #tpu.memory_space<hbm>> -> memref<1x8192xi32, #tpu.memory_space<hbm>>
    %dma_start3A_493 = tpu.memref_squeeze %dma_start3A_492 : memref<1x8192xi32, #tpu.memory_space<hbm>> -> memref<8192xi32, #tpu.memory_space<hbm>>
    tpu.enqueue_dma source(%dma_start3A_493 : memref<8192xi32, #tpu.memory_space<hbm>>) target(%dma_start3A_491 : memref<8192xi32, #tpu.memory_space<vmem>>) target_semaphore(%dma_start3A_488 : memref<!tpu.dma_semaphore, #tpu.memory_space<semaphore_mem>>)
    %scan3A_494 = arith.constant 0 : i32
    %scan3A_495 = arith.constant 0 : i32
    %scan3A_496 = arith.constant 16 : i32
    %scan3A_497 = arith.addi %scan3A_495, %scan3A_496 : i32
    %scan3A_498 = arith.constant 1 : i32
    %scan3A_499 = scf.for %scan3A_506 = %scan3A_495 to %scan3A_497 step %scan3A_498 iter_args(%scan3A_507 = %scan3A_494) -> (i32)  : i32 {
      %jit3A_508 = arith.constant 2 : i32
      %eq3A_509 = arith.constant 0 : i32
      %eq3A_510 = arith.cmpi eq, %jit3A_508, %eq3A_509 : i32
      %jit3A_511 = arith.constant 1 : i32
      %select_n3A_512 = arith.select %eq3A_510, %jit3A_511, %jit3A_508 : i32
      %rem3A_513 = arith.remsi %scan3A_506, %select_n3A_512 : i32
      %ne3A_514 = arith.constant 0 : i32
      %ne3A_515 = arith.cmpi ne, %rem3A_513, %ne3A_514 : i32
      %lt3A_516 = arith.constant 0 : i32
      %lt3A_517 = arith.cmpi slt, %rem3A_513, %lt3A_516 : i32
      %lt3A_518 = arith.constant 0 : i32
      %lt3A_519 = arith.cmpi slt, %select_n3A_512, %lt3A_518 : i32
      %ne3A_520 = arith.xori %lt3A_517, %lt3A_519 : i1
      %and3A_521 = arith.andi %ne3A_520, %ne3A_515 : i1
      %add3A_522 = arith.addi %rem3A_513, %select_n3A_512 : i32
      %select_n3A_523 = arith.select %and3A_521, %add3A_522, %rem3A_513 : i32
      %add3A_524 = arith.constant 1 : i32
      %add3A_525 = arith.addi %scan3A_506, %add3A_524 : i32
      %lt3A_526 = arith.constant 16 : i32
      %lt3A_527 = arith.cmpi slt, %add3A_525, %lt3A_526 : i32
      %convert_element_type3A_528 = arith.extui %lt3A_527 : i1 to i32
      %cond3A_529 = arith.constant 0 : i32
      %cond3A_530 = arith.cmpi ne, %convert_element_type3A_528, %cond3A_529 : i32
      scf.if %cond3A_530 {
        %add3A_581 = arith.constant 1 : i32
        %add3A_582 = arith.addi %scan3A_506, %add3A_581 : i32
        %jit3A_583 = arith.constant 2 : i32
        %eq3A_584 = arith.constant 0 : i32
        %eq3A_585 = arith.cmpi eq, %jit3A_583, %eq3A_584 : i32
        %jit3A_586 = arith.constant 1 : i32
        %select_n3A_587 = arith.select %eq3A_585, %jit3A_586, %jit3A_583 : i32
        %rem3A_588 = arith.remsi %add3A_582, %select_n3A_587 : i32
        %ne3A_589 = arith.constant 0 : i32
        %ne3A_590 = arith.cmpi ne, %rem3A_588, %ne3A_589 : i32
        %lt3A_591 = arith.constant 0 : i32
        %lt3A_592 = arith.cmpi slt, %rem3A_588, %lt3A_591 : i32
        %lt3A_593 = arith.constant 0 : i32
        %lt3A_594 = arith.cmpi slt, %select_n3A_587, %lt3A_593 : i32
        %ne3A_595 = arith.xori %lt3A_592, %lt3A_594 : i1
        %and3A_596 = arith.andi %ne3A_595, %ne3A_590 : i1
        %add3A_597 = arith.addi %rem3A_588, %select_n3A_587 : i32
        %select_n3A_598 = arith.select %and3A_596, %add3A_597, %rem3A_588 : i32
        %mul3A_599 = arith.constant 8192 : i32
        %mul3A_600 = arith.muli %add3A_582, %mul3A_599 : i32
        %add3A_601 = arith.addi %mul3A_456, %mul3A_600 : i32
        %dma_start3A_602 = arith.constant 0 : i32
        %dma_start3A_603 = tpu.memref_slice %arg8[%select_n3A_598, %dma_start3A_602] : memref<2x8192xf32, #tpu.memory_space<vmem>> -> memref<1x8192xf32, #tpu.memory_space<vmem>>
        %dma_start3A_604 = tpu.memref_squeeze %dma_start3A_603 : memref<1x8192xf32, #tpu.memory_space<vmem>> -> memref<8192xf32, #tpu.memory_space<vmem>>
        %dma_start3A_605 = tpu.memref_slice %arg2[%select_n3A_438, %select_n3A_398, %add3A_601] : memref<4x19x262144xf32, #tpu.memory_space<hbm>> -> memref<1x1x8192xf32, #tpu.memory_space<hbm>>
        %dma_start3A_606 = tpu.memref_squeeze %dma_start3A_605 : memref<1x1x8192xf32, #tpu.memory_space<hbm>> -> memref<8192xf32, #tpu.memory_space<hbm>>
        %dma_start3A_607 = tpu.memref_slice %arg10[%select_n3A_598] : memref<2x!tpu.dma_semaphore, #tpu.memory_space<semaphore_mem>> -> memref<1x!tpu.dma_semaphore, #tpu.memory_space<semaphore_mem>>
        %dma_start3A_608 = tpu.memref_squeeze %dma_start3A_607 : memref<1x!tpu.dma_semaphore, #tpu.memory_space<semaphore_mem>> -> memref<!tpu.dma_semaphore, #tpu.memory_space<semaphore_mem>>
        %dma_start3A_609 = arith.constant 0 : i32
        %dma_start3A_610 = tpu.memref_slice %arg8[%select_n3A_598, %dma_start3A_609] : memref<2x8192xf32, #tpu.memory_space<vmem>> -> memref<1x8192xf32, #tpu.memory_space<vmem>>
        %dma_start3A_611 = tpu.memref_squeeze %dma_start3A_610 : memref<1x8192xf32, #tpu.memory_space<vmem>> -> memref<8192xf32, #tpu.memory_space<vmem>>
        %dma_start3A_612 = tpu.memref_slice %arg2[%select_n3A_438, %select_n3A_398, %add3A_601] : memref<4x19x262144xf32, #tpu.memory_space<hbm>> -> memref<1x1x8192xf32, #tpu.memory_space<hbm>>
        %dma_start3A_613 = tpu.memref_squeeze %dma_start3A_612 : memref<1x1x8192xf32, #tpu.memory_space<hbm>> -> memref<8192xf32, #tpu.memory_space<hbm>>
        tpu.enqueue_dma source(%dma_start3A_613 : memref<8192xf32, #tpu.memory_space<hbm>>) target(%dma_start3A_611 : memref<8192xf32, #tpu.memory_space<vmem>>) target_semaphore(%dma_start3A_608 : memref<!tpu.dma_semaphore, #tpu.memory_space<semaphore_mem>>)
        %dma_start3A_614 = arith.constant 0 : i32
        %dma_start3A_615 = tpu.memref_slice %arg9[%select_n3A_598, %dma_start3A_614] : memref<2x8192xi32, #tpu.memory_space<vmem>> -> memref<1x8192xi32, #tpu.memory_space<vmem>>
        %dma_start3A_616 = tpu.memref_squeeze %dma_start3A_615 : memref<1x8192xi32, #tpu.memory_space<vmem>> -> memref<8192xi32, #tpu.memory_space<vmem>>
        %dma_start3A_617 = tpu.memref_slice %arg3[%select_n3A_438, %add3A_601] : memref<4x262144xi32, #tpu.memory_space<hbm>> -> memref<1x8192xi32, #tpu.memory_space<hbm>>
        %dma_start3A_618 = tpu.memref_squeeze %dma_start3A_617 : memref<1x8192xi32, #tpu.memory_space<hbm>> -> memref<8192xi32, #tpu.memory_space<hbm>>
        %dma_start3A_619 = tpu.memref_slice %arg11[%select_n3A_598] : memref<2x!tpu.dma_semaphore, #tpu.memory_space<semaphore_mem>> -> memref<1x!tpu.dma_semaphore, #tpu.memory_space<semaphore_mem>>
        %dma_start3A_620 = tpu.memref_squeeze %dma_start3A_619 : memref<1x!tpu.dma_semaphore, #tpu.memory_space<semaphore_mem>> -> memref<!tpu.dma_semaphore, #tpu.memory_space<semaphore_mem>>
        %dma_start3A_621 = arith.constant 0 : i32
        %dma_start3A_622 = tpu.memref_slice %arg9[%select_n3A_598, %dma_start3A_621] : memref<2x8192xi32, #tpu.memory_space<vmem>> -> memref<1x8192xi32, #tpu.memory_space<vmem>>
        %dma_start3A_623 = tpu.memref_squeeze %dma_start3A_622 : memref<1x8192xi32, #tpu.memory_space<vmem>> -> memref<8192xi32, #tpu.memory_space<vmem>>
        %dma_start3A_624 = tpu.memref_slice %arg3[%select_n3A_438, %add3A_601] : memref<4x262144xi32, #tpu.memory_space<hbm>> -> memref<1x8192xi32, #tpu.memory_space<hbm>>
        %dma_start3A_625 = tpu.memref_squeeze %dma_start3A_624 : memref<1x8192xi32, #tpu.memory_space<hbm>> -> memref<8192xi32, #tpu.memory_space<hbm>>
        tpu.enqueue_dma source(%dma_start3A_625 : memref<8192xi32, #tpu.memory_space<hbm>>) target(%dma_start3A_623 : memref<8192xi32, #tpu.memory_space<vmem>>) target_semaphore(%dma_start3A_620 : memref<!tpu.dma_semaphore, #tpu.memory_space<semaphore_mem>>)
      } else {
      }
      %jit3A_531 = arith.constant 2 : i32
      %eq3A_532 = arith.constant 0 : i32
      %eq3A_533 = arith.cmpi eq, %jit3A_531, %eq3A_532 : i32
      %jit3A_534 = arith.constant 1 : i32
      %select_n3A_535 = arith.select %eq3A_533, %jit3A_534, %jit3A_531 : i32
      %rem3A_536 = arith.remsi %scan3A_506, %select_n3A_535 : i32
      %ne3A_537 = arith.constant 0 : i32
      %ne3A_538 = arith.cmpi ne, %rem3A_536, %ne3A_537 : i32
      %lt3A_539 = arith.constant 0 : i32
      %lt3A_540 = arith.cmpi slt, %rem3A_536, %lt3A_539 : i32
      %lt3A_541 = arith.constant 0 : i32
      %lt3A_542 = arith.cmpi slt, %select_n3A_535, %lt3A_541 : i32
      %ne3A_543 = arith.xori %lt3A_540, %lt3A_542 : i1
      %and3A_544 = arith.andi %ne3A_543, %ne3A_538 : i1
      %add3A_545 = arith.addi %rem3A_536, %select_n3A_535 : i32
      %select_n3A_546 = arith.select %and3A_544, %add3A_545, %rem3A_536 : i32
      %mul3A_547 = arith.constant 8192 : i32
      %mul3A_548 = arith.muli %scan3A_506, %mul3A_547 : i32
      %add3A_549 = arith.addi %mul3A_456, %mul3A_548 : i32
      %dma_wait3A = arith.constant 0 : i32
      %dma_wait3A_550 = tpu.memref_slice %arg8[%select_n3A_546, %dma_wait3A] : memref<2x8192xf32, #tpu.memory_space<vmem>> -> memref<1x8192xf32, #tpu.memory_space<vmem>>
      %dma_wait3A_551 = tpu.memref_squeeze %dma_wait3A_550 : memref<1x8192xf32, #tpu.memory_space<vmem>> -> memref<8192xf32, #tpu.memory_space<vmem>>
      %dma_wait3A_552 = tpu.memref_slice %arg2[%select_n3A_438, %select_n3A_398, %add3A_549] : memref<4x19x262144xf32, #tpu.memory_space<hbm>> -> memref<1x1x8192xf32, #tpu.memory_space<hbm>>
      %dma_wait3A_553 = tpu.memref_squeeze %dma_wait3A_552 : memref<1x1x8192xf32, #tpu.memory_space<hbm>> -> memref<8192xf32, #tpu.memory_space<hbm>>
      %dma_wait3A_554 = tpu.memref_slice %arg10[%select_n3A_546] : memref<2x!tpu.dma_semaphore, #tpu.memory_space<semaphore_mem>> -> memref<1x!tpu.dma_semaphore, #tpu.memory_space<semaphore_mem>>
      %dma_wait3A_555 = tpu.memref_squeeze %dma_wait3A_554 : memref<1x!tpu.dma_semaphore, #tpu.memory_space<semaphore_mem>> -> memref<!tpu.dma_semaphore, #tpu.memory_space<semaphore_mem>>
      %dma_wait3A_556 = arith.constant 0 : i32
      %dma_wait3A_557 = tpu.memref_slice %arg8[%select_n3A_546, %dma_wait3A_556] : memref<2x8192xf32, #tpu.memory_space<vmem>> -> memref<1x8192xf32, #tpu.memory_space<vmem>>
      %dma_wait3A_558 = tpu.memref_squeeze %dma_wait3A_557 : memref<1x8192xf32, #tpu.memory_space<vmem>> -> memref<8192xf32, #tpu.memory_space<vmem>>
      %dma_wait3A_559 = tpu.memref_slice %arg2[%select_n3A_438, %select_n3A_398, %add3A_549] : memref<4x19x262144xf32, #tpu.memory_space<hbm>> -> memref<1x1x8192xf32, #tpu.memory_space<hbm>>
      %dma_wait3A_560 = tpu.memref_squeeze %dma_wait3A_559 : memref<1x1x8192xf32, #tpu.memory_space<hbm>> -> memref<8192xf32, #tpu.memory_space<hbm>>
      tpu.wait_dma2 semaphore(%dma_wait3A_555 : memref<!tpu.dma_semaphore, #tpu.memory_space<semaphore_mem>>) src(%dma_wait3A_560 : memref<8192xf32, #tpu.memory_space<hbm>>) dst(%dma_wait3A_558 : memref<8192xf32, #tpu.memory_space<vmem>>)
      %dma_wait3A_561 = arith.constant 0 : i32
      %dma_wait3A_562 = tpu.memref_slice %arg9[%select_n3A_546, %dma_wait3A_561] : memref<2x8192xi32, #tpu.memory_space<vmem>> -> memref<1x8192xi32, #tpu.memory_space<vmem>>
      %dma_wait3A_563 = tpu.memref_squeeze %dma_wait3A_562 : memref<1x8192xi32, #tpu.memory_space<vmem>> -> memref<8192xi32, #tpu.memory_space<vmem>>
      %dma_wait3A_564 = tpu.memref_slice %arg3[%select_n3A_438, %add3A_549] : memref<4x262144xi32, #tpu.memory_space<hbm>> -> memref<1x8192xi32, #tpu.memory_space<hbm>>
      %dma_wait3A_565 = tpu.memref_squeeze %dma_wait3A_564 : memref<1x8192xi32, #tpu.memory_space<hbm>> -> memref<8192xi32, #tpu.memory_space<hbm>>
      %dma_wait3A_566 = tpu.memref_slice %arg11[%select_n3A_546] : memref<2x!tpu.dma_semaphore, #tpu.memory_space<semaphore_mem>> -> memref<1x!tpu.dma_semaphore, #tpu.memory_space<semaphore_mem>>
      %dma_wait3A_567 = tpu.memref_squeeze %dma_wait3A_566 : memref<1x!tpu.dma_semaphore, #tpu.memory_space<semaphore_mem>> -> memref<!tpu.dma_semaphore, #tpu.memory_space<semaphore_mem>>
      %dma_wait3A_568 = arith.constant 0 : i32
      %dma_wait3A_569 = tpu.memref_slice %arg9[%select_n3A_546, %dma_wait3A_568] : memref<2x8192xi32, #tpu.memory_space<vmem>> -> memref<1x8192xi32, #tpu.memory_space<vmem>>
      %dma_wait3A_570 = tpu.memref_squeeze %dma_wait3A_569 : memref<1x8192xi32, #tpu.memory_space<vmem>> -> memref<8192xi32, #tpu.memory_space<vmem>>
      %dma_wait3A_571 = tpu.memref_slice %arg3[%select_n3A_438, %add3A_549] : memref<4x262144xi32, #tpu.memory_space<hbm>> -> memref<1x8192xi32, #tpu.memory_space<hbm>>
      %dma_wait3A_572 = tpu.memref_squeeze %dma_wait3A_571 : memref<1x8192xi32, #tpu.memory_space<hbm>> -> memref<8192xi32, #tpu.memory_space<hbm>>
      tpu.wait_dma2 semaphore(%dma_wait3A_567 : memref<!tpu.dma_semaphore, #tpu.memory_space<semaphore_mem>>) src(%dma_wait3A_572 : memref<8192xi32, #tpu.memory_space<hbm>>) dst(%dma_wait3A_570 : memref<8192xi32, #tpu.memory_space<vmem>>)
      %scan3A_573 = arith.constant 0 : i32
      %scan3A_574 = arith.constant 0 : i32
      %scan3A_575 = arith.constant 32 : i32
      %scan3A_576 = arith.addi %scan3A_574, %scan3A_575 : i32
      %scan3A_577 = arith.constant 1 : i32
      %scan3A_578 = scf.for %scan3A_581 = %scan3A_574 to %scan3A_576 step %scan3A_577 iter_args(%scan3A_582 = %scan3A_573) -> (i32)  : i32 {
        %mul3A_583 = arith.constant 256 : i32
        %mul3A_584 = arith.muli %scan3A_581, %mul3A_583 : i32
        %add3A_585 = arith.constant 0 : i32
        %add3A_586 = arith.addi %mul3A_584, %add3A_585 : i32
        %get3A = arith.index_cast %select_n3A_523 : i32 to index
        %get3A_587 = arith.index_cast %add3A_586 : i32 to index
        %get3A_588 = tpu.vector_load %arg9[%get3A, %get3A_587] {strides = array<i32>} : memref<2x8192xi32, #tpu.memory_space<vmem>>, vector<16xi32>,
        %add3A_589 = arith.constant 0 : i32
        %add3A_590 = arith.addi %mul3A_584, %add3A_589 : i32
        %get3A_591 = arith.index_cast %select_n3A_523 : i32 to index
        %get3A_592 = arith.index_cast %add3A_590 : i32 to index
        %get3A_593 = tpu.vector_load %arg8[%get3A_591, %get3A_592] {strides = array<i32>} : memref<2x8192xf32, #tpu.memory_space<vmem>>, vector<16xf32>,
        %eq3A_594 = vector.broadcast %select_n3A_398 : i32 to vector<16xi32>
        %eq3A_595 = arith.cmpi eq, %get3A_588, %eq3A_594 : vector<16xi32>
        %sub3A_596 = arith.constant 1.000000e+00 : f32
        %sub3A_597 = vector.broadcast %sub3A_596 : f32 to vector<16xf32>
        %sub3A_598 = arith.subf %sub3A_597, %get3A_593 : vector<16xf32>
        %select_n3A_599 = arith.select %eq3A_595, %sub3A_598, %get3A_593 : vector<16xi1>, vector<16xf32>
        %abs3A = math.absf %select_n3A_599 : vector<16xf32>
        %bitcast_convert_type3A = tpu.bitcast %abs3A : vector<16xf32> -> vector<16xi32>
        %shift_right_arithmetic3A = arith.constant 16 : i32
        %shift_right_arithmetic3A_600 = vector.broadcast %shift_right_arithmetic3A : i32 to vector<16xi32>
        %shift_right_arithmetic3A_601 = arith.shrsi %bitcast_convert_type3A, %shift_right_arithmetic3A_600 : vector<16xi32>
        %add3A_602 = arith.constant 16 : i32
        %add3A_603 = arith.addi %mul3A_584, %add3A_602 : i32
        %get3A_604 = arith.index_cast %select_n3A_523 : i32 to index
        %get3A_605 = arith.index_cast %add3A_603 : i32 to index
        %get3A_606 = tpu.vector_load %arg9[%get3A_604, %get3A_605] {strides = array<i32>} : memref<2x8192xi32, #tpu.memory_space<vmem>>, vector<16xi32>,
        %add3A_607 = arith.constant 16 : i32
        %add3A_608 = arith.addi %mul3A_584, %add3A_607 : i32
        %get3A_609 = arith.index_cast %select_n3A_523 : i32 to index
        %get3A_610 = arith.index_cast %add3A_608 : i32 to index
        %get3A_611 = tpu.vector_load %arg8[%get3A_609, %get3A_610] {strides = array<i32>} : memref<2x8192xf32, #tpu.memory_space<vmem>>, vector<16xf32>,
        %eq3A_612 = vector.broadcast %select_n3A_398 : i32 to vector<16xi32>
        %eq3A_613 = arith.cmpi eq, %get3A_606, %eq3A_612 : vector<16xi32>
        %sub3A_614 = arith.constant 1.000000e+00 : f32
        %sub3A_615 = vector.broadcast %sub3A_614 : f32 to vector<16xf32>
        %sub3A_616 = arith.subf %sub3A_615, %get3A_611 : vector<16xf32>
        %select_n3A_617 = arith.select %eq3A_613, %sub3A_616, %get3A_611 : vector<16xi1>, vector<16xf32>
        %abs3A_618 = math.absf %select_n3A_617 : vector<16xf32>
        %bitcast_convert_type3A_619 = tpu.bitcast %abs3A_618 : vector<16xf32> -> vector<16xi32>
        %shift_right_arithmetic3A_620 = arith.constant 16 : i32
        %shift_right_arithmetic3A_621 = vector.broadcast %shift_right_arithmetic3A_620 : i32 to vector<16xi32>
        %shift_right_arithmetic3A_622 = arith.shrsi %bitcast_convert_type3A_619, %shift_right_arithmetic3A_621 : vector<16xi32>
        %add3A_623 = arith.constant 32 : i32
        %add3A_624 = arith.addi %mul3A_584, %add3A_623 : i32
        %get3A_625 = arith.index_cast %select_n3A_523 : i32 to index
        %get3A_626 = arith.index_cast %add3A_624 : i32 to index
        %get3A_627 = tpu.vector_load %arg9[%get3A_625, %get3A_626] {strides = array<i32>} : memref<2x8192xi32, #tpu.memory_space<vmem>>, vector<16xi32>,
        %add3A_628 = arith.constant 32 : i32
        %add3A_629 = arith.addi %mul3A_584, %add3A_628 : i32
        %get3A_630 = arith.index_cast %select_n3A_523 : i32 to index
        %get3A_631 = arith.index_cast %add3A_629 : i32 to index
        %get3A_632 = tpu.vector_load %arg8[%get3A_630, %get3A_631] {strides = array<i32>} : memref<2x8192xf32, #tpu.memory_space<vmem>>, vector<16xf32>,
        %eq3A_633 = vector.broadcast %select_n3A_398 : i32 to vector<16xi32>
        %eq3A_634 = arith.cmpi eq, %get3A_627, %eq3A_633 : vector<16xi32>
        %sub3A_635 = arith.constant 1.000000e+00 : f32
        %sub3A_636 = vector.broadcast %sub3A_635 : f32 to vector<16xf32>
        %sub3A_637 = arith.subf %sub3A_636, %get3A_632 : vector<16xf32>
        %select_n3A_638 = arith.select %eq3A_634, %sub3A_637, %get3A_632 : vector<16xi1>, vector<16xf32>
        %abs3A_639 = math.absf %select_n3A_638 : vector<16xf32>
        %bitcast_convert_type3A_640 = tpu.bitcast %abs3A_639 : vector<16xf32> -> vector<16xi32>
        %shift_right_arithmetic3A_641 = arith.constant 16 : i32
        %shift_right_arithmetic3A_642 = vector.broadcast %shift_right_arithmetic3A_641 : i32 to vector<16xi32>
        %shift_right_arithmetic3A_643 = arith.shrsi %bitcast_convert_type3A_640, %shift_right_arithmetic3A_642 : vector<16xi32>
        %add3A_644 = arith.constant 48 : i32
        %add3A_645 = arith.addi %mul3A_584, %add3A_644 : i32
        %get3A_646 = arith.index_cast %select_n3A_523 : i32 to index
        %get3A_647 = arith.index_cast %add3A_645 : i32 to index
        %get3A_648 = tpu.vector_load %arg9[%get3A_646, %get3A_647] {strides = array<i32>} : memref<2x8192xi32, #tpu.memory_space<vmem>>, vector<16xi32>,
        %add3A_649 = arith.constant 48 : i32
        %add3A_650 = arith.addi %mul3A_584, %add3A_649 : i32
        %get3A_651 = arith.index_cast %select_n3A_523 : i32 to index
        %get3A_652 = arith.index_cast %add3A_650 : i32 to index
        %get3A_653 = tpu.vector_load %arg8[%get3A_651, %get3A_652] {strides = array<i32>} : memref<2x8192xf32, #tpu.memory_space<vmem>>, vector<16xf32>,
        %eq3A_654 = vector.broadcast %select_n3A_398 : i32 to vector<16xi32>
        %eq3A_655 = arith.cmpi eq, %get3A_648, %eq3A_654 : vector<16xi32>
        %sub3A_656 = arith.constant 1.000000e+00 : f32
        %sub3A_657 = vector.broadcast %sub3A_656 : f32 to vector<16xf32>
        %sub3A_658 = arith.subf %sub3A_657, %get3A_653 : vector<16xf32>
        %select_n3A_659 = arith.select %eq3A_655, %sub3A_658, %get3A_653 : vector<16xi1>, vector<16xf32>
        %abs3A_660 = math.absf %select_n3A_659 : vector<16xf32>
        %bitcast_convert_type3A_661 = tpu.bitcast %abs3A_660 : vector<16xf32> -> vector<16xi32>
        %shift_right_arithmetic3A_662 = arith.constant 16 : i32
        %shift_right_arithmetic3A_663 = vector.broadcast %shift_right_arithmetic3A_662 : i32 to vector<16xi32>
        %shift_right_arithmetic3A_664 = arith.shrsi %bitcast_convert_type3A_661, %shift_right_arithmetic3A_663 : vector<16xi32>
        %add3A_665 = arith.constant 64 : i32
        %add3A_666 = arith.addi %mul3A_584, %add3A_665 : i32
        %get3A_667 = arith.index_cast %select_n3A_523 : i32 to index
        %get3A_668 = arith.index_cast %add3A_666 : i32 to index
        %get3A_669 = tpu.vector_load %arg9[%get3A_667, %get3A_668] {strides = array<i32>} : memref<2x8192xi32, #tpu.memory_space<vmem>>, vector<16xi32>,
        %add3A_670 = arith.constant 64 : i32
        %add3A_671 = arith.addi %mul3A_584, %add3A_670 : i32
        %get3A_672 = arith.index_cast %select_n3A_523 : i32 to index
        %get3A_673 = arith.index_cast %add3A_671 : i32 to index
        %get3A_674 = tpu.vector_load %arg8[%get3A_672, %get3A_673] {strides = array<i32>} : memref<2x8192xf32, #tpu.memory_space<vmem>>, vector<16xf32>,
        %eq3A_675 = vector.broadcast %select_n3A_398 : i32 to vector<16xi32>
        %eq3A_676 = arith.cmpi eq, %get3A_669, %eq3A_675 : vector<16xi32>
        %sub3A_677 = arith.constant 1.000000e+00 : f32
        %sub3A_678 = vector.broadcast %sub3A_677 : f32 to vector<16xf32>
        %sub3A_679 = arith.subf %sub3A_678, %get3A_674 : vector<16xf32>
        %select_n3A_680 = arith.select %eq3A_676, %sub3A_679, %get3A_674 : vector<16xi1>, vector<16xf32>
        %abs3A_681 = math.absf %select_n3A_680 : vector<16xf32>
        %bitcast_convert_type3A_682 = tpu.bitcast %abs3A_681 : vector<16xf32> -> vector<16xi32>
        %shift_right_arithmetic3A_683 = arith.constant 16 : i32
        %shift_right_arithmetic3A_684 = vector.broadcast %shift_right_arithmetic3A_683 : i32 to vector<16xi32>
        %shift_right_arithmetic3A_685 = arith.shrsi %bitcast_convert_type3A_682, %shift_right_arithmetic3A_684 : vector<16xi32>
        %add3A_686 = arith.constant 80 : i32
        %add3A_687 = arith.addi %mul3A_584, %add3A_686 : i32
        %get3A_688 = arith.index_cast %select_n3A_523 : i32 to index
        %get3A_689 = arith.index_cast %add3A_687 : i32 to index
        %get3A_690 = tpu.vector_load %arg9[%get3A_688, %get3A_689] {strides = array<i32>} : memref<2x8192xi32, #tpu.memory_space<vmem>>, vector<16xi32>,
        %add3A_691 = arith.constant 80 : i32
        %add3A_692 = arith.addi %mul3A_584, %add3A_691 : i32
        %get3A_693 = arith.index_cast %select_n3A_523 : i32 to index
        %get3A_694 = arith.index_cast %add3A_692 : i32 to index
        %get3A_695 = tpu.vector_load %arg8[%get3A_693, %get3A_694] {strides = array<i32>} : memref<2x8192xf32, #tpu.memory_space<vmem>>, vector<16xf32>,
        %eq3A_696 = vector.broadcast %select_n3A_398 : i32 to vector<16xi32>
        %eq3A_697 = arith.cmpi eq, %get3A_690, %eq3A_696 : vector<16xi32>
        %sub3A_698 = arith.constant 1.000000e+00 : f32
        %sub3A_699 = vector.broadcast %sub3A_698 : f32 to vector<16xf32>
        %sub3A_700 = arith.subf %sub3A_699, %get3A_695 : vector<16xf32>
        %select_n3A_701 = arith.select %eq3A_697, %sub3A_700, %get3A_695 : vector<16xi1>, vector<16xf32>
        %abs3A_702 = math.absf %select_n3A_701 : vector<16xf32>
        %bitcast_convert_type3A_703 = tpu.bitcast %abs3A_702 : vector<16xf32> -> vector<16xi32>
        %shift_right_arithmetic3A_704 = arith.constant 16 : i32
        %shift_right_arithmetic3A_705 = vector.broadcast %shift_right_arithmetic3A_704 : i32 to vector<16xi32>
        %shift_right_arithmetic3A_706 = arith.shrsi %bitcast_convert_type3A_703, %shift_right_arithmetic3A_705 : vector<16xi32>
        %add3A_707 = arith.constant 96 : i32
        %add3A_708 = arith.addi %mul3A_584, %add3A_707 : i32
        %get3A_709 = arith.index_cast %select_n3A_523 : i32 to index
        %get3A_710 = arith.index_cast %add3A_708 : i32 to index
        %get3A_711 = tpu.vector_load %arg9[%get3A_709, %get3A_710] {strides = array<i32>} : memref<2x8192xi32, #tpu.memory_space<vmem>>, vector<16xi32>,
        %add3A_712 = arith.constant 96 : i32
        %add3A_713 = arith.addi %mul3A_584, %add3A_712 : i32
        %get3A_714 = arith.index_cast %select_n3A_523 : i32 to index
        %get3A_715 = arith.index_cast %add3A_713 : i32 to index
        %get3A_716 = tpu.vector_load %arg8[%get3A_714, %get3A_715] {strides = array<i32>} : memref<2x8192xf32, #tpu.memory_space<vmem>>, vector<16xf32>,
        %eq3A_717 = vector.broadcast %select_n3A_398 : i32 to vector<16xi32>
        %eq3A_718 = arith.cmpi eq, %get3A_711, %eq3A_717 : vector<16xi32>
        %sub3A_719 = arith.constant 1.000000e+00 : f32
        %sub3A_720 = vector.broadcast %sub3A_719 : f32 to vector<16xf32>
        %sub3A_721 = arith.subf %sub3A_720, %get3A_716 : vector<16xf32>
        %select_n3A_722 = arith.select %eq3A_718, %sub3A_721, %get3A_716 : vector<16xi1>, vector<16xf32>
        %abs3A_723 = math.absf %select_n3A_722 : vector<16xf32>
        %bitcast_convert_type3A_724 = tpu.bitcast %abs3A_723 : vector<16xf32> -> vector<16xi32>
        %shift_right_arithmetic3A_725 = arith.constant 16 : i32
        %shift_right_arithmetic3A_726 = vector.broadcast %shift_right_arithmetic3A_725 : i32 to vector<16xi32>
        %shift_right_arithmetic3A_727 = arith.shrsi %bitcast_convert_type3A_724, %shift_right_arithmetic3A_726 : vector<16xi32>
        %add3A_728 = arith.constant 112 : i32
        %add3A_729 = arith.addi %mul3A_584, %add3A_728 : i32
        %get3A_730 = arith.index_cast %select_n3A_523 : i32 to index
        %get3A_731 = arith.index_cast %add3A_729 : i32 to index
        %get3A_732 = tpu.vector_load %arg9[%get3A_730, %get3A_731] {strides = array<i32>} : memref<2x8192xi32, #tpu.memory_space<vmem>>, vector<16xi32>,
        %add3A_733 = arith.constant 112 : i32
        %add3A_734 = arith.addi %mul3A_584, %add3A_733 : i32
        %get3A_735 = arith.index_cast %select_n3A_523 : i32 to index
        %get3A_736 = arith.index_cast %add3A_734 : i32 to index
        %get3A_737 = tpu.vector_load %arg8[%get3A_735, %get3A_736] {strides = array<i32>} : memref<2x8192xf32, #tpu.memory_space<vmem>>, vector<16xf32>,
        %eq3A_738 = vector.broadcast %select_n3A_398 : i32 to vector<16xi32>
        %eq3A_739 = arith.cmpi eq, %get3A_732, %eq3A_738 : vector<16xi32>
        %sub3A_740 = arith.constant 1.000000e+00 : f32
        %sub3A_741 = vector.broadcast %sub3A_740 : f32 to vector<16xf32>
        %sub3A_742 = arith.subf %sub3A_741, %get3A_737 : vector<16xf32>
        %select_n3A_743 = arith.select %eq3A_739, %sub3A_742, %get3A_737 : vector<16xi1>, vector<16xf32>
        %abs3A_744 = math.absf %select_n3A_743 : vector<16xf32>
        %bitcast_convert_type3A_745 = tpu.bitcast %abs3A_744 : vector<16xf32> -> vector<16xi32>
        %shift_right_arithmetic3A_746 = arith.constant 16 : i32
        %shift_right_arithmetic3A_747 = vector.broadcast %shift_right_arithmetic3A_746 : i32 to vector<16xi32>
        %shift_right_arithmetic3A_748 = arith.shrsi %bitcast_convert_type3A_745, %shift_right_arithmetic3A_747 : vector<16xi32>
        %add3A_749 = arith.constant 128 : i32
        %add3A_750 = arith.addi %mul3A_584, %add3A_749 : i32
        %get3A_751 = arith.index_cast %select_n3A_523 : i32 to index
        %get3A_752 = arith.index_cast %add3A_750 : i32 to index
        %get3A_753 = tpu.vector_load %arg9[%get3A_751, %get3A_752] {strides = array<i32>} : memref<2x8192xi32, #tpu.memory_space<vmem>>, vector<16xi32>,
        %add3A_754 = arith.constant 128 : i32
        %add3A_755 = arith.addi %mul3A_584, %add3A_754 : i32
        %get3A_756 = arith.index_cast %select_n3A_523 : i32 to index
        %get3A_757 = arith.index_cast %add3A_755 : i32 to index
        %get3A_758 = tpu.vector_load %arg8[%get3A_756, %get3A_757] {strides = array<i32>} : memref<2x8192xf32, #tpu.memory_space<vmem>>, vector<16xf32>,
        %eq3A_759 = vector.broadcast %select_n3A_398 : i32 to vector<16xi32>
        %eq3A_760 = arith.cmpi eq, %get3A_753, %eq3A_759 : vector<16xi32>
        %sub3A_761 = arith.constant 1.000000e+00 : f32
        %sub3A_762 = vector.broadcast %sub3A_761 : f32 to vector<16xf32>
        %sub3A_763 = arith.subf %sub3A_762, %get3A_758 : vector<16xf32>
        %select_n3A_764 = arith.select %eq3A_760, %sub3A_763, %get3A_758 : vector<16xi1>, vector<16xf32>
        %abs3A_765 = math.absf %select_n3A_764 : vector<16xf32>
        %bitcast_convert_type3A_766 = tpu.bitcast %abs3A_765 : vector<16xf32> -> vector<16xi32>
        %shift_right_arithmetic3A_767 = arith.constant 16 : i32
        %shift_right_arithmetic3A_768 = vector.broadcast %shift_right_arithmetic3A_767 : i32 to vector<16xi32>
        %shift_right_arithmetic3A_769 = arith.shrsi %bitcast_convert_type3A_766, %shift_right_arithmetic3A_768 : vector<16xi32>
        %add3A_770 = arith.constant 144 : i32
        %add3A_771 = arith.addi %mul3A_584, %add3A_770 : i32
        %get3A_772 = arith.index_cast %select_n3A_523 : i32 to index
        %get3A_773 = arith.index_cast %add3A_771 : i32 to index
        %get3A_774 = tpu.vector_load %arg9[%get3A_772, %get3A_773] {strides = array<i32>} : memref<2x8192xi32, #tpu.memory_space<vmem>>, vector<16xi32>,
        %add3A_775 = arith.constant 144 : i32
        %add3A_776 = arith.addi %mul3A_584, %add3A_775 : i32
        %get3A_777 = arith.index_cast %select_n3A_523 : i32 to index
        %get3A_778 = arith.index_cast %add3A_776 : i32 to index
        %get3A_779 = tpu.vector_load %arg8[%get3A_777, %get3A_778] {strides = array<i32>} : memref<2x8192xf32, #tpu.memory_space<vmem>>, vector<16xf32>,
        %eq3A_780 = vector.broadcast %select_n3A_398 : i32 to vector<16xi32>
        %eq3A_781 = arith.cmpi eq, %get3A_774, %eq3A_780 : vector<16xi32>
        %sub3A_782 = arith.constant 1.000000e+00 : f32
        %sub3A_783 = vector.broadcast %sub3A_782 : f32 to vector<16xf32>
        %sub3A_784 = arith.subf %sub3A_783, %get3A_779 : vector<16xf32>
        %select_n3A_785 = arith.select %eq3A_781, %sub3A_784, %get3A_779 : vector<16xi1>, vector<16xf32>
        %abs3A_786 = math.absf %select_n3A_785 : vector<16xf32>
        %bitcast_convert_type3A_787 = tpu.bitcast %abs3A_786 : vector<16xf32> -> vector<16xi32>
        %shift_right_arithmetic3A_788 = arith.constant 16 : i32
        %shift_right_arithmetic3A_789 = vector.broadcast %shift_right_arithmetic3A_788 : i32 to vector<16xi32>
        %shift_right_arithmetic3A_790 = arith.shrsi %bitcast_convert_type3A_787, %shift_right_arithmetic3A_789 : vector<16xi32>
        %add3A_791 = arith.constant 160 : i32
        %add3A_792 = arith.addi %mul3A_584, %add3A_791 : i32
        %get3A_793 = arith.index_cast %select_n3A_523 : i32 to index
        %get3A_794 = arith.index_cast %add3A_792 : i32 to index
        %get3A_795 = tpu.vector_load %arg9[%get3A_793, %get3A_794] {strides = array<i32>} : memref<2x8192xi32, #tpu.memory_space<vmem>>, vector<16xi32>,
        %add3A_796 = arith.constant 160 : i32
        %add3A_797 = arith.addi %mul3A_584, %add3A_796 : i32
        %get3A_798 = arith.index_cast %select_n3A_523 : i32 to index
        %get3A_799 = arith.index_cast %add3A_797 : i32 to index
        %get3A_800 = tpu.vector_load %arg8[%get3A_798, %get3A_799] {strides = array<i32>} : memref<2x8192xf32, #tpu.memory_space<vmem>>, vector<16xf32>,
        %eq3A_801 = vector.broadcast %select_n3A_398 : i32 to vector<16xi32>
        %eq3A_802 = arith.cmpi eq, %get3A_795, %eq3A_801 : vector<16xi32>
        %sub3A_803 = arith.constant 1.000000e+00 : f32
        %sub3A_804 = vector.broadcast %sub3A_803 : f32 to vector<16xf32>
        %sub3A_805 = arith.subf %sub3A_804, %get3A_800 : vector<16xf32>
        %select_n3A_806 = arith.select %eq3A_802, %sub3A_805, %get3A_800 : vector<16xi1>, vector<16xf32>
        %abs3A_807 = math.absf %select_n3A_806 : vector<16xf32>
        %bitcast_convert_type3A_808 = tpu.bitcast %abs3A_807 : vector<16xf32> -> vector<16xi32>
        %shift_right_arithmetic3A_809 = arith.constant 16 : i32
        %shift_right_arithmetic3A_810 = vector.broadcast %shift_right_arithmetic3A_809 : i32 to vector<16xi32>
        %shift_right_arithmetic3A_811 = arith.shrsi %bitcast_convert_type3A_808, %shift_right_arithmetic3A_810 : vector<16xi32>
        %add3A_812 = arith.constant 176 : i32
        %add3A_813 = arith.addi %mul3A_584, %add3A_812 : i32
        %get3A_814 = arith.index_cast %select_n3A_523 : i32 to index
        %get3A_815 = arith.index_cast %add3A_813 : i32 to index
        %get3A_816 = tpu.vector_load %arg9[%get3A_814, %get3A_815] {strides = array<i32>} : memref<2x8192xi32, #tpu.memory_space<vmem>>, vector<16xi32>,
        %add3A_817 = arith.constant 176 : i32
        %add3A_818 = arith.addi %mul3A_584, %add3A_817 : i32
        %get3A_819 = arith.index_cast %select_n3A_523 : i32 to index
        %get3A_820 = arith.index_cast %add3A_818 : i32 to index
        %get3A_821 = tpu.vector_load %arg8[%get3A_819, %get3A_820] {strides = array<i32>} : memref<2x8192xf32, #tpu.memory_space<vmem>>, vector<16xf32>,
        %eq3A_822 = vector.broadcast %select_n3A_398 : i32 to vector<16xi32>
        %eq3A_823 = arith.cmpi eq, %get3A_816, %eq3A_822 : vector<16xi32>
        %sub3A_824 = arith.constant 1.000000e+00 : f32
        %sub3A_825 = vector.broadcast %sub3A_824 : f32 to vector<16xf32>
        %sub3A_826 = arith.subf %sub3A_825, %get3A_821 : vector<16xf32>
        %select_n3A_827 = arith.select %eq3A_823, %sub3A_826, %get3A_821 : vector<16xi1>, vector<16xf32>
        %abs3A_828 = math.absf %select_n3A_827 : vector<16xf32>
        %bitcast_convert_type3A_829 = tpu.bitcast %abs3A_828 : vector<16xf32> -> vector<16xi32>
        %shift_right_arithmetic3A_830 = arith.constant 16 : i32
        %shift_right_arithmetic3A_831 = vector.broadcast %shift_right_arithmetic3A_830 : i32 to vector<16xi32>
        %shift_right_arithmetic3A_832 = arith.shrsi %bitcast_convert_type3A_829, %shift_right_arithmetic3A_831 : vector<16xi32>
        %add3A_833 = arith.constant 192 : i32
        %add3A_834 = arith.addi %mul3A_584, %add3A_833 : i32
        %get3A_835 = arith.index_cast %select_n3A_523 : i32 to index
        %get3A_836 = arith.index_cast %add3A_834 : i32 to index
        %get3A_837 = tpu.vector_load %arg9[%get3A_835, %get3A_836] {strides = array<i32>} : memref<2x8192xi32, #tpu.memory_space<vmem>>, vector<16xi32>,
        %add3A_838 = arith.constant 192 : i32
        %add3A_839 = arith.addi %mul3A_584, %add3A_838 : i32
        %get3A_840 = arith.index_cast %select_n3A_523 : i32 to index
        %get3A_841 = arith.index_cast %add3A_839 : i32 to index
        %get3A_842 = tpu.vector_load %arg8[%get3A_840, %get3A_841] {strides = array<i32>} : memref<2x8192xf32, #tpu.memory_space<vmem>>, vector<16xf32>,
        %eq3A_843 = vector.broadcast %select_n3A_398 : i32 to vector<16xi32>
        %eq3A_844 = arith.cmpi eq, %get3A_837, %eq3A_843 : vector<16xi32>
        %sub3A_845 = arith.constant 1.000000e+00 : f32
        %sub3A_846 = vector.broadcast %sub3A_845 : f32 to vector<16xf32>
        %sub3A_847 = arith.subf %sub3A_846, %get3A_842 : vector<16xf32>
        %select_n3A_848 = arith.select %eq3A_844, %sub3A_847, %get3A_842 : vector<16xi1>, vector<16xf32>
        %abs3A_849 = math.absf %select_n3A_848 : vector<16xf32>
        %bitcast_convert_type3A_850 = tpu.bitcast %abs3A_849 : vector<16xf32> -> vector<16xi32>
        %shift_right_arithmetic3A_851 = arith.constant 16 : i32
        %shift_right_arithmetic3A_852 = vector.broadcast %shift_right_arithmetic3A_851 : i32 to vector<16xi32>
        %shift_right_arithmetic3A_853 = arith.shrsi %bitcast_convert_type3A_850, %shift_right_arithmetic3A_852 : vector<16xi32>
        %add3A_854 = arith.constant 208 : i32
        %add3A_855 = arith.addi %mul3A_584, %add3A_854 : i32
        %get3A_856 = arith.index_cast %select_n3A_523 : i32 to index
        %get3A_857 = arith.index_cast %add3A_855 : i32 to index
        %get3A_858 = tpu.vector_load %arg9[%get3A_856, %get3A_857] {strides = array<i32>} : memref<2x8192xi32, #tpu.memory_space<vmem>>, vector<16xi32>,
        %add3A_859 = arith.constant 208 : i32
        %add3A_860 = arith.addi %mul3A_584, %add3A_859 : i32
        %get3A_861 = arith.index_cast %select_n3A_523 : i32 to index
        %get3A_862 = arith.index_cast %add3A_860 : i32 to index
        %get3A_863 = tpu.vector_load %arg8[%get3A_861, %get3A_862] {strides = array<i32>} : memref<2x8192xf32, #tpu.memory_space<vmem>>, vector<16xf32>,
        %eq3A_864 = vector.broadcast %select_n3A_398 : i32 to vector<16xi32>
        %eq3A_865 = arith.cmpi eq, %get3A_858, %eq3A_864 : vector<16xi32>
        %sub3A_866 = arith.constant 1.000000e+00 : f32
        %sub3A_867 = vector.broadcast %sub3A_866 : f32 to vector<16xf32>
        %sub3A_868 = arith.subf %sub3A_867, %get3A_863 : vector<16xf32>
        %select_n3A_869 = arith.select %eq3A_865, %sub3A_868, %get3A_863 : vector<16xi1>, vector<16xf32>
        %abs3A_870 = math.absf %select_n3A_869 : vector<16xf32>
        %bitcast_convert_type3A_871 = tpu.bitcast %abs3A_870 : vector<16xf32> -> vector<16xi32>
        %shift_right_arithmetic3A_872 = arith.constant 16 : i32
        %shift_right_arithmetic3A_873 = vector.broadcast %shift_right_arithmetic3A_872 : i32 to vector<16xi32>
        %shift_right_arithmetic3A_874 = arith.shrsi %bitcast_convert_type3A_871, %shift_right_arithmetic3A_873 : vector<16xi32>
        %add3A_875 = arith.constant 224 : i32
        %add3A_876 = arith.addi %mul3A_584, %add3A_875 : i32
        %get3A_877 = arith.index_cast %select_n3A_523 : i32 to index
        %get3A_878 = arith.index_cast %add3A_876 : i32 to index
        %get3A_879 = tpu.vector_load %arg9[%get3A_877, %get3A_878] {strides = array<i32>} : memref<2x8192xi32, #tpu.memory_space<vmem>>, vector<16xi32>,
        %add3A_880 = arith.constant 224 : i32
        %add3A_881 = arith.addi %mul3A_584, %add3A_880 : i32
        %get3A_882 = arith.index_cast %select_n3A_523 : i32 to index
        %get3A_883 = arith.index_cast %add3A_881 : i32 to index
        %get3A_884 = tpu.vector_load %arg8[%get3A_882, %get3A_883] {strides = array<i32>} : memref<2x8192xf32, #tpu.memory_space<vmem>>, vector<16xf32>,
        %eq3A_885 = vector.broadcast %select_n3A_398 : i32 to vector<16xi32>
        %eq3A_886 = arith.cmpi eq, %get3A_879, %eq3A_885 : vector<16xi32>
        %sub3A_887 = arith.constant 1.000000e+00 : f32
        %sub3A_888 = vector.broadcast %sub3A_887 : f32 to vector<16xf32>
        %sub3A_889 = arith.subf %sub3A_888, %get3A_884 : vector<16xf32>
        %select_n3A_890 = arith.select %eq3A_886, %sub3A_889, %get3A_884 : vector<16xi1>, vector<16xf32>
        %abs3A_891 = math.absf %select_n3A_890 : vector<16xf32>
        %bitcast_convert_type3A_892 = tpu.bitcast %abs3A_891 : vector<16xf32> -> vector<16xi32>
        %shift_right_arithmetic3A_893 = arith.constant 16 : i32
        %shift_right_arithmetic3A_894 = vector.broadcast %shift_right_arithmetic3A_893 : i32 to vector<16xi32>
        %shift_right_arithmetic3A_895 = arith.shrsi %bitcast_convert_type3A_892, %shift_right_arithmetic3A_894 : vector<16xi32>
        %add3A_896 = arith.constant 240 : i32
        %add3A_897 = arith.addi %mul3A_584, %add3A_896 : i32
        %get3A_898 = arith.index_cast %select_n3A_523 : i32 to index
        %get3A_899 = arith.index_cast %add3A_897 : i32 to index
        %get3A_900 = tpu.vector_load %arg9[%get3A_898, %get3A_899] {strides = array<i32>} : memref<2x8192xi32, #tpu.memory_space<vmem>>, vector<16xi32>,
        %add3A_901 = arith.constant 240 : i32
        %add3A_902 = arith.addi %mul3A_584, %add3A_901 : i32
        %get3A_903 = arith.index_cast %select_n3A_523 : i32 to index
        %get3A_904 = arith.index_cast %add3A_902 : i32 to index
        %get3A_905 = tpu.vector_load %arg8[%get3A_903, %get3A_904] {strides = array<i32>} : memref<2x8192xf32, #tpu.memory_space<vmem>>, vector<16xf32>,
        %eq3A_906 = vector.broadcast %select_n3A_398 : i32 to vector<16xi32>
        %eq3A_907 = arith.cmpi eq, %get3A_900, %eq3A_906 : vector<16xi32>
        %sub3A_908 = arith.constant 1.000000e+00 : f32
        %sub3A_909 = vector.broadcast %sub3A_908 : f32 to vector<16xf32>
        %sub3A_910 = arith.subf %sub3A_909, %get3A_905 : vector<16xf32>
        %select_n3A_911 = arith.select %eq3A_907, %sub3A_910, %get3A_905 : vector<16xi1>, vector<16xf32>
        %abs3A_912 = math.absf %select_n3A_911 : vector<16xf32>
        %bitcast_convert_type3A_913 = tpu.bitcast %abs3A_912 : vector<16xf32> -> vector<16xi32>
        %shift_right_arithmetic3A_914 = arith.constant 16 : i32
        %shift_right_arithmetic3A_915 = vector.broadcast %shift_right_arithmetic3A_914 : i32 to vector<16xi32>
        %shift_right_arithmetic3A_916 = arith.shrsi %bitcast_convert_type3A_913, %shift_right_arithmetic3A_915 : vector<16xi32>
        %broadcast_in_dim3A = arith.constant true
        %broadcast_in_dim3A_917 = vector.broadcast %broadcast_in_dim3A : i1 to vector<16xi1>
        %unique3A, %unique3A_918 = tpu.scan_count mask(%broadcast_in_dim3A_917 : vector<16xi1>) value(%shift_right_arithmetic3A_601 : vector<16xi32>) : vector<16xi1>, vector<16xi32>
        %unique3A_919, %unique3A_920 = tpu.scan_count mask(%eq3A_595 : vector<16xi1>) value(%shift_right_arithmetic3A_601 : vector<16xi32>) : vector<16xi1>, vector<16xi32>
        %broadcast_in_dim3A_921 = arith.constant true
        %broadcast_in_dim3A_922 = vector.broadcast %broadcast_in_dim3A_921 : i1 to vector<16xi1>
        %unique3A_923, %unique3A_924 = tpu.scan_count mask(%broadcast_in_dim3A_922 : vector<16xi1>) value(%shift_right_arithmetic3A_622 : vector<16xi32>) : vector<16xi1>, vector<16xi32>
        %unique3A_925, %unique3A_926 = tpu.scan_count mask(%eq3A_613 : vector<16xi1>) value(%shift_right_arithmetic3A_622 : vector<16xi32>) : vector<16xi1>, vector<16xi32>
        %broadcast_in_dim3A_927 = arith.constant true
        %broadcast_in_dim3A_928 = vector.broadcast %broadcast_in_dim3A_927 : i1 to vector<16xi1>
        %unique3A_929, %unique3A_930 = tpu.scan_count mask(%broadcast_in_dim3A_928 : vector<16xi1>) value(%shift_right_arithmetic3A_643 : vector<16xi32>) : vector<16xi1>, vector<16xi32>
        %unique3A_931, %unique3A_932 = tpu.scan_count mask(%eq3A_634 : vector<16xi1>) value(%shift_right_arithmetic3A_643 : vector<16xi32>) : vector<16xi1>, vector<16xi32>
        %broadcast_in_dim3A_933 = arith.constant true
        %broadcast_in_dim3A_934 = vector.broadcast %broadcast_in_dim3A_933 : i1 to vector<16xi1>
        %unique3A_935, %unique3A_936 = tpu.scan_count mask(%broadcast_in_dim3A_934 : vector<16xi1>) value(%shift_right_arithmetic3A_664 : vector<16xi32>) : vector<16xi1>, vector<16xi32>
        %unique3A_937, %unique3A_938 = tpu.scan_count mask(%eq3A_655 : vector<16xi1>) value(%shift_right_arithmetic3A_664 : vector<16xi32>) : vector<16xi1>, vector<16xi32>
        %broadcast_in_dim3A_939 = arith.constant true
        %broadcast_in_dim3A_940 = vector.broadcast %broadcast_in_dim3A_939 : i1 to vector<16xi1>
        %unique3A_941, %unique3A_942 = tpu.scan_count mask(%broadcast_in_dim3A_940 : vector<16xi1>) value(%shift_right_arithmetic3A_685 : vector<16xi32>) : vector<16xi1>, vector<16xi32>
        %unique3A_943, %unique3A_944 = tpu.scan_count mask(%eq3A_676 : vector<16xi1>) value(%shift_right_arithmetic3A_685 : vector<16xi32>) : vector<16xi1>, vector<16xi32>
        %broadcast_in_dim3A_945 = arith.constant true
        %broadcast_in_dim3A_946 = vector.broadcast %broadcast_in_dim3A_945 : i1 to vector<16xi1>
        %unique3A_947, %unique3A_948 = tpu.scan_count mask(%broadcast_in_dim3A_946 : vector<16xi1>) value(%shift_right_arithmetic3A_706 : vector<16xi32>) : vector<16xi1>, vector<16xi32>
        %unique3A_949, %unique3A_950 = tpu.scan_count mask(%eq3A_697 : vector<16xi1>) value(%shift_right_arithmetic3A_706 : vector<16xi32>) : vector<16xi1>, vector<16xi32>
        %broadcast_in_dim3A_951 = arith.constant true
        %broadcast_in_dim3A_952 = vector.broadcast %broadcast_in_dim3A_951 : i1 to vector<16xi1>
        %unique3A_953, %unique3A_954 = tpu.scan_count mask(%broadcast_in_dim3A_952 : vector<16xi1>) value(%shift_right_arithmetic3A_727 : vector<16xi32>) : vector<16xi1>, vector<16xi32>
        %unique3A_955, %unique3A_956 = tpu.scan_count mask(%eq3A_718 : vector<16xi1>) value(%shift_right_arithmetic3A_727 : vector<16xi32>) : vector<16xi1>, vector<16xi32>
        %broadcast_in_dim3A_957 = arith.constant true
        %broadcast_in_dim3A_958 = vector.broadcast %broadcast_in_dim3A_957 : i1 to vector<16xi1>
        %unique3A_959, %unique3A_960 = tpu.scan_count mask(%broadcast_in_dim3A_958 : vector<16xi1>) value(%shift_right_arithmetic3A_748 : vector<16xi32>) : vector<16xi1>, vector<16xi32>
        %unique3A_961, %unique3A_962 = tpu.scan_count mask(%eq3A_739 : vector<16xi1>) value(%shift_right_arithmetic3A_748 : vector<16xi32>) : vector<16xi1>, vector<16xi32>
        %broadcast_in_dim3A_963 = arith.constant true
        %broadcast_in_dim3A_964 = vector.broadcast %broadcast_in_dim3A_963 : i1 to vector<16xi1>
        %unique3A_965, %unique3A_966 = tpu.scan_count mask(%broadcast_in_dim3A_964 : vector<16xi1>) value(%shift_right_arithmetic3A_769 : vector<16xi32>) : vector<16xi1>, vector<16xi32>
        %unique3A_967, %unique3A_968 = tpu.scan_count mask(%eq3A_760 : vector<16xi1>) value(%shift_right_arithmetic3A_769 : vector<16xi32>) : vector<16xi1>, vector<16xi32>
        %broadcast_in_dim3A_969 = arith.constant true
        %broadcast_in_dim3A_970 = vector.broadcast %broadcast_in_dim3A_969 : i1 to vector<16xi1>
        %unique3A_971, %unique3A_972 = tpu.scan_count mask(%broadcast_in_dim3A_970 : vector<16xi1>) value(%shift_right_arithmetic3A_790 : vector<16xi32>) : vector<16xi1>, vector<16xi32>
        %unique3A_973, %unique3A_974 = tpu.scan_count mask(%eq3A_781 : vector<16xi1>) value(%shift_right_arithmetic3A_790 : vector<16xi32>) : vector<16xi1>, vector<16xi32>
        %broadcast_in_dim3A_975 = arith.constant true
        %broadcast_in_dim3A_976 = vector.broadcast %broadcast_in_dim3A_975 : i1 to vector<16xi1>
        %unique3A_977, %unique3A_978 = tpu.scan_count mask(%broadcast_in_dim3A_976 : vector<16xi1>) value(%shift_right_arithmetic3A_811 : vector<16xi32>) : vector<16xi1>, vector<16xi32>
        %unique3A_979, %unique3A_980 = tpu.scan_count mask(%eq3A_802 : vector<16xi1>) value(%shift_right_arithmetic3A_811 : vector<16xi32>) : vector<16xi1>, vector<16xi32>
        %broadcast_in_dim3A_981 = arith.constant true
        %broadcast_in_dim3A_982 = vector.broadcast %broadcast_in_dim3A_981 : i1 to vector<16xi1>
        %unique3A_983, %unique3A_984 = tpu.scan_count mask(%broadcast_in_dim3A_982 : vector<16xi1>) value(%shift_right_arithmetic3A_832 : vector<16xi32>) : vector<16xi1>, vector<16xi32>
        %unique3A_985, %unique3A_986 = tpu.scan_count mask(%eq3A_823 : vector<16xi1>) value(%shift_right_arithmetic3A_832 : vector<16xi32>) : vector<16xi1>, vector<16xi32>
        %broadcast_in_dim3A_987 = arith.constant true
        %broadcast_in_dim3A_988 = vector.broadcast %broadcast_in_dim3A_987 : i1 to vector<16xi1>
        %unique3A_989, %unique3A_990 = tpu.scan_count mask(%broadcast_in_dim3A_988 : vector<16xi1>) value(%shift_right_arithmetic3A_853 : vector<16xi32>) : vector<16xi1>, vector<16xi32>
        %unique3A_991, %unique3A_992 = tpu.scan_count mask(%eq3A_844 : vector<16xi1>) value(%shift_right_arithmetic3A_853 : vector<16xi32>) : vector<16xi1>, vector<16xi32>
        %broadcast_in_dim3A_993 = arith.constant true
        %broadcast_in_dim3A_994 = vector.broadcast %broadcast_in_dim3A_993 : i1 to vector<16xi1>
        %unique3A_995, %unique3A_996 = tpu.scan_count mask(%broadcast_in_dim3A_994 : vector<16xi1>) value(%shift_right_arithmetic3A_874 : vector<16xi32>) : vector<16xi1>, vector<16xi32>
        %unique3A_997, %unique3A_998 = tpu.scan_count mask(%eq3A_865 : vector<16xi1>) value(%shift_right_arithmetic3A_874 : vector<16xi32>) : vector<16xi1>, vector<16xi32>
        %broadcast_in_dim3A_999 = arith.constant true
        %broadcast_in_dim3A_1000 = vector.broadcast %broadcast_in_dim3A_999 : i1 to vector<16xi1>
        %unique3A_1001, %unique3A_1002 = tpu.scan_count mask(%broadcast_in_dim3A_1000 : vector<16xi1>) value(%shift_right_arithmetic3A_895 : vector<16xi32>) : vector<16xi1>, vector<16xi32>
        %unique3A_1003, %unique3A_1004 = tpu.scan_count mask(%eq3A_886 : vector<16xi1>) value(%shift_right_arithmetic3A_895 : vector<16xi32>) : vector<16xi1>, vector<16xi32>
        %broadcast_in_dim3A_1005 = arith.constant true
        %broadcast_in_dim3A_1006 = vector.broadcast %broadcast_in_dim3A_1005 : i1 to vector<16xi1>
        %unique3A_1007, %unique3A_1008 = tpu.scan_count mask(%broadcast_in_dim3A_1006 : vector<16xi1>) value(%shift_right_arithmetic3A_916 : vector<16xi32>) : vector<16xi1>, vector<16xi32>
        %unique3A_1009, %unique3A_1010 = tpu.scan_count mask(%eq3A_907 : vector<16xi1>) value(%shift_right_arithmetic3A_916 : vector<16xi32>) : vector<16xi1>, vector<16xi32>
        tpu.vector_store_idx %arg6[%shift_right_arithmetic3A_601], %unique3A_918 masked %unique3A {add = true} : memref<32768xi32, #tpu.memory_space<vmem>>[vector<16xi32>], vector<16xi32>, vector<16xi1>
        tpu.vector_store_idx %arg7[%shift_right_arithmetic3A_601], %unique3A_920 masked %unique3A_919 {add = true} : memref<32768xi32, #tpu.memory_space<vmem>>[vector<16xi32>], vector<16xi32>, vector<16xi1>
        tpu.vector_store_idx %arg6[%shift_right_arithmetic3A_622], %unique3A_924 masked %unique3A_923 {add = true} : memref<32768xi32, #tpu.memory_space<vmem>>[vector<16xi32>], vector<16xi32>, vector<16xi1>
        tpu.vector_store_idx %arg7[%shift_right_arithmetic3A_622], %unique3A_926 masked %unique3A_925 {add = true} : memref<32768xi32, #tpu.memory_space<vmem>>[vector<16xi32>], vector<16xi32>, vector<16xi1>
        tpu.vector_store_idx %arg6[%shift_right_arithmetic3A_643], %unique3A_930 masked %unique3A_929 {add = true} : memref<32768xi32, #tpu.memory_space<vmem>>[vector<16xi32>], vector<16xi32>, vector<16xi1>
        tpu.vector_store_idx %arg7[%shift_right_arithmetic3A_643], %unique3A_932 masked %unique3A_931 {add = true} : memref<32768xi32, #tpu.memory_space<vmem>>[vector<16xi32>], vector<16xi32>, vector<16xi1>
        tpu.vector_store_idx %arg6[%shift_right_arithmetic3A_664], %unique3A_936 masked %unique3A_935 {add = true} : memref<32768xi32, #tpu.memory_space<vmem>>[vector<16xi32>], vector<16xi32>, vector<16xi1>
        tpu.vector_store_idx %arg7[%shift_right_arithmetic3A_664], %unique3A_938 masked %unique3A_937 {add = true} : memref<32768xi32, #tpu.memory_space<vmem>>[vector<16xi32>], vector<16xi32>, vector<16xi1>
        tpu.vector_store_idx %arg6[%shift_right_arithmetic3A_685], %unique3A_942 masked %unique3A_941 {add = true} : memref<32768xi32, #tpu.memory_space<vmem>>[vector<16xi32>], vector<16xi32>, vector<16xi1>
        tpu.vector_store_idx %arg7[%shift_right_arithmetic3A_685], %unique3A_944 masked %unique3A_943 {add = true} : memref<32768xi32, #tpu.memory_space<vmem>>[vector<16xi32>], vector<16xi32>, vector<16xi1>
        tpu.vector_store_idx %arg6[%shift_right_arithmetic3A_706], %unique3A_948 masked %unique3A_947 {add = true} : memref<32768xi32, #tpu.memory_space<vmem>>[vector<16xi32>], vector<16xi32>, vector<16xi1>
        tpu.vector_store_idx %arg7[%shift_right_arithmetic3A_706], %unique3A_950 masked %unique3A_949 {add = true} : memref<32768xi32, #tpu.memory_space<vmem>>[vector<16xi32>], vector<16xi32>, vector<16xi1>
        tpu.vector_store_idx %arg6[%shift_right_arithmetic3A_727], %unique3A_954 masked %unique3A_953 {add = true} : memref<32768xi32, #tpu.memory_space<vmem>>[vector<16xi32>], vector<16xi32>, vector<16xi1>
        tpu.vector_store_idx %arg7[%shift_right_arithmetic3A_727], %unique3A_956 masked %unique3A_955 {add = true} : memref<32768xi32, #tpu.memory_space<vmem>>[vector<16xi32>], vector<16xi32>, vector<16xi1>
        tpu.vector_store_idx %arg6[%shift_right_arithmetic3A_748], %unique3A_960 masked %unique3A_959 {add = true} : memref<32768xi32, #tpu.memory_space<vmem>>[vector<16xi32>], vector<16xi32>, vector<16xi1>
        tpu.vector_store_idx %arg7[%shift_right_arithmetic3A_748], %unique3A_962 masked %unique3A_961 {add = true} : memref<32768xi32, #tpu.memory_space<vmem>>[vector<16xi32>], vector<16xi32>, vector<16xi1>
        tpu.vector_store_idx %arg6[%shift_right_arithmetic3A_769], %unique3A_966 masked %unique3A_965 {add = true} : memref<32768xi32, #tpu.memory_space<vmem>>[vector<16xi32>], vector<16xi32>, vector<16xi1>
        tpu.vector_store_idx %arg7[%shift_right_arithmetic3A_769], %unique3A_968 masked %unique3A_967 {add = true} : memref<32768xi32, #tpu.memory_space<vmem>>[vector<16xi32>], vector<16xi32>, vector<16xi1>
        tpu.vector_store_idx %arg6[%shift_right_arithmetic3A_790], %unique3A_972 masked %unique3A_971 {add = true} : memref<32768xi32, #tpu.memory_space<vmem>>[vector<16xi32>], vector<16xi32>, vector<16xi1>
        tpu.vector_store_idx %arg7[%shift_right_arithmetic3A_790], %unique3A_974 masked %unique3A_973 {add = true} : memref<32768xi32, #tpu.memory_space<vmem>>[vector<16xi32>], vector<16xi32>, vector<16xi1>
        tpu.vector_store_idx %arg6[%shift_right_arithmetic3A_811], %unique3A_978 masked %unique3A_977 {add = true} : memref<32768xi32, #tpu.memory_space<vmem>>[vector<16xi32>], vector<16xi32>, vector<16xi1>
        tpu.vector_store_idx %arg7[%shift_right_arithmetic3A_811], %unique3A_980 masked %unique3A_979 {add = true} : memref<32768xi32, #tpu.memory_space<vmem>>[vector<16xi32>], vector<16xi32>, vector<16xi1>
        tpu.vector_store_idx %arg6[%shift_right_arithmetic3A_832], %unique3A_984 masked %unique3A_983 {add = true} : memref<32768xi32, #tpu.memory_space<vmem>>[vector<16xi32>], vector<16xi32>, vector<16xi1>
        tpu.vector_store_idx %arg7[%shift_right_arithmetic3A_832], %unique3A_986 masked %unique3A_985 {add = true} : memref<32768xi32, #tpu.memory_space<vmem>>[vector<16xi32>], vector<16xi32>, vector<16xi1>
        tpu.vector_store_idx %arg6[%shift_right_arithmetic3A_853], %unique3A_990 masked %unique3A_989 {add = true} : memref<32768xi32, #tpu.memory_space<vmem>>[vector<16xi32>], vector<16xi32>, vector<16xi1>
        tpu.vector_store_idx %arg7[%shift_right_arithmetic3A_853], %unique3A_992 masked %unique3A_991 {add = true} : memref<32768xi32, #tpu.memory_space<vmem>>[vector<16xi32>], vector<16xi32>, vector<16xi1>
        tpu.vector_store_idx %arg6[%shift_right_arithmetic3A_874], %unique3A_996 masked %unique3A_995 {add = true} : memref<32768xi32, #tpu.memory_space<vmem>>[vector<16xi32>], vector<16xi32>, vector<16xi1>
        tpu.vector_store_idx %arg7[%shift_right_arithmetic3A_874], %unique3A_998 masked %unique3A_997 {add = true} : memref<32768xi32, #tpu.memory_space<vmem>>[vector<16xi32>], vector<16xi32>, vector<16xi1>
        tpu.vector_store_idx %arg6[%shift_right_arithmetic3A_895], %unique3A_1002 masked %unique3A_1001 {add = true} : memref<32768xi32, #tpu.memory_space<vmem>>[vector<16xi32>], vector<16xi32>, vector<16xi1>
        tpu.vector_store_idx %arg7[%shift_right_arithmetic3A_895], %unique3A_1004 masked %unique3A_1003 {add = true} : memref<32768xi32, #tpu.memory_space<vmem>>[vector<16xi32>], vector<16xi32>, vector<16xi1>
        tpu.vector_store_idx %arg6[%shift_right_arithmetic3A_916], %unique3A_1008 masked %unique3A_1007 {add = true} : memref<32768xi32, #tpu.memory_space<vmem>>[vector<16xi32>], vector<16xi32>, vector<16xi1>
        tpu.vector_store_idx %arg7[%shift_right_arithmetic3A_916], %unique3A_1010 masked %unique3A_1009 {add = true} : memref<32768xi32, #tpu.memory_space<vmem>>[vector<16xi32>], vector<16xi32>, vector<16xi1>
        %scan3A_1011 = arith.constant 0 : i32
        scf.yield %scan3A_1011 : i32
      }
      %scan3A_579 = arith.constant 32 : i32
      %scan3A_580 = arith.constant 0 : i32
      scf.yield %scan3A_580 : i32
    }
    %scan3A_500 = arith.constant 16 : i32
    "tpu.region"() ({
      %run_scoped3A = tpu.sem_alloc : memref<!tpu.dma_semaphore, #tpu.memory_space<semaphore_mem>>
      %dma_start3A_506 = arith.constant 0 : i32
      %dma_start3A_507 = tpu.memref_slice %arg4[%select_n3A_398, %select_n3A_414, %dma_start3A_506] : memref<19x8x32768xi32, #tpu.memory_space<hbm>> -> memref<1x1x32768xi32, #tpu.memory_space<hbm>>
      %dma_start3A_508 = tpu.memref_squeeze %dma_start3A_507 : memref<1x1x32768xi32, #tpu.memory_space<hbm>> -> memref<32768xi32, #tpu.memory_space<hbm>>
      %dma_start3A_509 = arith.constant 0 : i32
      %dma_start3A_510 = tpu.memref_slice %arg4[%select_n3A_398, %select_n3A_414, %dma_start3A_509] : memref<19x8x32768xi32, #tpu.memory_space<hbm>> -> memref<1x1x32768xi32, #tpu.memory_space<hbm>>
      %dma_start3A_511 = tpu.memref_squeeze %dma_start3A_510 : memref<1x1x32768xi32, #tpu.memory_space<hbm>> -> memref<32768xi32, #tpu.memory_space<hbm>>
      tpu.enqueue_dma source(%arg6 : memref<32768xi32, #tpu.memory_space<vmem>>) target(%dma_start3A_511 : memref<32768xi32, #tpu.memory_space<hbm>>) target_semaphore(%run_scoped3A : memref<!tpu.dma_semaphore, #tpu.memory_space<semaphore_mem>>)
      %dma_wait3A = arith.constant 0 : i32
      %dma_wait3A_512 = tpu.memref_slice %arg4[%select_n3A_398, %select_n3A_414, %dma_wait3A] : memref<19x8x32768xi32, #tpu.memory_space<hbm>> -> memref<1x1x32768xi32, #tpu.memory_space<hbm>>
      %dma_wait3A_513 = tpu.memref_squeeze %dma_wait3A_512 : memref<1x1x32768xi32, #tpu.memory_space<hbm>> -> memref<32768xi32, #tpu.memory_space<hbm>>
      %dma_wait3A_514 = arith.constant 0 : i32
      %dma_wait3A_515 = tpu.memref_slice %arg4[%select_n3A_398, %select_n3A_414, %dma_wait3A_514] : memref<19x8x32768xi32, #tpu.memory_space<hbm>> -> memref<1x1x32768xi32, #tpu.memory_space<hbm>>
      %dma_wait3A_516 = tpu.memref_squeeze %dma_wait3A_515 : memref<1x1x32768xi32, #tpu.memory_space<hbm>> -> memref<32768xi32, #tpu.memory_space<hbm>>
      tpu.wait_dma2 semaphore(%run_scoped3A : memref<!tpu.dma_semaphore, #tpu.memory_space<semaphore_mem>>) src(%arg6 : memref<32768xi32, #tpu.memory_space<vmem>>) dst(%dma_wait3A_516 : memref<32768xi32, #tpu.memory_space<hbm>>)
      tpu.yield
    }) : () -> ()
    "tpu.region"() ({
      %run_scoped3A = tpu.sem_alloc : memref<!tpu.dma_semaphore, #tpu.memory_space<semaphore_mem>>
      %dma_start3A_506 = arith.constant 0 : i32
      %dma_start3A_507 = tpu.memref_slice %arg5[%select_n3A_398, %select_n3A_414, %dma_start3A_506] : memref<19x8x32768xi32, #tpu.memory_space<hbm>> -> memref<1x1x32768xi32, #tpu.memory_space<hbm>>
      %dma_start3A_508 = tpu.memref_squeeze %dma_start3A_507 : memref<1x1x32768xi32, #tpu.memory_space<hbm>> -> memref<32768xi32, #tpu.memory_space<hbm>>
      %dma_start3A_509 = arith.constant 0 : i32
      %dma_start3A_510 = tpu.memref_slice %arg5[%select_n3A_398, %select_n3A_414, %dma_start3A_509] : memref<19x8x32768xi32, #tpu.memory_space<hbm>> -> memref<1x1x32768xi32, #tpu.memory_space<hbm>>
      %dma_start3A_511 = tpu.memref_squeeze %dma_start3A_510 : memref<1x1x32768xi32, #tpu.memory_space<hbm>> -> memref<32768xi32, #tpu.memory_space<hbm>>
      tpu.enqueue_dma source(%arg7 : memref<32768xi32, #tpu.memory_space<vmem>>) target(%dma_start3A_511 : memref<32768xi32, #tpu.memory_space<hbm>>) target_semaphore(%run_scoped3A : memref<!tpu.dma_semaphore, #tpu.memory_space<semaphore_mem>>)
      %dma_wait3A = arith.constant 0 : i32
      %dma_wait3A_512 = tpu.memref_slice %arg5[%select_n3A_398, %select_n3A_414, %dma_wait3A] : memref<19x8x32768xi32, #tpu.memory_space<hbm>> -> memref<1x1x32768xi32, #tpu.memory_space<hbm>>
      %dma_wait3A_513 = tpu.memref_squeeze %dma_wait3A_512 : memref<1x1x32768xi32, #tpu.memory_space<hbm>> -> memref<32768xi32, #tpu.memory_space<hbm>>
      %dma_wait3A_514 = arith.constant 0 : i32
      %dma_wait3A_515 = tpu.memref_slice %arg5[%select_n3A_398, %select_n3A_414, %dma_wait3A_514] : memref<19x8x32768xi32, #tpu.memory_space<hbm>> -> memref<1x1x32768xi32, #tpu.memory_space<hbm>>
      %dma_wait3A_516 = tpu.memref_squeeze %dma_wait3A_515 : memref<1x1x32768xi32, #tpu.memory_space<hbm>> -> memref<32768xi32, #tpu.memory_space<hbm>>
      tpu.wait_dma2 semaphore(%run_scoped3A : memref<!tpu.dma_semaphore, #tpu.memory_space<semaphore_mem>>) src(%arg7 : memref<32768xi32, #tpu.memory_space<vmem>>) dst(%dma_wait3A_516 : memref<32768xi32, #tpu.memory_space<hbm>>)
      tpu.yield
    }) : () -> ()
    %add3A_501 = arith.constant 128 : i32
    %add3A_502 = arith.addi %add3A, %add3A_501 : i32
    %lt3A_503 = arith.constant 152 : i32
    %lt3A_504 = arith.cmpi slt, %add3A_502, %lt3A_503 : i32
    %convert_element_type3A = arith.extui %lt3A_504 : i1 to i32
    %cond3A = arith.constant 0 : i32
    %cond3A_505 = arith.cmpi ne, %convert_element_type3A, %cond3A : i32
    scf.if %cond3A_505 {
      %jit3A_506 = arith.constant 8 : i32
      %div3A_507 = arith.divsi %add3A_502, %jit3A_506 : i32
      %sign3A_508 = arith.constant 0 : i32
      %sign3A_509 = arith.cmpi sgt, %add3A_502, %sign3A_508 : i32
      %sign3A_510 = arith.extui %sign3A_509 : i1 to i32
      %sign3A_511 = arith.constant 0 : i32
      %sign3A_512 = arith.cmpi slt, %add3A_502, %sign3A_511 : i32
      %sign3A_513 = arith.extui %sign3A_512 : i1 to i32
      %sign3A_514 = arith.subi %sign3A_510, %sign3A_513 : i32
      %sign3A_515 = arith.constant 0 : i32
      %sign3A_516 = arith.cmpi sgt, %jit3A_506, %sign3A_515 : i32
      %sign3A_517 = arith.extui %sign3A_516 : i1 to i32
      %sign3A_518 = arith.constant 0 : i32
      %sign3A_519 = arith.cmpi slt, %jit3A_506, %sign3A_518 : i32
      %sign3A_520 = arith.extui %sign3A_519 : i1 to i32
      %sign3A_521 = arith.subi %sign3A_517, %sign3A_520 : i32
      %ne3A_522 = arith.cmpi ne, %sign3A_514, %sign3A_521 : i32
      %rem3A_523 = arith.remsi %add3A_502, %jit3A_506 : i32
      %ne3A_524 = arith.constant 0 : i32
      %ne3A_525 = arith.cmpi ne, %rem3A_523, %ne3A_524 : i32
      %and3A_526 = arith.andi %ne3A_522, %ne3A_525 : i1
      %sub3A_527 = arith.constant 1 : i32
      %sub3A_528 = arith.subi %div3A_507, %sub3A_527 : i32
      %select_n3A_529 = arith.select %and3A_526, %sub3A_528, %div3A_507 : i32
      %jit3A_530 = arith.constant 8 : i32
      %eq3A_531 = arith.constant 0 : i32
      %eq3A_532 = arith.cmpi eq, %jit3A_530, %eq3A_531 : i32
      %jit3A_533 = arith.constant 1 : i32
      %select_n3A_534 = arith.select %eq3A_532, %jit3A_533, %jit3A_530 : i32
      %rem3A_535 = arith.remsi %add3A_502, %select_n3A_534 : i32
      %ne3A_536 = arith.constant 0 : i32
      %ne3A_537 = arith.cmpi ne, %rem3A_535, %ne3A_536 : i32
      %lt3A_538 = arith.constant 0 : i32
      %lt3A_539 = arith.cmpi slt, %rem3A_535, %lt3A_538 : i32
      %lt3A_540 = arith.constant 0 : i32
      %lt3A_541 = arith.cmpi slt, %select_n3A_534, %lt3A_540 : i32
      %ne3A_542 = arith.xori %lt3A_539, %lt3A_541 : i1
      %and3A_543 = arith.andi %ne3A_542, %ne3A_537 : i1
      %add3A_544 = arith.addi %rem3A_535, %select_n3A_534 : i32
      %select_n3A_545 = arith.select %and3A_543, %add3A_544, %rem3A_535 : i32
      %jit3A_546 = arith.constant 2 : i32
      %div3A_547 = arith.divsi %select_n3A_545, %jit3A_546 : i32
      %sign3A_548 = arith.constant 0 : i32
      %sign3A_549 = arith.cmpi sgt, %select_n3A_545, %sign3A_548 : i32
      %sign3A_550 = arith.extui %sign3A_549 : i1 to i32
      %sign3A_551 = arith.constant 0 : i32
      %sign3A_552 = arith.cmpi slt, %select_n3A_545, %sign3A_551 : i32
      %sign3A_553 = arith.extui %sign3A_552 : i1 to i32
      %sign3A_554 = arith.subi %sign3A_550, %sign3A_553 : i32
      %sign3A_555 = arith.constant 0 : i32
      %sign3A_556 = arith.cmpi sgt, %jit3A_546, %sign3A_555 : i32
      %sign3A_557 = arith.extui %sign3A_556 : i1 to i32
      %sign3A_558 = arith.constant 0 : i32
      %sign3A_559 = arith.cmpi slt, %jit3A_546, %sign3A_558 : i32
      %sign3A_560 = arith.extui %sign3A_559 : i1 to i32
      %sign3A_561 = arith.subi %sign3A_557, %sign3A_560 : i32
      %ne3A_562 = arith.cmpi ne, %sign3A_554, %sign3A_561 : i32
      %rem3A_563 = arith.remsi %select_n3A_545, %jit3A_546 : i32
      %ne3A_564 = arith.constant 0 : i32
      %ne3A_565 = arith.cmpi ne, %rem3A_563, %ne3A_564 : i32
      %and3A_566 = arith.andi %ne3A_562, %ne3A_565 : i1
      %sub3A_567 = arith.constant 1 : i32
      %sub3A_568 = arith.subi %div3A_547, %sub3A_567 : i32
      %select_n3A_569 = arith.select %and3A_566, %sub3A_568, %div3A_547 : i32
      %jit3A_570 = arith.constant 2 : i32
      %eq3A_571 = arith.constant 0 : i32
      %eq3A_572 = arith.cmpi eq, %jit3A_570, %eq3A_571 : i32
      %jit3A_573 = arith.constant 1 : i32
      %select_n3A_574 = arith.select %eq3A_572, %jit3A_573, %jit3A_570 : i32
      %rem3A_575 = arith.remsi %select_n3A_545, %select_n3A_574 : i32
      %ne3A_576 = arith.constant 0 : i32
      %ne3A_577 = arith.cmpi ne, %rem3A_575, %ne3A_576 : i32
      %lt3A_578 = arith.constant 0 : i32
      %lt3A_579 = arith.cmpi slt, %rem3A_575, %lt3A_578 : i32
      %lt3A_580 = arith.constant 0 : i32
      %lt3A_581 = arith.cmpi slt, %select_n3A_574, %lt3A_580 : i32
      %ne3A_582 = arith.xori %lt3A_579, %lt3A_581 : i1
      %and3A_583 = arith.andi %ne3A_582, %ne3A_577 : i1
      %add3A_584 = arith.addi %rem3A_575, %select_n3A_574 : i32
      %select_n3A_585 = arith.select %and3A_583, %add3A_584, %rem3A_575 : i32
      %mul3A_586 = arith.constant 131072 : i32
      %mul3A_587 = arith.muli %select_n3A_585, %mul3A_586 : i32
      %scan3A_588 = arith.constant 0 : i32
      %scan3A_589 = arith.constant 0 : i32
      %scan3A_590 = arith.constant 2048 : i32
      %scan3A_591 = arith.addi %scan3A_589, %scan3A_590 : i32
      %scan3A_592 = arith.constant 1 : i32
      %scan3A_593 = scf.for %scan3A_632 = %scan3A_589 to %scan3A_591 step %scan3A_592 iter_args(%scan3A_633 = %scan3A_588) -> (i32)  : i32 {
        %broadcast_in_dim3A = arith.constant 0 : i32
        %broadcast_in_dim3A_634 = vector.broadcast %broadcast_in_dim3A : i32 to vector<16xi32>
        %mul3A_635 = arith.constant 16 : i32
        %mul3A_636 = arith.muli %scan3A_632, %mul3A_635 : i32
        %swap3A = arith.index_cast %mul3A_636 : i32 to index
        %swap3A_637 = tpu.vector_load %arg6[%swap3A] {strides = array<i32>} : memref<32768xi32, #tpu.memory_space<vmem>>, vector<16xi32>,
        tpu.vector_store %arg6[%swap3A], %broadcast_in_dim3A_634 {strides = array<i32>} : memref<32768xi32, #tpu.memory_space<vmem>>, vector<16xi32>,
        %mul3A_638 = arith.constant 16 : i32
        %mul3A_639 = arith.muli %scan3A_632, %mul3A_638 : i32
        %swap3A_640 = arith.index_cast %mul3A_639 : i32 to index
        %swap3A_641 = tpu.vector_load %arg7[%swap3A_640] {strides = array<i32>} : memref<32768xi32, #tpu.memory_space<vmem>>, vector<16xi32>,
        tpu.vector_store %arg7[%swap3A_640], %broadcast_in_dim3A_634 {strides = array<i32>} : memref<32768xi32, #tpu.memory_space<vmem>>, vector<16xi32>,
        %scan3A_642 = arith.constant 0 : i32
        scf.yield %scan3A_642 : i32
      }
      %scan3A_594 = arith.constant 2048 : i32
      %add3A_595 = arith.constant 0 : i32
      %add3A_596 = arith.addi %mul3A_587, %add3A_595 : i32
      %dma_start3A_597 = arith.constant 0 : i32
      %dma_start3A_598 = arith.constant 0 : i32
      %dma_start3A_599 = arith.constant 0 : i32
      %dma_start3A_600 = tpu.memref_slice %arg8[%dma_start3A_597, %dma_start3A_599] : memref<2x8192xf32, #tpu.memory_space<vmem>> -> memref<1x8192xf32, #tpu.memory_space<vmem>>
      %dma_start3A_601 = tpu.memref_squeeze %dma_start3A_600 : memref<1x8192xf32, #tpu.memory_space<vmem>> -> memref<8192xf32, #tpu.memory_space<vmem>>
      %dma_start3A_602 = tpu.memref_slice %arg2[%select_n3A_569, %select_n3A_529, %add3A_596] : memref<4x19x262144xf32, #tpu.memory_space<hbm>> -> memref<1x1x8192xf32, #tpu.memory_space<hbm>>
      %dma_start3A_603 = tpu.memref_squeeze %dma_start3A_602 : memref<1x1x8192xf32, #tpu.memory_space<hbm>> -> memref<8192xf32, #tpu.memory_space<hbm>>
      %dma_start3A_604 = tpu.memref_slice %arg10[%dma_start3A_598] : memref<2x!tpu.dma_semaphore, #tpu.memory_space<semaphore_mem>> -> memref<1x!tpu.dma_semaphore, #tpu.memory_space<semaphore_mem>>
      %dma_start3A_605 = tpu.memref_squeeze %dma_start3A_604 : memref<1x!tpu.dma_semaphore, #tpu.memory_space<semaphore_mem>> -> memref<!tpu.dma_semaphore, #tpu.memory_space<semaphore_mem>>
      %dma_start3A_606 = arith.constant 0 : i32
      %dma_start3A_607 = tpu.memref_slice %arg8[%dma_start3A_597, %dma_start3A_606] : memref<2x8192xf32, #tpu.memory_space<vmem>> -> memref<1x8192xf32, #tpu.memory_space<vmem>>
      %dma_start3A_608 = tpu.memref_squeeze %dma_start3A_607 : memref<1x8192xf32, #tpu.memory_space<vmem>> -> memref<8192xf32, #tpu.memory_space<vmem>>
      %dma_start3A_609 = tpu.memref_slice %arg2[%select_n3A_569, %select_n3A_529, %add3A_596] : memref<4x19x262144xf32, #tpu.memory_space<hbm>> -> memref<1x1x8192xf32, #tpu.memory_space<hbm>>
      %dma_start3A_610 = tpu.memref_squeeze %dma_start3A_609 : memref<1x1x8192xf32, #tpu.memory_space<hbm>> -> memref<8192xf32, #tpu.memory_space<hbm>>
      tpu.enqueue_dma source(%dma_start3A_610 : memref<8192xf32, #tpu.memory_space<hbm>>) target(%dma_start3A_608 : memref<8192xf32, #tpu.memory_space<vmem>>) target_semaphore(%dma_start3A_605 : memref<!tpu.dma_semaphore, #tpu.memory_space<semaphore_mem>>)
      %dma_start3A_611 = arith.constant 0 : i32
      %dma_start3A_612 = arith.constant 0 : i32
      %dma_start3A_613 = arith.constant 0 : i32
      %dma_start3A_614 = tpu.memref_slice %arg9[%dma_start3A_611, %dma_start3A_613] : memref<2x8192xi32, #tpu.memory_space<vmem>> -> memref<1x8192xi32, #tpu.memory_space<vmem>>
      %dma_start3A_615 = tpu.memref_squeeze %dma_start3A_614 : memref<1x8192xi32, #tpu.memory_space<vmem>> -> memref<8192xi32, #tpu.memory_space<vmem>>
      %dma_start3A_616 = tpu.memref_slice %arg3[%select_n3A_569, %add3A_596] : memref<4x262144xi32, #tpu.memory_space<hbm>> -> memref<1x8192xi32, #tpu.memory_space<hbm>>
      %dma_start3A_617 = tpu.memref_squeeze %dma_start3A_616 : memref<1x8192xi32, #tpu.memory_space<hbm>> -> memref<8192xi32, #tpu.memory_space<hbm>>
      %dma_start3A_618 = tpu.memref_slice %arg11[%dma_start3A_612] : memref<2x!tpu.dma_semaphore, #tpu.memory_space<semaphore_mem>> -> memref<1x!tpu.dma_semaphore, #tpu.memory_space<semaphore_mem>>
      %dma_start3A_619 = tpu.memref_squeeze %dma_start3A_618 : memref<1x!tpu.dma_semaphore, #tpu.memory_space<semaphore_mem>> -> memref<!tpu.dma_semaphore, #tpu.memory_space<semaphore_mem>>
      %dma_start3A_620 = arith.constant 0 : i32
      %dma_start3A_621 = tpu.memref_slice %arg9[%dma_start3A_611, %dma_start3A_620] : memref<2x8192xi32, #tpu.memory_space<vmem>> -> memref<1x8192xi32, #tpu.memory_space<vmem>>
      %dma_start3A_622 = tpu.memref_squeeze %dma_start3A_621 : memref<1x8192xi32, #tpu.memory_space<vmem>> -> memref<8192xi32, #tpu.memory_space<vmem>>
      %dma_start3A_623 = tpu.memref_slice %arg3[%select_n3A_569, %add3A_596] : memref<4x262144xi32, #tpu.memory_space<hbm>> -> memref<1x8192xi32, #tpu.memory_space<hbm>>
      %dma_start3A_624 = tpu.memref_squeeze %dma_start3A_623 : memref<1x8192xi32, #tpu.memory_space<hbm>> -> memref<8192xi32, #tpu.memory_space<hbm>>
      tpu.enqueue_dma source(%dma_start3A_624 : memref<8192xi32, #tpu.memory_space<hbm>>) target(%dma_start3A_622 : memref<8192xi32, #tpu.memory_space<vmem>>) target_semaphore(%dma_start3A_619 : memref<!tpu.dma_semaphore, #tpu.memory_space<semaphore_mem>>)
      %scan3A_625 = arith.constant 0 : i32
      %scan3A_626 = arith.constant 0 : i32
      %scan3A_627 = arith.constant 16 : i32
      %scan3A_628 = arith.addi %scan3A_626, %scan3A_627 : i32
      %scan3A_629 = arith.constant 1 : i32
      %scan3A_630 = scf.for %scan3A_632 = %scan3A_626 to %scan3A_628 step %scan3A_629 iter_args(%scan3A_633 = %scan3A_625) -> (i32)  : i32 {
        %jit3A_634 = arith.constant 2 : i32
        %eq3A_635 = arith.constant 0 : i32
        %eq3A_636 = arith.cmpi eq, %jit3A_634, %eq3A_635 : i32
        %jit3A_637 = arith.constant 1 : i32
        %select_n3A_638 = arith.select %eq3A_636, %jit3A_637, %jit3A_634 : i32
        %rem3A_639 = arith.remsi %scan3A_632, %select_n3A_638 : i32
        %ne3A_640 = arith.constant 0 : i32
        %ne3A_641 = arith.cmpi ne, %rem3A_639, %ne3A_640 : i32
        %lt3A_642 = arith.constant 0 : i32
        %lt3A_643 = arith.cmpi slt, %rem3A_639, %lt3A_642 : i32
        %lt3A_644 = arith.constant 0 : i32
        %lt3A_645 = arith.cmpi slt, %select_n3A_638, %lt3A_644 : i32
        %ne3A_646 = arith.xori %lt3A_643, %lt3A_645 : i1
        %and3A_647 = arith.andi %ne3A_646, %ne3A_641 : i1
        %add3A_648 = arith.addi %rem3A_639, %select_n3A_638 : i32
        %select_n3A_649 = arith.select %and3A_647, %add3A_648, %rem3A_639 : i32
        %add3A_650 = arith.constant 1 : i32
        %add3A_651 = arith.addi %scan3A_632, %add3A_650 : i32
        %lt3A_652 = arith.constant 16 : i32
        %lt3A_653 = arith.cmpi slt, %add3A_651, %lt3A_652 : i32
        %convert_element_type3A_654 = arith.extui %lt3A_653 : i1 to i32
        %cond3A_655 = arith.constant 0 : i32
        %cond3A_656 = arith.cmpi ne, %convert_element_type3A_654, %cond3A_655 : i32
        scf.if %cond3A_656 {
          %add3A_707 = arith.constant 1 : i32
          %add3A_708 = arith.addi %scan3A_632, %add3A_707 : i32
          %jit3A_709 = arith.constant 2 : i32
          %eq3A_710 = arith.constant 0 : i32
          %eq3A_711 = arith.cmpi eq, %jit3A_709, %eq3A_710 : i32
          %jit3A_712 = arith.constant 1 : i32
          %select_n3A_713 = arith.select %eq3A_711, %jit3A_712, %jit3A_709 : i32
          %rem3A_714 = arith.remsi %add3A_708, %select_n3A_713 : i32
          %ne3A_715 = arith.constant 0 : i32
          %ne3A_716 = arith.cmpi ne, %rem3A_714, %ne3A_715 : i32
          %lt3A_717 = arith.constant 0 : i32
          %lt3A_718 = arith.cmpi slt, %rem3A_714, %lt3A_717 : i32
          %lt3A_719 = arith.constant 0 : i32
          %lt3A_720 = arith.cmpi slt, %select_n3A_713, %lt3A_719 : i32
          %ne3A_721 = arith.xori %lt3A_718, %lt3A_720 : i1
          %and3A_722 = arith.andi %ne3A_721, %ne3A_716 : i1
          %add3A_723 = arith.addi %rem3A_714, %select_n3A_713 : i32
          %select_n3A_724 = arith.select %and3A_722, %add3A_723, %rem3A_714 : i32
          %mul3A_725 = arith.constant 8192 : i32
          %mul3A_726 = arith.muli %add3A_708, %mul3A_725 : i32
          %add3A_727 = arith.addi %mul3A_587, %mul3A_726 : i32
          %dma_start3A_728 = arith.constant 0 : i32
          %dma_start3A_729 = tpu.memref_slice %arg8[%select_n3A_724, %dma_start3A_728] : memref<2x8192xf32, #tpu.memory_space<vmem>> -> memref<1x8192xf32, #tpu.memory_space<vmem>>
          %dma_start3A_730 = tpu.memref_squeeze %dma_start3A_729 : memref<1x8192xf32, #tpu.memory_space<vmem>> -> memref<8192xf32, #tpu.memory_space<vmem>>
          %dma_start3A_731 = tpu.memref_slice %arg2[%select_n3A_569, %select_n3A_529, %add3A_727] : memref<4x19x262144xf32, #tpu.memory_space<hbm>> -> memref<1x1x8192xf32, #tpu.memory_space<hbm>>
          %dma_start3A_732 = tpu.memref_squeeze %dma_start3A_731 : memref<1x1x8192xf32, #tpu.memory_space<hbm>> -> memref<8192xf32, #tpu.memory_space<hbm>>
          %dma_start3A_733 = tpu.memref_slice %arg10[%select_n3A_724] : memref<2x!tpu.dma_semaphore, #tpu.memory_space<semaphore_mem>> -> memref<1x!tpu.dma_semaphore, #tpu.memory_space<semaphore_mem>>
          %dma_start3A_734 = tpu.memref_squeeze %dma_start3A_733 : memref<1x!tpu.dma_semaphore, #tpu.memory_space<semaphore_mem>> -> memref<!tpu.dma_semaphore, #tpu.memory_space<semaphore_mem>>
          %dma_start3A_735 = arith.constant 0 : i32
          %dma_start3A_736 = tpu.memref_slice %arg8[%select_n3A_724, %dma_start3A_735] : memref<2x8192xf32, #tpu.memory_space<vmem>> -> memref<1x8192xf32, #tpu.memory_space<vmem>>
          %dma_start3A_737 = tpu.memref_squeeze %dma_start3A_736 : memref<1x8192xf32, #tpu.memory_space<vmem>> -> memref<8192xf32, #tpu.memory_space<vmem>>
          %dma_start3A_738 = tpu.memref_slice %arg2[%select_n3A_569, %select_n3A_529, %add3A_727] : memref<4x19x262144xf32, #tpu.memory_space<hbm>> -> memref<1x1x8192xf32, #tpu.memory_space<hbm>>
          %dma_start3A_739 = tpu.memref_squeeze %dma_start3A_738 : memref<1x1x8192xf32, #tpu.memory_space<hbm>> -> memref<8192xf32, #tpu.memory_space<hbm>>
          tpu.enqueue_dma source(%dma_start3A_739 : memref<8192xf32, #tpu.memory_space<hbm>>) target(%dma_start3A_737 : memref<8192xf32, #tpu.memory_space<vmem>>) target_semaphore(%dma_start3A_734 : memref<!tpu.dma_semaphore, #tpu.memory_space<semaphore_mem>>)
          %dma_start3A_740 = arith.constant 0 : i32
          %dma_start3A_741 = tpu.memref_slice %arg9[%select_n3A_724, %dma_start3A_740] : memref<2x8192xi32, #tpu.memory_space<vmem>> -> memref<1x8192xi32, #tpu.memory_space<vmem>>
          %dma_start3A_742 = tpu.memref_squeeze %dma_start3A_741 : memref<1x8192xi32, #tpu.memory_space<vmem>> -> memref<8192xi32, #tpu.memory_space<vmem>>
          %dma_start3A_743 = tpu.memref_slice %arg3[%select_n3A_569, %add3A_727] : memref<4x262144xi32, #tpu.memory_space<hbm>> -> memref<1x8192xi32, #tpu.memory_space<hbm>>
          %dma_start3A_744 = tpu.memref_squeeze %dma_start3A_743 : memref<1x8192xi32, #tpu.memory_space<hbm>> -> memref<8192xi32, #tpu.memory_space<hbm>>
          %dma_start3A_745 = tpu.memref_slice %arg11[%select_n3A_724] : memref<2x!tpu.dma_semaphore, #tpu.memory_space<semaphore_mem>> -> memref<1x!tpu.dma_semaphore, #tpu.memory_space<semaphore_mem>>
          %dma_start3A_746 = tpu.memref_squeeze %dma_start3A_745 : memref<1x!tpu.dma_semaphore, #tpu.memory_space<semaphore_mem>> -> memref<!tpu.dma_semaphore, #tpu.memory_space<semaphore_mem>>
          %dma_start3A_747 = arith.constant 0 : i32
          %dma_start3A_748 = tpu.memref_slice %arg9[%select_n3A_724, %dma_start3A_747] : memref<2x8192xi32, #tpu.memory_space<vmem>> -> memref<1x8192xi32, #tpu.memory_space<vmem>>
          %dma_start3A_749 = tpu.memref_squeeze %dma_start3A_748 : memref<1x8192xi32, #tpu.memory_space<vmem>> -> memref<8192xi32, #tpu.memory_space<vmem>>
          %dma_start3A_750 = tpu.memref_slice %arg3[%select_n3A_569, %add3A_727] : memref<4x262144xi32, #tpu.memory_space<hbm>> -> memref<1x8192xi32, #tpu.memory_space<hbm>>
          %dma_start3A_751 = tpu.memref_squeeze %dma_start3A_750 : memref<1x8192xi32, #tpu.memory_space<hbm>> -> memref<8192xi32, #tpu.memory_space<hbm>>
          tpu.enqueue_dma source(%dma_start3A_751 : memref<8192xi32, #tpu.memory_space<hbm>>) target(%dma_start3A_749 : memref<8192xi32, #tpu.memory_space<vmem>>) target_semaphore(%dma_start3A_746 : memref<!tpu.dma_semaphore, #tpu.memory_space<semaphore_mem>>)
        } else {
        }
        %jit3A_657 = arith.constant 2 : i32
        %eq3A_658 = arith.constant 0 : i32
        %eq3A_659 = arith.cmpi eq, %jit3A_657, %eq3A_658 : i32
        %jit3A_660 = arith.constant 1 : i32
        %select_n3A_661 = arith.select %eq3A_659, %jit3A_660, %jit3A_657 : i32
        %rem3A_662 = arith.remsi %scan3A_632, %select_n3A_661 : i32
        %ne3A_663 = arith.constant 0 : i32
        %ne3A_664 = arith.cmpi ne, %rem3A_662, %ne3A_663 : i32
        %lt3A_665 = arith.constant 0 : i32
        %lt3A_666 = arith.cmpi slt, %rem3A_662, %lt3A_665 : i32
        %lt3A_667 = arith.constant 0 : i32
        %lt3A_668 = arith.cmpi slt, %select_n3A_661, %lt3A_667 : i32
        %ne3A_669 = arith.xori %lt3A_666, %lt3A_668 : i1
        %and3A_670 = arith.andi %ne3A_669, %ne3A_664 : i1
        %add3A_671 = arith.addi %rem3A_662, %select_n3A_661 : i32
        %select_n3A_672 = arith.select %and3A_670, %add3A_671, %rem3A_662 : i32
        %mul3A_673 = arith.constant 8192 : i32
        %mul3A_674 = arith.muli %scan3A_632, %mul3A_673 : i32
        %add3A_675 = arith.addi %mul3A_587, %mul3A_674 : i32
        %dma_wait3A = arith.constant 0 : i32
        %dma_wait3A_676 = tpu.memref_slice %arg8[%select_n3A_672, %dma_wait3A] : memref<2x8192xf32, #tpu.memory_space<vmem>> -> memref<1x8192xf32, #tpu.memory_space<vmem>>
        %dma_wait3A_677 = tpu.memref_squeeze %dma_wait3A_676 : memref<1x8192xf32, #tpu.memory_space<vmem>> -> memref<8192xf32, #tpu.memory_space<vmem>>
        %dma_wait3A_678 = tpu.memref_slice %arg2[%select_n3A_569, %select_n3A_529, %add3A_675] : memref<4x19x262144xf32, #tpu.memory_space<hbm>> -> memref<1x1x8192xf32, #tpu.memory_space<hbm>>
        %dma_wait3A_679 = tpu.memref_squeeze %dma_wait3A_678 : memref<1x1x8192xf32, #tpu.memory_space<hbm>> -> memref<8192xf32, #tpu.memory_space<hbm>>
        %dma_wait3A_680 = tpu.memref_slice %arg10[%select_n3A_672] : memref<2x!tpu.dma_semaphore, #tpu.memory_space<semaphore_mem>> -> memref<1x!tpu.dma_semaphore, #tpu.memory_space<semaphore_mem>>
        %dma_wait3A_681 = tpu.memref_squeeze %dma_wait3A_680 : memref<1x!tpu.dma_semaphore, #tpu.memory_space<semaphore_mem>> -> memref<!tpu.dma_semaphore, #tpu.memory_space<semaphore_mem>>
        %dma_wait3A_682 = arith.constant 0 : i32
        %dma_wait3A_683 = tpu.memref_slice %arg8[%select_n3A_672, %dma_wait3A_682] : memref<2x8192xf32, #tpu.memory_space<vmem>> -> memref<1x8192xf32, #tpu.memory_space<vmem>>
        %dma_wait3A_684 = tpu.memref_squeeze %dma_wait3A_683 : memref<1x8192xf32, #tpu.memory_space<vmem>> -> memref<8192xf32, #tpu.memory_space<vmem>>
        %dma_wait3A_685 = tpu.memref_slice %arg2[%select_n3A_569, %select_n3A_529, %add3A_675] : memref<4x19x262144xf32, #tpu.memory_space<hbm>> -> memref<1x1x8192xf32, #tpu.memory_space<hbm>>
        %dma_wait3A_686 = tpu.memref_squeeze %dma_wait3A_685 : memref<1x1x8192xf32, #tpu.memory_space<hbm>> -> memref<8192xf32, #tpu.memory_space<hbm>>
        tpu.wait_dma2 semaphore(%dma_wait3A_681 : memref<!tpu.dma_semaphore, #tpu.memory_space<semaphore_mem>>) src(%dma_wait3A_686 : memref<8192xf32, #tpu.memory_space<hbm>>) dst(%dma_wait3A_684 : memref<8192xf32, #tpu.memory_space<vmem>>)
        %dma_wait3A_687 = arith.constant 0 : i32
        %dma_wait3A_688 = tpu.memref_slice %arg9[%select_n3A_672, %dma_wait3A_687] : memref<2x8192xi32, #tpu.memory_space<vmem>> -> memref<1x8192xi32, #tpu.memory_space<vmem>>
        %dma_wait3A_689 = tpu.memref_squeeze %dma_wait3A_688 : memref<1x8192xi32, #tpu.memory_space<vmem>> -> memref<8192xi32, #tpu.memory_space<vmem>>
        %dma_wait3A_690 = tpu.memref_slice %arg3[%select_n3A_569, %add3A_675] : memref<4x262144xi32, #tpu.memory_space<hbm>> -> memref<1x8192xi32, #tpu.memory_space<hbm>>
        %dma_wait3A_691 = tpu.memref_squeeze %dma_wait3A_690 : memref<1x8192xi32, #tpu.memory_space<hbm>> -> memref<8192xi32, #tpu.memory_space<hbm>>
        %dma_wait3A_692 = tpu.memref_slice %arg11[%select_n3A_672] : memref<2x!tpu.dma_semaphore, #tpu.memory_space<semaphore_mem>> -> memref<1x!tpu.dma_semaphore, #tpu.memory_space<semaphore_mem>>
        %dma_wait3A_693 = tpu.memref_squeeze %dma_wait3A_692 : memref<1x!tpu.dma_semaphore, #tpu.memory_space<semaphore_mem>> -> memref<!tpu.dma_semaphore, #tpu.memory_space<semaphore_mem>>
        %dma_wait3A_694 = arith.constant 0 : i32
        %dma_wait3A_695 = tpu.memref_slice %arg9[%select_n3A_672, %dma_wait3A_694] : memref<2x8192xi32, #tpu.memory_space<vmem>> -> memref<1x8192xi32, #tpu.memory_space<vmem>>
        %dma_wait3A_696 = tpu.memref_squeeze %dma_wait3A_695 : memref<1x8192xi32, #tpu.memory_space<vmem>> -> memref<8192xi32, #tpu.memory_space<vmem>>
        %dma_wait3A_697 = tpu.memref_slice %arg3[%select_n3A_569, %add3A_675] : memref<4x262144xi32, #tpu.memory_space<hbm>> -> memref<1x8192xi32, #tpu.memory_space<hbm>>
        %dma_wait3A_698 = tpu.memref_squeeze %dma_wait3A_697 : memref<1x8192xi32, #tpu.memory_space<hbm>> -> memref<8192xi32, #tpu.memory_space<hbm>>
        tpu.wait_dma2 semaphore(%dma_wait3A_693 : memref<!tpu.dma_semaphore, #tpu.memory_space<semaphore_mem>>) src(%dma_wait3A_698 : memref<8192xi32, #tpu.memory_space<hbm>>) dst(%dma_wait3A_696 : memref<8192xi32, #tpu.memory_space<vmem>>)
        %scan3A_699 = arith.constant 0 : i32
        %scan3A_700 = arith.constant 0 : i32
        %scan3A_701 = arith.constant 32 : i32
        %scan3A_702 = arith.addi %scan3A_700, %scan3A_701 : i32
        %scan3A_703 = arith.constant 1 : i32
        %scan3A_704 = scf.for %scan3A_707 = %scan3A_700 to %scan3A_702 step %scan3A_703 iter_args(%scan3A_708 = %scan3A_699) -> (i32)  : i32 {
          %mul3A_709 = arith.constant 256 : i32
          %mul3A_710 = arith.muli %scan3A_707, %mul3A_709 : i32
          %add3A_711 = arith.constant 0 : i32
          %add3A_712 = arith.addi %mul3A_710, %add3A_711 : i32
          %get3A = arith.index_cast %select_n3A_649 : i32 to index
          %get3A_713 = arith.index_cast %add3A_712 : i32 to index
          %get3A_714 = tpu.vector_load %arg9[%get3A, %get3A_713] {strides = array<i32>} : memref<2x8192xi32, #tpu.memory_space<vmem>>, vector<16xi32>,
          %add3A_715 = arith.constant 0 : i32
          %add3A_716 = arith.addi %mul3A_710, %add3A_715 : i32
          %get3A_717 = arith.index_cast %select_n3A_649 : i32 to index
          %get3A_718 = arith.index_cast %add3A_716 : i32 to index
          %get3A_719 = tpu.vector_load %arg8[%get3A_717, %get3A_718] {strides = array<i32>} : memref<2x8192xf32, #tpu.memory_space<vmem>>, vector<16xf32>,
          %eq3A_720 = vector.broadcast %select_n3A_529 : i32 to vector<16xi32>
          %eq3A_721 = arith.cmpi eq, %get3A_714, %eq3A_720 : vector<16xi32>
          %sub3A_722 = arith.constant 1.000000e+00 : f32
          %sub3A_723 = vector.broadcast %sub3A_722 : f32 to vector<16xf32>
          %sub3A_724 = arith.subf %sub3A_723, %get3A_719 : vector<16xf32>
          %select_n3A_725 = arith.select %eq3A_721, %sub3A_724, %get3A_719 : vector<16xi1>, vector<16xf32>
          %abs3A = math.absf %select_n3A_725 : vector<16xf32>
          %bitcast_convert_type3A = tpu.bitcast %abs3A : vector<16xf32> -> vector<16xi32>
          %shift_right_arithmetic3A = arith.constant 16 : i32
          %shift_right_arithmetic3A_726 = vector.broadcast %shift_right_arithmetic3A : i32 to vector<16xi32>
          %shift_right_arithmetic3A_727 = arith.shrsi %bitcast_convert_type3A, %shift_right_arithmetic3A_726 : vector<16xi32>
          %add3A_728 = arith.constant 16 : i32
          %add3A_729 = arith.addi %mul3A_710, %add3A_728 : i32
          %get3A_730 = arith.index_cast %select_n3A_649 : i32 to index
          %get3A_731 = arith.index_cast %add3A_729 : i32 to index
          %get3A_732 = tpu.vector_load %arg9[%get3A_730, %get3A_731] {strides = array<i32>} : memref<2x8192xi32, #tpu.memory_space<vmem>>, vector<16xi32>,
          %add3A_733 = arith.constant 16 : i32
          %add3A_734 = arith.addi %mul3A_710, %add3A_733 : i32
          %get3A_735 = arith.index_cast %select_n3A_649 : i32 to index
          %get3A_736 = arith.index_cast %add3A_734 : i32 to index
          %get3A_737 = tpu.vector_load %arg8[%get3A_735, %get3A_736] {strides = array<i32>} : memref<2x8192xf32, #tpu.memory_space<vmem>>, vector<16xf32>,
          %eq3A_738 = vector.broadcast %select_n3A_529 : i32 to vector<16xi32>
          %eq3A_739 = arith.cmpi eq, %get3A_732, %eq3A_738 : vector<16xi32>
          %sub3A_740 = arith.constant 1.000000e+00 : f32
          %sub3A_741 = vector.broadcast %sub3A_740 : f32 to vector<16xf32>
          %sub3A_742 = arith.subf %sub3A_741, %get3A_737 : vector<16xf32>
          %select_n3A_743 = arith.select %eq3A_739, %sub3A_742, %get3A_737 : vector<16xi1>, vector<16xf32>
          %abs3A_744 = math.absf %select_n3A_743 : vector<16xf32>
          %bitcast_convert_type3A_745 = tpu.bitcast %abs3A_744 : vector<16xf32> -> vector<16xi32>
          %shift_right_arithmetic3A_746 = arith.constant 16 : i32
          %shift_right_arithmetic3A_747 = vector.broadcast %shift_right_arithmetic3A_746 : i32 to vector<16xi32>
          %shift_right_arithmetic3A_748 = arith.shrsi %bitcast_convert_type3A_745, %shift_right_arithmetic3A_747 : vector<16xi32>
          %add3A_749 = arith.constant 32 : i32
          %add3A_750 = arith.addi %mul3A_710, %add3A_749 : i32
          %get3A_751 = arith.index_cast %select_n3A_649 : i32 to index
          %get3A_752 = arith.index_cast %add3A_750 : i32 to index
          %get3A_753 = tpu.vector_load %arg9[%get3A_751, %get3A_752] {strides = array<i32>} : memref<2x8192xi32, #tpu.memory_space<vmem>>, vector<16xi32>,
          %add3A_754 = arith.constant 32 : i32
          %add3A_755 = arith.addi %mul3A_710, %add3A_754 : i32
          %get3A_756 = arith.index_cast %select_n3A_649 : i32 to index
          %get3A_757 = arith.index_cast %add3A_755 : i32 to index
          %get3A_758 = tpu.vector_load %arg8[%get3A_756, %get3A_757] {strides = array<i32>} : memref<2x8192xf32, #tpu.memory_space<vmem>>, vector<16xf32>,
          %eq3A_759 = vector.broadcast %select_n3A_529 : i32 to vector<16xi32>
          %eq3A_760 = arith.cmpi eq, %get3A_753, %eq3A_759 : vector<16xi32>
          %sub3A_761 = arith.constant 1.000000e+00 : f32
          %sub3A_762 = vector.broadcast %sub3A_761 : f32 to vector<16xf32>
          %sub3A_763 = arith.subf %sub3A_762, %get3A_758 : vector<16xf32>
          %select_n3A_764 = arith.select %eq3A_760, %sub3A_763, %get3A_758 : vector<16xi1>, vector<16xf32>
          %abs3A_765 = math.absf %select_n3A_764 : vector<16xf32>
          %bitcast_convert_type3A_766 = tpu.bitcast %abs3A_765 : vector<16xf32> -> vector<16xi32>
          %shift_right_arithmetic3A_767 = arith.constant 16 : i32
          %shift_right_arithmetic3A_768 = vector.broadcast %shift_right_arithmetic3A_767 : i32 to vector<16xi32>
          %shift_right_arithmetic3A_769 = arith.shrsi %bitcast_convert_type3A_766, %shift_right_arithmetic3A_768 : vector<16xi32>
          %add3A_770 = arith.constant 48 : i32
          %add3A_771 = arith.addi %mul3A_710, %add3A_770 : i32
          %get3A_772 = arith.index_cast %select_n3A_649 : i32 to index
          %get3A_773 = arith.index_cast %add3A_771 : i32 to index
          %get3A_774 = tpu.vector_load %arg9[%get3A_772, %get3A_773] {strides = array<i32>} : memref<2x8192xi32, #tpu.memory_space<vmem>>, vector<16xi32>,
          %add3A_775 = arith.constant 48 : i32
          %add3A_776 = arith.addi %mul3A_710, %add3A_775 : i32
          %get3A_777 = arith.index_cast %select_n3A_649 : i32 to index
          %get3A_778 = arith.index_cast %add3A_776 : i32 to index
          %get3A_779 = tpu.vector_load %arg8[%get3A_777, %get3A_778] {strides = array<i32>} : memref<2x8192xf32, #tpu.memory_space<vmem>>, vector<16xf32>,
          %eq3A_780 = vector.broadcast %select_n3A_529 : i32 to vector<16xi32>
          %eq3A_781 = arith.cmpi eq, %get3A_774, %eq3A_780 : vector<16xi32>
          %sub3A_782 = arith.constant 1.000000e+00 : f32
          %sub3A_783 = vector.broadcast %sub3A_782 : f32 to vector<16xf32>
          %sub3A_784 = arith.subf %sub3A_783, %get3A_779 : vector<16xf32>
          %select_n3A_785 = arith.select %eq3A_781, %sub3A_784, %get3A_779 : vector<16xi1>, vector<16xf32>
          %abs3A_786 = math.absf %select_n3A_785 : vector<16xf32>
          %bitcast_convert_type3A_787 = tpu.bitcast %abs3A_786 : vector<16xf32> -> vector<16xi32>
          %shift_right_arithmetic3A_788 = arith.constant 16 : i32
          %shift_right_arithmetic3A_789 = vector.broadcast %shift_right_arithmetic3A_788 : i32 to vector<16xi32>
          %shift_right_arithmetic3A_790 = arith.shrsi %bitcast_convert_type3A_787, %shift_right_arithmetic3A_789 : vector<16xi32>
          %add3A_791 = arith.constant 64 : i32
          %add3A_792 = arith.addi %mul3A_710, %add3A_791 : i32
          %get3A_793 = arith.index_cast %select_n3A_649 : i32 to index
          %get3A_794 = arith.index_cast %add3A_792 : i32 to index
          %get3A_795 = tpu.vector_load %arg9[%get3A_793, %get3A_794] {strides = array<i32>} : memref<2x8192xi32, #tpu.memory_space<vmem>>, vector<16xi32>,
          %add3A_796 = arith.constant 64 : i32
          %add3A_797 = arith.addi %mul3A_710, %add3A_796 : i32
          %get3A_798 = arith.index_cast %select_n3A_649 : i32 to index
          %get3A_799 = arith.index_cast %add3A_797 : i32 to index
          %get3A_800 = tpu.vector_load %arg8[%get3A_798, %get3A_799] {strides = array<i32>} : memref<2x8192xf32, #tpu.memory_space<vmem>>, vector<16xf32>,
          %eq3A_801 = vector.broadcast %select_n3A_529 : i32 to vector<16xi32>
          %eq3A_802 = arith.cmpi eq, %get3A_795, %eq3A_801 : vector<16xi32>
          %sub3A_803 = arith.constant 1.000000e+00 : f32
          %sub3A_804 = vector.broadcast %sub3A_803 : f32 to vector<16xf32>
          %sub3A_805 = arith.subf %sub3A_804, %get3A_800 : vector<16xf32>
          %select_n3A_806 = arith.select %eq3A_802, %sub3A_805, %get3A_800 : vector<16xi1>, vector<16xf32>
          %abs3A_807 = math.absf %select_n3A_806 : vector<16xf32>
          %bitcast_convert_type3A_808 = tpu.bitcast %abs3A_807 : vector<16xf32> -> vector<16xi32>
          %shift_right_arithmetic3A_809 = arith.constant 16 : i32
          %shift_right_arithmetic3A_810 = vector.broadcast %shift_right_arithmetic3A_809 : i32 to vector<16xi32>
          %shift_right_arithmetic3A_811 = arith.shrsi %bitcast_convert_type3A_808, %shift_right_arithmetic3A_810 : vector<16xi32>
          %add3A_812 = arith.constant 80 : i32
          %add3A_813 = arith.addi %mul3A_710, %add3A_812 : i32
          %get3A_814 = arith.index_cast %select_n3A_649 : i32 to index
          %get3A_815 = arith.index_cast %add3A_813 : i32 to index
          %get3A_816 = tpu.vector_load %arg9[%get3A_814, %get3A_815] {strides = array<i32>} : memref<2x8192xi32, #tpu.memory_space<vmem>>, vector<16xi32>,
          %add3A_817 = arith.constant 80 : i32
          %add3A_818 = arith.addi %mul3A_710, %add3A_817 : i32
          %get3A_819 = arith.index_cast %select_n3A_649 : i32 to index
          %get3A_820 = arith.index_cast %add3A_818 : i32 to index
          %get3A_821 = tpu.vector_load %arg8[%get3A_819, %get3A_820] {strides = array<i32>} : memref<2x8192xf32, #tpu.memory_space<vmem>>, vector<16xf32>,
          %eq3A_822 = vector.broadcast %select_n3A_529 : i32 to vector<16xi32>
          %eq3A_823 = arith.cmpi eq, %get3A_816, %eq3A_822 : vector<16xi32>
          %sub3A_824 = arith.constant 1.000000e+00 : f32
          %sub3A_825 = vector.broadcast %sub3A_824 : f32 to vector<16xf32>
          %sub3A_826 = arith.subf %sub3A_825, %get3A_821 : vector<16xf32>
          %select_n3A_827 = arith.select %eq3A_823, %sub3A_826, %get3A_821 : vector<16xi1>, vector<16xf32>
          %abs3A_828 = math.absf %select_n3A_827 : vector<16xf32>
          %bitcast_convert_type3A_829 = tpu.bitcast %abs3A_828 : vector<16xf32> -> vector<16xi32>
          %shift_right_arithmetic3A_830 = arith.constant 16 : i32
          %shift_right_arithmetic3A_831 = vector.broadcast %shift_right_arithmetic3A_830 : i32 to vector<16xi32>
          %shift_right_arithmetic3A_832 = arith.shrsi %bitcast_convert_type3A_829, %shift_right_arithmetic3A_831 : vector<16xi32>
          %add3A_833 = arith.constant 96 : i32
          %add3A_834 = arith.addi %mul3A_710, %add3A_833 : i32
          %get3A_835 = arith.index_cast %select_n3A_649 : i32 to index
          %get3A_836 = arith.index_cast %add3A_834 : i32 to index
          %get3A_837 = tpu.vector_load %arg9[%get3A_835, %get3A_836] {strides = array<i32>} : memref<2x8192xi32, #tpu.memory_space<vmem>>, vector<16xi32>,
          %add3A_838 = arith.constant 96 : i32
          %add3A_839 = arith.addi %mul3A_710, %add3A_838 : i32
          %get3A_840 = arith.index_cast %select_n3A_649 : i32 to index
          %get3A_841 = arith.index_cast %add3A_839 : i32 to index
          %get3A_842 = tpu.vector_load %arg8[%get3A_840, %get3A_841] {strides = array<i32>} : memref<2x8192xf32, #tpu.memory_space<vmem>>, vector<16xf32>,
          %eq3A_843 = vector.broadcast %select_n3A_529 : i32 to vector<16xi32>
          %eq3A_844 = arith.cmpi eq, %get3A_837, %eq3A_843 : vector<16xi32>
          %sub3A_845 = arith.constant 1.000000e+00 : f32
          %sub3A_846 = vector.broadcast %sub3A_845 : f32 to vector<16xf32>
          %sub3A_847 = arith.subf %sub3A_846, %get3A_842 : vector<16xf32>
          %select_n3A_848 = arith.select %eq3A_844, %sub3A_847, %get3A_842 : vector<16xi1>, vector<16xf32>
          %abs3A_849 = math.absf %select_n3A_848 : vector<16xf32>
          %bitcast_convert_type3A_850 = tpu.bitcast %abs3A_849 : vector<16xf32> -> vector<16xi32>
          %shift_right_arithmetic3A_851 = arith.constant 16 : i32
          %shift_right_arithmetic3A_852 = vector.broadcast %shift_right_arithmetic3A_851 : i32 to vector<16xi32>
          %shift_right_arithmetic3A_853 = arith.shrsi %bitcast_convert_type3A_850, %shift_right_arithmetic3A_852 : vector<16xi32>
          %add3A_854 = arith.constant 112 : i32
          %add3A_855 = arith.addi %mul3A_710, %add3A_854 : i32
          %get3A_856 = arith.index_cast %select_n3A_649 : i32 to index
          %get3A_857 = arith.index_cast %add3A_855 : i32 to index
          %get3A_858 = tpu.vector_load %arg9[%get3A_856, %get3A_857] {strides = array<i32>} : memref<2x8192xi32, #tpu.memory_space<vmem>>, vector<16xi32>,
          %add3A_859 = arith.constant 112 : i32
          %add3A_860 = arith.addi %mul3A_710, %add3A_859 : i32
          %get3A_861 = arith.index_cast %select_n3A_649 : i32 to index
          %get3A_862 = arith.index_cast %add3A_860 : i32 to index
          %get3A_863 = tpu.vector_load %arg8[%get3A_861, %get3A_862] {strides = array<i32>} : memref<2x8192xf32, #tpu.memory_space<vmem>>, vector<16xf32>,
          %eq3A_864 = vector.broadcast %select_n3A_529 : i32 to vector<16xi32>
          %eq3A_865 = arith.cmpi eq, %get3A_858, %eq3A_864 : vector<16xi32>
          %sub3A_866 = arith.constant 1.000000e+00 : f32
          %sub3A_867 = vector.broadcast %sub3A_866 : f32 to vector<16xf32>
          %sub3A_868 = arith.subf %sub3A_867, %get3A_863 : vector<16xf32>
          %select_n3A_869 = arith.select %eq3A_865, %sub3A_868, %get3A_863 : vector<16xi1>, vector<16xf32>
          %abs3A_870 = math.absf %select_n3A_869 : vector<16xf32>
          %bitcast_convert_type3A_871 = tpu.bitcast %abs3A_870 : vector<16xf32> -> vector<16xi32>
          %shift_right_arithmetic3A_872 = arith.constant 16 : i32
          %shift_right_arithmetic3A_873 = vector.broadcast %shift_right_arithmetic3A_872 : i32 to vector<16xi32>
          %shift_right_arithmetic3A_874 = arith.shrsi %bitcast_convert_type3A_871, %shift_right_arithmetic3A_873 : vector<16xi32>
          %add3A_875 = arith.constant 128 : i32
          %add3A_876 = arith.addi %mul3A_710, %add3A_875 : i32
          %get3A_877 = arith.index_cast %select_n3A_649 : i32 to index
          %get3A_878 = arith.index_cast %add3A_876 : i32 to index
          %get3A_879 = tpu.vector_load %arg9[%get3A_877, %get3A_878] {strides = array<i32>} : memref<2x8192xi32, #tpu.memory_space<vmem>>, vector<16xi32>,
          %add3A_880 = arith.constant 128 : i32
          %add3A_881 = arith.addi %mul3A_710, %add3A_880 : i32
          %get3A_882 = arith.index_cast %select_n3A_649 : i32 to index
          %get3A_883 = arith.index_cast %add3A_881 : i32 to index
          %get3A_884 = tpu.vector_load %arg8[%get3A_882, %get3A_883] {strides = array<i32>} : memref<2x8192xf32, #tpu.memory_space<vmem>>, vector<16xf32>,
          %eq3A_885 = vector.broadcast %select_n3A_529 : i32 to vector<16xi32>
          %eq3A_886 = arith.cmpi eq, %get3A_879, %eq3A_885 : vector<16xi32>
          %sub3A_887 = arith.constant 1.000000e+00 : f32
          %sub3A_888 = vector.broadcast %sub3A_887 : f32 to vector<16xf32>
          %sub3A_889 = arith.subf %sub3A_888, %get3A_884 : vector<16xf32>
          %select_n3A_890 = arith.select %eq3A_886, %sub3A_889, %get3A_884 : vector<16xi1>, vector<16xf32>
          %abs3A_891 = math.absf %select_n3A_890 : vector<16xf32>
          %bitcast_convert_type3A_892 = tpu.bitcast %abs3A_891 : vector<16xf32> -> vector<16xi32>
          %shift_right_arithmetic3A_893 = arith.constant 16 : i32
          %shift_right_arithmetic3A_894 = vector.broadcast %shift_right_arithmetic3A_893 : i32 to vector<16xi32>
          %shift_right_arithmetic3A_895 = arith.shrsi %bitcast_convert_type3A_892, %shift_right_arithmetic3A_894 : vector<16xi32>
          %add3A_896 = arith.constant 144 : i32
          %add3A_897 = arith.addi %mul3A_710, %add3A_896 : i32
          %get3A_898 = arith.index_cast %select_n3A_649 : i32 to index
          %get3A_899 = arith.index_cast %add3A_897 : i32 to index
          %get3A_900 = tpu.vector_load %arg9[%get3A_898, %get3A_899] {strides = array<i32>} : memref<2x8192xi32, #tpu.memory_space<vmem>>, vector<16xi32>,
          %add3A_901 = arith.constant 144 : i32
          %add3A_902 = arith.addi %mul3A_710, %add3A_901 : i32
          %get3A_903 = arith.index_cast %select_n3A_649 : i32 to index
          %get3A_904 = arith.index_cast %add3A_902 : i32 to index
          %get3A_905 = tpu.vector_load %arg8[%get3A_903, %get3A_904] {strides = array<i32>} : memref<2x8192xf32, #tpu.memory_space<vmem>>, vector<16xf32>,
          %eq3A_906 = vector.broadcast %select_n3A_529 : i32 to vector<16xi32>
          %eq3A_907 = arith.cmpi eq, %get3A_900, %eq3A_906 : vector<16xi32>
          %sub3A_908 = arith.constant 1.000000e+00 : f32
          %sub3A_909 = vector.broadcast %sub3A_908 : f32 to vector<16xf32>
          %sub3A_910 = arith.subf %sub3A_909, %get3A_905 : vector<16xf32>
          %select_n3A_911 = arith.select %eq3A_907, %sub3A_910, %get3A_905 : vector<16xi1>, vector<16xf32>
          %abs3A_912 = math.absf %select_n3A_911 : vector<16xf32>
          %bitcast_convert_type3A_913 = tpu.bitcast %abs3A_912 : vector<16xf32> -> vector<16xi32>
          %shift_right_arithmetic3A_914 = arith.constant 16 : i32
          %shift_right_arithmetic3A_915 = vector.broadcast %shift_right_arithmetic3A_914 : i32 to vector<16xi32>
          %shift_right_arithmetic3A_916 = arith.shrsi %bitcast_convert_type3A_913, %shift_right_arithmetic3A_915 : vector<16xi32>
          %add3A_917 = arith.constant 160 : i32
          %add3A_918 = arith.addi %mul3A_710, %add3A_917 : i32
          %get3A_919 = arith.index_cast %select_n3A_649 : i32 to index
          %get3A_920 = arith.index_cast %add3A_918 : i32 to index
          %get3A_921 = tpu.vector_load %arg9[%get3A_919, %get3A_920] {strides = array<i32>} : memref<2x8192xi32, #tpu.memory_space<vmem>>, vector<16xi32>,
          %add3A_922 = arith.constant 160 : i32
          %add3A_923 = arith.addi %mul3A_710, %add3A_922 : i32
          %get3A_924 = arith.index_cast %select_n3A_649 : i32 to index
          %get3A_925 = arith.index_cast %add3A_923 : i32 to index
          %get3A_926 = tpu.vector_load %arg8[%get3A_924, %get3A_925] {strides = array<i32>} : memref<2x8192xf32, #tpu.memory_space<vmem>>, vector<16xf32>,
          %eq3A_927 = vector.broadcast %select_n3A_529 : i32 to vector<16xi32>
          %eq3A_928 = arith.cmpi eq, %get3A_921, %eq3A_927 : vector<16xi32>
          %sub3A_929 = arith.constant 1.000000e+00 : f32
          %sub3A_930 = vector.broadcast %sub3A_929 : f32 to vector<16xf32>
          %sub3A_931 = arith.subf %sub3A_930, %get3A_926 : vector<16xf32>
          %select_n3A_932 = arith.select %eq3A_928, %sub3A_931, %get3A_926 : vector<16xi1>, vector<16xf32>
          %abs3A_933 = math.absf %select_n3A_932 : vector<16xf32>
          %bitcast_convert_type3A_934 = tpu.bitcast %abs3A_933 : vector<16xf32> -> vector<16xi32>
          %shift_right_arithmetic3A_935 = arith.constant 16 : i32
          %shift_right_arithmetic3A_936 = vector.broadcast %shift_right_arithmetic3A_935 : i32 to vector<16xi32>
          %shift_right_arithmetic3A_937 = arith.shrsi %bitcast_convert_type3A_934, %shift_right_arithmetic3A_936 : vector<16xi32>
          %add3A_938 = arith.constant 176 : i32
          %add3A_939 = arith.addi %mul3A_710, %add3A_938 : i32
          %get3A_940 = arith.index_cast %select_n3A_649 : i32 to index
          %get3A_941 = arith.index_cast %add3A_939 : i32 to index
          %get3A_942 = tpu.vector_load %arg9[%get3A_940, %get3A_941] {strides = array<i32>} : memref<2x8192xi32, #tpu.memory_space<vmem>>, vector<16xi32>,
          %add3A_943 = arith.constant 176 : i32
          %add3A_944 = arith.addi %mul3A_710, %add3A_943 : i32
          %get3A_945 = arith.index_cast %select_n3A_649 : i32 to index
          %get3A_946 = arith.index_cast %add3A_944 : i32 to index
          %get3A_947 = tpu.vector_load %arg8[%get3A_945, %get3A_946] {strides = array<i32>} : memref<2x8192xf32, #tpu.memory_space<vmem>>, vector<16xf32>,
          %eq3A_948 = vector.broadcast %select_n3A_529 : i32 to vector<16xi32>
          %eq3A_949 = arith.cmpi eq, %get3A_942, %eq3A_948 : vector<16xi32>
          %sub3A_950 = arith.constant 1.000000e+00 : f32
          %sub3A_951 = vector.broadcast %sub3A_950 : f32 to vector<16xf32>
          %sub3A_952 = arith.subf %sub3A_951, %get3A_947 : vector<16xf32>
          %select_n3A_953 = arith.select %eq3A_949, %sub3A_952, %get3A_947 : vector<16xi1>, vector<16xf32>
          %abs3A_954 = math.absf %select_n3A_953 : vector<16xf32>
          %bitcast_convert_type3A_955 = tpu.bitcast %abs3A_954 : vector<16xf32> -> vector<16xi32>
          %shift_right_arithmetic3A_956 = arith.constant 16 : i32
          %shift_right_arithmetic3A_957 = vector.broadcast %shift_right_arithmetic3A_956 : i32 to vector<16xi32>
          %shift_right_arithmetic3A_958 = arith.shrsi %bitcast_convert_type3A_955, %shift_right_arithmetic3A_957 : vector<16xi32>
          %add3A_959 = arith.constant 192 : i32
          %add3A_960 = arith.addi %mul3A_710, %add3A_959 : i32
          %get3A_961 = arith.index_cast %select_n3A_649 : i32 to index
          %get3A_962 = arith.index_cast %add3A_960 : i32 to index
          %get3A_963 = tpu.vector_load %arg9[%get3A_961, %get3A_962] {strides = array<i32>} : memref<2x8192xi32, #tpu.memory_space<vmem>>, vector<16xi32>,
          %add3A_964 = arith.constant 192 : i32
          %add3A_965 = arith.addi %mul3A_710, %add3A_964 : i32
          %get3A_966 = arith.index_cast %select_n3A_649 : i32 to index
          %get3A_967 = arith.index_cast %add3A_965 : i32 to index
          %get3A_968 = tpu.vector_load %arg8[%get3A_966, %get3A_967] {strides = array<i32>} : memref<2x8192xf32, #tpu.memory_space<vmem>>, vector<16xf32>,
          %eq3A_969 = vector.broadcast %select_n3A_529 : i32 to vector<16xi32>
          %eq3A_970 = arith.cmpi eq, %get3A_963, %eq3A_969 : vector<16xi32>
          %sub3A_971 = arith.constant 1.000000e+00 : f32
          %sub3A_972 = vector.broadcast %sub3A_971 : f32 to vector<16xf32>
          %sub3A_973 = arith.subf %sub3A_972, %get3A_968 : vector<16xf32>
          %select_n3A_974 = arith.select %eq3A_970, %sub3A_973, %get3A_968 : vector<16xi1>, vector<16xf32>
          %abs3A_975 = math.absf %select_n3A_974 : vector<16xf32>
          %bitcast_convert_type3A_976 = tpu.bitcast %abs3A_975 : vector<16xf32> -> vector<16xi32>
          %shift_right_arithmetic3A_977 = arith.constant 16 : i32
          %shift_right_arithmetic3A_978 = vector.broadcast %shift_right_arithmetic3A_977 : i32 to vector<16xi32>
          %shift_right_arithmetic3A_979 = arith.shrsi %bitcast_convert_type3A_976, %shift_right_arithmetic3A_978 : vector<16xi32>
          %add3A_980 = arith.constant 208 : i32
          %add3A_981 = arith.addi %mul3A_710, %add3A_980 : i32
          %get3A_982 = arith.index_cast %select_n3A_649 : i32 to index
          %get3A_983 = arith.index_cast %add3A_981 : i32 to index
          %get3A_984 = tpu.vector_load %arg9[%get3A_982, %get3A_983] {strides = array<i32>} : memref<2x8192xi32, #tpu.memory_space<vmem>>, vector<16xi32>,
          %add3A_985 = arith.constant 208 : i32
          %add3A_986 = arith.addi %mul3A_710, %add3A_985 : i32
          %get3A_987 = arith.index_cast %select_n3A_649 : i32 to index
          %get3A_988 = arith.index_cast %add3A_986 : i32 to index
          %get3A_989 = tpu.vector_load %arg8[%get3A_987, %get3A_988] {strides = array<i32>} : memref<2x8192xf32, #tpu.memory_space<vmem>>, vector<16xf32>,
          %eq3A_990 = vector.broadcast %select_n3A_529 : i32 to vector<16xi32>
          %eq3A_991 = arith.cmpi eq, %get3A_984, %eq3A_990 : vector<16xi32>
          %sub3A_992 = arith.constant 1.000000e+00 : f32
          %sub3A_993 = vector.broadcast %sub3A_992 : f32 to vector<16xf32>
          %sub3A_994 = arith.subf %sub3A_993, %get3A_989 : vector<16xf32>
          %select_n3A_995 = arith.select %eq3A_991, %sub3A_994, %get3A_989 : vector<16xi1>, vector<16xf32>
          %abs3A_996 = math.absf %select_n3A_995 : vector<16xf32>
          %bitcast_convert_type3A_997 = tpu.bitcast %abs3A_996 : vector<16xf32> -> vector<16xi32>
          %shift_right_arithmetic3A_998 = arith.constant 16 : i32
          %shift_right_arithmetic3A_999 = vector.broadcast %shift_right_arithmetic3A_998 : i32 to vector<16xi32>
          %shift_right_arithmetic3A_1000 = arith.shrsi %bitcast_convert_type3A_997, %shift_right_arithmetic3A_999 : vector<16xi32>
          %add3A_1001 = arith.constant 224 : i32
          %add3A_1002 = arith.addi %mul3A_710, %add3A_1001 : i32
          %get3A_1003 = arith.index_cast %select_n3A_649 : i32 to index
          %get3A_1004 = arith.index_cast %add3A_1002 : i32 to index
          %get3A_1005 = tpu.vector_load %arg9[%get3A_1003, %get3A_1004] {strides = array<i32>} : memref<2x8192xi32, #tpu.memory_space<vmem>>, vector<16xi32>,
          %add3A_1006 = arith.constant 224 : i32
          %add3A_1007 = arith.addi %mul3A_710, %add3A_1006 : i32
          %get3A_1008 = arith.index_cast %select_n3A_649 : i32 to index
          %get3A_1009 = arith.index_cast %add3A_1007 : i32 to index
          %get3A_1010 = tpu.vector_load %arg8[%get3A_1008, %get3A_1009] {strides = array<i32>} : memref<2x8192xf32, #tpu.memory_space<vmem>>, vector<16xf32>,
          %eq3A_1011 = vector.broadcast %select_n3A_529 : i32 to vector<16xi32>
          %eq3A_1012 = arith.cmpi eq, %get3A_1005, %eq3A_1011 : vector<16xi32>
          %sub3A_1013 = arith.constant 1.000000e+00 : f32
          %sub3A_1014 = vector.broadcast %sub3A_1013 : f32 to vector<16xf32>
          %sub3A_1015 = arith.subf %sub3A_1014, %get3A_1010 : vector<16xf32>
          %select_n3A_1016 = arith.select %eq3A_1012, %sub3A_1015, %get3A_1010 : vector<16xi1>, vector<16xf32>
          %abs3A_1017 = math.absf %select_n3A_1016 : vector<16xf32>
          %bitcast_convert_type3A_1018 = tpu.bitcast %abs3A_1017 : vector<16xf32> -> vector<16xi32>
          %shift_right_arithmetic3A_1019 = arith.constant 16 : i32
          %shift_right_arithmetic3A_1020 = vector.broadcast %shift_right_arithmetic3A_1019 : i32 to vector<16xi32>
          %shift_right_arithmetic3A_1021 = arith.shrsi %bitcast_convert_type3A_1018, %shift_right_arithmetic3A_1020 : vector<16xi32>
          %add3A_1022 = arith.constant 240 : i32
          %add3A_1023 = arith.addi %mul3A_710, %add3A_1022 : i32
          %get3A_1024 = arith.index_cast %select_n3A_649 : i32 to index
          %get3A_1025 = arith.index_cast %add3A_1023 : i32 to index
          %get3A_1026 = tpu.vector_load %arg9[%get3A_1024, %get3A_1025] {strides = array<i32>} : memref<2x8192xi32, #tpu.memory_space<vmem>>, vector<16xi32>,
          %add3A_1027 = arith.constant 240 : i32
          %add3A_1028 = arith.addi %mul3A_710, %add3A_1027 : i32
          %get3A_1029 = arith.index_cast %select_n3A_649 : i32 to index
          %get3A_1030 = arith.index_cast %add3A_1028 : i32 to index
          %get3A_1031 = tpu.vector_load %arg8[%get3A_1029, %get3A_1030] {strides = array<i32>} : memref<2x8192xf32, #tpu.memory_space<vmem>>, vector<16xf32>,
          %eq3A_1032 = vector.broadcast %select_n3A_529 : i32 to vector<16xi32>
          %eq3A_1033 = arith.cmpi eq, %get3A_1026, %eq3A_1032 : vector<16xi32>
          %sub3A_1034 = arith.constant 1.000000e+00 : f32
          %sub3A_1035 = vector.broadcast %sub3A_1034 : f32 to vector<16xf32>
          %sub3A_1036 = arith.subf %sub3A_1035, %get3A_1031 : vector<16xf32>
          %select_n3A_1037 = arith.select %eq3A_1033, %sub3A_1036, %get3A_1031 : vector<16xi1>, vector<16xf32>
          %abs3A_1038 = math.absf %select_n3A_1037 : vector<16xf32>
          %bitcast_convert_type3A_1039 = tpu.bitcast %abs3A_1038 : vector<16xf32> -> vector<16xi32>
          %shift_right_arithmetic3A_1040 = arith.constant 16 : i32
          %shift_right_arithmetic3A_1041 = vector.broadcast %shift_right_arithmetic3A_1040 : i32 to vector<16xi32>
          %shift_right_arithmetic3A_1042 = arith.shrsi %bitcast_convert_type3A_1039, %shift_right_arithmetic3A_1041 : vector<16xi32>
          %broadcast_in_dim3A = arith.constant true
          %broadcast_in_dim3A_1043 = vector.broadcast %broadcast_in_dim3A : i1 to vector<16xi1>
          %unique3A, %unique3A_1044 = tpu.scan_count mask(%broadcast_in_dim3A_1043 : vector<16xi1>) value(%shift_right_arithmetic3A_727 : vector<16xi32>) : vector<16xi1>, vector<16xi32>
          %unique3A_1045, %unique3A_1046 = tpu.scan_count mask(%eq3A_721 : vector<16xi1>) value(%shift_right_arithmetic3A_727 : vector<16xi32>) : vector<16xi1>, vector<16xi32>
          %broadcast_in_dim3A_1047 = arith.constant true
          %broadcast_in_dim3A_1048 = vector.broadcast %broadcast_in_dim3A_1047 : i1 to vector<16xi1>
          %unique3A_1049, %unique3A_1050 = tpu.scan_count mask(%broadcast_in_dim3A_1048 : vector<16xi1>) value(%shift_right_arithmetic3A_748 : vector<16xi32>) : vector<16xi1>, vector<16xi32>
          %unique3A_1051, %unique3A_1052 = tpu.scan_count mask(%eq3A_739 : vector<16xi1>) value(%shift_right_arithmetic3A_748 : vector<16xi32>) : vector<16xi1>, vector<16xi32>
          %broadcast_in_dim3A_1053 = arith.constant true
          %broadcast_in_dim3A_1054 = vector.broadcast %broadcast_in_dim3A_1053 : i1 to vector<16xi1>
          %unique3A_1055, %unique3A_1056 = tpu.scan_count mask(%broadcast_in_dim3A_1054 : vector<16xi1>) value(%shift_right_arithmetic3A_769 : vector<16xi32>) : vector<16xi1>, vector<16xi32>
          %unique3A_1057, %unique3A_1058 = tpu.scan_count mask(%eq3A_760 : vector<16xi1>) value(%shift_right_arithmetic3A_769 : vector<16xi32>) : vector<16xi1>, vector<16xi32>
          %broadcast_in_dim3A_1059 = arith.constant true
          %broadcast_in_dim3A_1060 = vector.broadcast %broadcast_in_dim3A_1059 : i1 to vector<16xi1>
          %unique3A_1061, %unique3A_1062 = tpu.scan_count mask(%broadcast_in_dim3A_1060 : vector<16xi1>) value(%shift_right_arithmetic3A_790 : vector<16xi32>) : vector<16xi1>, vector<16xi32>
          %unique3A_1063, %unique3A_1064 = tpu.scan_count mask(%eq3A_781 : vector<16xi1>) value(%shift_right_arithmetic3A_790 : vector<16xi32>) : vector<16xi1>, vector<16xi32>
          %broadcast_in_dim3A_1065 = arith.constant true
          %broadcast_in_dim3A_1066 = vector.broadcast %broadcast_in_dim3A_1065 : i1 to vector<16xi1>
          %unique3A_1067, %unique3A_1068 = tpu.scan_count mask(%broadcast_in_dim3A_1066 : vector<16xi1>) value(%shift_right_arithmetic3A_811 : vector<16xi32>) : vector<16xi1>, vector<16xi32>
          %unique3A_1069, %unique3A_1070 = tpu.scan_count mask(%eq3A_802 : vector<16xi1>) value(%shift_right_arithmetic3A_811 : vector<16xi32>) : vector<16xi1>, vector<16xi32>
          %broadcast_in_dim3A_1071 = arith.constant true
          %broadcast_in_dim3A_1072 = vector.broadcast %broadcast_in_dim3A_1071 : i1 to vector<16xi1>
          %unique3A_1073, %unique3A_1074 = tpu.scan_count mask(%broadcast_in_dim3A_1072 : vector<16xi1>) value(%shift_right_arithmetic3A_832 : vector<16xi32>) : vector<16xi1>, vector<16xi32>
          %unique3A_1075, %unique3A_1076 = tpu.scan_count mask(%eq3A_823 : vector<16xi1>) value(%shift_right_arithmetic3A_832 : vector<16xi32>) : vector<16xi1>, vector<16xi32>
          %broadcast_in_dim3A_1077 = arith.constant true
          %broadcast_in_dim3A_1078 = vector.broadcast %broadcast_in_dim3A_1077 : i1 to vector<16xi1>
          %unique3A_1079, %unique3A_1080 = tpu.scan_count mask(%broadcast_in_dim3A_1078 : vector<16xi1>) value(%shift_right_arithmetic3A_853 : vector<16xi32>) : vector<16xi1>, vector<16xi32>
          %unique3A_1081, %unique3A_1082 = tpu.scan_count mask(%eq3A_844 : vector<16xi1>) value(%shift_right_arithmetic3A_853 : vector<16xi32>) : vector<16xi1>, vector<16xi32>
          %broadcast_in_dim3A_1083 = arith.constant true
          %broadcast_in_dim3A_1084 = vector.broadcast %broadcast_in_dim3A_1083 : i1 to vector<16xi1>
          %unique3A_1085, %unique3A_1086 = tpu.scan_count mask(%broadcast_in_dim3A_1084 : vector<16xi1>) value(%shift_right_arithmetic3A_874 : vector<16xi32>) : vector<16xi1>, vector<16xi32>
          %unique3A_1087, %unique3A_1088 = tpu.scan_count mask(%eq3A_865 : vector<16xi1>) value(%shift_right_arithmetic3A_874 : vector<16xi32>) : vector<16xi1>, vector<16xi32>
          %broadcast_in_dim3A_1089 = arith.constant true
          %broadcast_in_dim3A_1090 = vector.broadcast %broadcast_in_dim3A_1089 : i1 to vector<16xi1>
          %unique3A_1091, %unique3A_1092 = tpu.scan_count mask(%broadcast_in_dim3A_1090 : vector<16xi1>) value(%shift_right_arithmetic3A_895 : vector<16xi32>) : vector<16xi1>, vector<16xi32>
          %unique3A_1093, %unique3A_1094 = tpu.scan_count mask(%eq3A_886 : vector<16xi1>) value(%shift_right_arithmetic3A_895 : vector<16xi32>) : vector<16xi1>, vector<16xi32>
          %broadcast_in_dim3A_1095 = arith.constant true
          %broadcast_in_dim3A_1096 = vector.broadcast %broadcast_in_dim3A_1095 : i1 to vector<16xi1>
          %unique3A_1097, %unique3A_1098 = tpu.scan_count mask(%broadcast_in_dim3A_1096 : vector<16xi1>) value(%shift_right_arithmetic3A_916 : vector<16xi32>) : vector<16xi1>, vector<16xi32>
          %unique3A_1099, %unique3A_1100 = tpu.scan_count mask(%eq3A_907 : vector<16xi1>) value(%shift_right_arithmetic3A_916 : vector<16xi32>) : vector<16xi1>, vector<16xi32>
          %broadcast_in_dim3A_1101 = arith.constant true
          %broadcast_in_dim3A_1102 = vector.broadcast %broadcast_in_dim3A_1101 : i1 to vector<16xi1>
          %unique3A_1103, %unique3A_1104 = tpu.scan_count mask(%broadcast_in_dim3A_1102 : vector<16xi1>) value(%shift_right_arithmetic3A_937 : vector<16xi32>) : vector<16xi1>, vector<16xi32>
          %unique3A_1105, %unique3A_1106 = tpu.scan_count mask(%eq3A_928 : vector<16xi1>) value(%shift_right_arithmetic3A_937 : vector<16xi32>) : vector<16xi1>, vector<16xi32>
          %broadcast_in_dim3A_1107 = arith.constant true
          %broadcast_in_dim3A_1108 = vector.broadcast %broadcast_in_dim3A_1107 : i1 to vector<16xi1>
          %unique3A_1109, %unique3A_1110 = tpu.scan_count mask(%broadcast_in_dim3A_1108 : vector<16xi1>) value(%shift_right_arithmetic3A_958 : vector<16xi32>) : vector<16xi1>, vector<16xi32>
          %unique3A_1111, %unique3A_1112 = tpu.scan_count mask(%eq3A_949 : vector<16xi1>) value(%shift_right_arithmetic3A_958 : vector<16xi32>) : vector<16xi1>, vector<16xi32>
          %broadcast_in_dim3A_1113 = arith.constant true
          %broadcast_in_dim3A_1114 = vector.broadcast %broadcast_in_dim3A_1113 : i1 to vector<16xi1>
          %unique3A_1115, %unique3A_1116 = tpu.scan_count mask(%broadcast_in_dim3A_1114 : vector<16xi1>) value(%shift_right_arithmetic3A_979 : vector<16xi32>) : vector<16xi1>, vector<16xi32>
          %unique3A_1117, %unique3A_1118 = tpu.scan_count mask(%eq3A_970 : vector<16xi1>) value(%shift_right_arithmetic3A_979 : vector<16xi32>) : vector<16xi1>, vector<16xi32>
          %broadcast_in_dim3A_1119 = arith.constant true
          %broadcast_in_dim3A_1120 = vector.broadcast %broadcast_in_dim3A_1119 : i1 to vector<16xi1>
          %unique3A_1121, %unique3A_1122 = tpu.scan_count mask(%broadcast_in_dim3A_1120 : vector<16xi1>) value(%shift_right_arithmetic3A_1000 : vector<16xi32>) : vector<16xi1>, vector<16xi32>
          %unique3A_1123, %unique3A_1124 = tpu.scan_count mask(%eq3A_991 : vector<16xi1>) value(%shift_right_arithmetic3A_1000 : vector<16xi32>) : vector<16xi1>, vector<16xi32>
          %broadcast_in_dim3A_1125 = arith.constant true
          %broadcast_in_dim3A_1126 = vector.broadcast %broadcast_in_dim3A_1125 : i1 to vector<16xi1>
          %unique3A_1127, %unique3A_1128 = tpu.scan_count mask(%broadcast_in_dim3A_1126 : vector<16xi1>) value(%shift_right_arithmetic3A_1021 : vector<16xi32>) : vector<16xi1>, vector<16xi32>
          %unique3A_1129, %unique3A_1130 = tpu.scan_count mask(%eq3A_1012 : vector<16xi1>) value(%shift_right_arithmetic3A_1021 : vector<16xi32>) : vector<16xi1>, vector<16xi32>
          %broadcast_in_dim3A_1131 = arith.constant true
          %broadcast_in_dim3A_1132 = vector.broadcast %broadcast_in_dim3A_1131 : i1 to vector<16xi1>
          %unique3A_1133, %unique3A_1134 = tpu.scan_count mask(%broadcast_in_dim3A_1132 : vector<16xi1>) value(%shift_right_arithmetic3A_1042 : vector<16xi32>) : vector<16xi1>, vector<16xi32>
          %unique3A_1135, %unique3A_1136 = tpu.scan_count mask(%eq3A_1033 : vector<16xi1>) value(%shift_right_arithmetic3A_1042 : vector<16xi32>) : vector<16xi1>, vector<16xi32>
          tpu.vector_store_idx %arg6[%shift_right_arithmetic3A_727], %unique3A_1044 masked %unique3A {add = true} : memref<32768xi32, #tpu.memory_space<vmem>>[vector<16xi32>], vector<16xi32>, vector<16xi1>
          tpu.vector_store_idx %arg7[%shift_right_arithmetic3A_727], %unique3A_1046 masked %unique3A_1045 {add = true} : memref<32768xi32, #tpu.memory_space<vmem>>[vector<16xi32>], vector<16xi32>, vector<16xi1>
          tpu.vector_store_idx %arg6[%shift_right_arithmetic3A_748], %unique3A_1050 masked %unique3A_1049 {add = true} : memref<32768xi32, #tpu.memory_space<vmem>>[vector<16xi32>], vector<16xi32>, vector<16xi1>
          tpu.vector_store_idx %arg7[%shift_right_arithmetic3A_748], %unique3A_1052 masked %unique3A_1051 {add = true} : memref<32768xi32, #tpu.memory_space<vmem>>[vector<16xi32>], vector<16xi32>, vector<16xi1>
          tpu.vector_store_idx %arg6[%shift_right_arithmetic3A_769], %unique3A_1056 masked %unique3A_1055 {add = true} : memref<32768xi32, #tpu.memory_space<vmem>>[vector<16xi32>], vector<16xi32>, vector<16xi1>
          tpu.vector_store_idx %arg7[%shift_right_arithmetic3A_769], %unique3A_1058 masked %unique3A_1057 {add = true} : memref<32768xi32, #tpu.memory_space<vmem>>[vector<16xi32>], vector<16xi32>, vector<16xi1>
          tpu.vector_store_idx %arg6[%shift_right_arithmetic3A_790], %unique3A_1062 masked %unique3A_1061 {add = true} : memref<32768xi32, #tpu.memory_space<vmem>>[vector<16xi32>], vector<16xi32>, vector<16xi1>
          tpu.vector_store_idx %arg7[%shift_right_arithmetic3A_790], %unique3A_1064 masked %unique3A_1063 {add = true} : memref<32768xi32, #tpu.memory_space<vmem>>[vector<16xi32>], vector<16xi32>, vector<16xi1>
          tpu.vector_store_idx %arg6[%shift_right_arithmetic3A_811], %unique3A_1068 masked %unique3A_1067 {add = true} : memref<32768xi32, #tpu.memory_space<vmem>>[vector<16xi32>], vector<16xi32>, vector<16xi1>
          tpu.vector_store_idx %arg7[%shift_right_arithmetic3A_811], %unique3A_1070 masked %unique3A_1069 {add = true} : memref<32768xi32, #tpu.memory_space<vmem>>[vector<16xi32>], vector<16xi32>, vector<16xi1>
          tpu.vector_store_idx %arg6[%shift_right_arithmetic3A_832], %unique3A_1074 masked %unique3A_1073 {add = true} : memref<32768xi32, #tpu.memory_space<vmem>>[vector<16xi32>], vector<16xi32>, vector<16xi1>
          tpu.vector_store_idx %arg7[%shift_right_arithmetic3A_832], %unique3A_1076 masked %unique3A_1075 {add = true} : memref<32768xi32, #tpu.memory_space<vmem>>[vector<16xi32>], vector<16xi32>, vector<16xi1>
          tpu.vector_store_idx %arg6[%shift_right_arithmetic3A_853], %unique3A_1080 masked %unique3A_1079 {add = true} : memref<32768xi32, #tpu.memory_space<vmem>>[vector<16xi32>], vector<16xi32>, vector<16xi1>
          tpu.vector_store_idx %arg7[%shift_right_arithmetic3A_853], %unique3A_1082 masked %unique3A_1081 {add = true} : memref<32768xi32, #tpu.memory_space<vmem>>[vector<16xi32>], vector<16xi32>, vector<16xi1>
          tpu.vector_store_idx %arg6[%shift_right_arithmetic3A_874], %unique3A_1086 masked %unique3A_1085 {add = true} : memref<32768xi32, #tpu.memory_space<vmem>>[vector<16xi32>], vector<16xi32>, vector<16xi1>
          tpu.vector_store_idx %arg7[%shift_right_arithmetic3A_874], %unique3A_1088 masked %unique3A_1087 {add = true} : memref<32768xi32, #tpu.memory_space<vmem>>[vector<16xi32>], vector<16xi32>, vector<16xi1>
          tpu.vector_store_idx %arg6[%shift_right_arithmetic3A_895], %unique3A_1092 masked %unique3A_1091 {add = true} : memref<32768xi32, #tpu.memory_space<vmem>>[vector<16xi32>], vector<16xi32>, vector<16xi1>
          tpu.vector_store_idx %arg7[%shift_right_arithmetic3A_895], %unique3A_1094 masked %unique3A_1093 {add = true} : memref<32768xi32, #tpu.memory_space<vmem>>[vector<16xi32>], vector<16xi32>, vector<16xi1>
          tpu.vector_store_idx %arg6[%shift_right_arithmetic3A_916], %unique3A_1098 masked %unique3A_1097 {add = true} : memref<32768xi32, #tpu.memory_space<vmem>>[vector<16xi32>], vector<16xi32>, vector<16xi1>
          tpu.vector_store_idx %arg7[%shift_right_arithmetic3A_916], %unique3A_1100 masked %unique3A_1099 {add = true} : memref<32768xi32, #tpu.memory_space<vmem>>[vector<16xi32>], vector<16xi32>, vector<16xi1>
          tpu.vector_store_idx %arg6[%shift_right_arithmetic3A_937], %unique3A_1104 masked %unique3A_1103 {add = true} : memref<32768xi32, #tpu.memory_space<vmem>>[vector<16xi32>], vector<16xi32>, vector<16xi1>
          tpu.vector_store_idx %arg7[%shift_right_arithmetic3A_937], %unique3A_1106 masked %unique3A_1105 {add = true} : memref<32768xi32, #tpu.memory_space<vmem>>[vector<16xi32>], vector<16xi32>, vector<16xi1>
          tpu.vector_store_idx %arg6[%shift_right_arithmetic3A_958], %unique3A_1110 masked %unique3A_1109 {add = true} : memref<32768xi32, #tpu.memory_space<vmem>>[vector<16xi32>], vector<16xi32>, vector<16xi1>
          tpu.vector_store_idx %arg7[%shift_right_arithmetic3A_958], %unique3A_1112 masked %unique3A_1111 {add = true} : memref<32768xi32, #tpu.memory_space<vmem>>[vector<16xi32>], vector<16xi32>, vector<16xi1>
          tpu.vector_store_idx %arg6[%shift_right_arithmetic3A_979], %unique3A_1116 masked %unique3A_1115 {add = true} : memref<32768xi32, #tpu.memory_space<vmem>>[vector<16xi32>], vector<16xi32>, vector<16xi1>
          tpu.vector_store_idx %arg7[%shift_right_arithmetic3A_979], %unique3A_1118 masked %unique3A_1117 {add = true} : memref<32768xi32, #tpu.memory_space<vmem>>[vector<16xi32>], vector<16xi32>, vector<16xi1>
          tpu.vector_store_idx %arg6[%shift_right_arithmetic3A_1000], %unique3A_1122 masked %unique3A_1121 {add = true} : memref<32768xi32, #tpu.memory_space<vmem>>[vector<16xi32>], vector<16xi32>, vector<16xi1>
          tpu.vector_store_idx %arg7[%shift_right_arithmetic3A_1000], %unique3A_1124 masked %unique3A_1123 {add = true} : memref<32768xi32, #tpu.memory_space<vmem>>[vector<16xi32>], vector<16xi32>, vector<16xi1>
          tpu.vector_store_idx %arg6[%shift_right_arithmetic3A_1021], %unique3A_1128 masked %unique3A_1127 {add = true} : memref<32768xi32, #tpu.memory_space<vmem>>[vector<16xi32>], vector<16xi32>, vector<16xi1>
          tpu.vector_store_idx %arg7[%shift_right_arithmetic3A_1021], %unique3A_1130 masked %unique3A_1129 {add = true} : memref<32768xi32, #tpu.memory_space<vmem>>[vector<16xi32>], vector<16xi32>, vector<16xi1>
          tpu.vector_store_idx %arg6[%shift_right_arithmetic3A_1042], %unique3A_1134 masked %unique3A_1133 {add = true} : memref<32768xi32, #tpu.memory_space<vmem>>[vector<16xi32>], vector<16xi32>, vector<16xi1>
          tpu.vector_store_idx %arg7[%shift_right_arithmetic3A_1042], %unique3A_1136 masked %unique3A_1135 {add = true} : memref<32768xi32, #tpu.memory_space<vmem>>[vector<16xi32>], vector<16xi32>, vector<16xi1>
          %scan3A_1137 = arith.constant 0 : i32
          scf.yield %scan3A_1137 : i32
        }
        %scan3A_705 = arith.constant 32 : i32
        %scan3A_706 = arith.constant 0 : i32
        scf.yield %scan3A_706 : i32
      }
      %scan3A_631 = arith.constant 16 : i32
      "tpu.region"() ({
        %run_scoped3A = tpu.sem_alloc : memref<!tpu.dma_semaphore, #tpu.memory_space<semaphore_mem>>
        %dma_start3A_632 = arith.constant 0 : i32
        %dma_start3A_633 = tpu.memref_slice %arg4[%select_n3A_529, %select_n3A_545, %dma_start3A_632] : memref<19x8x32768xi32, #tpu.memory_space<hbm>> -> memref<1x1x32768xi32, #tpu.memory_space<hbm>>
        %dma_start3A_634 = tpu.memref_squeeze %dma_start3A_633 : memref<1x1x32768xi32, #tpu.memory_space<hbm>> -> memref<32768xi32, #tpu.memory_space<hbm>>
        %dma_start3A_635 = arith.constant 0 : i32
        %dma_start3A_636 = tpu.memref_slice %arg4[%select_n3A_529, %select_n3A_545, %dma_start3A_635] : memref<19x8x32768xi32, #tpu.memory_space<hbm>> -> memref<1x1x32768xi32, #tpu.memory_space<hbm>>
        %dma_start3A_637 = tpu.memref_squeeze %dma_start3A_636 : memref<1x1x32768xi32, #tpu.memory_space<hbm>> -> memref<32768xi32, #tpu.memory_space<hbm>>
        tpu.enqueue_dma source(%arg6 : memref<32768xi32, #tpu.memory_space<vmem>>) target(%dma_start3A_637 : memref<32768xi32, #tpu.memory_space<hbm>>) target_semaphore(%run_scoped3A : memref<!tpu.dma_semaphore, #tpu.memory_space<semaphore_mem>>)
        %dma_wait3A = arith.constant 0 : i32
        %dma_wait3A_638 = tpu.memref_slice %arg4[%select_n3A_529, %select_n3A_545, %dma_wait3A] : memref<19x8x32768xi32, #tpu.memory_space<hbm>> -> memref<1x1x32768xi32, #tpu.memory_space<hbm>>
        %dma_wait3A_639 = tpu.memref_squeeze %dma_wait3A_638 : memref<1x1x32768xi32, #tpu.memory_space<hbm>> -> memref<32768xi32, #tpu.memory_space<hbm>>
        %dma_wait3A_640 = arith.constant 0 : i32
        %dma_wait3A_641 = tpu.memref_slice %arg4[%select_n3A_529, %select_n3A_545, %dma_wait3A_640] : memref<19x8x32768xi32, #tpu.memory_space<hbm>> -> memref<1x1x32768xi32, #tpu.memory_space<hbm>>
        %dma_wait3A_642 = tpu.memref_squeeze %dma_wait3A_641 : memref<1x1x32768xi32, #tpu.memory_space<hbm>> -> memref<32768xi32, #tpu.memory_space<hbm>>
        tpu.wait_dma2 semaphore(%run_scoped3A : memref<!tpu.dma_semaphore, #tpu.memory_space<semaphore_mem>>) src(%arg6 : memref<32768xi32, #tpu.memory_space<vmem>>) dst(%dma_wait3A_642 : memref<32768xi32, #tpu.memory_space<hbm>>)
        tpu.yield
      }) : () -> ()
      "tpu.region"() ({
        %run_scoped3A = tpu.sem_alloc : memref<!tpu.dma_semaphore, #tpu.memory_space<semaphore_mem>>
        %dma_start3A_632 = arith.constant 0 : i32
        %dma_start3A_633 = tpu.memref_slice %arg5[%select_n3A_529, %select_n3A_545, %dma_start3A_632] : memref<19x8x32768xi32, #tpu.memory_space<hbm>> -> memref<1x1x32768xi32, #tpu.memory_space<hbm>>
        %dma_start3A_634 = tpu.memref_squeeze %dma_start3A_633 : memref<1x1x32768xi32, #tpu.memory_space<hbm>> -> memref<32768xi32, #tpu.memory_space<hbm>>
        %dma_start3A_635 = arith.constant 0 : i32
        %dma_start3A_636 = tpu.memref_slice %arg5[%select_n3A_529, %select_n3A_545, %dma_start3A_635] : memref<19x8x32768xi32, #tpu.memory_space<hbm>> -> memref<1x1x32768xi32, #tpu.memory_space<hbm>>
        %dma_start3A_637 = tpu.memref_squeeze %dma_start3A_636 : memref<1x1x32768xi32, #tpu.memory_space<hbm>> -> memref<32768xi32, #tpu.memory_space<hbm>>
        tpu.enqueue_dma source(%arg7 : memref<32768xi32, #tpu.memory_space<vmem>>) target(%dma_start3A_637 : memref<32768xi32, #tpu.memory_space<hbm>>) target_semaphore(%run_scoped3A : memref<!tpu.dma_semaphore, #tpu.memory_space<semaphore_mem>>)
        %dma_wait3A = arith.constant 0 : i32
        %dma_wait3A_638 = tpu.memref_slice %arg5[%select_n3A_529, %select_n3A_545, %dma_wait3A] : memref<19x8x32768xi32, #tpu.memory_space<hbm>> -> memref<1x1x32768xi32, #tpu.memory_space<hbm>>
        %dma_wait3A_639 = tpu.memref_squeeze %dma_wait3A_638 : memref<1x1x32768xi32, #tpu.memory_space<hbm>> -> memref<32768xi32, #tpu.memory_space<hbm>>
        %dma_wait3A_640 = arith.constant 0 : i32
        %dma_wait3A_641 = tpu.memref_slice %arg5[%select_n3A_529, %select_n3A_545, %dma_wait3A_640] : memref<19x8x32768xi32, #tpu.memory_space<hbm>> -> memref<1x1x32768xi32, #tpu.memory_space<hbm>>
        %dma_wait3A_642 = tpu.memref_squeeze %dma_wait3A_641 : memref<1x1x32768xi32, #tpu.memory_space<hbm>> -> memref<32768xi32, #tpu.memory_space<hbm>>
        tpu.wait_dma2 semaphore(%run_scoped3A : memref<!tpu.dma_semaphore, #tpu.memory_space<semaphore_mem>>) src(%arg7 : memref<32768xi32, #tpu.memory_space<vmem>>) dst(%dma_wait3A_642 : memref<32768xi32, #tpu.memory_space<hbm>>)
        tpu.yield
      }) : () -> ()
    } else {
    }
    return
  }
}

module attributes {stable_mosaic.version = 14 : i64} {
  func.func @_tc_body(%arg0: i32, %arg1: memref<1x8x256x128xi32, #tpu.memory_space<vmem>>, %arg2: memref<1x8x256x128xi32, #tpu.memory_space<vmem>>, %arg3: memref<256x128xf32, #tpu.memory_space<vmem>>, %arg4: memref<1x1xf32, #tpu.memory_space<smem>>, %arg5: memref<2xf32, #tpu.memory_space<smem>>) attributes {dimension_semantics = [#tpu.dimension_semantics<arbitrary>], iteration_bounds = array<i64: 19>, scalar_prefetch = 0 : i64, scratch_operands = 1 : i64, tpu.core_type = #tpu.core_type<tc>, window_params = [{transform_indices = @transform_0, window_bounds = array<i64: 1, 8, 256, 128>}, {transform_indices = @transform_1, window_bounds = array<i64: 1, 8, 256, 128>}, {pipeline_mode = #tpu.pipeline_mode<synchronous>, transform_indices = @transform_2, window_bounds = array<i64: 256, 128>}, {transform_indices = @transform_3, window_bounds = array<i64: 1, 1>}]} {
    %get3A = arith.constant 0 : index
    %get3A_0 = arith.constant 0 : index
    %get3A_1 = arith.constant 0 : index
    %get3A_2 = arith.constant 0 : index
    %get3A_3 = vector.load %arg1[%get3A, %get3A_0, %get3A_1, %get3A_2] : memref<1x8x256x128xi32, #tpu.memory_space<vmem>>, vector<1x8x256x128xi32>
    %get3A_4 = vector.shape_cast %get3A_3 : vector<1x8x256x128xi32> to vector<8x256x128xi32>
    %reduce_sum3A = arith.constant dense<0> : vector<256x128xi32>
    %reduce_sum3A_5 = vector.multi_reduction <add>, %get3A_4, %reduce_sum3A [0] : vector<8x256x128xi32> to vector<256x128xi32>
    %convert_element_type3A = arith.sitofp %reduce_sum3A_5 : vector<256x128xi32> to vector<256x128xf32>
    %get3A_6 = arith.constant 0 : index
    %get3A_7 = arith.constant 0 : index
    %get3A_8 = arith.constant 0 : index
    %get3A_9 = arith.constant 0 : index
    %get3A_10 = vector.load %arg2[%get3A_6, %get3A_7, %get3A_8, %get3A_9] : memref<1x8x256x128xi32, #tpu.memory_space<vmem>>, vector<1x8x256x128xi32>
    %get3A_11 = vector.shape_cast %get3A_10 : vector<1x8x256x128xi32> to vector<8x256x128xi32>
    %reduce_sum3A_12 = arith.constant dense<0> : vector<256x128xi32>
    %reduce_sum3A_13 = vector.multi_reduction <add>, %get3A_11, %reduce_sum3A_12 [0] : vector<8x256x128xi32> to vector<256x128xi32>
    %convert_element_type3A_14 = arith.sitofp %reduce_sum3A_13 : vector<256x128xi32> to vector<256x128xf32>
    %reduce_sum3A_15 = vector.shape_cast %convert_element_type3A_14 : vector<256x128xf32> to vector<1x256x128xf32>
    %reduce_sum3A_16 = arith.constant dense<0.000000e+00> : vector<1xf32>
    %reduce_sum3A_17 = vector.multi_reduction <add>, %reduce_sum3A_15, %reduce_sum3A_16 [1, 2] : vector<1x256x128xf32> to vector<1xf32>
    %reduce_sum3A_18 = vector.shape_cast %reduce_sum3A_17 : vector<1xf32> to vector<1x1x1xf32>
    %reduce_sum3A_19 = vector.extract %reduce_sum3A_18[0, 0, 0] : f32 from vector<1x1x1xf32>
    %iota3A = tpu.iota {dimensions = array<i32: 0>} : vector<128x128xi32>
    %iota3A_20 = tpu.iota {dimensions = array<i32: 1>} : vector<128x128xi32>
    %ge3A = arith.cmpi sge, %iota3A, %iota3A_20 : vector<128x128xi32>
    %convert_element_type3A_21 = arith.extui %ge3A : vector<128x128xi1> to vector<128x128xi32>
    %convert_element_type3A_22 = arith.sitofp %convert_element_type3A_21 : vector<128x128xi32> to vector<128x128xf32>
    %iota3A_23 = tpu.iota {dimensions = array<i32: 0>} : vector<256x256xi32>
    %iota3A_24 = tpu.iota {dimensions = array<i32: 1>} : vector<256x256xi32>
    %gt3A = arith.cmpi sgt, %iota3A_24, %iota3A_23 : vector<256x256xi32>
    %convert_element_type3A_25 = arith.extui %gt3A : vector<256x256xi1> to vector<256x256xi32>
    %convert_element_type3A_26 = arith.sitofp %convert_element_type3A_25 : vector<256x256xi32> to vector<256x256xf32>
    %dot_general3A = arith.constant dense<0.000000e+00> : vector<256x128xf32>
    %dot_general3A_27 = tpu.matmul %convert_element_type3A, %convert_element_type3A_22, %dot_general3A {dimension_numbers = #tpu.dot_dimension_numbers<[1], [0], [0], [1], [0, 0, 1, 1], [], []>, precision = #tpu.contract_precision<fp32>, transpose_lhs_hint = false} : vector<256x128xf32>, vector<128x128xf32>, vector<256x128xf32> -> vector<256x128xf32>
    %slice3A = vector.extract_strided_slice %dot_general3A_27 {offsets = [0, 0], sizes = [256, 1], strides = [1, 1]} : vector<256x128xf32> to vector<256x1xf32>
    %dot_general3A_28 = arith.constant dense<0.000000e+00> : vector<256x1xf32>
    %dot_general3A_29 = tpu.matmul %convert_element_type3A_26, %slice3A, %dot_general3A_28 {dimension_numbers = #tpu.dot_dimension_numbers<[1], [0], [0], [1], [0, 0, 1, 1], [], []>, precision = #tpu.contract_precision<fp32>, transpose_lhs_hint = false} : vector<256x256xf32>, vector<256x1xf32>, vector<256x1xf32> -> vector<256x1xf32>
    %add3A = vector.broadcast %dot_general3A_29 : vector<256x1xf32> to vector<256x128xf32>
    %add3A_30 = arith.addf %dot_general3A_27, %add3A : vector<256x128xf32>
    %dot_general3A_31 = arith.constant dense<0.000000e+00> : vector<256x128xf32>
    %dot_general3A_32 = tpu.matmul %convert_element_type3A_14, %convert_element_type3A_22, %dot_general3A_31 {dimension_numbers = #tpu.dot_dimension_numbers<[1], [0], [0], [1], [0, 0, 1, 1], [], []>, precision = #tpu.contract_precision<fp32>, transpose_lhs_hint = false} : vector<256x128xf32>, vector<128x128xf32>, vector<256x128xf32> -> vector<256x128xf32>
    %slice3A_33 = vector.extract_strided_slice %dot_general3A_32 {offsets = [0, 0], sizes = [256, 1], strides = [1, 1]} : vector<256x128xf32> to vector<256x1xf32>
    %dot_general3A_34 = arith.constant dense<0.000000e+00> : vector<256x1xf32>
    %dot_general3A_35 = tpu.matmul %convert_element_type3A_26, %slice3A_33, %dot_general3A_34 {dimension_numbers = #tpu.dot_dimension_numbers<[1], [0], [0], [1], [0, 0, 1, 1], [], []>, precision = #tpu.contract_precision<fp32>, transpose_lhs_hint = false} : vector<256x256xf32>, vector<256x1xf32>, vector<256x1xf32> -> vector<256x1xf32>
    %add3A_36 = vector.broadcast %dot_general3A_35 : vector<256x1xf32> to vector<256x128xf32>
    %add3A_37 = arith.addf %dot_general3A_32, %add3A_36 : vector<256x128xf32>
    %add3A_38 = vector.broadcast %reduce_sum3A_19 : f32 to vector<256x128xf32>
    %add3A_39 = arith.addf %add3A_38, %add3A_30 : vector<256x128xf32>
    %sub3A = arith.subf %add3A_39, %add3A_37 : vector<256x128xf32>
    %gt3A_40 = arith.constant 0.000000e+00 : f32
    %gt3A_41 = vector.broadcast %gt3A_40 : f32 to vector<256x128xf32>
    %gt3A_42 = arith.cmpf ogt, %add3A_30, %gt3A_41 : vector<256x128xf32>
    %max3A = arith.constant 1.000000e-30 : f32
    %max3A_43 = vector.broadcast %max3A : f32 to vector<256x128xf32>
    %max3A_44 = arith.maximumf %sub3A, %max3A_43 : vector<256x128xf32>
    %div3A = arith.divf %add3A_30, %max3A_44 : vector<256x128xf32>
    %jit3A = arith.constant 0.000000e+00 : f32
    %broadcast_in_dim3A = vector.broadcast %jit3A : f32 to vector<256x128xf32>
    %select_n3A = arith.select %gt3A_42, %div3A, %broadcast_in_dim3A : vector<256x128xi1>, vector<256x128xf32>
    %get3A_45 = arith.constant 0 : index
    %get3A_46 = arith.constant 0 : index
    %get3A_47 = vector.load %arg3[%get3A_45, %get3A_46] : memref<256x128xf32, #tpu.memory_space<vmem>>, vector<256x128xf32>
    %mul3A = arith.mulf %get3A_47, %select_n3A : vector<256x128xf32>
    %reduce_sum3A_48 = vector.shape_cast %mul3A : vector<256x128xf32> to vector<1x256x128xf32>
    %reduce_sum3A_49 = arith.constant dense<0.000000e+00> : vector<1xf32>
    %reduce_sum3A_50 = vector.multi_reduction <add>, %reduce_sum3A_48, %reduce_sum3A_49 [1, 2] : vector<1x256x128xf32> to vector<1xf32>
    %reduce_sum3A_51 = vector.shape_cast %reduce_sum3A_50 : vector<1xf32> to vector<1x1x1xf32>
    %reduce_sum3A_52 = vector.extract %reduce_sum3A_51[0, 0, 0] : f32 from vector<1x1x1xf32>
    %gt3A_53 = arith.constant 0.000000e+00 : f32
    %gt3A_54 = arith.cmpf ogt, %reduce_sum3A_19, %gt3A_53 : f32
    %convert_element_type3A_55 = arith.extui %gt3A_54 : i1 to i32
    %convert_element_type3A_56 = arith.sitofp %convert_element_type3A_55 : i32 to f32
    %eq3A = arith.constant 0 : i32
    %eq3A_57 = arith.cmpi eq, %arg0, %eq3A : i32
    %convert_element_type3A_58 = arith.extui %eq3A_57 : i1 to i32
    %cond3A = arith.constant 0 : i32
    %cond3A_59 = arith.cmpi ne, %convert_element_type3A_58, %cond3A : i32
    scf.if %cond3A_59 {
      %swap3A_75 = arith.constant 0.000000e+00 : f32
      %swap3A_76 = arith.constant 0 : index
      %swap3A_77 = memref.load %arg5[%swap3A_76] : memref<2xf32, #tpu.memory_space<smem>>
      memref.store %swap3A_75, %arg5[%swap3A_76] : memref<2xf32, #tpu.memory_space<smem>>
      %swap3A_78 = arith.constant 0.000000e+00 : f32
      %swap3A_79 = arith.constant 1 : index
      %swap3A_80 = memref.load %arg5[%swap3A_79] : memref<2xf32, #tpu.memory_space<smem>>
      memref.store %swap3A_78, %arg5[%swap3A_79] : memref<2xf32, #tpu.memory_space<smem>>
    } else {
    }
    %get3A_60 = arith.constant 0 : index
    %get3A_61 = memref.load %arg5[%get3A_60] : memref<2xf32, #tpu.memory_space<smem>>
    %mul3A_62 = arith.mulf %reduce_sum3A_52, %convert_element_type3A_56 : f32
    %add3A_63 = arith.addf %get3A_61, %mul3A_62 : f32
    %swap3A = arith.constant 0 : index
    %swap3A_64 = memref.load %arg5[%swap3A] : memref<2xf32, #tpu.memory_space<smem>>
    memref.store %add3A_63, %arg5[%swap3A] : memref<2xf32, #tpu.memory_space<smem>>
    %get3A_65 = arith.constant 1 : index
    %get3A_66 = memref.load %arg5[%get3A_65] : memref<2xf32, #tpu.memory_space<smem>>
    %add3A_67 = arith.addf %get3A_66, %convert_element_type3A_56 : f32
    %swap3A_68 = arith.constant 1 : index
    %swap3A_69 = memref.load %arg5[%swap3A_68] : memref<2xf32, #tpu.memory_space<smem>>
    memref.store %add3A_67, %arg5[%swap3A_68] : memref<2xf32, #tpu.memory_space<smem>>
    %eq3A_70 = arith.constant 18 : i32
    %eq3A_71 = arith.cmpi eq, %arg0, %eq3A_70 : i32
    %convert_element_type3A_72 = arith.extui %eq3A_71 : i1 to i32
    %cond3A_73 = arith.constant 0 : i32
    %cond3A_74 = arith.cmpi ne, %convert_element_type3A_72, %cond3A_73 : i32
    scf.if %cond3A_74 {
      %get3A_75 = arith.constant 0 : index
      %get3A_76 = memref.load %arg5[%get3A_75] : memref<2xf32, #tpu.memory_space<smem>>
      %get3A_77 = arith.constant 1 : index
      %get3A_78 = memref.load %arg5[%get3A_77] : memref<2xf32, #tpu.memory_space<smem>>
      %max3A_79 = arith.constant 1.000000e+00 : f32
      %max3A_80 = arith.maximumf %get3A_78, %max3A_79 : f32
      %div3A_81 = arith.divf %get3A_76, %max3A_80 : f32
      %swap3A_82 = arith.constant 0 : index
      %swap3A_83 = arith.constant 0 : index
      %swap3A_84 = memref.load %arg4[%swap3A_82, %swap3A_83] : memref<1x1xf32, #tpu.memory_space<smem>>
      memref.store %div3A_81, %arg4[%swap3A_82, %swap3A_83] : memref<1x1xf32, #tpu.memory_space<smem>>
    } else {
    }
    return
  }
  func.func @transform_0(%arg0: i32) -> (i32, i32, i32, i32) {
    %c0_i32 = arith.constant 0 : i32
    %c0_i32_0 = arith.constant 0 : i32
    %c0_i32_1 = arith.constant 0 : i32
    %c0_i32_2 = arith.constant 0 : i32
    return %arg0, %c0_i32, %c0_i32_0, %c0_i32_1 : i32, i32, i32, i32
  }
  func.func @transform_1(%arg0: i32) -> (i32, i32, i32, i32) {
    %c0_i32 = arith.constant 0 : i32
    %c0_i32_0 = arith.constant 0 : i32
    %c0_i32_1 = arith.constant 0 : i32
    %c0_i32_2 = arith.constant 0 : i32
    return %arg0, %c0_i32, %c0_i32_0, %c0_i32_1 : i32, i32, i32, i32
  }
  func.func @transform_2(%arg0: i32) -> (i32, i32) {
    %c0_i32 = arith.constant 0 : i32
    %c0_i32_0 = arith.constant 0 : i32
    %c0_i32_1 = arith.constant 0 : i32
    return %c0_i32, %c0_i32_0 : i32, i32
  }
  func.func @transform_3(%arg0: i32) -> (i32, i32) {
    %c0_i32 = arith.constant 0 : i32
    %c0_i32_0 = arith.constant 0 : i32
    %c0_i32_1 = arith.constant 0 : i32
    return %c0_i32, %c0_i32_0 : i32, i32
  }
}

</mosaic_0001>

<sc_bundles>
// kernel: kernel.4.cloned.1.call-start
scs
__scs_entry_jumppad:
0x0: {  	(pc) =	sbr.rel $0x88, $3  }
0x1: {  	(tag) =	ssettag $0x0;
	lr =	simm.s32 $0x1  }
0x2: {  	[smem:$0x3F9F] =	sst lr;
	_ =	strace $0xD0000000  }
0x3: {  	_ = 	snop  }
0x4: {  	_ = 	snop  }
0x5: {  	_ = 	snop  }
0x6: {  	_ = 	snop  }
0x7: {  	_ = 	snop  }
__scs_overlays_trampoline_lowered:
0x8: {  	[smem:$0x3FAE] =	sst s0  }
0x9: {  	[smem:$0x3FAF] =	sst s1  }
0xa: {  	[smem:$0x3FB0] =	sst s2  }
0xb: {  	[smem:$0x3FB1] =	sst s3  }
0xc: {  	[smem:$0x3FB2] =	sst s4  }
0xd: {  	[smem:$0x3FB3] =	sst s5  }
0xe: {  	[smem:$0x3FB4] =	sst s6  }
0xf: {  	[smem:$0x3FB5] =	sst s7  }
0x10: {  	[smem:$0x3FB6] =	sst s8  }
0x11: {  	[smem:$0x3FB7] =	sst s9;
	s0 =	simm.s32 @!p0 $0x0  }
0x12: {  	s1 =	sld [smem:$0x3F9D];
	s0 =	simm.s32 @p0 $0x1  }
0x13: {  	[smem:$0x3FB8] =	sst s0;
	s0 =	simm.s32 @!p1 $0x0  }
0x14: {  	s2 =	sld [smem:$0x3F9C];
	s0 =	simm.s32 @p1 $0x1  }
0x15: {  	[smem:$0x3FB9] =	sst s0;
	s0 =	simm.s32 @!p2 $0x0  }
0x16: {  	s3 =	sld [smem:$0x3FDB];
	s0 =	simm.s32 @p2 $0x1  }
0x17: {  	s4 =	simm.s32 $0x1BF5;
	[smem:$0x3FBB] =	sst s0  }
0x18: {  	s0 =	sld [smem:$0x3F9E];
	_ =	swait.ge [sflag:s4], $0x0  }
0x19: {  	s7 =	sld [smem:$0x3F9F]  }
0x1a: {  	s8 =	sadd.s32 $0xFFFFE003, lr  }
0x1b: {  	s9 =	sadd.s32 $0xFFFFFEF7, lr;
	s5 =	simm.s32 $0xFFFFFFFF;
	p2 =	slt.u32 s8, $0xFFFFF086  }
0x1c: {  	p1 =	slt.u32 s9, $0xF7A;
	s5 =	simm.s32 @!p2 $0x0  }
0x1d: {  	s5 =	simm.s32 @p1 $0x1;
	p0 =	seq.s32 s7, s2  }
0x1e: {  	s7 =	smul.u32 @!p0 $0xF7A, s2;
	p2 =	seq.s32 @!p0 s5, $0x0  }
0x1f: {  	s9 =	smul.u32 $0xF7A, s1;
	s8 =	simm.s32 @!p0 $0x1BF5;
	p2 =	por !p2, p0  }
0x20: {  	[sflag:s8] =	ssyncset.s32 @!p0 $0xFFFFF086;
	s6 =	sadd.s32 @!p0 s3, s7;
	s7 =	simm.s32 @!p0 $0x108  }
0x21: {  	s3 =	sadd.s32 s3, s9;
	s6 =	sadd.s32 @!p0 $0x88, s6;
	s7 =	simm.s32 @p2 $0x1082  }
0x22: {  	[simem:s7], [sflag:s8] =	dma.local @!p0 [hbm:s6], $0xF7A  }
0x23: {  	s9 =	sor.u32 $0xD0000000, s2;
	s6 =	simm.s32 $0x108;
	_ =	swait.ge @!p0 [sflag:s8], $0x0  }
0x24: {  	s3 =	sadd.s32 $0x88, s3;
	s6 =	simm.s32 @!p1 $0x1082;
	[sflag:s4] =	ssyncset.s32 $0xFFFFF086  }
0x25: {  	[simem:s6], [sflag:s4] =	dma.local [hbm:s3], $0xF7A  }
0x26: {  	[smem:$0x3F9F] =	sst s1;
	(tag) =	ssettag s2;
	_ =	strace s9  }
0x27: {  	s1 =	sld [smem:$0x3FAF]  }
0x28: {  	s2 =	sld [smem:$0x3FB0]  }
0x29: {  	s4 =	sld [smem:$0x3FB2]  }
0x2a: {  	p0 =	seq.s32 s5, $0x0;
	s5 =	sld [smem:$0x3FB3]  }
0x2b: {  	s6 =	sld [smem:$0x3FB4]  }
0x2c: {  	s7 =	sld [smem:$0x3FB5]  }
0x2d: {  	s3 =	simm.s32 $0x108;
	s8 =	sld [smem:$0x3FB6]  }
0x2e: {  	s3 =	simm.s32 @!p0 $0x1082;
	s9 =	sld [smem:$0x3FB7]  }
0x2f: {  	lr =	sadd.s32 s0, s3;
	s0 =	sld [smem:$0x3FAE]  }
0x30: {  	s3 =	sld [smem:$0x3FB1]  }
0x31: {  	[smem:$0x3FBA] =	sst s10  }
0x32: {  	s10 =	sld [smem:$0x3FB8];
	_ =	sdelay $0x3  }
0x33: {  	p0 =	seq.s32 s10, $0x1;
	s10 =	sld [smem:$0x3FBA];
	_ =	sdelay $0x3  }
0x34: {  	[smem:$0x3FBA] =	sst s10  }
0x35: {  	s10 =	sld [smem:$0x3FB9];
	_ =	sdelay $0x3  }
0x36: {  	p1 =	seq.s32 s10, $0x1;
	s10 =	sld [smem:$0x3FBA];
	_ =	sdelay $0x3  }
0x37: {  	[smem:$0x3FBA] =	sst s10  }
0x38: {  	s10 =	sld [smem:$0x3FBB]  }
0x39: {  	_ = 	snop;
	(pc) =	sbr.ind lr, $3  }
0x3a: {  	_ = 	snop  }
0x3b: {  	_ = 	snop  }
0x3c: {  	p2 =	seq.s32 s10, $0x1;
	s10 =	sld [smem:$0x3FBA]  }
0x3d: {  	_ =	shalt  }
0x3e: {  	_ =	shalt  }
0x3f: {  	_ =	shalt  }
0x40: {  	_ =	shalt  }
0x41: {  	_ =	shalt  }
0x42: {  	_ =	shalt  }
0x43: {  	_ =	shalt  }
0x44: {  	_ =	shalt  }
0x45: {  	_ =	shalt  }
0x46: {  	_ =	shalt  }
0x47: {  	_ =	shalt  }
0x48: {  	_ =	shalt  }
0x49: {  	_ =	shalt  }
0x4a: {  	_ =	shalt  }
0x4b: {  	_ =	shalt  }
0x4c: {  	_ =	shalt  }
0x4d: {  	_ =	shalt  }
0x4e: {  	_ =	shalt  }
0x4f: {  	_ =	shalt  }
0x50: {  	_ =	shalt  }
0x51: {  	_ =	shalt  }
0x52: {  	_ =	shalt  }
0x53: {  	_ =	shalt  }
0x54: {  	_ =	shalt  }
0x55: {  	_ =	shalt  }
0x56: {  	_ =	shalt  }
0x57: {  	_ =	shalt  }
0x58: {  	_ =	shalt  }
0x59: {  	_ =	shalt  }
0x5a: {  	_ =	shalt  }
0x5b: {  	_ =	shalt  }
0x5c: {  	_ =	shalt  }
0x5d: {  	_ =	shalt  }
0x5e: {  	_ =	shalt  }
0x5f: {  	_ =	shalt  }
0x60: {  	_ =	shalt  }
0x61: {  	_ =	shalt  }
0x62: {  	_ =	shalt  }
0x63: {  	_ =	shalt  }
0x64: {  	_ =	shalt  }
0x65: {  	_ =	shalt  }
0x66: {  	_ =	shalt  }
0x67: {  	_ =	shalt  }
0x68: {  	_ =	shalt  }
0x69: {  	_ =	shalt  }
0x6a: {  	_ =	shalt  }
0x6b: {  	_ =	shalt  }
0x6c: {  	_ =	shalt  }
0x6d: {  	_ =	shalt  }
0x6e: {  	_ =	shalt  }
0x6f: {  	_ =	shalt  }
0x70: {  	_ =	shalt  }
0x71: {  	_ =	shalt  }
0x72: {  	_ =	shalt  }
0x73: {  	_ =	shalt  }
0x74: {  	_ =	shalt  }
0x75: {  	_ =	shalt  }
0x76: {  	_ =	shalt  }
0x77: {  	_ =	shalt  }
0x78: {  	_ =	shalt  }
0x79: {  	_ =	shalt  }
0x7a: {  	_ =	shalt  }
0x7b: {  	_ =	shalt  }
0x7c: {  	_ =	shalt  }
0x7d: {  	_ =	shalt  }
0x7e: {  	_ =	shalt  }
0x7f: {  	_ =	shalt  }
0x80: {  	_ =	shalt  }
0x81: {  	_ =	shalt  }
0x82: {  	_ =	shalt  }
0x83: {  	_ =	shalt  }
0x84: {  	_ =	shalt  }
0x85: {  	_ =	shalt  }
0x86: {  	_ =	shalt  }
0x87: {  	_ =	shalt  }
.Lfunc_end0:
.L_simem_size_0:
called_computation_lowered:
.L_overlay_start_0:
0x88: {  	s2 =	sld [smem:$0x3FD9]  }
0x89: {  	s3 =	sld [smem:$0x3FFE];
	_ =	sdelay $0x1  }
0x8a: {  	s1 =	srdreg.scid  }
0x8b: {  	s0 =	sand.u32 $0x1, s1  }
0x8c: {  	s16 =	sshll.u32 s0, $0xA;
	s2 =	sadd.s32 s3, s2  }
0x8d: {  	s2 =	sadd.s32 s2, s16  }
0x8e: {  	[smem:$0x3FC6] =	sst s2  }
0x8f: {  	_ = 	snop  }
0x90: {  	(tm) =	ssettm $0x1  }
0x91: {  	s17 =	sld [smem:$0x3FFB];
	_ =	sdelay $0x3  }
0x92: {  	_ =	strace s17  }
0x93: {  	s2 =	sld [smem:$0x3FFC];
	_ =	sdelay $0x3  }
0x94: {  	_ =	strace s2  }
0x95: {  	s2 =	sld [smem:$0x3FFD];
	_ =	sdelay $0x3  }
0x96: {  	_ =	strace s2  }
0x97: {  	_ =	strace $0x8FFFFFFF  }
0x98: {  	s18 =	sld [smem:$0x3FDB];
	_ =	sdelay $0x1  }
0x99: {  	s19 =	simm.s32 $_scs_section_size  }
0x9a: {  	s4 =	simm.s32 $_size__tile_overlayer_lowered;
	s5 =	simm.s32 $_tile_overlayer_lowered  }
0x9b: {  	s22 =	simm.s32 $0x1BFF;
	s21 =	sshll.u32 s5, $0x1;
	s2 =	sadd.s32 s19, s18  }
0x9c: {  	s6 =	simm.s32 $0x0;
	s20 =	sshll.u32 s4, $0x1;
	s4 =	sadd.s32 s21, s2  }
0x9d: {  	[timem:s6], [sflag:s22] =	dma.local [hbm:s4], s20  }
0x9e: {  	_ =	swait.ge [sflag:s22], s20  }
0x9f: {  	s3 =	ssub.s32 $0x0, s20;
	[sflag:s22] =	ssyncset.done $0x0  }
0xa0: {  	[sflag:s22] =	ssyncadd.s32 s3;
	_ =	sdelay $0x1  }
0xa1: {  	s23 =	simm.s32 $0x1B8B  }
0xa2: {  	_ =	swait.ge [sflag:s23], $0x1  }
0xa3: {  	[sflag:s23] =	ssyncset.done $0x0  }
0xa4: {  	s25 =	simm.s32 $0x1B8E;
	s24 =	sld [smem:$0x3FFE];
	[sflag:s23] =	ssyncadd.s32 $0xFFFFFFFF  }
0xa5: {  	s26 =	simm.s32 $execute0_lowered;
	[smem:$0x3FD2] =	sst s25  }
0xa6: {  	s4 =	sshll.u32 s26, $0x1;
	_ =	strace $0x80000046;
	[dreg:$0x1] =	wrdreg $0xFFFFFFFF  }
0xa7: {  	s28 =	simm.s32 $_size_execute0_lowered;
	s2 =	sadd.s32 s2, s4;
	[dreg:$0x0] =	wrdreg $0x0  }
0xa8: {  	s4 =	sshll.u32 s28, $0x1;
	[dreg:$0x2] =	wrdreg s2  }
0xa9: {  	[dreg:$0x3] =	wrdreg s4  }
0xaa: {  	[dreg:$0x4] =	wrdreg $0xC0  }
0xab: {  	_ =	task [dreg:s6], $0x5FFFF  }
0xac: {  	[dreg:$0x1] =	wrdreg $0xFFFFFFFF  }
0xad: {  	[dreg:$0x0] =	wrdreg $0x60  }
0xae: {  	[dreg:$0x2] =	wrdreg s24  }
0xaf: {  	[dreg:$0x3] =	wrdreg $0x9  }
0xb0: {  	_ =	task.clear_ibuf [dreg:s6], $0x4FFFF;
	_ =	strace $0x90000046  }
0xb1: {  	s29 =	simm.s32 $0x9;
	_ =	strace $0x80000048  }
0xb2: {  	_ =	swait.ge [sflag:s29], $0x1  }
0xb3: {  	[sflag:s29] =	ssyncadd.s32 $0xFFFFFFFF  }
0xb4: {  	_ =	strace $0x90000048  }
0xb5: {  	_ =	sfence  }
0xb6: {  	s30 =	sld [smem:$0x0];
	_ =	sdelay $0x2  }
0xb7: {  	s31 =	sshll.u32 s1, $0xD;
	s1 =	sshrl.u32 s1, $0x2  }
0xb8: {  	s3 =	sand.u32 $0x4000, s31;
	s1 =	sadd.s32 s1, s30  }
0xb9: {  	s0 =	sor.u32 s3, s0;
	s1 =	sshll.u32 s1, $0x11  }
0xba: {  	s0 =	sor.u32 s1, s0  }
0xbb: {  	s0 =	sadd.s32 $0x8F2B, s0  }
0xbc: {  	[sflag:s0] =	ssyncadd.remote.s32 $0x1  }
0xbd: {  	_ =	sfence.sel $0xFFFF  }
0xbe: {  	[dreg:$0x0] =	wrdreg $0xFFFFFFFF;
	(pc) =	sbr.abs _section_cstart, $3  }
0xbf: {  	[dreg:$0x1] =	wrdreg $0xFFFFFFFF  }
0xc0: {  	_ =	task.clear_ibuf [dreg:s6], $0x2FFFF;
	_ =	strace $0x9FFFFFFF  }
0xc1: {  	(tm) =	ssettm $0x7FFFFFFF  }
tec
execute0_lowered:
.L_overlay_start_1:
0x0: {  	(tag) =	ssettag $0x1  }
0x1: {  	s28 =	stileid.u32  }
0x2: {  	s24 =	srdreg.scid;
	s2 =	rddreg [dreg:$0x0];
	s0 =	sshll.u32 s28, $0x1  }
0x3: {  	s30 =	simm.s32 $0x80;
	s13 =	sand.u32 $0x6, s0;
	s0 =	sand.u32 $0x1, s24  }
0x4: {  	p0 =	sgt.u32 s28, $0xB;
	s1 =	sshrl.u32 s13, $0x1;
	s4 =	ssub.s32 $0x2, s0  }
0x5: {  	s5 =	sshll.u32 s0, $0x14;
	s25 =	sor.u32 s0, s13;
	s13 =	sshll.u32 s13, $0x6  }
0x6: {  	s3 =	smul.u32 $0x600000, s1;
	s1 =	sshrl.u32 s28, $0x2;
	s6 =	sshrl.u32 s4, $0x1  }
0x7: {  	s7 =	sshll.u32 s1, $0x7;
	s9 =	ssub.s32 s4, s6;
	s11 =	sshll.u32 s1, $0x12  }
0x8: {  	s4 =	sshll.u32 s25, $0x7;
	s10 =	sor.u32 $0x4, s1;
	s29 =	sor.u32 $0x8, s1  }
0x9: {  	s21 =	sor.u32 $0xC, s1;
	s31 =	sor.u32 $0x10, s1;
	s8 =	sor.u32 s5, s3  }
0xa: {  	s18 =	sor.u32 s7, s3;
	s11 =	sor.u32 s11, s4;
	s12 =	sshll.u32 s10, $0x7  }
0xb: {  	s14 =	sshll.u32 s10, $0x12;
	s15 =	sadd.s32 $0x200000, s3;
	s17 =	sshll.u32 s29, $0x12  }
0xc: {  	s22 =	sshll.u32 s21, $0x7;
	s23 =	sshll.u32 s21, $0x12;
	s25 =	sshll.u32 s31, $0x12  }
0xd: {  	s9 =	smax.u32 s9, $0x1;
	v2 =	vmov s29;
	s29 =	simm.s32 $0x8000;
	v4 =	vmov s31;
	s31 =	simm.s32 $0x400  }
0xe: {  	v3 =	vmov s21;
	s21 =	simm.s32 $0x5;
	s6 =	sor.u32 s7, s8;
	s8 =	sor.u32 s12, s8  }
0xf: {  	s19 =	sor.u32 s12, s3;
	s26 =	sor.u32 s14, s4;
	s24 =	sor.u32 s5, s15  }
0x10: {  	s20 =	sor.u32 s7, s15;
	s17 =	sor.u32 s17, s4;
	s22 =	sand.u32 $0x380, s22  }
0x11: {  	s14 =	sor.u32 s23, s4;
	s3 =	sadd.s32 $0x400000, s3;
	s5 =	sor.u32 s5, s7  }
0x12: {  	s4 =	sor.u32 s25, s4;
	s11 =	sshrl.u32 s11, $0x3;
	s16 =	sor.u32 s7, s24  }
0x13: {  	s24 =	sor.u32 s22, s24;
	s22 =	sor.u32 s22, s15;
	s5 =	sor.u32 s3, s5  }
0x14: {  	s3 =	sor.u32 s7, s3;
	s7 =	sadd.s32 $0x320C00, s2;
	s12 =	sshrl.u32 s26, $0x3  }
0x15: {  	s15 =	sadd.s32 $0x3B8C00, s2;
	s25 =	sshrl.u32 s17, $0x3;
	s26 =	sadd.s32 s7, s11  }
0x16: {  	s17 =	sshrl.u32 s14, $0x3;
	s11 =	sadd.s32 s15, s11;
	[dreg:$0x2] =	wrdreg s26  }
0x17: {  	s4 =	sshrl.u32 s4, $0x3;
	s23 =	sadd.s32 s7, s25;
	[dreg:$0x3] =	wrdreg s11  }
0x18: {  	s6 =	sshrl.u32 s6, $0x3;
	s26 =	sadd.s32 s7, s12;
	[dreg:$0x6] =	wrdreg s23  }
0x19: {  	s16 =	sshrl.u32 s16, $0x3;
	s12 =	sadd.s32 s15, s12;
	[dreg:$0x4] =	wrdreg s26  }
0x1a: {  	s5 =	sshrl.u32 s5, $0x3;
	s11 =	sadd.s32 s15, s25;
	[dreg:$0x5] =	wrdreg s12  }
0x1b: {  	s3 =	sshrl.u32 s3, $0x3;
	s25 =	sadd.s32 s7, s17;
	[dreg:$0x7] =	wrdreg s11  }
0x1c: {  	s7 =	sadd.s32 s7, s4;
	s4 =	sadd.s32 s15, s4;
	[dreg:$0x8] =	wrdreg s25  }
0x1d: {  	s23 =	sshrl.u32 s18, $0x3;
	s26 =	sadd.s32 s15, s17;
	[dreg:$0xa] =	wrdreg s7  }
0x1e: {  	[dreg:$0xb] =	wrdreg s4;
	s11 =	simm.s32 $0x0;
	s7 =	sadd.s32 $0x20C00, s2  }
0x1f: {  	s15 =	sshrl.u32 s8, $0x3;
	s17 =	sshrl.u32 s24, $0x3;
	[dreg:$0x9] =	wrdreg s26  }
0x20: {  	s24 =	sshrl.u32 s19, $0x3;
	s25 =	sshrl.u32 s20, $0x3;
	[smem:$0x7FF] =	sst s11  }
0x21: {  	s12 =	sadd.s32 s7, s6;
	s14 =	sadd.s32 s7, s15;
	s15 =	sadd.s32 s7, s16  }
0x22: {  	s16 =	sadd.s32 s7, s17;
	s17 =	sadd.s32 s7, s5;
	s18 =	sadd.s32 s7, s23  }
.Ltmp0:
0x23: {  	s19 =	sadd.s32 s7, s24;
	s20 =	sadd.s32 s7, s25;
	(pc) =	sbr.rel .LBB2_1-.Ltmp0, $4  }
0x24: {  	s26 =	sshrl.u32 s22, $0x3;
	s5 =	sshll.u32 s0, $0x13;
	s23 =	sadd.s32 s7, s3  }
0x25: {  	s24 =	sadd.s32 $0xC00, s2;
	s22 =	sadd.s32 s7, s26;
	s7 =	sor.u32 s5, s13  }
0x26: {  	s25 =	sshll.u32 s0, $0x11;
	s0 =	simm.s32 $0x0;
	s8 =	sshrl.u32 s7, $0x3  }
0x27: {  	v5 =	vimm.s32 $0x0;
	v0 =	vmov s1;
	v1 =	vmov s10;
	_ =	strace $0x80000047;
	[dreg:$0xc] =	wrdreg s9;
	s26 =	sadd.s32 s24, s8  }
.LBB2_88:
0x28: {  	s0 =	sadd.s32 $0x1, s0;
	s1 =	rddreg [dreg:$0xc]  }
0x29: {  	p1 =	sne.s32 s0, s1  }
.Ltmp1:
0x2a: {  	_ = 	snop;
	(pc) =	sbr.rel @!p1 .LBB2_89-.Ltmp1, $1  }
0x2b: {  	_ =	sdelay $0x3  }
.LBB2_1:
0x2c: {  	s1 =	simm.s32 $0x0  }
.LBB2_2:
0x2d: {  	p1 =	sne.s32 s1, $0x1FFC0  }
.Ltmp2:
0x2e: {  	_ = 	snop;
	(pc) =	sbr.rel @p1 .LBB2_2-.Ltmp2, $4  }
0x2f: {  	_ = 	snop  }
0x30: {  	s2 =	sshra.s32 s1, $0x2  }
0x31: {  	[tilespmem:s2+$0x0] =	vst v5  }
0x32: {  	s1 =	sadd.s32 $0x40, s1;
	[tilespmem:s2+$0x8000] =	vst v5  }
0x33: {  	s1 =	simm.s32 $0x10000  }
0x34: {  	s2 =	simm.s32 $0x80;
	s4 =	sadd.s32 $0x0, s12;
	s3 =	simm.s32 $0x10100  }
.LBB2_4:
0x35: {  	[tilespmem:s1], [sflag:$0x1] =	stream.linear.gather [hbm4b:s4+s11], $0x80, $0x38;
	[tilespmem:$0x18000] =	vst v63  }
0x36: {  	s4 =	smov.u32 s2;
	s1 =	smov.u32 s3;
	p1 =	sne.s32 s2, $0x1F80  }
.Ltmp3:
0x37: {  	s2 =	sadd.s32 $0x80, s2;
	(pc) =	sbr.rel @p1 .LBB2_4-.Ltmp3, $2  }
0x38: {  	_ =	sdelay $0x2  }
0x39: {  	s3 =	sadd.s32 $0x100, s3;
	s4 =	sadd.s32 s4, s12  }
0x3a: {  	[tilespmem:s1], [sflag:$0x1] =	stream.linear.gather [hbm4b:s4+s11], $0x80, $0x38;
	[tilespmem:$0x18000] =	vst v63  }
0x3b: {  	s1 =	simm.s32 $0x0;
	s2 =	simm.s32 $0x14000;
	s3 =	simm.s32 $0x0  }
.LBB2_6:
0x3c: {  	p1 =	seq.s32 s3, $0xFC0  }
.Ltmp4:
0x3d: {  	_ = 	snop;
	(pc) =	sbr.rel @!p1 .LBB2_6-.Ltmp4, $4  }
0x3e: {  	_ = 	snop  }
0x3f: {  	s4 =	sadd.s32 s3, s26  }
0x40: {  	[tilespmem:s2], [sflag:$0x3] =	stream.linear.gather [hbm4b:s4+s1], $0x80, $0x38;
	[tilespmem:$0x18000] =	vst v63  }
0x41: {  	s3 =	sadd.s32 $0x40, s3;
	s2 =	sadd.s32 $0x100, s2  }
0x42: {  	p1 =	por $0x1, $0x1;
	p2 =	por $0x0, $0x0  }
.LBB2_9:
0x43: {  	p3 =	seq.s32 s1, $0xF  }
.Ltmp5:
0x44: {  	_ = 	snop;
	(pc) =	sbr.rel @p3 .LBB2_15-.Ltmp5, $2  }
0x45: {  	_ =	sdelay $0x2  }
0x46: {  	s9 =	sadd.s32 $0x1, s1  }
0x47: {  	s2 =	simm.s32 $0x1  }
0x48: {  	s3 =	sshll.u32 s9, $0xD;
	s10 =	sand.u32 $0x1, s9;
	s2 =	simm.s32 @!p1 $0x0  }
0x49: {  	s7 =	simm.s32 $0x80;
	s3 =	sadd.s32 s25, s3;
	s4 =	sshll.u32 s2, $0x7  }
0x4a: {  	s6 =	sadd.s32 s18, s3;
	s2 =	sor.u32 $0x14000, s4;
	s5 =	sor.u32 $0x10000, s4  }
0x4b: {  	s4 =	sadd.s32 $0x1, s10;
	s28 =	sadd.s32 $0x0, s6;
	s8 =	sadd.s32 $0x100, s5  }
.LBB2_11:
0x4c: {  	[tilespmem:s5], [sflag:s4] =	stream.linear.gather [hbm4b:s28+s11], $0x80, $0x38;
	[tilespmem:$0x18000] =	vst v63  }
0x4d: {  	s28 =	smov.u32 s7;
	s5 =	smov.u32 s8;
	p3 =	sne.s32 s7, $0x1F80  }
.Ltmp6:
0x4e: {  	s7 =	sadd.s32 $0x80, s7;
	(pc) =	sbr.rel @p3 .LBB2_11-.Ltmp6, $2  }
0x4f: {  	_ =	sdelay $0x2  }
0x50: {  	s8 =	sadd.s32 $0x100, s8;
	s28 =	sadd.s32 s28, s6  }
0x51: {  	[tilespmem:s5], [sflag:s4] =	stream.linear.gather [hbm4b:s28+s11], $0x80, $0x38;
	[tilespmem:$0x18000] =	vst v63  }
0x52: {  	s3 =	sshll.u32 s3, $0x2  }
0x53: {  	s3 =	sor.u32 s13, s3  }
0x54: {  	s28 =	sshrl.u32 s3, $0x3  }
0x55: {  	s5 =	simm.s32 $0x40;
	s4 =	sadd.s32 s24, s28  }
0x56: {  	s6 =	sadd.s32 $0x100, s2;
	s3 =	sadd.s32 $0x3, s10;
	s7 =	sadd.s32 $0x0, s4  }
.LBB2_13:
0x57: {  	[tilespmem:s2], [sflag:s3] =	stream.linear.gather [hbm4b:s7+s11], $0x80, $0x38;
	[tilespmem:$0x18000] =	vst v63  }
0x58: {  	s7 =	smov.u32 s5;
	s2 =	smov.u32 s6;
	p3 =	sne.s32 s5, $0xFC0  }
.Ltmp7:
0x59: {  	s5 =	sadd.s32 $0x40, s5;
	(pc) =	sbr.rel @p3 .LBB2_13-.Ltmp7, $2  }
0x5a: {  	_ =	sdelay $0x2  }
0x5b: {  	s6 =	sadd.s32 $0x100, s6;
	s7 =	sadd.s32 s7, s4  }
0x5c: {  	[tilespmem:s2], [sflag:s3] =	stream.linear.gather [hbm4b:s7+s11], $0x80, $0x38;
	[tilespmem:$0x18000] =	vst v63  }
.LBB2_15:
0x5d: {  	s2 =	simm.s32 $0x1  }
0x5e: {  	s1 =	sand.u32 $0x1, s1;
	s2 =	simm.s32 @!p2 $0x0  }
0x5f: {  	s3 =	sadd.s32 $0x1, s1;
	s2 =	sshll.u32 s2, $0x7  }
0x60: {  	_ =	swait.ge [sflag:s3], $0x2000;
	s4 =	sor.u32 $0x14100, s2  }
0x61: {  	[sflag:s3] =	ssyncset.done $0x0;
	v6 =	vmov s4  }
0x62: {  	s1 =	sadd.s32 $0x3, s1;
	s2 =	sor.u32 $0x10100, s2;
	[sflag:s3] =	ssyncadd.s32 $0xFFFFE000  }
0x63: {  	v7 =	vmov s2;
	_ =	swait.ge [sflag:s1], $0x2000  }
0x64: {  	[sflag:s1] =	ssyncset.done $0x0  }
0x65: {  	s10 =	simm.s32 $0x0;
	[sflag:s1] =	ssyncadd.s32 $0xFFFFE000  }
0x66: {  	v13 =	vld.idx.msk [tilespmem:v6+s10+$0xFFFFFF00 ss:$0x1], $0xffff  }
0x67: {  	v10 =	vld.idx.msk [tilespmem:v6+s10+$0xFFFFFF10 ss:$0x1], $0xffff  }
0x68: {  	v12 =	vld.idx.msk [tilespmem:v7+s10+$0xFFFFFF00 ss:$0x1], $0xffff  }
0x69: {  	v9 =	vld.idx.msk [tilespmem:v7+s10+$0xFFFFFF10 ss:$0x1], $0xffff  }
0x6a: {  	v8 =	vld.idx.msk [tilespmem:v7+s10+$0xFFFFFF20 ss:$0x1], $0xffff  }
0x6b: {  	s1 =	simm.s32 $0x800;
	v11 =	vld.idx.msk [tilespmem:v6+s10+$0xFFFFFF20 ss:$0x1], $0xffff  }
.LBB2_16:
0x6c: {  	s2 =	sshra.s32 s1, $0x2;
	p3 =	seq.s32 s1, $0xF800;
	s1 =	sadd.s32 $0x800, s1;
	v14 =	vld.idx.msk [tilespmem:v7+s10+$0xFFFFFF30 ss:$0x1], $0xffff  }
0x6d: {  	v15 =	vld.idx.msk [tilespmem:v6+s10+$0xFFFFFF30 ss:$0x1], $0xffff  }
0x6e: {  	v16 =	vsub.f32 $1.000000000e+00, v12;
	v17 =	vld.idx.msk [tilespmem:v7+s10+$0xFFFFFF40 ss:$0x1], $0xffff  }
0x6f: {  	vm1 =	veq.s32 v13, v0;
	v13 =	vsub.f32 $1.000000000e+00, v9;
	v18 =	vld.idx.msk [tilespmem:v6+s10+$0xFFFFFF40 ss:$0x1], $0xffff  }
0x70: {  	vm3 =	veq.s32 v10, v0;
	v12 =	vsel vm1, v16, v12;
	v10 =	vsub.f32 $1.000000000e+00, v8;
	v16 =	vld.idx.msk [tilespmem:v7+s10+$0xFFFFFF50 ss:$0x1], $0xffff  }
0x71: {  	v12 =	vand.u32 $0x7FFFFFFF, v12;
	v9 =	vsel vm3, v13, v9;
	vm2 =	veq.s32 v11, v0;
	v11 =	vld.idx.msk [tilespmem:v6+s10+$0xFFFFFF50 ss:$0x1], $0xffff  }
0x72: {  	v12 =	vshrl.u32 v12, $0x10;
	v9 =	vand.u32 $0x7FFFFFFF, v9;
	v8 =	vsel vm2, v10, v8;
	v13 =	vld.idx.msk [tilespmem:v7+s10+$0xFFFFFF60 ss:$0x1], $0xffff  }
0x73: {  	v8 =	vand.u32 $0x7FFFFFFF, v8;
	vm0 =	veq.s32 v15, v0;
	v15 =	vsub.f32 $1.000000000e+00, v14;
	v19 =	vld.idx.msk [tilespmem:v6+s10+$0xFFFFFF60 ss:$0x1], $0xffff;
	(xrf1) =	vunique.msk.u32 $0xffff, v12  }
0x74: {  	v10 =	vshrl.u32 v9, $0x10;
	v9 =	vsub.f32 $1.000000000e+00, v17;
	v20 =	vld.idx.msk [tilespmem:v7+s10+$0xFFFFFF70 ss:$0x1], $0xffff;
	(xrf1) =	vunique.msk.u32 vm1, v12  }
0x75: {  	v14 =	vsel vm0, v15, v14;
	vm1 =	veq.s32 v18, v0;
	v15 =	vld.idx.msk [tilespmem:v6+s10+$0xFFFFFF70 ss:$0x1], $0xffff;
	(xrf1) =	vunique.msk.u32 $0xffff, v10  }
0x76: {  	v8 =	vshrl.u32 v8, $0x10;
	v9 =	vsel vm1, v9, v17;
	v17 =	vsub.f32 $1.000000000e+00, v16;
	v18 =	vld.idx.msk [tilespmem:v7+s10+$0x0 ss:$0x1], $0xffff;
	(xrf1) =	vunique.msk.u32 vm3, v10  }
0x77: {  	v14 =	vand.u32 $0x7FFFFFFF, v14;
	v21 =	vand.u32 $0x7FFFFFFF, v9;
	vm4 =	veq.s32 v11, v0;
	v22 =	vld.idx.msk [tilespmem:v6+s10+$0x0 ss:$0x1], $0xffff;
	(xrf1) =	vunique.msk.u32 $0xffff, v8  }
0x78: {  	v9 =	vshrl.u32 v14, $0x10;
	v11 =	vsel vm4, v17, v16;
	v14 =	vsub.f32 $1.000000000e+00, v13;
	v16 =	vld.idx.msk [tilespmem:v7+s10+$0x10 ss:$0x1], $0xffff;
	(xrf1) =	vunique.msk.u32 vm2, v8  }
0x79: {  	v17 =	vand.u32 $0x7FFFFFFF, v11;
	vm5 =	veq.s32 v19, v0;
	v19 =	vld.idx.msk [tilespmem:v6+s10+$0x10 ss:$0x1], $0xffff;
	(xrf1) =	vunique.msk.u32 $0xffff, v9  }
0x7a: {  	v11 =	vshrl.u32 v21, $0x10;
	v13 =	vsel vm5, v14, v13;
	v14 =	vsub.f32 $1.000000000e+00, v20;
	v21 =	vld.idx.msk [tilespmem:v7+s10+$0x20 ss:$0x1], $0xffff;
	(xrf1) =	vunique.msk.u32 vm0, v9  }
0x7b: {  	v13 =	vand.u32 $0x7FFFFFFF, v13;
	vm2 =	veq.s32 v15, v0;
	v15 =	vld.idx.msk [tilespmem:v6+s10+$0x20 ss:$0x1], $0xffff;
	(xrf1) =	vunique.msk.u32 $0xffff, v11  }
0x7c: {  	v17 =	vshrl.u32 v17, $0x10;
	v14 =	vsel vm2, v14, v20;
	v20 =	vsub.f32 $1.000000000e+00, v18;
	v23 =	vld.idx.msk [tilespmem:v7+s10+$0x30 ss:$0x1], $0xffff;
	(xrf1) =	vunique.msk.u32 vm1, v11  }
0x7d: {  	v14 =	vand.u32 $0x7FFFFFFF, v14;
	vm3 =	veq.s32 v22, v0;
	v22 =	vld.idx.msk [tilespmem:v6+s10+$0x30 ss:$0x1], $0xffff;
	(xrf1) =	vunique.msk.u32 $0xffff, v17  }
0x7e: {  	v13 =	vshrl.u32 v13, $0x10;
	v18 =	vsel vm3, v20, v18;
	v20 =	vsub.f32 $1.000000000e+00, v16;
	v24 =	vld.idx.msk [tilespmem:v7+s10+$0x40 ss:$0x1], $0xffff;
	(xrf1) =	vunique.msk.u32 vm4, v17  }
0x7f: {  	v18 =	vand.u32 $0x7FFFFFFF, v18;
	vm1 =	veq.s32 v19, v0;
	v19 =	vld.idx.msk [tilespmem:v6+s10+$0x40 ss:$0x1], $0xffff;
	(xrf1) =	vunique.msk.u32 $0xffff, v13  }
0x80: {  	v14 =	vshrl.u32 v14, $0x10;
	v16 =	vsel vm1, v20, v16;
	v20 =	vsub.f32 $1.000000000e+00, v21;
	v25 =	vld.idx.msk [tilespmem:v7+s10+$0x50 ss:$0x1], $0xffff;
	(xrf1) =	vunique.msk.u32 vm5, v13  }
0x81: {  	v16 =	vand.u32 $0x7FFFFFFF, v16;
	vm0 =	veq.s32 v15, v0;
	v15 =	vld.idx.msk [tilespmem:v6+s10+$0x50 ss:$0x1], $0xffff;
	_, v26, vm4 =	vpop (xrf1);
	(xrf1) =	vunique.msk.u32 $0xffff, v14  }
0x82: {  	v18 =	vshrl.u32 v18, $0x10;
	v20 =	vsel vm0, v20, v21;
	v21 =	vsub.f32 $1.000000000e+00, v23;
	v27 =	vld.idx.msk [tilespmem:v7+s10+$0x60 ss:$0x1], $0xffff;
	_, v28, vm5 =	vpop (xrf1);
	(xrf1) =	vunique.msk.u32 vm2, v14  }
0x83: {  	v20 =	vand.u32 $0x7FFFFFFF, v20;
	vm2 =	veq.s32 v22, v0;
	v22 =	vld.idx.msk [tilespmem:v6+s10+$0x60 ss:$0x1], $0xffff;
	_, v29, vm6 =	vpop (xrf1);
	(xrf1) =	vunique.msk.u32 $0xffff, v18  }
0x84: {  	v16 =	vshrl.u32 v16, $0x10;
	v21 =	vsel vm2, v21, v23;
	v23 =	vsub.f32 $1.000000000e+00, v24;
	v30 =	vld.idx.msk [tilespmem:v7+s10+$0x70 ss:$0x1], $0xffff;
	_, v31, vm7 =	vpop (xrf1);
	(xrf1) =	vunique.msk.u32 vm3, v18  }
0x85: {  	v21 =	vand.u32 $0x7FFFFFFF, v21;
	vm3 =	veq.s32 v19, v0;
	v19 =	vld.idx.msk [tilespmem:v6+s10+$0x70 ss:$0x1], $0xffff;
	_, v32, vm8 =	vpop (xrf1);
	(xrf1) =	vunique.msk.u32 $0xffff, v16;
	s10 =	smov.u32 s2  }
0x86: {  	v20 =	vshrl.u32 v20, $0x10;
	v23 =	vsel vm3, v23, v24;
	v24 =	vsub.f32 $1.000000000e+00, v25;
	_, v33, vm9 =	vpop (xrf1);
	(xrf1) =	vunique.msk.u32 vm1, v16  }
0x87: {  	v23 =	vand.u32 $0x7FFFFFFF, v23;
	vm1 =	veq.s32 v15, v0;
	[tilespmem:v12+s11+$0x0] =	vst.idx.add.s32.msk vm4, v26;
	_, v15, vm4 =	vpop (xrf1);
	(xrf1) =	vunique.msk.u32 $0xffff, v20  }
0x88: {  	v21 =	vshrl.u32 v21, $0x10;
	v24 =	vsel vm1, v24, v25;
	[tilespmem:v12+s29+$0x0] =	vst.idx.add.s32.msk vm5, v28;
	_, v12, vm5 =	vpop (xrf1);
	(xrf1) =	vunique.msk.u32 vm0, v20  }
0x89: {  	v25 =	vsub.f32 $1.000000000e+00, v27;
	v24 =	vand.u32 $0x7FFFFFFF, v24;
	[tilespmem:v10+s11+$0x0] =	vst.idx.add.s32.msk vm6, v29;
	_, v26, vm6 =	vpop (xrf1);
	(xrf1) =	vunique.msk.u32 $0xffff, v21  }
0x8a: {  	v23 =	vshrl.u32 v23, $0x10;
	vm0 =	veq.s32 v22, v0;
	[tilespmem:v10+s29+$0x0] =	vst.idx.add.s32.msk vm7, v31;
	_, v10, vm7 =	vpop (xrf1);
	(xrf1) =	vunique.msk.u32 vm2, v21  }
0x8b: {  	v22 =	vsel vm0, v25, v27;
	v25 =	vsub.f32 $1.000000000e+00, v30;
	[tilespmem:v8+s11+$0x0] =	vst.idx.add.s32.msk vm8, v32;
	_, v27, vm2 =	vpop (xrf1);
	(xrf1) =	vunique.msk.u32 $0xffff, v23  }
0x8c: {  	v24 =	vshrl.u32 v24, $0x10;
	v28 =	vand.u32 $0x7FFFFFFF, v22;
	[tilespmem:v8+s29+$0x0] =	vst.idx.add.s32.msk vm9, v33;
	_, v8, vm8 =	vpop (xrf1);
	(xrf1) =	vunique.msk.u32 vm3, v23  }
0x8d: {  	vm3 =	veq.s32 v19, v0;
	[tilespmem:v9+s11+$0x0] =	vst.idx.add.s32.msk vm4, v15;
	_, v15, vm4 =	vpop (xrf1);
	(xrf1) =	vunique.msk.u32 $0xffff, v24  }
0x8e: {  	v19 =	vshrl.u32 v28, $0x10;
	v25 =	vsel vm3, v25, v30;
	[tilespmem:v9+s29+$0x0] =	vst.idx.add.s32.msk vm5, v12;
	_, v9, vm5 =	vpop (xrf1);
	(xrf1) =	vunique.msk.u32 vm1, v24  }
0x8f: {  	v12 =	vand.u32 $0x7FFFFFFF, v25;
	[tilespmem:v11+s11+$0x0] =	vst.idx.add.s32.msk vm6, v26;
	_, v22, vm1 =	vpop (xrf1);
	(xrf1) =	vunique.msk.u32 $0xffff, v19  }
0x90: {  	v12 =	vshrl.u32 v12, $0x10;
	[tilespmem:v11+s29+$0x0] =	vst.idx.add.s32.msk vm7, v10;
	_, v10, vm6 =	vpop (xrf1);
	(xrf1) =	vunique.msk.u32 vm0, v19  }
0x91: {  	[tilespmem:v17+s11+$0x0] =	vst.idx.add.s32.msk vm2, v27;
	_, v11, vm0 =	vpop (xrf1);
	(xrf1) =	vunique.msk.u32 $0xffff, v12  }
0x92: {  	[tilespmem:v17+s29+$0x0] =	vst.idx.add.s32.msk vm8, v8;
	_, v8, vm2 =	vpop (xrf1);
	(xrf1) =	vunique.msk.u32 vm3, v12  }
0x93: {  	[tilespmem:v13+s11+$0x0] =	vst.idx.add.s32.msk vm4, v15;
	_, v15, vm3 =	vpop (xrf1)  }
0x94: {  	[tilespmem:v13+s29+$0x0] =	vst.idx.add.s32.msk vm5, v9;
	_, v9, vm4 =	vpop (xrf1)  }
0x95: {  	[tilespmem:v14+s11+$0x0] =	vst.idx.add.s32.msk vm1, v22;
	_, v13, vm1 =	vpop (xrf1)  }
0x96: {  	[tilespmem:v14+s29+$0x0] =	vst.idx.add.s32.msk vm6, v10;
	_, v10, vm5 =	vpop (xrf1)  }
0x97: {  	[tilespmem:v18+s11+$0x0] =	vst.idx.add.s32.msk vm0, v11;
	_, v11, vm0 =	vpop (xrf1)  }
0x98: {  	[tilespmem:v18+s29+$0x0] =	vst.idx.add.s32.msk vm2, v8;
	_, v8, vm2 =	vpop (xrf1)  }
0x99: {  	[tilespmem:v16+s11+$0x0] =	vst.idx.add.s32.msk vm3, v15;
	_, v14, vm3 =	vpop (xrf1)  }
0x9a: {  	[tilespmem:v16+s29+$0x0] =	vst.idx.add.s32.msk vm4, v9;
	_, v9, vm4 =	vpop (xrf1)  }
0x9b: {  	[tilespmem:v20+s11+$0x0] =	vst.idx.add.s32.msk vm1, v13;
	_, v13, vm1 =	vpop (xrf1)  }
0x9c: {  	[tilespmem:v20+s29+$0x0] =	vst.idx.add.s32.msk vm5, v10;
	_, v10, vm5 =	vpop (xrf1)  }
0x9d: {  	[tilespmem:v21+s11+$0x0] =	vst.idx.add.s32.msk vm0, v11;
	_, v11, vm0 =	vpop (xrf1)  }
0x9e: {  	[tilespmem:v21+s29+$0x0] =	vst.idx.add.s32.msk vm2, v8;
	_, v8, vm2 =	vpop (xrf1)  }
0x9f: {  	[tilespmem:v23+s11+$0x0] =	vst.idx.add.s32.msk vm3, v14;
	_, v14, vm3 =	vpop (xrf1)  }
0xa0: {  	[tilespmem:v23+s29+$0x0] =	vst.idx.add.s32.msk vm4, v9;
	_, v9, vm4 =	vpop (xrf1)  }
0xa1: {  	[tilespmem:v24+s11+$0x0] =	vst.idx.add.s32.msk vm1, v13  }
0xa2: {  	[tilespmem:v24+s29+$0x0] =	vst.idx.add.s32.msk vm5, v10  }
0xa3: {  	[tilespmem:v19+s11+$0x0] =	vst.idx.add.s32.msk vm0, v11  }
0xa4: {  	[tilespmem:v19+s29+$0x0] =	vst.idx.add.s32.msk vm2, v8  }
0xa5: {  	[tilespmem:v12+s11+$0x0] =	vst.idx.add.s32.msk vm3, v14  }
0xa6: {  	[tilespmem:v12+s29+$0x0] =	vst.idx.add.s32.msk vm4, v9  }
0xa7: {  	v13 =	vld.idx.msk [tilespmem:v6+s10+$0xFFFFFF00 ss:$0x1], $0xffff  }
.Ltmp8:
0xa8: {  	v10 =	vld.idx.msk [tilespmem:v6+s10+$0xFFFFFF10 ss:$0x1], $0xffff;
	(pc) =	sbr.rel @!p3 .LBB2_16-.Ltmp8, $4  }
0xa9: {  	v12 =	vld.idx.msk [tilespmem:v7+s10+$0xFFFFFF00 ss:$0x1], $0xffff  }
0xaa: {  	v9 =	vld.idx.msk [tilespmem:v7+s10+$0xFFFFFF10 ss:$0x1], $0xffff  }
0xab: {  	v8 =	vld.idx.msk [tilespmem:v7+s10+$0xFFFFFF20 ss:$0x1], $0xffff  }
0xac: {  	v11 =	vld.idx.msk [tilespmem:v6+s10+$0xFFFFFF20 ss:$0x1], $0xffff  }
0xad: {  	_ =	sdelay $0x3  }
0xae: {  	v14 =	vld.idx.msk [tilespmem:v7+s10+$0xFFFFFF30 ss:$0x1], $0xffff  }
0xaf: {  	v15 =	vld.idx.msk [tilespmem:v6+s10+$0xFFFFFF30 ss:$0x1], $0xffff  }
0xb0: {  	v17 =	vld.idx.msk [tilespmem:v7+s10+$0xFFFFFF40 ss:$0x1], $0xffff;
	v16 =	vsub.f32 $1.000000000e+00, v12  }
0xb1: {  	vm0 =	veq.s32 v13, v0;
	v18 =	vld.idx.msk [tilespmem:v6+s10+$0xFFFFFF40 ss:$0x1], $0xffff  }
0xb2: {  	v27 =	vld.idx.msk [tilespmem:v7+s10+$0xFFFFFF50 ss:$0x1], $0xffff;
	v26 =	vsub.f32 $1.000000000e+00, v9;
	v12 =	vsel vm0, v16, v12  }
0xb3: {  	vm1 =	veq.s32 v10, v0;
	v29 =	vld.idx.msk [tilespmem:v6+s10+$0xFFFFFF50 ss:$0x1], $0xffff;
	v12 =	vand.u32 $0x7FFFFFFF, v12  }
0xb4: {  	v30 =	vld.idx.msk [tilespmem:v7+s10+$0xFFFFFF60 ss:$0x1], $0xffff;
	v28 =	vsub.f32 $1.000000000e+00, v8;
	v9 =	vsel vm1, v26, v9;
	v12 =	vshrl.u32 v12, $0x10  }
0xb5: {  	v19 =	vld.idx.msk [tilespmem:v6+s10+$0xFFFFFF60 ss:$0x1], $0xffff;
	vm2 =	veq.s32 v11, v0;
	v9 =	vand.u32 $0x7FFFFFFF, v9;
	(xrf1) =	vunique.msk.u32 $0xffff, v12  }
0xb6: {  	v32 =	vld.idx.msk [tilespmem:v7+s10+$0xFFFFFF70 ss:$0x1], $0xffff;
	v8 =	vsel vm2, v28, v8;
	v31 =	vsub.f32 $1.000000000e+00, v14;
	v9 =	vshrl.u32 v9, $0x10;
	(xrf1) =	vunique.msk.u32 vm0, v12  }
0xb7: {  	v33 =	vld.idx.msk [tilespmem:v6+s10+$0xFFFFFF70 ss:$0x1], $0xffff;
	vm10 =	veq.s32 v15, v0;
	v8 =	vand.u32 $0x7FFFFFFF, v8;
	(xrf1) =	vunique.msk.u32 $0xffff, v9  }
0xb8: {  	v34 =	vld.idx.msk [tilespmem:v7+s10+$0x0 ss:$0x1], $0xffff;
	v20 =	vsub.f32 $1.000000000e+00, v17;
	v14 =	vsel vm10, v31, v14;
	v8 =	vshrl.u32 v8, $0x10;
	(xrf1) =	vunique.msk.u32 vm1, v9  }
0xb9: {  	v21 =	vld.idx.msk [tilespmem:v6+s10+$0x0 ss:$0x1], $0xffff;
	vm11 =	veq.s32 v18, v0;
	v14 =	vand.u32 $0x7FFFFFFF, v14;
	(xrf1) =	vunique.msk.u32 $0xffff, v8  }
0xba: {  	v36 =	vld.idx.msk [tilespmem:v7+s10+$0x10 ss:$0x1], $0xffff;
	v35 =	vsub.f32 $1.000000000e+00, v27;
	v17 =	vsel vm11, v20, v17;
	v14 =	vshrl.u32 v14, $0x10;
	(xrf1) =	vunique.msk.u32 vm2, v8  }
0xbb: {  	v22 =	vld.idx.msk [tilespmem:v6+s10+$0x10 ss:$0x1], $0xffff;
	vm12 =	veq.s32 v29, v0;
	v17 =	vand.u32 $0x7FFFFFFF, v17;
	(xrf1) =	vunique.msk.u32 $0xffff, v14  }
0xbc: {  	v38 =	vld.idx.msk [tilespmem:v7+s10+$0x20 ss:$0x1], $0xffff;
	v37 =	vsub.f32 $1.000000000e+00, v30;
	v10 =	vsel vm12, v35, v27;
	v17 =	vshrl.u32 v17, $0x10;
	(xrf1) =	vunique.msk.u32 vm10, v14  }
0xbd: {  	v23 =	vld.idx.msk [tilespmem:v6+s10+$0x20 ss:$0x1], $0xffff;
	vm13 =	veq.s32 v19, v0;
	v10 =	vand.u32 $0x7FFFFFFF, v10;
	(xrf1) =	vunique.msk.u32 $0xffff, v17  }
0xbe: {  	v40 =	vld.idx.msk [tilespmem:v7+s10+$0x30 ss:$0x1], $0xffff;
	v39 =	vsub.f32 $1.000000000e+00, v32;
	v11 =	vsel vm13, v37, v30;
	v10 =	vshrl.u32 v10, $0x10;
	(xrf1) =	vunique.msk.u32 vm11, v17  }
0xbf: {  	v24 =	vld.idx.msk [tilespmem:v6+s10+$0x30 ss:$0x1], $0xffff;
	vm14 =	veq.s32 v33, v0;
	v11 =	vand.u32 $0x7FFFFFFF, v11;
	(xrf1) =	vunique.msk.u32 $0xffff, v10  }
0xc0: {  	v42 =	vld.idx.msk [tilespmem:v7+s10+$0x40 ss:$0x1], $0xffff;
	v41 =	vsub.f32 $1.000000000e+00, v34;
	v15 =	vsel vm14, v39, v32;
	v11 =	vshrl.u32 v11, $0x10;
	(xrf1) =	vunique.msk.u32 vm12, v10  }
0xc1: {  	v26 =	vld.idx.msk [tilespmem:v7+s10+$0x50 ss:$0x1], $0xffff;
	vm6 =	veq.s32 v21, v0;
	v15 =	vand.u32 $0x7FFFFFFF, v15;
	(xrf1) =	vunique.msk.u32 $0xffff, v11  }
0xc2: {  	v43 =	vsub.f32 $1.000000000e+00, v36;
	v28 =	vld.idx.msk [tilespmem:v7+s10+$0x60 ss:$0x1], $0xffff;
	v18 =	vsel vm6, v41, v34;
	v15 =	vshrl.u32 v15, $0x10;
	(xrf1) =	vunique.msk.u32 vm13, v11  }
0xc3: {  	vm3 =	veq.s32 v22, v0;
	v44 =	vsub.f32 $1.000000000e+00, v38;
	v7 =	vld.idx.msk [tilespmem:v7+s10+$0x70 ss:$0x1], $0xffff;
	v18 =	vand.u32 $0x7FFFFFFF, v18;
	_, v27, vm4 =	vpop (xrf1);
	(xrf1) =	vunique.msk.u32 $0xffff, v15  }
0xc4: {  	v25 =	vld.idx.msk [tilespmem:v6+s10+$0x40 ss:$0x1], $0xffff;
	vm15 =	veq.s32 v23, v0;
	v13 =	vsel vm3, v43, v36;
	v18 =	vshrl.u32 v18, $0x10;
	_, v46, vm5 =	vpop (xrf1);
	(xrf1) =	vunique.msk.u32 vm14, v15  }
0xc5: {  	v47 =	vsub.f32 $1.000000000e+00, v40;
	v19 =	vsel vm15, v44, v38;
	v13 =	vand.u32 $0x7FFFFFFF, v13;
	_, v29, vm7 =	vpop (xrf1);
	(xrf1) =	vunique.msk.u32 $0xffff, v18  }
0xc6: {  	v45 =	vld.idx.msk [tilespmem:v6+s10+$0x50 ss:$0x1], $0xffff;
	v30 =	vsub.f32 $1.000000000e+00, v42;
	v19 =	vand.u32 $0x7FFFFFFF, v19;
	v13 =	vshrl.u32 v13, $0x10;
	_, v31, vm8 =	vpop (xrf1);
	(xrf1) =	vunique.msk.u32 vm6, v18  }
0xc7: {  	v48 =	vld.idx.msk [tilespmem:v6+s10+$0x60 ss:$0x1], $0xffff;
	v19 =	vshrl.u32 v19, $0x10;
	v51 =	vsub.f32 $1.000000000e+00, v26;
	vm12 =	veq.s32 v24, v0;
	_, v49, vm14 =	vpop (xrf1);
	(xrf1) =	vunique.msk.u32 $0xffff, v13  }
0xc8: {  	v6 =	vld.idx.msk [tilespmem:v6+s10+$0x70 ss:$0x1], $0xffff;
	v52 =	vsub.f32 $1.000000000e+00, v28;
	v55 =	vsub.f32 $1.000000000e+00, v7;
	v16 =	vsel vm12, v47, v40;
	_, v50, vm9 =	vpop (xrf1);
	(xrf1) =	vunique.msk.u32 vm3, v13  }
0xc9: {  	vm13 =	veq.s32 v25, v0;
	v16 =	vand.u32 $0x7FFFFFFF, v16;
	[tilespmem:v12+s11+$0x0] =	vst.idx.add.s32.msk vm4, v27;
	_, v27, vm4 =	vpop (xrf1);
	(xrf1) =	vunique.msk.u32 $0xffff, v19  }
0xca: {  	v21 =	vsel vm13, v30, v42;
	v16 =	vshrl.u32 v16, $0x10;
	[tilespmem:v12+s29+$0x0] =	vst.idx.add.s32.msk vm5, v46;
	_, v12, vm5 =	vpop (xrf1);
	(xrf1) =	vunique.msk.u32 vm15, v19  }
0xcb: {  	v21 =	vand.u32 $0x7FFFFFFF, v21;
	vm3 =	veq.s32 v45, v0;
	[tilespmem:v9+s11+$0x0] =	vst.idx.add.s32.msk vm7, v29;
	_, v53, vm15 =	vpop (xrf1);
	(xrf1) =	vunique.msk.u32 $0xffff, v16  }
0xcc: {  	v21 =	vshrl.u32 v21, $0x10;
	v20 =	vsel vm3, v51, v26;
	[tilespmem:v9+s29+$0x0] =	vst.idx.add.s32.msk vm8, v31;
	_, v9, vm8 =	vpop (xrf1);
	(xrf1) =	vunique.msk.u32 vm12, v16  }
0xcd: {  	v20 =	vand.u32 $0x7FFFFFFF, v20;
	vm7 =	veq.s32 v48, v0;
	[tilespmem:v8+s11+$0x0] =	vst.idx.add.s32.msk vm14, v49;
	_, v54, vm12 =	vpop (xrf1);
	(xrf1) =	vunique.msk.u32 $0xffff, v21  }
0xce: {  	v20 =	vshrl.u32 v20, $0x10;
	v23 =	vsel vm7, v52, v28;
	[tilespmem:v8+s29+$0x0] =	vst.idx.add.s32.msk vm9, v50;
	_, v56, vm6 =	vpop (xrf1);
	(xrf1) =	vunique.msk.u32 vm13, v21  }
0xcf: {  	v23 =	vand.u32 $0x7FFFFFFF, v23;
	vm13 =	veq.s32 v6, v0;
	[tilespmem:v14+s11+$0x0] =	vst.idx.add.s32.msk vm4, v27;
	_, v6, vm14 =	vpop (xrf1);
	(xrf1) =	vunique.msk.u32 $0xffff, v20  }
0xd0: {  	v23 =	vshrl.u32 v23, $0x10;
	v7 =	vsel vm13, v55, v7;
	[tilespmem:v14+s29+$0x0] =	vst.idx.add.s32.msk vm5, v12;
	_, v12, vm5 =	vpop (xrf1);
	(xrf1) =	vunique.msk.u32 vm3, v20  }
0xd1: {  	v7 =	vand.u32 $0x7FFFFFFF, v7;
	[tilespmem:v17+s11+$0x0] =	vst.idx.add.s32.msk vm15, v53;
	_, v57, vm15 =	vpop (xrf1);
	(xrf1) =	vunique.msk.u32 $0xffff, v23  }
0xd2: {  	v7 =	vshrl.u32 v7, $0x10;
	[tilespmem:v17+s29+$0x0] =	vst.idx.add.s32.msk vm8, v9;
	_, v58, vm9 =	vpop (xrf1);
	(xrf1) =	vunique.msk.u32 vm7, v23  }
0xd3: {  	[tilespmem:v10+s11+$0x0] =	vst.idx.add.s32.msk vm12, v54;
	_, v59, vm10 =	vpop (xrf1);
	(xrf1) =	vunique.msk.u32 $0xffff, v7  }
0xd4: {  	[tilespmem:v10+s29+$0x0] =	vst.idx.add.s32.msk vm6, v56;
	_, v8, vm6 =	vpop (xrf1);
	(xrf1) =	vunique.msk.u32 vm13, v7  }
0xd5: {  	[tilespmem:v11+s11+$0x0] =	vst.idx.add.s32.msk vm14, v6;
	_, v6, vm11 =	vpop (xrf1)  }
0xd6: {  	[tilespmem:v11+s29+$0x0] =	vst.idx.add.s32.msk vm5, v12;
	_, v60, vm12 =	vpop (xrf1)  }
0xd7: {  	[tilespmem:v15+s11+$0x0] =	vst.idx.add.s32.msk vm15, v57;
	_, v61, vm13 =	vpop (xrf1)  }
0xd8: {  	[tilespmem:v15+s29+$0x0] =	vst.idx.add.s32.msk vm9, v58;
	_, v9, vm3 =	vpop (xrf1)  }
0xd9: {  	[tilespmem:v18+s11+$0x0] =	vst.idx.add.s32.msk vm10, v59;
	_, v62, vm14 =	vpop (xrf1)  }
0xda: {  	[tilespmem:v18+s29+$0x0] =	vst.idx.add.s32.msk vm6, v8;
	_, v63, vm15 =	vpop (xrf1)  }
0xdb: {  	[tilespmem:v13+s11+$0x0] =	vst.idx.add.s32.msk vm11, v6;
	_, v6, vm1 =	vpop (xrf1)  }
0xdc: {  	[tilespmem:v13+s29+$0x0] =	vst.idx.add.s32.msk vm12, v60;
	_, v10, vm4 =	vpop (xrf1)  }
0xdd: {  	[tilespmem:v19+s11+$0x0] =	vst.idx.add.s32.msk vm13, v61;
	_, v11, vm0 =	vpop (xrf1)  }
0xde: {  	[tilespmem:v19+s29+$0x0] =	vst.idx.add.s32.msk vm3, v9;
	_, v9, vm3 =	vpop (xrf1)  }
0xdf: {  	[tilespmem:v16+s11+$0x0] =	vst.idx.add.s32.msk vm14, v62;
	_, v12, vm2 =	vpop (xrf1)  }
0xe0: {  	[tilespmem:v16+s29+$0x0] =	vst.idx.add.s32.msk vm15, v63;
	_, v8, vm5 =	vpop (xrf1)  }
0xe1: {  	[tilespmem:v21+s11+$0x0] =	vst.idx.add.s32.msk vm1, v6;
	_, v6, vm1 =	vpop (xrf1)  }
0xe2: {  	[tilespmem:v21+s29+$0x0] =	vst.idx.add.s32.msk vm4, v10;
	_, v10, vm4 =	vpop (xrf1)  }
0xe3: {  	[tilespmem:v20+s11+$0x0] =	vst.idx.add.s32.msk vm0, v11  }
0xe4: {  	[tilespmem:v20+s29+$0x0] =	vst.idx.add.s32.msk vm3, v9  }
0xe5: {  	[tilespmem:v23+s11+$0x0] =	vst.idx.add.s32.msk vm2, v12  }
0xe6: {  	[tilespmem:v23+s29+$0x0] =	vst.idx.add.s32.msk vm5, v8  }
0xe7: {  	[tilespmem:v7+s11+$0x0] =	vst.idx.add.s32.msk vm1, v6  }
0xe8: {  	[tilespmem:v7+s29+$0x0] =	vst.idx.add.s32.msk vm4, v10  }
0xe9: {  	p3 =	seq.s32 s9, $0x10  }
.Ltmp9:
0xea: {  	_ = 	snop;
	(pc) =	sbr.rel @!p3 .LBB2_9-.Ltmp9, $2  }
0xeb: {  	_ =	sdelay $0x2  }
0xec: {  	p1 =	por !p1, !p1;
	p2 =	por !p2, !p2;
	s1 =	smov.u32 s9  }
0xed: {  	s1 =	simm.s32 $0x0;
	s2 =	rddreg [dreg:$0x2]  }
0xee: {  	[hbm4b:s2+s30] =	stream.strided.scatter [tilespmem:s1], [sflag:$0x5], $0x8000, s31, s30, $0x38;
	[tilespmem:$0x18000] =	vst v63  }
0xef: {  	_ =	swait.ge [sflag:s21], $0x8000  }
0xf0: {  	[sflag:s21] =	ssyncset.done $0x0  }
0xf1: {  	s28 =	rddreg [dreg:$0x3];
	[sflag:s21] =	ssyncadd.s32 $0xFFFF8000  }
0xf2: {  	[hbm4b:s28+s30] =	stream.strided.scatter [tilespmem:s29], [sflag:$0x5], $0x8000, s31, s30, $0x38;
	[tilespmem:$0x18000] =	vst v63  }
0xf3: {  	_ =	swait.ge [sflag:s21], $0x8000  }
0xf4: {  	[sflag:s21] =	ssyncset.done $0x0  }
0xf5: {  	s1 =	simm.s32 $0x40;
	s2 =	simm.s32 $0x0;
	[sflag:s21] =	ssyncadd.s32 $0xFFFF8000  }
.LBB2_19:
0xf6: {  	p1 =	sne.s32 s1, $0x1FFC0;
	[tilespmem:s2+$0x0] =	vst v5;
	s3 =	smov.u32 s1;
	s1 =	sadd.s32 $0x40, s1  }
.Ltmp10:
0xf7: {  	[tilespmem:s2+$0x8000] =	vst v5;
	(pc) =	sbr.rel @p1 .LBB2_19-.Ltmp10, $2  }
0xf8: {  	_ =	sdelay $0x2  }
0xf9: {  	s2 =	sshra.s32 s3, $0x2  }
0xfa: {  	[tilespmem:s2+$0x0] =	vst v5  }
0xfb: {  	[tilespmem:s2+$0x8000] =	vst v5;
	s2 =	simm.s32 $0x0;
	s1 =	simm.s32 $0x10000;
	s3 =	simm.s32 $0x0  }
.LBB2_21:
0xfc: {  	p1 =	sne.s32 s3, $0x1F80  }
.Ltmp11:
0xfd: {  	_ = 	snop;
	(pc) =	sbr.rel @p1 .LBB2_21-.Ltmp11, $4  }
0xfe: {  	_ = 	snop  }
0xff: {  	s4 =	sadd.s32 s3, s14  }
0x100: {  	[tilespmem:s1], [sflag:$0x1] =	stream.linear.gather [hbm4b:s4+s2], $0x80, $0x38;
	[tilespmem:$0x18000] =	vst v63  }
0x101: {  	s3 =	sadd.s32 $0x80, s3;
	s1 =	sadd.s32 $0x100, s1  }
0x102: {  	s3 =	simm.s32 $0x14000  }
.LBB2_23:
0x103: {  	p1 =	seq.s32 s2, $0xFC0  }
.Ltmp12:
0x104: {  	_ = 	snop;
	(pc) =	sbr.rel @!p1 .LBB2_23-.Ltmp12, $4  }
0x105: {  	_ = 	snop  }
0x106: {  	s4 =	sadd.s32 s2, s26;
	s1 =	simm.s32 $0x0  }
0x107: {  	[tilespmem:s3], [sflag:$0x3] =	stream.linear.gather [hbm4b:s4+s1], $0x80, $0x38;
	[tilespmem:$0x18000] =	vst v63  }
0x108: {  	s2 =	sadd.s32 $0x40, s2;
	s3 =	sadd.s32 $0x100, s3  }
0x109: {  	p1 =	por $0x1, $0x1;
	p2 =	por $0x0, $0x0  }
.LBB2_26:
0x10a: {  	p3 =	seq.s32 s1, $0xF  }
.Ltmp13:
0x10b: {  	_ = 	snop;
	(pc) =	sbr.rel @p3 .LBB2_32-.Ltmp13, $2  }
0x10c: {  	_ =	sdelay $0x2  }
0x10d: {  	s9 =	sadd.s32 $0x1, s1  }
0x10e: {  	s2 =	simm.s32 $0x1  }
0x10f: {  	s3 =	sshll.u32 s9, $0xD;
	s10 =	sand.u32 $0x1, s9;
	s2 =	simm.s32 @!p1 $0x0  }
0x110: {  	s7 =	simm.s32 $0x80;
	s3 =	sadd.s32 s25, s3;
	s4 =	sshll.u32 s2, $0x7  }
0x111: {  	s6 =	sadd.s32 s19, s3;
	s2 =	sor.u32 $0x14000, s4;
	s5 =	sor.u32 $0x10000, s4  }
0x112: {  	s4 =	sadd.s32 $0x1, s10;
	s28 =	sadd.s32 $0x0, s6;
	s8 =	sadd.s32 $0x100, s5  }
.LBB2_28:
0x113: {  	[tilespmem:s5], [sflag:s4] =	stream.linear.gather [hbm4b:s28+s11], $0x80, $0x38;
	[tilespmem:$0x18000] =	vst v63  }
0x114: {  	s28 =	smov.u32 s7;
	s5 =	smov.u32 s8;
	p3 =	sne.s32 s7, $0x1F80  }
.Ltmp14:
0x115: {  	s7 =	sadd.s32 $0x80, s7;
	(pc) =	sbr.rel @p3 .LBB2_28-.Ltmp14, $2  }
0x116: {  	_ =	sdelay $0x2  }
0x117: {  	s8 =	sadd.s32 $0x100, s8;
	s28 =	sadd.s32 s28, s6  }
0x118: {  	[tilespmem:s5], [sflag:s4] =	stream.linear.gather [hbm4b:s28+s11], $0x80, $0x38;
	[tilespmem:$0x18000] =	vst v63  }
0x119: {  	s3 =	sshll.u32 s3, $0x2  }
0x11a: {  	s3 =	sor.u32 s13, s3  }
0x11b: {  	s28 =	sshrl.u32 s3, $0x3  }
0x11c: {  	s5 =	simm.s32 $0x40;
	s4 =	sadd.s32 s24, s28  }
0x11d: {  	s6 =	sadd.s32 $0x100, s2;
	s3 =	sadd.s32 $0x3, s10;
	s7 =	sadd.s32 $0x0, s4  }
.LBB2_30:
0x11e: {  	[tilespmem:s2], [sflag:s3] =	stream.linear.gather [hbm4b:s7+s11], $0x80, $0x38;
	[tilespmem:$0x18000] =	vst v63  }
0x11f: {  	s7 =	smov.u32 s5;
	s2 =	smov.u32 s6;
	p3 =	sne.s32 s5, $0xFC0  }
.Ltmp15:
0x120: {  	s5 =	sadd.s32 $0x40, s5;
	(pc) =	sbr.rel @p3 .LBB2_30-.Ltmp15, $2  }
0x121: {  	_ =	sdelay $0x2  }
0x122: {  	s6 =	sadd.s32 $0x100, s6;
	s7 =	sadd.s32 s7, s4  }
0x123: {  	[tilespmem:s2], [sflag:s3] =	stream.linear.gather [hbm4b:s7+s11], $0x80, $0x38;
	[tilespmem:$0x18000] =	vst v63  }
.LBB2_32:
0x124: {  	s2 =	simm.s32 $0x1  }
0x125: {  	s1 =	sand.u32 $0x1, s1;
	s2 =	simm.s32 @!p2 $0x0  }
0x126: {  	s3 =	sadd.s32 $0x1, s1;
	s2 =	sshll.u32 s2, $0x7  }
0x127: {  	_ =	swait.ge [sflag:s3], $0x2000;
	s4 =	sor.u32 $0x14100, s2  }
0x128: {  	[sflag:s3] =	ssyncset.done $0x0;
	v6 =	vmov s4  }
0x129: {  	s1 =	sadd.s32 $0x3, s1;
	s2 =	sor.u32 $0x10100, s2;
	[sflag:s3] =	ssyncadd.s32 $0xFFFFE000  }
0x12a: {  	v7 =	vmov s2;
	_ =	swait.ge [sflag:s1], $0x2000  }
0x12b: {  	[sflag:s1] =	ssyncset.done $0x0  }
0x12c: {  	s10 =	simm.s32 $0x0;
	[sflag:s1] =	ssyncadd.s32 $0xFFFFE000  }
0x12d: {  	v13 =	vld.idx.msk [tilespmem:v6+s10+$0xFFFFFF00 ss:$0x1], $0xffff  }
0x12e: {  	v10 =	vld.idx.msk [tilespmem:v6+s10+$0xFFFFFF10 ss:$0x1], $0xffff  }
0x12f: {  	v12 =	vld.idx.msk [tilespmem:v7+s10+$0xFFFFFF00 ss:$0x1], $0xffff  }
0x130: {  	v9 =	vld.idx.msk [tilespmem:v7+s10+$0xFFFFFF10 ss:$0x1], $0xffff  }
0x131: {  	v8 =	vld.idx.msk [tilespmem:v7+s10+$0xFFFFFF20 ss:$0x1], $0xffff  }
0x132: {  	s1 =	simm.s32 $0x800;
	v11 =	vld.idx.msk [tilespmem:v6+s10+$0xFFFFFF20 ss:$0x1], $0xffff  }
.LBB2_33:
0x133: {  	s2 =	sshra.s32 s1, $0x2;
	p3 =	seq.s32 s1, $0xF800;
	s1 =	sadd.s32 $0x800, s1;
	v14 =	vld.idx.msk [tilespmem:v7+s10+$0xFFFFFF30 ss:$0x1], $0xffff  }
0x134: {  	v15 =	vld.idx.msk [tilespmem:v6+s10+$0xFFFFFF30 ss:$0x1], $0xffff  }
0x135: {  	v16 =	vsub.f32 $1.000000000e+00, v12;
	v17 =	vld.idx.msk [tilespmem:v7+s10+$0xFFFFFF40 ss:$0x1], $0xffff  }
0x136: {  	vm1 =	veq.s32 v13, v1;
	v13 =	vsub.f32 $1.000000000e+00, v9;
	v18 =	vld.idx.msk [tilespmem:v6+s10+$0xFFFFFF40 ss:$0x1], $0xffff  }
0x137: {  	vm3 =	veq.s32 v10, v1;
	v12 =	vsel vm1, v16, v12;
	v10 =	vsub.f32 $1.000000000e+00, v8;
	v16 =	vld.idx.msk [tilespmem:v7+s10+$0xFFFFFF50 ss:$0x1], $0xffff  }
0x138: {  	v12 =	vand.u32 $0x7FFFFFFF, v12;
	v9 =	vsel vm3, v13, v9;
	vm2 =	veq.s32 v11, v1;
	v11 =	vld.idx.msk [tilespmem:v6+s10+$0xFFFFFF50 ss:$0x1], $0xffff  }
0x139: {  	v12 =	vshrl.u32 v12, $0x10;
	v9 =	vand.u32 $0x7FFFFFFF, v9;
	v8 =	vsel vm2, v10, v8;
	v13 =	vld.idx.msk [tilespmem:v7+s10+$0xFFFFFF60 ss:$0x1], $0xffff  }
0x13a: {  	v8 =	vand.u32 $0x7FFFFFFF, v8;
	vm0 =	veq.s32 v15, v1;
	v15 =	vsub.f32 $1.000000000e+00, v14;
	v19 =	vld.idx.msk [tilespmem:v6+s10+$0xFFFFFF60 ss:$0x1], $0xffff;
	(xrf1) =	vunique.msk.u32 $0xffff, v12  }
0x13b: {  	v10 =	vshrl.u32 v9, $0x10;
	v9 =	vsub.f32 $1.000000000e+00, v17;
	v20 =	vld.idx.msk [tilespmem:v7+s10+$0xFFFFFF70 ss:$0x1], $0xffff;
	(xrf1) =	vunique.msk.u32 vm1, v12  }
0x13c: {  	v14 =	vsel vm0, v15, v14;
	vm1 =	veq.s32 v18, v1;
	v15 =	vld.idx.msk [tilespmem:v6+s10+$0xFFFFFF70 ss:$0x1], $0xffff;
	(xrf1) =	vunique.msk.u32 $0xffff, v10  }
0x13d: {  	v8 =	vshrl.u32 v8, $0x10;
	v9 =	vsel vm1, v9, v17;
	v17 =	vsub.f32 $1.000000000e+00, v16;
	v18 =	vld.idx.msk [tilespmem:v7+s10+$0x0 ss:$0x1], $0xffff;
	(xrf1) =	vunique.msk.u32 vm3, v10  }
0x13e: {  	v14 =	vand.u32 $0x7FFFFFFF, v14;
	v21 =	vand.u32 $0x7FFFFFFF, v9;
	vm4 =	veq.s32 v11, v1;
	v22 =	vld.idx.msk [tilespmem:v6+s10+$0x0 ss:$0x1], $0xffff;
	(xrf1) =	vunique.msk.u32 $0xffff, v8  }
0x13f: {  	v9 =	vshrl.u32 v14, $0x10;
	v11 =	vsel vm4, v17, v16;
	v14 =	vsub.f32 $1.000000000e+00, v13;
	v16 =	vld.idx.msk [tilespmem:v7+s10+$0x10 ss:$0x1], $0xffff;
	(xrf1) =	vunique.msk.u32 vm2, v8  }
0x140: {  	v17 =	vand.u32 $0x7FFFFFFF, v11;
	vm5 =	veq.s32 v19, v1;
	v19 =	vld.idx.msk [tilespmem:v6+s10+$0x10 ss:$0x1], $0xffff;
	(xrf1) =	vunique.msk.u32 $0xffff, v9  }
0x141: {  	v11 =	vshrl.u32 v21, $0x10;
	v13 =	vsel vm5, v14, v13;
	v14 =	vsub.f32 $1.000000000e+00, v20;
	v21 =	vld.idx.msk [tilespmem:v7+s10+$0x20 ss:$0x1], $0xffff;
	(xrf1) =	vunique.msk.u32 vm0, v9  }
0x142: {  	v13 =	vand.u32 $0x7FFFFFFF, v13;
	vm2 =	veq.s32 v15, v1;
	v15 =	vld.idx.msk [tilespmem:v6+s10+$0x20 ss:$0x1], $0xffff;
	(xrf1) =	vunique.msk.u32 $0xffff, v11  }
0x143: {  	v17 =	vshrl.u32 v17, $0x10;
	v14 =	vsel vm2, v14, v20;
	v20 =	vsub.f32 $1.000000000e+00, v18;
	v23 =	vld.idx.msk [tilespmem:v7+s10+$0x30 ss:$0x1], $0xffff;
	(xrf1) =	vunique.msk.u32 vm1, v11  }
0x144: {  	v14 =	vand.u32 $0x7FFFFFFF, v14;
	vm3 =	veq.s32 v22, v1;
	v22 =	vld.idx.msk [tilespmem:v6+s10+$0x30 ss:$0x1], $0xffff;
	(xrf1) =	vunique.msk.u32 $0xffff, v17  }
0x145: {  	v13 =	vshrl.u32 v13, $0x10;
	v18 =	vsel vm3, v20, v18;
	v20 =	vsub.f32 $1.000000000e+00, v16;
	v24 =	vld.idx.msk [tilespmem:v7+s10+$0x40 ss:$0x1], $0xffff;
	(xrf1) =	vunique.msk.u32 vm4, v17  }
0x146: {  	v18 =	vand.u32 $0x7FFFFFFF, v18;
	vm1 =	veq.s32 v19, v1;
	v19 =	vld.idx.msk [tilespmem:v6+s10+$0x40 ss:$0x1], $0xffff;
	(xrf1) =	vunique.msk.u32 $0xffff, v13  }
0x147: {  	v14 =	vshrl.u32 v14, $0x10;
	v16 =	vsel vm1, v20, v16;
	v20 =	vsub.f32 $1.000000000e+00, v21;
	v25 =	vld.idx.msk [tilespmem:v7+s10+$0x50 ss:$0x1], $0xffff;
	(xrf1) =	vunique.msk.u32 vm5, v13  }
0x148: {  	v16 =	vand.u32 $0x7FFFFFFF, v16;
	vm0 =	veq.s32 v15, v1;
	v15 =	vld.idx.msk [tilespmem:v6+s10+$0x50 ss:$0x1], $0xffff;
	_, v26, vm4 =	vpop (xrf1);
	(xrf1) =	vunique.msk.u32 $0xffff, v14  }
0x149: {  	v18 =	vshrl.u32 v18, $0x10;
	v20 =	vsel vm0, v20, v21;
	v21 =	vsub.f32 $1.000000000e+00, v23;
	v27 =	vld.idx.msk [tilespmem:v7+s10+$0x60 ss:$0x1], $0xffff;
	_, v28, vm5 =	vpop (xrf1);
	(xrf1) =	vunique.msk.u32 vm2, v14  }
0x14a: {  	v20 =	vand.u32 $0x7FFFFFFF, v20;
	vm2 =	veq.s32 v22, v1;
	v22 =	vld.idx.msk [tilespmem:v6+s10+$0x60 ss:$0x1], $0xffff;
	_, v29, vm6 =	vpop (xrf1);
	(xrf1) =	vunique.msk.u32 $0xffff, v18  }
0x14b: {  	v16 =	vshrl.u32 v16, $0x10;
	v21 =	vsel vm2, v21, v23;
	v23 =	vsub.f32 $1.000000000e+00, v24;
	v30 =	vld.idx.msk [tilespmem:v7+s10+$0x70 ss:$0x1], $0xffff;
	_, v31, vm7 =	vpop (xrf1);
	(xrf1) =	vunique.msk.u32 vm3, v18  }
0x14c: {  	v21 =	vand.u32 $0x7FFFFFFF, v21;
	vm3 =	veq.s32 v19, v1;
	v19 =	vld.idx.msk [tilespmem:v6+s10+$0x70 ss:$0x1], $0xffff;
	_, v32, vm8 =	vpop (xrf1);
	(xrf1) =	vunique.msk.u32 $0xffff, v16;
	s10 =	smov.u32 s2  }
0x14d: {  	v20 =	vshrl.u32 v20, $0x10;
	v23 =	vsel vm3, v23, v24;
	v24 =	vsub.f32 $1.000000000e+00, v25;
	_, v33, vm9 =	vpop (xrf1);
	(xrf1) =	vunique.msk.u32 vm1, v16  }
0x14e: {  	v23 =	vand.u32 $0x7FFFFFFF, v23;
	vm1 =	veq.s32 v15, v1;
	[tilespmem:v12+s11+$0x0] =	vst.idx.add.s32.msk vm4, v26;
	_, v15, vm4 =	vpop (xrf1);
	(xrf1) =	vunique.msk.u32 $0xffff, v20  }
0x14f: {  	v21 =	vshrl.u32 v21, $0x10;
	v24 =	vsel vm1, v24, v25;
	[tilespmem:v12+s29+$0x0] =	vst.idx.add.s32.msk vm5, v28;
	_, v12, vm5 =	vpop (xrf1);
	(xrf1) =	vunique.msk.u32 vm0, v20  }
0x150: {  	v25 =	vsub.f32 $1.000000000e+00, v27;
	v24 =	vand.u32 $0x7FFFFFFF, v24;
	[tilespmem:v10+s11+$0x0] =	vst.idx.add.s32.msk vm6, v29;
	_, v26, vm6 =	vpop (xrf1);
	(xrf1) =	vunique.msk.u32 $0xffff, v21  }
0x151: {  	v23 =	vshrl.u32 v23, $0x10;
	vm0 =	veq.s32 v22, v1;
	[tilespmem:v10+s29+$0x0] =	vst.idx.add.s32.msk vm7, v31;
	_, v10, vm7 =	vpop (xrf1);
	(xrf1) =	vunique.msk.u32 vm2, v21  }
0x152: {  	v22 =	vsel vm0, v25, v27;
	v25 =	vsub.f32 $1.000000000e+00, v30;
	[tilespmem:v8+s11+$0x0] =	vst.idx.add.s32.msk vm8, v32;
	_, v27, vm2 =	vpop (xrf1);
	(xrf1) =	vunique.msk.u32 $0xffff, v23  }
0x153: {  	v24 =	vshrl.u32 v24, $0x10;
	v28 =	vand.u32 $0x7FFFFFFF, v22;
	[tilespmem:v8+s29+$0x0] =	vst.idx.add.s32.msk vm9, v33;
	_, v8, vm8 =	vpop (xrf1);
	(xrf1) =	vunique.msk.u32 vm3, v23  }
0x154: {  	vm3 =	veq.s32 v19, v1;
	[tilespmem:v9+s11+$0x0] =	vst.idx.add.s32.msk vm4, v15;
	_, v15, vm4 =	vpop (xrf1);
	(xrf1) =	vunique.msk.u32 $0xffff, v24  }
0x155: {  	v19 =	vshrl.u32 v28, $0x10;
	v25 =	vsel vm3, v25, v30;
	[tilespmem:v9+s29+$0x0] =	vst.idx.add.s32.msk vm5, v12;
	_, v9, vm5 =	vpop (xrf1);
	(xrf1) =	vunique.msk.u32 vm1, v24  }
0x156: {  	v12 =	vand.u32 $0x7FFFFFFF, v25;
	[tilespmem:v11+s11+$0x0] =	vst.idx.add.s32.msk vm6, v26;
	_, v22, vm1 =	vpop (xrf1);
	(xrf1) =	vunique.msk.u32 $0xffff, v19  }
0x157: {  	v12 =	vshrl.u32 v12, $0x10;
	[tilespmem:v11+s29+$0x0] =	vst.idx.add.s32.msk vm7, v10;
	_, v10, vm6 =	vpop (xrf1);
	(xrf1) =	vunique.msk.u32 vm0, v19  }
0x158: {  	[tilespmem:v17+s11+$0x0] =	vst.idx.add.s32.msk vm2, v27;
	_, v11, vm0 =	vpop (xrf1);
	(xrf1) =	vunique.msk.u32 $0xffff, v12  }
0x159: {  	[tilespmem:v17+s29+$0x0] =	vst.idx.add.s32.msk vm8, v8;
	_, v8, vm2 =	vpop (xrf1);
	(xrf1) =	vunique.msk.u32 vm3, v12  }
0x15a: {  	[tilespmem:v13+s11+$0x0] =	vst.idx.add.s32.msk vm4, v15;
	_, v15, vm3 =	vpop (xrf1)  }
0x15b: {  	[tilespmem:v13+s29+$0x0] =	vst.idx.add.s32.msk vm5, v9;
	_, v9, vm4 =	vpop (xrf1)  }
0x15c: {  	[tilespmem:v14+s11+$0x0] =	vst.idx.add.s32.msk vm1, v22;
	_, v13, vm1 =	vpop (xrf1)  }
0x15d: {  	[tilespmem:v14+s29+$0x0] =	vst.idx.add.s32.msk vm6, v10;
	_, v10, vm5 =	vpop (xrf1)  }
0x15e: {  	[tilespmem:v18+s11+$0x0] =	vst.idx.add.s32.msk vm0, v11;
	_, v11, vm0 =	vpop (xrf1)  }
0x15f: {  	[tilespmem:v18+s29+$0x0] =	vst.idx.add.s32.msk vm2, v8;
	_, v8, vm2 =	vpop (xrf1)  }
0x160: {  	[tilespmem:v16+s11+$0x0] =	vst.idx.add.s32.msk vm3, v15;
	_, v14, vm3 =	vpop (xrf1)  }
0x161: {  	[tilespmem:v16+s29+$0x0] =	vst.idx.add.s32.msk vm4, v9;
	_, v9, vm4 =	vpop (xrf1)  }
0x162: {  	[tilespmem:v20+s11+$0x0] =	vst.idx.add.s32.msk vm1, v13;
	_, v13, vm1 =	vpop (xrf1)  }
0x163: {  	[tilespmem:v20+s29+$0x0] =	vst.idx.add.s32.msk vm5, v10;
	_, v10, vm5 =	vpop (xrf1)  }
0x164: {  	[tilespmem:v21+s11+$0x0] =	vst.idx.add.s32.msk vm0, v11;
	_, v11, vm0 =	vpop (xrf1)  }
0x165: {  	[tilespmem:v21+s29+$0x0] =	vst.idx.add.s32.msk vm2, v8;
	_, v8, vm2 =	vpop (xrf1)  }
0x166: {  	[tilespmem:v23+s11+$0x0] =	vst.idx.add.s32.msk vm3, v14;
	_, v14, vm3 =	vpop (xrf1)  }
0x167: {  	[tilespmem:v23+s29+$0x0] =	vst.idx.add.s32.msk vm4, v9;
	_, v9, vm4 =	vpop (xrf1)  }
0x168: {  	[tilespmem:v24+s11+$0x0] =	vst.idx.add.s32.msk vm1, v13  }
0x169: {  	[tilespmem:v24+s29+$0x0] =	vst.idx.add.s32.msk vm5, v10  }
0x16a: {  	[tilespmem:v19+s11+$0x0] =	vst.idx.add.s32.msk vm0, v11  }
0x16b: {  	[tilespmem:v19+s29+$0x0] =	vst.idx.add.s32.msk vm2, v8  }
0x16c: {  	[tilespmem:v12+s11+$0x0] =	vst.idx.add.s32.msk vm3, v14  }
0x16d: {  	[tilespmem:v12+s29+$0x0] =	vst.idx.add.s32.msk vm4, v9  }
0x16e: {  	v13 =	vld.idx.msk [tilespmem:v6+s10+$0xFFFFFF00 ss:$0x1], $0xffff  }
.Ltmp16:
0x16f: {  	v10 =	vld.idx.msk [tilespmem:v6+s10+$0xFFFFFF10 ss:$0x1], $0xffff;
	(pc) =	sbr.rel @!p3 .LBB2_33-.Ltmp16, $4  }
0x170: {  	v12 =	vld.idx.msk [tilespmem:v7+s10+$0xFFFFFF00 ss:$0x1], $0xffff  }
0x171: {  	v9 =	vld.idx.msk [tilespmem:v7+s10+$0xFFFFFF10 ss:$0x1], $0xffff  }
0x172: {  	v8 =	vld.idx.msk [tilespmem:v7+s10+$0xFFFFFF20 ss:$0x1], $0xffff  }
0x173: {  	v11 =	vld.idx.msk [tilespmem:v6+s10+$0xFFFFFF20 ss:$0x1], $0xffff  }
0x174: {  	_ =	sdelay $0x3  }
0x175: {  	v14 =	vld.idx.msk [tilespmem:v7+s10+$0xFFFFFF30 ss:$0x1], $0xffff  }
0x176: {  	v15 =	vld.idx.msk [tilespmem:v6+s10+$0xFFFFFF30 ss:$0x1], $0xffff  }
0x177: {  	v17 =	vld.idx.msk [tilespmem:v7+s10+$0xFFFFFF40 ss:$0x1], $0xffff;
	v16 =	vsub.f32 $1.000000000e+00, v12  }
0x178: {  	vm0 =	veq.s32 v13, v1;
	v18 =	vld.idx.msk [tilespmem:v6+s10+$0xFFFFFF40 ss:$0x1], $0xffff  }
0x179: {  	v27 =	vld.idx.msk [tilespmem:v7+s10+$0xFFFFFF50 ss:$0x1], $0xffff;
	v26 =	vsub.f32 $1.000000000e+00, v9;
	v12 =	vsel vm0, v16, v12  }
0x17a: {  	vm1 =	veq.s32 v10, v1;
	v29 =	vld.idx.msk [tilespmem:v6+s10+$0xFFFFFF50 ss:$0x1], $0xffff;
	v12 =	vand.u32 $0x7FFFFFFF, v12  }
0x17b: {  	v30 =	vld.idx.msk [tilespmem:v7+s10+$0xFFFFFF60 ss:$0x1], $0xffff;
	v28 =	vsub.f32 $1.000000000e+00, v8;
	v9 =	vsel vm1, v26, v9;
	v12 =	vshrl.u32 v12, $0x10  }
0x17c: {  	v19 =	vld.idx.msk [tilespmem:v6+s10+$0xFFFFFF60 ss:$0x1], $0xffff;
	vm2 =	veq.s32 v11, v1;
	v9 =	vand.u32 $0x7FFFFFFF, v9;
	(xrf1) =	vunique.msk.u32 $0xffff, v12  }
0x17d: {  	v32 =	vld.idx.msk [tilespmem:v7+s10+$0xFFFFFF70 ss:$0x1], $0xffff;
	v8 =	vsel vm2, v28, v8;
	v31 =	vsub.f32 $1.000000000e+00, v14;
	v9 =	vshrl.u32 v9, $0x10;
	(xrf1) =	vunique.msk.u32 vm0, v12  }
0x17e: {  	v33 =	vld.idx.msk [tilespmem:v6+s10+$0xFFFFFF70 ss:$0x1], $0xffff;
	vm10 =	veq.s32 v15, v1;
	v8 =	vand.u32 $0x7FFFFFFF, v8;
	(xrf1) =	vunique.msk.u32 $0xffff, v9  }
0x17f: {  	v34 =	vld.idx.msk [tilespmem:v7+s10+$0x0 ss:$0x1], $0xffff;
	v20 =	vsub.f32 $1.000000000e+00, v17;
	v14 =	vsel vm10, v31, v14;
	v8 =	vshrl.u32 v8, $0x10;
	(xrf1) =	vunique.msk.u32 vm1, v9  }
0x180: {  	v21 =	vld.idx.msk [tilespmem:v6+s10+$0x0 ss:$0x1], $0xffff;
	vm11 =	veq.s32 v18, v1;
	v14 =	vand.u32 $0x7FFFFFFF, v14;
	(xrf1) =	vunique.msk.u32 $0xffff, v8  }
0x181: {  	v36 =	vld.idx.msk [tilespmem:v7+s10+$0x10 ss:$0x1], $0xffff;
	v35 =	vsub.f32 $1.000000000e+00, v27;
	v17 =	vsel vm11, v20, v17;
	v14 =	vshrl.u32 v14, $0x10;
	(xrf1) =	vunique.msk.u32 vm2, v8  }
0x182: {  	v22 =	vld.idx.msk [tilespmem:v6+s10+$0x10 ss:$0x1], $0xffff;
	vm12 =	veq.s32 v29, v1;
	v17 =	vand.u32 $0x7FFFFFFF, v17;
	(xrf1) =	vunique.msk.u32 $0xffff, v14  }
0x183: {  	v38 =	vld.idx.msk [tilespmem:v7+s10+$0x20 ss:$0x1], $0xffff;
	v37 =	vsub.f32 $1.000000000e+00, v30;
	v10 =	vsel vm12, v35, v27;
	v17 =	vshrl.u32 v17, $0x10;
	(xrf1) =	vunique.msk.u32 vm10, v14  }
0x184: {  	v23 =	vld.idx.msk [tilespmem:v6+s10+$0x20 ss:$0x1], $0xffff;
	vm13 =	veq.s32 v19, v1;
	v10 =	vand.u32 $0x7FFFFFFF, v10;
	(xrf1) =	vunique.msk.u32 $0xffff, v17  }
0x185: {  	v40 =	vld.idx.msk [tilespmem:v7+s10+$0x30 ss:$0x1], $0xffff;
	v39 =	vsub.f32 $1.000000000e+00, v32;
	v11 =	vsel vm13, v37, v30;
	v10 =	vshrl.u32 v10, $0x10;
	(xrf1) =	vunique.msk.u32 vm11, v17  }
0x186: {  	v24 =	vld.idx.msk [tilespmem:v6+s10+$0x30 ss:$0x1], $0xffff;
	vm14 =	veq.s32 v33, v1;
	v11 =	vand.u32 $0x7FFFFFFF, v11;
	(xrf1) =	vunique.msk.u32 $0xffff, v10  }
0x187: {  	v42 =	vld.idx.msk [tilespmem:v7+s10+$0x40 ss:$0x1], $0xffff;
	v41 =	vsub.f32 $1.000000000e+00, v34;
	v15 =	vsel vm14, v39, v32;
	v11 =	vshrl.u32 v11, $0x10;
	(xrf1) =	vunique.msk.u32 vm12, v10  }
0x188: {  	v26 =	vld.idx.msk [tilespmem:v7+s10+$0x50 ss:$0x1], $0xffff;
	vm6 =	veq.s32 v21, v1;
	v15 =	vand.u32 $0x7FFFFFFF, v15;
	(xrf1) =	vunique.msk.u32 $0xffff, v11  }
0x189: {  	v43 =	vsub.f32 $1.000000000e+00, v36;
	v28 =	vld.idx.msk [tilespmem:v7+s10+$0x60 ss:$0x1], $0xffff;
	v18 =	vsel vm6, v41, v34;
	v15 =	vshrl.u32 v15, $0x10;
	(xrf1) =	vunique.msk.u32 vm13, v11  }
0x18a: {  	vm3 =	veq.s32 v22, v1;
	v44 =	vsub.f32 $1.000000000e+00, v38;
	v7 =	vld.idx.msk [tilespmem:v7+s10+$0x70 ss:$0x1], $0xffff;
	v18 =	vand.u32 $0x7FFFFFFF, v18;
	_, v27, vm4 =	vpop (xrf1);
	(xrf1) =	vunique.msk.u32 $0xffff, v15  }
0x18b: {  	v25 =	vld.idx.msk [tilespmem:v6+s10+$0x40 ss:$0x1], $0xffff;
	vm15 =	veq.s32 v23, v1;
	v13 =	vsel vm3, v43, v36;
	v18 =	vshrl.u32 v18, $0x10;
	_, v46, vm5 =	vpop (xrf1);
	(xrf1) =	vunique.msk.u32 vm14, v15  }
0x18c: {  	v47 =	vsub.f32 $1.000000000e+00, v40;
	v19 =	vsel vm15, v44, v38;
	v13 =	vand.u32 $0x7FFFFFFF, v13;
	_, v29, vm7 =	vpop (xrf1);
	(xrf1) =	vunique.msk.u32 $0xffff, v18  }
0x18d: {  	v45 =	vld.idx.msk [tilespmem:v6+s10+$0x50 ss:$0x1], $0xffff;
	v30 =	vsub.f32 $1.000000000e+00, v42;
	v19 =	vand.u32 $0x7FFFFFFF, v19;
	v13 =	vshrl.u32 v13, $0x10;
	_, v31, vm8 =	vpop (xrf1);
	(xrf1) =	vunique.msk.u32 vm6, v18  }
0x18e: {  	v48 =	vld.idx.msk [tilespmem:v6+s10+$0x60 ss:$0x1], $0xffff;
	v19 =	vshrl.u32 v19, $0x10;
	v51 =	vsub.f32 $1.000000000e+00, v26;
	vm12 =	veq.s32 v24, v1;
	_, v49, vm14 =	vpop (xrf1);
	(xrf1) =	vunique.msk.u32 $0xffff, v13  }
0x18f: {  	v6 =	vld.idx.msk [tilespmem:v6+s10+$0x70 ss:$0x1], $0xffff;
	v52 =	vsub.f32 $1.000000000e+00, v28;
	v55 =	vsub.f32 $1.000000000e+00, v7;
	v16 =	vsel vm12, v47, v40;
	_, v50, vm9 =	vpop (xrf1);
	(xrf1) =	vunique.msk.u32 vm3, v13  }
0x190: {  	vm13 =	veq.s32 v25, v1;
	v16 =	vand.u32 $0x7FFFFFFF, v16;
	[tilespmem:v12+s11+$0x0] =	vst.idx.add.s32.msk vm4, v27;
	_, v27, vm4 =	vpop (xrf1);
	(xrf1) =	vunique.msk.u32 $0xffff, v19  }
0x191: {  	v21 =	vsel vm13, v30, v42;
	v16 =	vshrl.u32 v16, $0x10;
	[tilespmem:v12+s29+$0x0] =	vst.idx.add.s32.msk vm5, v46;
	_, v12, vm5 =	vpop (xrf1);
	(xrf1) =	vunique.msk.u32 vm15, v19  }
0x192: {  	v21 =	vand.u32 $0x7FFFFFFF, v21;
	vm3 =	veq.s32 v45, v1;
	[tilespmem:v9+s11+$0x0] =	vst.idx.add.s32.msk vm7, v29;
	_, v53, vm15 =	vpop (xrf1);
	(xrf1) =	vunique.msk.u32 $0xffff, v16  }
0x193: {  	v21 =	vshrl.u32 v21, $0x10;
	v20 =	vsel vm3, v51, v26;
	[tilespmem:v9+s29+$0x0] =	vst.idx.add.s32.msk vm8, v31;
	_, v9, vm8 =	vpop (xrf1);
	(xrf1) =	vunique.msk.u32 vm12, v16  }
0x194: {  	v20 =	vand.u32 $0x7FFFFFFF, v20;
	vm7 =	veq.s32 v48, v1;
	[tilespmem:v8+s11+$0x0] =	vst.idx.add.s32.msk vm14, v49;
	_, v54, vm12 =	vpop (xrf1);
	(xrf1) =	vunique.msk.u32 $0xffff, v21  }
0x195: {  	v20 =	vshrl.u32 v20, $0x10;
	v23 =	vsel vm7, v52, v28;
	[tilespmem:v8+s29+$0x0] =	vst.idx.add.s32.msk vm9, v50;
	_, v56, vm6 =	vpop (xrf1);
	(xrf1) =	vunique.msk.u32 vm13, v21  }
0x196: {  	v23 =	vand.u32 $0x7FFFFFFF, v23;
	vm13 =	veq.s32 v6, v1;
	[tilespmem:v14+s11+$0x0] =	vst.idx.add.s32.msk vm4, v27;
	_, v6, vm14 =	vpop (xrf1);
	(xrf1) =	vunique.msk.u32 $0xffff, v20  }
0x197: {  	v23 =	vshrl.u32 v23, $0x10;
	v7 =	vsel vm13, v55, v7;
	[tilespmem:v14+s29+$0x0] =	vst.idx.add.s32.msk vm5, v12;
	_, v12, vm5 =	vpop (xrf1);
	(xrf1) =	vunique.msk.u32 vm3, v20  }
0x198: {  	v7 =	vand.u32 $0x7FFFFFFF, v7;
	[tilespmem:v17+s11+$0x0] =	vst.idx.add.s32.msk vm15, v53;
	_, v57, vm15 =	vpop (xrf1);
	(xrf1) =	vunique.msk.u32 $0xffff, v23  }
0x199: {  	v7 =	vshrl.u32 v7, $0x10;
	[tilespmem:v17+s29+$0x0] =	vst.idx.add.s32.msk vm8, v9;
	_, v58, vm9 =	vpop (xrf1);
	(xrf1) =	vunique.msk.u32 vm7, v23  }
0x19a: {  	[tilespmem:v10+s11+$0x0] =	vst.idx.add.s32.msk vm12, v54;
	_, v59, vm10 =	vpop (xrf1);
	(xrf1) =	vunique.msk.u32 $0xffff, v7  }
0x19b: {  	[tilespmem:v10+s29+$0x0] =	vst.idx.add.s32.msk vm6, v56;
	_, v8, vm6 =	vpop (xrf1);
	(xrf1) =	vunique.msk.u32 vm13, v7  }
0x19c: {  	[tilespmem:v11+s11+$0x0] =	vst.idx.add.s32.msk vm14, v6;
	_, v6, vm11 =	vpop (xrf1)  }
0x19d: {  	[tilespmem:v11+s29+$0x0] =	vst.idx.add.s32.msk vm5, v12;
	_, v60, vm12 =	vpop (xrf1)  }
0x19e: {  	[tilespmem:v15+s11+$0x0] =	vst.idx.add.s32.msk vm15, v57;
	_, v61, vm13 =	vpop (xrf1)  }
0x19f: {  	[tilespmem:v15+s29+$0x0] =	vst.idx.add.s32.msk vm9, v58;
	_, v9, vm3 =	vpop (xrf1)  }
0x1a0: {  	[tilespmem:v18+s11+$0x0] =	vst.idx.add.s32.msk vm10, v59;
	_, v62, vm14 =	vpop (xrf1)  }
0x1a1: {  	[tilespmem:v18+s29+$0x0] =	vst.idx.add.s32.msk vm6, v8;
	_, v63, vm15 =	vpop (xrf1)  }
0x1a2: {  	[tilespmem:v13+s11+$0x0] =	vst.idx.add.s32.msk vm11, v6;
	_, v6, vm1 =	vpop (xrf1)  }
0x1a3: {  	[tilespmem:v13+s29+$0x0] =	vst.idx.add.s32.msk vm12, v60;
	_, v10, vm4 =	vpop (xrf1)  }
0x1a4: {  	[tilespmem:v19+s11+$0x0] =	vst.idx.add.s32.msk vm13, v61;
	_, v11, vm0 =	vpop (xrf1)  }
0x1a5: {  	[tilespmem:v19+s29+$0x0] =	vst.idx.add.s32.msk vm3, v9;
	_, v9, vm3 =	vpop (xrf1)  }
0x1a6: {  	[tilespmem:v16+s11+$0x0] =	vst.idx.add.s32.msk vm14, v62;
	_, v12, vm2 =	vpop (xrf1)  }
0x1a7: {  	[tilespmem:v16+s29+$0x0] =	vst.idx.add.s32.msk vm15, v63;
	_, v8, vm5 =	vpop (xrf1)  }
0x1a8: {  	[tilespmem:v21+s11+$0x0] =	vst.idx.add.s32.msk vm1, v6;
	_, v6, vm1 =	vpop (xrf1)  }
0x1a9: {  	[tilespmem:v21+s29+$0x0] =	vst.idx.add.s32.msk vm4, v10;
	_, v10, vm4 =	vpop (xrf1)  }
0x1aa: {  	[tilespmem:v20+s11+$0x0] =	vst.idx.add.s32.msk vm0, v11  }
0x1ab: {  	[tilespmem:v20+s29+$0x0] =	vst.idx.add.s32.msk vm3, v9  }
0x1ac: {  	[tilespmem:v23+s11+$0x0] =	vst.idx.add.s32.msk vm2, v12  }
0x1ad: {  	[tilespmem:v23+s29+$0x0] =	vst.idx.add.s32.msk vm5, v8  }
0x1ae: {  	[tilespmem:v7+s11+$0x0] =	vst.idx.add.s32.msk vm1, v6  }
0x1af: {  	[tilespmem:v7+s29+$0x0] =	vst.idx.add.s32.msk vm4, v10  }
0x1b0: {  	p3 =	seq.s32 s9, $0x10  }
.Ltmp17:
0x1b1: {  	_ = 	snop;
	(pc) =	sbr.rel @!p3 .LBB2_26-.Ltmp17, $2  }
0x1b2: {  	_ =	sdelay $0x2  }
0x1b3: {  	p1 =	por !p1, !p1;
	p2 =	por !p2, !p2;
	s1 =	smov.u32 s9  }
0x1b4: {  	s1 =	simm.s32 $0x0;
	s2 =	rddreg [dreg:$0x4]  }
0x1b5: {  	[hbm4b:s2+s30] =	stream.strided.scatter [tilespmem:s1], [sflag:$0x5], $0x8000, s31, s30, $0x38;
	[tilespmem:$0x18000] =	vst v63  }
0x1b6: {  	_ =	swait.ge [sflag:s21], $0x8000  }
0x1b7: {  	[sflag:s21] =	ssyncset.done $0x0  }
0x1b8: {  	s28 =	rddreg [dreg:$0x5];
	[sflag:s21] =	ssyncadd.s32 $0xFFFF8000  }
0x1b9: {  	[hbm4b:s28+s30] =	stream.strided.scatter [tilespmem:s29], [sflag:$0x5], $0x8000, s31, s30, $0x38;
	[tilespmem:$0x18000] =	vst v63  }
0x1ba: {  	_ =	swait.ge [sflag:s21], $0x8000  }
0x1bb: {  	[sflag:s21] =	ssyncset.done $0x0  }
0x1bc: {  	s1 =	simm.s32 $0x40;
	s2 =	simm.s32 $0x0;
	[sflag:s21] =	ssyncadd.s32 $0xFFFF8000  }
.LBB2_36:
0x1bd: {  	p1 =	sne.s32 s1, $0x1FFC0;
	[tilespmem:s2+$0x0] =	vst v5;
	s3 =	smov.u32 s1;
	s1 =	sadd.s32 $0x40, s1  }
.Ltmp18:
0x1be: {  	[tilespmem:s2+$0x8000] =	vst v5;
	(pc) =	sbr.rel @p1 .LBB2_36-.Ltmp18, $2  }
0x1bf: {  	_ =	sdelay $0x2  }
0x1c0: {  	s2 =	sshra.s32 s3, $0x2  }
0x1c1: {  	[tilespmem:s2+$0x0] =	vst v5  }
0x1c2: {  	[tilespmem:s2+$0x8000] =	vst v5;
	s2 =	simm.s32 $0x0;
	s1 =	simm.s32 $0x10000;
	s3 =	simm.s32 $0x0  }
.LBB2_38:
0x1c3: {  	p1 =	sne.s32 s3, $0x1F80  }
.Ltmp19:
0x1c4: {  	_ = 	snop;
	(pc) =	sbr.rel @p1 .LBB2_38-.Ltmp19, $4  }
0x1c5: {  	_ = 	snop  }
0x1c6: {  	s4 =	sadd.s32 s3, s15  }
0x1c7: {  	[tilespmem:s1], [sflag:$0x1] =	stream.linear.gather [hbm4b:s4+s2], $0x80, $0x38;
	[tilespmem:$0x18000] =	vst v63  }
0x1c8: {  	s3 =	sadd.s32 $0x80, s3;
	s1 =	sadd.s32 $0x100, s1  }
0x1c9: {  	s3 =	simm.s32 $0x14000  }
.LBB2_40:
0x1ca: {  	p1 =	seq.s32 s2, $0xFC0  }
.Ltmp20:
0x1cb: {  	_ = 	snop;
	(pc) =	sbr.rel @!p1 .LBB2_40-.Ltmp20, $4  }
0x1cc: {  	_ = 	snop  }
0x1cd: {  	s4 =	sadd.s32 s2, s26;
	s1 =	simm.s32 $0x0  }
0x1ce: {  	[tilespmem:s3], [sflag:$0x3] =	stream.linear.gather [hbm4b:s4+s1], $0x80, $0x38;
	[tilespmem:$0x18000] =	vst v63  }
0x1cf: {  	s2 =	sadd.s32 $0x40, s2;
	s3 =	sadd.s32 $0x100, s3  }
0x1d0: {  	p1 =	por $0x1, $0x1;
	p2 =	por $0x0, $0x0  }
.LBB2_43:
0x1d1: {  	p3 =	seq.s32 s1, $0xF  }
.Ltmp21:
0x1d2: {  	_ = 	snop;
	(pc) =	sbr.rel @p3 .LBB2_49-.Ltmp21, $2  }
0x1d3: {  	_ =	sdelay $0x2  }
0x1d4: {  	s9 =	sadd.s32 $0x1, s1  }
0x1d5: {  	s2 =	simm.s32 $0x1  }
0x1d6: {  	s3 =	sshll.u32 s9, $0xD;
	s10 =	sand.u32 $0x1, s9;
	s2 =	simm.s32 @!p1 $0x0  }
0x1d7: {  	s7 =	simm.s32 $0x80;
	s3 =	sadd.s32 s25, s3;
	s4 =	sshll.u32 s2, $0x7  }
0x1d8: {  	s6 =	sadd.s32 s20, s3;
	s2 =	sor.u32 $0x14000, s4;
	s5 =	sor.u32 $0x10000, s4  }
0x1d9: {  	s4 =	sadd.s32 $0x1, s10;
	s28 =	sadd.s32 $0x0, s6;
	s8 =	sadd.s32 $0x100, s5  }
.LBB2_45:
0x1da: {  	[tilespmem:s5], [sflag:s4] =	stream.linear.gather [hbm4b:s28+s11], $0x80, $0x38;
	[tilespmem:$0x18000] =	vst v63  }
0x1db: {  	s28 =	smov.u32 s7;
	s5 =	smov.u32 s8;
	p3 =	sne.s32 s7, $0x1F80  }
.Ltmp22:
0x1dc: {  	s7 =	sadd.s32 $0x80, s7;
	(pc) =	sbr.rel @p3 .LBB2_45-.Ltmp22, $2  }
0x1dd: {  	_ =	sdelay $0x2  }
0x1de: {  	s8 =	sadd.s32 $0x100, s8;
	s28 =	sadd.s32 s28, s6  }
0x1df: {  	[tilespmem:s5], [sflag:s4] =	stream.linear.gather [hbm4b:s28+s11], $0x80, $0x38;
	[tilespmem:$0x18000] =	vst v63  }
0x1e0: {  	s3 =	sshll.u32 s3, $0x2  }
0x1e1: {  	s3 =	sor.u32 s13, s3  }
0x1e2: {  	s28 =	sshrl.u32 s3, $0x3  }
0x1e3: {  	s5 =	simm.s32 $0x40;
	s4 =	sadd.s32 s24, s28  }
0x1e4: {  	s6 =	sadd.s32 $0x100, s2;
	s3 =	sadd.s32 $0x3, s10;
	s7 =	sadd.s32 $0x0, s4  }
.LBB2_47:
0x1e5: {  	[tilespmem:s2], [sflag:s3] =	stream.linear.gather [hbm4b:s7+s11], $0x80, $0x38;
	[tilespmem:$0x18000] =	vst v63  }
0x1e6: {  	s7 =	smov.u32 s5;
	s2 =	smov.u32 s6;
	p3 =	sne.s32 s5, $0xFC0  }
.Ltmp23:
0x1e7: {  	s5 =	sadd.s32 $0x40, s5;
	(pc) =	sbr.rel @p3 .LBB2_47-.Ltmp23, $2  }
0x1e8: {  	_ =	sdelay $0x2  }
0x1e9: {  	s6 =	sadd.s32 $0x100, s6;
	s7 =	sadd.s32 s7, s4  }
0x1ea: {  	[tilespmem:s2], [sflag:s3] =	stream.linear.gather [hbm4b:s7+s11], $0x80, $0x38;
	[tilespmem:$0x18000] =	vst v63  }
.LBB2_49:
0x1eb: {  	s2 =	simm.s32 $0x1  }
0x1ec: {  	s1 =	sand.u32 $0x1, s1;
	s2 =	simm.s32 @!p2 $0x0  }
0x1ed: {  	s3 =	sadd.s32 $0x1, s1;
	s2 =	sshll.u32 s2, $0x7  }
0x1ee: {  	_ =	swait.ge [sflag:s3], $0x2000;
	s4 =	sor.u32 $0x14100, s2  }
0x1ef: {  	[sflag:s3] =	ssyncset.done $0x0;
	v6 =	vmov s4  }
0x1f0: {  	s1 =	sadd.s32 $0x3, s1;
	s2 =	sor.u32 $0x10100, s2;
	[sflag:s3] =	ssyncadd.s32 $0xFFFFE000  }
0x1f1: {  	v7 =	vmov s2;
	_ =	swait.ge [sflag:s1], $0x2000  }
0x1f2: {  	[sflag:s1] =	ssyncset.done $0x0  }
0x1f3: {  	s10 =	simm.s32 $0x0;
	[sflag:s1] =	ssyncadd.s32 $0xFFFFE000  }
0x1f4: {  	v13 =	vld.idx.msk [tilespmem:v6+s10+$0xFFFFFF00 ss:$0x1], $0xffff  }
0x1f5: {  	v10 =	vld.idx.msk [tilespmem:v6+s10+$0xFFFFFF10 ss:$0x1], $0xffff  }
0x1f6: {  	v12 =	vld.idx.msk [tilespmem:v7+s10+$0xFFFFFF00 ss:$0x1], $0xffff  }
0x1f7: {  	v9 =	vld.idx.msk [tilespmem:v7+s10+$0xFFFFFF10 ss:$0x1], $0xffff  }
0x1f8: {  	v8 =	vld.idx.msk [tilespmem:v7+s10+$0xFFFFFF20 ss:$0x1], $0xffff  }
0x1f9: {  	s1 =	simm.s32 $0x800;
	v11 =	vld.idx.msk [tilespmem:v6+s10+$0xFFFFFF20 ss:$0x1], $0xffff  }
.LBB2_50:
0x1fa: {  	s2 =	sshra.s32 s1, $0x2;
	p3 =	seq.s32 s1, $0xF800;
	s1 =	sadd.s32 $0x800, s1;
	v14 =	vld.idx.msk [tilespmem:v7+s10+$0xFFFFFF30 ss:$0x1], $0xffff  }
0x1fb: {  	v15 =	vld.idx.msk [tilespmem:v6+s10+$0xFFFFFF30 ss:$0x1], $0xffff  }
0x1fc: {  	v16 =	vsub.f32 $1.000000000e+00, v12;
	v17 =	vld.idx.msk [tilespmem:v7+s10+$0xFFFFFF40 ss:$0x1], $0xffff  }
0x1fd: {  	vm1 =	veq.s32 v13, v2;
	v13 =	vsub.f32 $1.000000000e+00, v9;
	v18 =	vld.idx.msk [tilespmem:v6+s10+$0xFFFFFF40 ss:$0x1], $0xffff  }
0x1fe: {  	vm3 =	veq.s32 v10, v2;
	v12 =	vsel vm1, v16, v12;
	v10 =	vsub.f32 $1.000000000e+00, v8;
	v16 =	vld.idx.msk [tilespmem:v7+s10+$0xFFFFFF50 ss:$0x1], $0xffff  }
0x1ff: {  	v12 =	vand.u32 $0x7FFFFFFF, v12;
	v9 =	vsel vm3, v13, v9;
	vm2 =	veq.s32 v11, v2;
	v11 =	vld.idx.msk [tilespmem:v6+s10+$0xFFFFFF50 ss:$0x1], $0xffff  }
0x200: {  	v12 =	vshrl.u32 v12, $0x10;
	v9 =	vand.u32 $0x7FFFFFFF, v9;
	v8 =	vsel vm2, v10, v8;
	v13 =	vld.idx.msk [tilespmem:v7+s10+$0xFFFFFF60 ss:$0x1], $0xffff  }
0x201: {  	v8 =	vand.u32 $0x7FFFFFFF, v8;
	vm0 =	veq.s32 v15, v2;
	v15 =	vsub.f32 $1.000000000e+00, v14;
	v19 =	vld.idx.msk [tilespmem:v6+s10+$0xFFFFFF60 ss:$0x1], $0xffff;
	(xrf1) =	vunique.msk.u32 $0xffff, v12  }
0x202: {  	v10 =	vshrl.u32 v9, $0x10;
	v9 =	vsub.f32 $1.000000000e+00, v17;
	v20 =	vld.idx.msk [tilespmem:v7+s10+$0xFFFFFF70 ss:$0x1], $0xffff;
	(xrf1) =	vunique.msk.u32 vm1, v12  }
0x203: {  	v14 =	vsel vm0, v15, v14;
	vm1 =	veq.s32 v18, v2;
	v15 =	vld.idx.msk [tilespmem:v6+s10+$0xFFFFFF70 ss:$0x1], $0xffff;
	(xrf1) =	vunique.msk.u32 $0xffff, v10  }
0x204: {  	v8 =	vshrl.u32 v8, $0x10;
	v9 =	vsel vm1, v9, v17;
	v17 =	vsub.f32 $1.000000000e+00, v16;
	v18 =	vld.idx.msk [tilespmem:v7+s10+$0x0 ss:$0x1], $0xffff;
	(xrf1) =	vunique.msk.u32 vm3, v10  }
0x205: {  	v14 =	vand.u32 $0x7FFFFFFF, v14;
	v21 =	vand.u32 $0x7FFFFFFF, v9;
	vm4 =	veq.s32 v11, v2;
	v22 =	vld.idx.msk [tilespmem:v6+s10+$0x0 ss:$0x1], $0xffff;
	(xrf1) =	vunique.msk.u32 $0xffff, v8  }
0x206: {  	v9 =	vshrl.u32 v14, $0x10;
	v11 =	vsel vm4, v17, v16;
	v14 =	vsub.f32 $1.000000000e+00, v13;
	v16 =	vld.idx.msk [tilespmem:v7+s10+$0x10 ss:$0x1], $0xffff;
	(xrf1) =	vunique.msk.u32 vm2, v8  }
0x207: {  	v17 =	vand.u32 $0x7FFFFFFF, v11;
	vm5 =	veq.s32 v19, v2;
	v19 =	vld.idx.msk [tilespmem:v6+s10+$0x10 ss:$0x1], $0xffff;
	(xrf1) =	vunique.msk.u32 $0xffff, v9  }
0x208: {  	v11 =	vshrl.u32 v21, $0x10;
	v13 =	vsel vm5, v14, v13;
	v14 =	vsub.f32 $1.000000000e+00, v20;
	v21 =	vld.idx.msk [tilespmem:v7+s10+$0x20 ss:$0x1], $0xffff;
	(xrf1) =	vunique.msk.u32 vm0, v9  }
0x209: {  	v13 =	vand.u32 $0x7FFFFFFF, v13;
	vm2 =	veq.s32 v15, v2;
	v15 =	vld.idx.msk [tilespmem:v6+s10+$0x20 ss:$0x1], $0xffff;
	(xrf1) =	vunique.msk.u32 $0xffff, v11  }
0x20a: {  	v17 =	vshrl.u32 v17, $0x10;
	v14 =	vsel vm2, v14, v20;
	v20 =	vsub.f32 $1.000000000e+00, v18;
	v23 =	vld.idx.msk [tilespmem:v7+s10+$0x30 ss:$0x1], $0xffff;
	(xrf1) =	vunique.msk.u32 vm1, v11  }
0x20b: {  	v14 =	vand.u32 $0x7FFFFFFF, v14;
	vm3 =	veq.s32 v22, v2;
	v22 =	vld.idx.msk [tilespmem:v6+s10+$0x30 ss:$0x1], $0xffff;
	(xrf1) =	vunique.msk.u32 $0xffff, v17  }
0x20c: {  	v13 =	vshrl.u32 v13, $0x10;
	v18 =	vsel vm3, v20, v18;
	v20 =	vsub.f32 $1.000000000e+00, v16;
	v24 =	vld.idx.msk [tilespmem:v7+s10+$0x40 ss:$0x1], $0xffff;
	(xrf1) =	vunique.msk.u32 vm4, v17  }
0x20d: {  	v18 =	vand.u32 $0x7FFFFFFF, v18;
	vm1 =	veq.s32 v19, v2;
	v19 =	vld.idx.msk [tilespmem:v6+s10+$0x40 ss:$0x1], $0xffff;
	(xrf1) =	vunique.msk.u32 $0xffff, v13  }
0x20e: {  	v14 =	vshrl.u32 v14, $0x10;
	v16 =	vsel vm1, v20, v16;
	v20 =	vsub.f32 $1.000000000e+00, v21;
	v25 =	vld.idx.msk [tilespmem:v7+s10+$0x50 ss:$0x1], $0xffff;
	(xrf1) =	vunique.msk.u32 vm5, v13  }
0x20f: {  	v16 =	vand.u32 $0x7FFFFFFF, v16;
	vm0 =	veq.s32 v15, v2;
	v15 =	vld.idx.msk [tilespmem:v6+s10+$0x50 ss:$0x1], $0xffff;
	_, v26, vm4 =	vpop (xrf1);
	(xrf1) =	vunique.msk.u32 $0xffff, v14  }
0x210: {  	v18 =	vshrl.u32 v18, $0x10;
	v20 =	vsel vm0, v20, v21;
	v21 =	vsub.f32 $1.000000000e+00, v23;
	v27 =	vld.idx.msk [tilespmem:v7+s10+$0x60 ss:$0x1], $0xffff;
	_, v28, vm5 =	vpop (xrf1);
	(xrf1) =	vunique.msk.u32 vm2, v14  }
0x211: {  	v20 =	vand.u32 $0x7FFFFFFF, v20;
	vm2 =	veq.s32 v22, v2;
	v22 =	vld.idx.msk [tilespmem:v6+s10+$0x60 ss:$0x1], $0xffff;
	_, v29, vm6 =	vpop (xrf1);
	(xrf1) =	vunique.msk.u32 $0xffff, v18  }
0x212: {  	v16 =	vshrl.u32 v16, $0x10;
	v21 =	vsel vm2, v21, v23;
	v23 =	vsub.f32 $1.000000000e+00, v24;
	v30 =	vld.idx.msk [tilespmem:v7+s10+$0x70 ss:$0x1], $0xffff;
	_, v31, vm7 =	vpop (xrf1);
	(xrf1) =	vunique.msk.u32 vm3, v18  }
0x213: {  	v21 =	vand.u32 $0x7FFFFFFF, v21;
	vm3 =	veq.s32 v19, v2;
	v19 =	vld.idx.msk [tilespmem:v6+s10+$0x70 ss:$0x1], $0xffff;
	_, v32, vm8 =	vpop (xrf1);
	(xrf1) =	vunique.msk.u32 $0xffff, v16;
	s10 =	smov.u32 s2  }
0x214: {  	v20 =	vshrl.u32 v20, $0x10;
	v23 =	vsel vm3, v23, v24;
	v24 =	vsub.f32 $1.000000000e+00, v25;
	_, v33, vm9 =	vpop (xrf1);
	(xrf1) =	vunique.msk.u32 vm1, v16  }
0x215: {  	v23 =	vand.u32 $0x7FFFFFFF, v23;
	vm1 =	veq.s32 v15, v2;
	[tilespmem:v12+s11+$0x0] =	vst.idx.add.s32.msk vm4, v26;
	_, v15, vm4 =	vpop (xrf1);
	(xrf1) =	vunique.msk.u32 $0xffff, v20  }
0x216: {  	v21 =	vshrl.u32 v21, $0x10;
	v24 =	vsel vm1, v24, v25;
	[tilespmem:v12+s29+$0x0] =	vst.idx.add.s32.msk vm5, v28;
	_, v12, vm5 =	vpop (xrf1);
	(xrf1) =	vunique.msk.u32 vm0, v20  }
0x217: {  	v25 =	vsub.f32 $1.000000000e+00, v27;
	v24 =	vand.u32 $0x7FFFFFFF, v24;
	[tilespmem:v10+s11+$0x0] =	vst.idx.add.s32.msk vm6, v29;
	_, v26, vm6 =	vpop (xrf1);
	(xrf1) =	vunique.msk.u32 $0xffff, v21  }
0x218: {  	v23 =	vshrl.u32 v23, $0x10;
	vm0 =	veq.s32 v22, v2;
	[tilespmem:v10+s29+$0x0] =	vst.idx.add.s32.msk vm7, v31;
	_, v10, vm7 =	vpop (xrf1);
	(xrf1) =	vunique.msk.u32 vm2, v21  }
0x219: {  	v22 =	vsel vm0, v25, v27;
	v25 =	vsub.f32 $1.000000000e+00, v30;
	[tilespmem:v8+s11+$0x0] =	vst.idx.add.s32.msk vm8, v32;
	_, v27, vm2 =	vpop (xrf1);
	(xrf1) =	vunique.msk.u32 $0xffff, v23  }
0x21a: {  	v24 =	vshrl.u32 v24, $0x10;
	v28 =	vand.u32 $0x7FFFFFFF, v22;
	[tilespmem:v8+s29+$0x0] =	vst.idx.add.s32.msk vm9, v33;
	_, v8, vm8 =	vpop (xrf1);
	(xrf1) =	vunique.msk.u32 vm3, v23  }
0x21b: {  	vm3 =	veq.s32 v19, v2;
	[tilespmem:v9+s11+$0x0] =	vst.idx.add.s32.msk vm4, v15;
	_, v15, vm4 =	vpop (xrf1);
	(xrf1) =	vunique.msk.u32 $0xffff, v24  }
0x21c: {  	v19 =	vshrl.u32 v28, $0x10;
	v25 =	vsel vm3, v25, v30;
	[tilespmem:v9+s29+$0x0] =	vst.idx.add.s32.msk vm5, v12;
	_, v9, vm5 =	vpop (xrf1);
	(xrf1) =	vunique.msk.u32 vm1, v24  }
0x21d: {  	v12 =	vand.u32 $0x7FFFFFFF, v25;
	[tilespmem:v11+s11+$0x0] =	vst.idx.add.s32.msk vm6, v26;
	_, v22, vm1 =	vpop (xrf1);
	(xrf1) =	vunique.msk.u32 $0xffff, v19  }
0x21e: {  	v12 =	vshrl.u32 v12, $0x10;
	[tilespmem:v11+s29+$0x0] =	vst.idx.add.s32.msk vm7, v10;
	_, v10, vm6 =	vpop (xrf1);
	(xrf1) =	vunique.msk.u32 vm0, v19  }
0x21f: {  	[tilespmem:v17+s11+$0x0] =	vst.idx.add.s32.msk vm2, v27;
	_, v11, vm0 =	vpop (xrf1);
	(xrf1) =	vunique.msk.u32 $0xffff, v12  }
0x220: {  	[tilespmem:v17+s29+$0x0] =	vst.idx.add.s32.msk vm8, v8;
	_, v8, vm2 =	vpop (xrf1);
	(xrf1) =	vunique.msk.u32 vm3, v12  }
0x221: {  	[tilespmem:v13+s11+$0x0] =	vst.idx.add.s32.msk vm4, v15;
	_, v15, vm3 =	vpop (xrf1)  }
0x222: {  	[tilespmem:v13+s29+$0x0] =	vst.idx.add.s32.msk vm5, v9;
	_, v9, vm4 =	vpop (xrf1)  }
0x223: {  	[tilespmem:v14+s11+$0x0] =	vst.idx.add.s32.msk vm1, v22;
	_, v13, vm1 =	vpop (xrf1)  }
0x224: {  	[tilespmem:v14+s29+$0x0] =	vst.idx.add.s32.msk vm6, v10;
	_, v10, vm5 =	vpop (xrf1)  }
0x225: {  	[tilespmem:v18+s11+$0x0] =	vst.idx.add.s32.msk vm0, v11;
	_, v11, vm0 =	vpop (xrf1)  }
0x226: {  	[tilespmem:v18+s29+$0x0] =	vst.idx.add.s32.msk vm2, v8;
	_, v8, vm2 =	vpop (xrf1)  }
0x227: {  	[tilespmem:v16+s11+$0x0] =	vst.idx.add.s32.msk vm3, v15;
	_, v14, vm3 =	vpop (xrf1)  }
0x228: {  	[tilespmem:v16+s29+$0x0] =	vst.idx.add.s32.msk vm4, v9;
	_, v9, vm4 =	vpop (xrf1)  }
0x229: {  	[tilespmem:v20+s11+$0x0] =	vst.idx.add.s32.msk vm1, v13;
	_, v13, vm1 =	vpop (xrf1)  }
0x22a: {  	[tilespmem:v20+s29+$0x0] =	vst.idx.add.s32.msk vm5, v10;
	_, v10, vm5 =	vpop (xrf1)  }
0x22b: {  	[tilespmem:v21+s11+$0x0] =	vst.idx.add.s32.msk vm0, v11;
	_, v11, vm0 =	vpop (xrf1)  }
0x22c: {  	[tilespmem:v21+s29+$0x0] =	vst.idx.add.s32.msk vm2, v8;
	_, v8, vm2 =	vpop (xrf1)  }
0x22d: {  	[tilespmem:v23+s11+$0x0] =	vst.idx.add.s32.msk vm3, v14;
	_, v14, vm3 =	vpop (xrf1)  }
0x22e: {  	[tilespmem:v23+s29+$0x0] =	vst.idx.add.s32.msk vm4, v9;
	_, v9, vm4 =	vpop (xrf1)  }
0x22f: {  	[tilespmem:v24+s11+$0x0] =	vst.idx.add.s32.msk vm1, v13  }
0x230: {  	[tilespmem:v24+s29+$0x0] =	vst.idx.add.s32.msk vm5, v10  }
0x231: {  	[tilespmem:v19+s11+$0x0] =	vst.idx.add.s32.msk vm0, v11  }
0x232: {  	[tilespmem:v19+s29+$0x0] =	vst.idx.add.s32.msk vm2, v8  }
0x233: {  	[tilespmem:v12+s11+$0x0] =	vst.idx.add.s32.msk vm3, v14  }
0x234: {  	[tilespmem:v12+s29+$0x0] =	vst.idx.add.s32.msk vm4, v9  }
0x235: {  	v13 =	vld.idx.msk [tilespmem:v6+s10+$0xFFFFFF00 ss:$0x1], $0xffff  }
.Ltmp24:
0x236: {  	v10 =	vld.idx.msk [tilespmem:v6+s10+$0xFFFFFF10 ss:$0x1], $0xffff;
	(pc) =	sbr.rel @!p3 .LBB2_50-.Ltmp24, $4  }
0x237: {  	v12 =	vld.idx.msk [tilespmem:v7+s10+$0xFFFFFF00 ss:$0x1], $0xffff  }
0x238: {  	v9 =	vld.idx.msk [tilespmem:v7+s10+$0xFFFFFF10 ss:$0x1], $0xffff  }
0x239: {  	v8 =	vld.idx.msk [tilespmem:v7+s10+$0xFFFFFF20 ss:$0x1], $0xffff  }
0x23a: {  	v11 =	vld.idx.msk [tilespmem:v6+s10+$0xFFFFFF20 ss:$0x1], $0xffff  }
0x23b: {  	_ =	sdelay $0x3  }
0x23c: {  	v14 =	vld.idx.msk [tilespmem:v7+s10+$0xFFFFFF30 ss:$0x1], $0xffff  }
0x23d: {  	v15 =	vld.idx.msk [tilespmem:v6+s10+$0xFFFFFF30 ss:$0x1], $0xffff  }
0x23e: {  	v17 =	vld.idx.msk [tilespmem:v7+s10+$0xFFFFFF40 ss:$0x1], $0xffff;
	v16 =	vsub.f32 $1.000000000e+00, v12  }
0x23f: {  	vm0 =	veq.s32 v13, v2;
	v18 =	vld.idx.msk [tilespmem:v6+s10+$0xFFFFFF40 ss:$0x1], $0xffff  }
0x240: {  	v27 =	vld.idx.msk [tilespmem:v7+s10+$0xFFFFFF50 ss:$0x1], $0xffff;
	v26 =	vsub.f32 $1.000000000e+00, v9;
	v12 =	vsel vm0, v16, v12  }
0x241: {  	vm1 =	veq.s32 v10, v2;
	v29 =	vld.idx.msk [tilespmem:v6+s10+$0xFFFFFF50 ss:$0x1], $0xffff;
	v12 =	vand.u32 $0x7FFFFFFF, v12  }
0x242: {  	v30 =	vld.idx.msk [tilespmem:v7+s10+$0xFFFFFF60 ss:$0x1], $0xffff;
	v28 =	vsub.f32 $1.000000000e+00, v8;
	v9 =	vsel vm1, v26, v9;
	v12 =	vshrl.u32 v12, $0x10  }
0x243: {  	v19 =	vld.idx.msk [tilespmem:v6+s10+$0xFFFFFF60 ss:$0x1], $0xffff;
	vm2 =	veq.s32 v11, v2;
	v9 =	vand.u32 $0x7FFFFFFF, v9;
	(xrf1) =	vunique.msk.u32 $0xffff, v12  }
0x244: {  	v32 =	vld.idx.msk [tilespmem:v7+s10+$0xFFFFFF70 ss:$0x1], $0xffff;
	v8 =	vsel vm2, v28, v8;
	v31 =	vsub.f32 $1.000000000e+00, v14;
	v9 =	vshrl.u32 v9, $0x10;
	(xrf1) =	vunique.msk.u32 vm0, v12  }
0x245: {  	v33 =	vld.idx.msk [tilespmem:v6+s10+$0xFFFFFF70 ss:$0x1], $0xffff;
	vm10 =	veq.s32 v15, v2;
	v8 =	vand.u32 $0x7FFFFFFF, v8;
	(xrf1) =	vunique.msk.u32 $0xffff, v9  }
0x246: {  	v34 =	vld.idx.msk [tilespmem:v7+s10+$0x0 ss:$0x1], $0xffff;
	v20 =	vsub.f32 $1.000000000e+00, v17;
	v14 =	vsel vm10, v31, v14;
	v8 =	vshrl.u32 v8, $0x10;
	(xrf1) =	vunique.msk.u32 vm1, v9  }
0x247: {  	v21 =	vld.idx.msk [tilespmem:v6+s10+$0x0 ss:$0x1], $0xffff;
	vm11 =	veq.s32 v18, v2;
	v14 =	vand.u32 $0x7FFFFFFF, v14;
	(xrf1) =	vunique.msk.u32 $0xffff, v8  }
0x248: {  	v36 =	vld.idx.msk [tilespmem:v7+s10+$0x10 ss:$0x1], $0xffff;
	v35 =	vsub.f32 $1.000000000e+00, v27;
	v17 =	vsel vm11, v20, v17;
	v14 =	vshrl.u32 v14, $0x10;
	(xrf1) =	vunique.msk.u32 vm2, v8  }
0x249: {  	v22 =	vld.idx.msk [tilespmem:v6+s10+$0x10 ss:$0x1], $0xffff;
	vm12 =	veq.s32 v29, v2;
	v17 =	vand.u32 $0x7FFFFFFF, v17;
	(xrf1) =	vunique.msk.u32 $0xffff, v14  }
0x24a: {  	v38 =	vld.idx.msk [tilespmem:v7+s10+$0x20 ss:$0x1], $0xffff;
	v37 =	vsub.f32 $1.000000000e+00, v30;
	v10 =	vsel vm12, v35, v27;
	v17 =	vshrl.u32 v17, $0x10;
	(xrf1) =	vunique.msk.u32 vm10, v14  }
0x24b: {  	v23 =	vld.idx.msk [tilespmem:v6+s10+$0x20 ss:$0x1], $0xffff;
	vm13 =	veq.s32 v19, v2;
	v10 =	vand.u32 $0x7FFFFFFF, v10;
	(xrf1) =	vunique.msk.u32 $0xffff, v17  }
0x24c: {  	v40 =	vld.idx.msk [tilespmem:v7+s10+$0x30 ss:$0x1], $0xffff;
	v39 =	vsub.f32 $1.000000000e+00, v32;
	v11 =	vsel vm13, v37, v30;
	v10 =	vshrl.u32 v10, $0x10;
	(xrf1) =	vunique.msk.u32 vm11, v17  }
0x24d: {  	v24 =	vld.idx.msk [tilespmem:v6+s10+$0x30 ss:$0x1], $0xffff;
	vm14 =	veq.s32 v33, v2;
	v11 =	vand.u32 $0x7FFFFFFF, v11;
	(xrf1) =	vunique.msk.u32 $0xffff, v10  }
0x24e: {  	v42 =	vld.idx.msk [tilespmem:v7+s10+$0x40 ss:$0x1], $0xffff;
	v41 =	vsub.f32 $1.000000000e+00, v34;
	v15 =	vsel vm14, v39, v32;
	v11 =	vshrl.u32 v11, $0x10;
	(xrf1) =	vunique.msk.u32 vm12, v10  }
0x24f: {  	v26 =	vld.idx.msk [tilespmem:v7+s10+$0x50 ss:$0x1], $0xffff;
	vm6 =	veq.s32 v21, v2;
	v15 =	vand.u32 $0x7FFFFFFF, v15;
	(xrf1) =	vunique.msk.u32 $0xffff, v11  }
0x250: {  	v43 =	vsub.f32 $1.000000000e+00, v36;
	v28 =	vld.idx.msk [tilespmem:v7+s10+$0x60 ss:$0x1], $0xffff;
	v18 =	vsel vm6, v41, v34;
	v15 =	vshrl.u32 v15, $0x10;
	(xrf1) =	vunique.msk.u32 vm13, v11  }
0x251: {  	vm3 =	veq.s32 v22, v2;
	v44 =	vsub.f32 $1.000000000e+00, v38;
	v7 =	vld.idx.msk [tilespmem:v7+s10+$0x70 ss:$0x1], $0xffff;
	v18 =	vand.u32 $0x7FFFFFFF, v18;
	_, v27, vm4 =	vpop (xrf1);
	(xrf1) =	vunique.msk.u32 $0xffff, v15  }
0x252: {  	v25 =	vld.idx.msk [tilespmem:v6+s10+$0x40 ss:$0x1], $0xffff;
	vm15 =	veq.s32 v23, v2;
	v13 =	vsel vm3, v43, v36;
	v18 =	vshrl.u32 v18, $0x10;
	_, v46, vm5 =	vpop (xrf1);
	(xrf1) =	vunique.msk.u32 vm14, v15  }
0x253: {  	v47 =	vsub.f32 $1.000000000e+00, v40;
	v19 =	vsel vm15, v44, v38;
	v13 =	vand.u32 $0x7FFFFFFF, v13;
	_, v29, vm7 =	vpop (xrf1);
	(xrf1) =	vunique.msk.u32 $0xffff, v18  }
0x254: {  	v45 =	vld.idx.msk [tilespmem:v6+s10+$0x50 ss:$0x1], $0xffff;
	v30 =	vsub.f32 $1.000000000e+00, v42;
	v19 =	vand.u32 $0x7FFFFFFF, v19;
	v13 =	vshrl.u32 v13, $0x10;
	_, v31, vm8 =	vpop (xrf1);
	(xrf1) =	vunique.msk.u32 vm6, v18  }
0x255: {  	v48 =	vld.idx.msk [tilespmem:v6+s10+$0x60 ss:$0x1], $0xffff;
	v19 =	vshrl.u32 v19, $0x10;
	v51 =	vsub.f32 $1.000000000e+00, v26;
	vm12 =	veq.s32 v24, v2;
	_, v49, vm14 =	vpop (xrf1);
	(xrf1) =	vunique.msk.u32 $0xffff, v13  }
0x256: {  	v6 =	vld.idx.msk [tilespmem:v6+s10+$0x70 ss:$0x1], $0xffff;
	v52 =	vsub.f32 $1.000000000e+00, v28;
	v55 =	vsub.f32 $1.000000000e+00, v7;
	v16 =	vsel vm12, v47, v40;
	_, v50, vm9 =	vpop (xrf1);
	(xrf1) =	vunique.msk.u32 vm3, v13  }
0x257: {  	vm13 =	veq.s32 v25, v2;
	v16 =	vand.u32 $0x7FFFFFFF, v16;
	[tilespmem:v12+s11+$0x0] =	vst.idx.add.s32.msk vm4, v27;
	_, v27, vm4 =	vpop (xrf1);
	(xrf1) =	vunique.msk.u32 $0xffff, v19  }
0x258: {  	v21 =	vsel vm13, v30, v42;
	v16 =	vshrl.u32 v16, $0x10;
	[tilespmem:v12+s29+$0x0] =	vst.idx.add.s32.msk vm5, v46;
	_, v12, vm5 =	vpop (xrf1);
	(xrf1) =	vunique.msk.u32 vm15, v19  }
0x259: {  	v21 =	vand.u32 $0x7FFFFFFF, v21;
	vm3 =	veq.s32 v45, v2;
	[tilespmem:v9+s11+$0x0] =	vst.idx.add.s32.msk vm7, v29;
	_, v53, vm15 =	vpop (xrf1);
	(xrf1) =	vunique.msk.u32 $0xffff, v16  }
0x25a: {  	v21 =	vshrl.u32 v21, $0x10;
	v20 =	vsel vm3, v51, v26;
	[tilespmem:v9+s29+$0x0] =	vst.idx.add.s32.msk vm8, v31;
	_, v9, vm8 =	vpop (xrf1);
	(xrf1) =	vunique.msk.u32 vm12, v16  }
0x25b: {  	v20 =	vand.u32 $0x7FFFFFFF, v20;
	vm7 =	veq.s32 v48, v2;
	[tilespmem:v8+s11+$0x0] =	vst.idx.add.s32.msk vm14, v49;
	_, v54, vm12 =	vpop (xrf1);
	(xrf1) =	vunique.msk.u32 $0xffff, v21  }
0x25c: {  	v20 =	vshrl.u32 v20, $0x10;
	v23 =	vsel vm7, v52, v28;
	[tilespmem:v8+s29+$0x0] =	vst.idx.add.s32.msk vm9, v50;
	_, v56, vm6 =	vpop (xrf1);
	(xrf1) =	vunique.msk.u32 vm13, v21  }
0x25d: {  	v23 =	vand.u32 $0x7FFFFFFF, v23;
	vm13 =	veq.s32 v6, v2;
	[tilespmem:v14+s11+$0x0] =	vst.idx.add.s32.msk vm4, v27;
	_, v6, vm14 =	vpop (xrf1);
	(xrf1) =	vunique.msk.u32 $0xffff, v20  }
0x25e: {  	v23 =	vshrl.u32 v23, $0x10;
	v7 =	vsel vm13, v55, v7;
	[tilespmem:v14+s29+$0x0] =	vst.idx.add.s32.msk vm5, v12;
	_, v12, vm5 =	vpop (xrf1);
	(xrf1) =	vunique.msk.u32 vm3, v20  }
0x25f: {  	v7 =	vand.u32 $0x7FFFFFFF, v7;
	[tilespmem:v17+s11+$0x0] =	vst.idx.add.s32.msk vm15, v53;
	_, v57, vm15 =	vpop (xrf1);
	(xrf1) =	vunique.msk.u32 $0xffff, v23  }
0x260: {  	v7 =	vshrl.u32 v7, $0x10;
	[tilespmem:v17+s29+$0x0] =	vst.idx.add.s32.msk vm8, v9;
	_, v58, vm9 =	vpop (xrf1);
	(xrf1) =	vunique.msk.u32 vm7, v23  }
0x261: {  	[tilespmem:v10+s11+$0x0] =	vst.idx.add.s32.msk vm12, v54;
	_, v59, vm10 =	vpop (xrf1);
	(xrf1) =	vunique.msk.u32 $0xffff, v7  }
0x262: {  	[tilespmem:v10+s29+$0x0] =	vst.idx.add.s32.msk vm6, v56;
	_, v8, vm6 =	vpop (xrf1);
	(xrf1) =	vunique.msk.u32 vm13, v7  }
0x263: {  	[tilespmem:v11+s11+$0x0] =	vst.idx.add.s32.msk vm14, v6;
	_, v6, vm11 =	vpop (xrf1)  }
0x264: {  	[tilespmem:v11+s29+$0x0] =	vst.idx.add.s32.msk vm5, v12;
	_, v60, vm12 =	vpop (xrf1)  }
0x265: {  	[tilespmem:v15+s11+$0x0] =	vst.idx.add.s32.msk vm15, v57;
	_, v61, vm13 =	vpop (xrf1)  }
0x266: {  	[tilespmem:v15+s29+$0x0] =	vst.idx.add.s32.msk vm9, v58;
	_, v9, vm3 =	vpop (xrf1)  }
0x267: {  	[tilespmem:v18+s11+$0x0] =	vst.idx.add.s32.msk vm10, v59;
	_, v62, vm14 =	vpop (xrf1)  }
0x268: {  	[tilespmem:v18+s29+$0x0] =	vst.idx.add.s32.msk vm6, v8;
	_, v63, vm15 =	vpop (xrf1)  }
0x269: {  	[tilespmem:v13+s11+$0x0] =	vst.idx.add.s32.msk vm11, v6;
	_, v6, vm1 =	vpop (xrf1)  }
0x26a: {  	[tilespmem:v13+s29+$0x0] =	vst.idx.add.s32.msk vm12, v60;
	_, v10, vm4 =	vpop (xrf1)  }
0x26b: {  	[tilespmem:v19+s11+$0x0] =	vst.idx.add.s32.msk vm13, v61;
	_, v11, vm0 =	vpop (xrf1)  }
0x26c: {  	[tilespmem:v19+s29+$0x0] =	vst.idx.add.s32.msk vm3, v9;
	_, v9, vm3 =	vpop (xrf1)  }
0x26d: {  	[tilespmem:v16+s11+$0x0] =	vst.idx.add.s32.msk vm14, v62;
	_, v12, vm2 =	vpop (xrf1)  }
0x26e: {  	[tilespmem:v16+s29+$0x0] =	vst.idx.add.s32.msk vm15, v63;
	_, v8, vm5 =	vpop (xrf1)  }
0x26f: {  	[tilespmem:v21+s11+$0x0] =	vst.idx.add.s32.msk vm1, v6;
	_, v6, vm1 =	vpop (xrf1)  }
0x270: {  	[tilespmem:v21+s29+$0x0] =	vst.idx.add.s32.msk vm4, v10;
	_, v10, vm4 =	vpop (xrf1)  }
0x271: {  	[tilespmem:v20+s11+$0x0] =	vst.idx.add.s32.msk vm0, v11  }
0x272: {  	[tilespmem:v20+s29+$0x0] =	vst.idx.add.s32.msk vm3, v9  }
0x273: {  	[tilespmem:v23+s11+$0x0] =	vst.idx.add.s32.msk vm2, v12  }
0x274: {  	[tilespmem:v23+s29+$0x0] =	vst.idx.add.s32.msk vm5, v8  }
0x275: {  	[tilespmem:v7+s11+$0x0] =	vst.idx.add.s32.msk vm1, v6  }
0x276: {  	[tilespmem:v7+s29+$0x0] =	vst.idx.add.s32.msk vm4, v10  }
0x277: {  	p3 =	seq.s32 s9, $0x10  }
.Ltmp25:
0x278: {  	_ = 	snop;
	(pc) =	sbr.rel @!p3 .LBB2_43-.Ltmp25, $2  }
0x279: {  	_ =	sdelay $0x2  }
0x27a: {  	p1 =	por !p1, !p1;
	p2 =	por !p2, !p2;
	s1 =	smov.u32 s9  }
0x27b: {  	s1 =	simm.s32 $0x0;
	s2 =	rddreg [dreg:$0x6]  }
0x27c: {  	[hbm4b:s2+s30] =	stream.strided.scatter [tilespmem:s1], [sflag:$0x5], $0x8000, s31, s30, $0x38;
	[tilespmem:$0x18000] =	vst v63  }
0x27d: {  	_ =	swait.ge [sflag:s21], $0x8000  }
0x27e: {  	[sflag:s21] =	ssyncset.done $0x0  }
0x27f: {  	s28 =	rddreg [dreg:$0x7];
	[sflag:s21] =	ssyncadd.s32 $0xFFFF8000  }
0x280: {  	[hbm4b:s28+s30] =	stream.strided.scatter [tilespmem:s29], [sflag:$0x5], $0x8000, s31, s30, $0x38;
	[tilespmem:$0x18000] =	vst v63  }
0x281: {  	_ =	swait.ge [sflag:s21], $0x8000  }
0x282: {  	[sflag:s21] =	ssyncset.done $0x0  }
0x283: {  	s1 =	simm.s32 $0x40;
	s2 =	simm.s32 $0x0;
	[sflag:s21] =	ssyncadd.s32 $0xFFFF8000  }
.LBB2_53:
0x284: {  	p1 =	sne.s32 s1, $0x1FFC0;
	[tilespmem:s2+$0x0] =	vst v5;
	s3 =	smov.u32 s1;
	s1 =	sadd.s32 $0x40, s1  }
.Ltmp26:
0x285: {  	[tilespmem:s2+$0x8000] =	vst v5;
	(pc) =	sbr.rel @p1 .LBB2_53-.Ltmp26, $2  }
0x286: {  	_ =	sdelay $0x2  }
0x287: {  	s2 =	sshra.s32 s3, $0x2  }
0x288: {  	[tilespmem:s2+$0x0] =	vst v5  }
0x289: {  	[tilespmem:s2+$0x8000] =	vst v5;
	s2 =	simm.s32 $0x0;
	s1 =	simm.s32 $0x10000;
	s3 =	simm.s32 $0x0  }
.LBB2_55:
0x28a: {  	p1 =	sne.s32 s3, $0x1F80  }
.Ltmp27:
0x28b: {  	_ = 	snop;
	(pc) =	sbr.rel @p1 .LBB2_55-.Ltmp27, $4  }
0x28c: {  	_ = 	snop  }
0x28d: {  	s4 =	sadd.s32 s3, s16  }
0x28e: {  	[tilespmem:s1], [sflag:$0x1] =	stream.linear.gather [hbm4b:s4+s2], $0x80, $0x38;
	[tilespmem:$0x18000] =	vst v63  }
0x28f: {  	s3 =	sadd.s32 $0x80, s3;
	s1 =	sadd.s32 $0x100, s1  }
0x290: {  	s3 =	simm.s32 $0x14000  }
.LBB2_57:
0x291: {  	p1 =	seq.s32 s2, $0xFC0  }
.Ltmp28:
0x292: {  	_ = 	snop;
	(pc) =	sbr.rel @!p1 .LBB2_57-.Ltmp28, $4  }
0x293: {  	_ = 	snop  }
0x294: {  	s4 =	sadd.s32 s2, s26;
	s1 =	simm.s32 $0x0  }
0x295: {  	[tilespmem:s3], [sflag:$0x3] =	stream.linear.gather [hbm4b:s4+s1], $0x80, $0x38;
	[tilespmem:$0x18000] =	vst v63  }
0x296: {  	s2 =	sadd.s32 $0x40, s2;
	s3 =	sadd.s32 $0x100, s3  }
0x297: {  	p1 =	por $0x1, $0x1;
	p2 =	por $0x0, $0x0  }
.LBB2_60:
0x298: {  	p3 =	seq.s32 s1, $0xF  }
.Ltmp29:
0x299: {  	_ = 	snop;
	(pc) =	sbr.rel @p3 .LBB2_66-.Ltmp29, $2  }
0x29a: {  	_ =	sdelay $0x2  }
0x29b: {  	s9 =	sadd.s32 $0x1, s1  }
0x29c: {  	s2 =	simm.s32 $0x1  }
0x29d: {  	s3 =	sshll.u32 s9, $0xD;
	s10 =	sand.u32 $0x1, s9;
	s2 =	simm.s32 @!p1 $0x0  }
0x29e: {  	s7 =	simm.s32 $0x80;
	s3 =	sadd.s32 s25, s3;
	s4 =	sshll.u32 s2, $0x7  }
0x29f: {  	s6 =	sadd.s32 s22, s3;
	s2 =	sor.u32 $0x14000, s4;
	s5 =	sor.u32 $0x10000, s4  }
0x2a0: {  	s4 =	sadd.s32 $0x1, s10;
	s28 =	sadd.s32 $0x0, s6;
	s8 =	sadd.s32 $0x100, s5  }
.LBB2_62:
0x2a1: {  	[tilespmem:s5], [sflag:s4] =	stream.linear.gather [hbm4b:s28+s11], $0x80, $0x38;
	[tilespmem:$0x18000] =	vst v63  }
0x2a2: {  	s28 =	smov.u32 s7;
	s5 =	smov.u32 s8;
	p3 =	sne.s32 s7, $0x1F80  }
.Ltmp30:
0x2a3: {  	s7 =	sadd.s32 $0x80, s7;
	(pc) =	sbr.rel @p3 .LBB2_62-.Ltmp30, $2  }
0x2a4: {  	_ =	sdelay $0x2  }
0x2a5: {  	s8 =	sadd.s32 $0x100, s8;
	s28 =	sadd.s32 s28, s6  }
0x2a6: {  	[tilespmem:s5], [sflag:s4] =	stream.linear.gather [hbm4b:s28+s11], $0x80, $0x38;
	[tilespmem:$0x18000] =	vst v63  }
0x2a7: {  	s3 =	sshll.u32 s3, $0x2  }
0x2a8: {  	s3 =	sor.u32 s13, s3  }
0x2a9: {  	s28 =	sshrl.u32 s3, $0x3  }
0x2aa: {  	s5 =	simm.s32 $0x40;
	s4 =	sadd.s32 s24, s28  }
0x2ab: {  	s6 =	sadd.s32 $0x100, s2;
	s3 =	sadd.s32 $0x3, s10;
	s7 =	sadd.s32 $0x0, s4  }
.LBB2_64:
0x2ac: {  	[tilespmem:s2], [sflag:s3] =	stream.linear.gather [hbm4b:s7+s11], $0x80, $0x38;
	[tilespmem:$0x18000] =	vst v63  }
0x2ad: {  	s7 =	smov.u32 s5;
	s2 =	smov.u32 s6;
	p3 =	sne.s32 s5, $0xFC0  }
.Ltmp31:
0x2ae: {  	s5 =	sadd.s32 $0x40, s5;
	(pc) =	sbr.rel @p3 .LBB2_64-.Ltmp31, $2  }
0x2af: {  	_ =	sdelay $0x2  }
0x2b0: {  	s6 =	sadd.s32 $0x100, s6;
	s7 =	sadd.s32 s7, s4  }
0x2b1: {  	[tilespmem:s2], [sflag:s3] =	stream.linear.gather [hbm4b:s7+s11], $0x80, $0x38;
	[tilespmem:$0x18000] =	vst v63  }
.LBB2_66:
0x2b2: {  	s2 =	simm.s32 $0x1  }
0x2b3: {  	s1 =	sand.u32 $0x1, s1;
	s2 =	simm.s32 @!p2 $0x0  }
0x2b4: {  	s3 =	sadd.s32 $0x1, s1;
	s2 =	sshll.u32 s2, $0x7  }
0x2b5: {  	_ =	swait.ge [sflag:s3], $0x2000;
	s4 =	sor.u32 $0x14100, s2  }
0x2b6: {  	[sflag:s3] =	ssyncset.done $0x0;
	v6 =	vmov s4  }
0x2b7: {  	s1 =	sadd.s32 $0x3, s1;
	s2 =	sor.u32 $0x10100, s2;
	[sflag:s3] =	ssyncadd.s32 $0xFFFFE000  }
0x2b8: {  	v7 =	vmov s2;
	_ =	swait.ge [sflag:s1], $0x2000  }
0x2b9: {  	[sflag:s1] =	ssyncset.done $0x0  }
0x2ba: {  	s10 =	simm.s32 $0x0;
	[sflag:s1] =	ssyncadd.s32 $0xFFFFE000  }
0x2bb: {  	v13 =	vld.idx.msk [tilespmem:v6+s10+$0xFFFFFF00 ss:$0x1], $0xffff  }
0x2bc: {  	v10 =	vld.idx.msk [tilespmem:v6+s10+$0xFFFFFF10 ss:$0x1], $0xffff  }
0x2bd: {  	v12 =	vld.idx.msk [tilespmem:v7+s10+$0xFFFFFF00 ss:$0x1], $0xffff  }
0x2be: {  	v9 =	vld.idx.msk [tilespmem:v7+s10+$0xFFFFFF10 ss:$0x1], $0xffff  }
0x2bf: {  	v8 =	vld.idx.msk [tilespmem:v7+s10+$0xFFFFFF20 ss:$0x1], $0xffff  }
0x2c0: {  	s1 =	simm.s32 $0x800;
	v11 =	vld.idx.msk [tilespmem:v6+s10+$0xFFFFFF20 ss:$0x1], $0xffff  }
.LBB2_67:
0x2c1: {  	s2 =	sshra.s32 s1, $0x2;
	p3 =	seq.s32 s1, $0xF800;
	s1 =	sadd.s32 $0x800, s1;
	v14 =	vld.idx.msk [tilespmem:v7+s10+$0xFFFFFF30 ss:$0x1], $0xffff  }
0x2c2: {  	v15 =	vld.idx.msk [tilespmem:v6+s10+$0xFFFFFF30 ss:$0x1], $0xffff  }
0x2c3: {  	v16 =	vsub.f32 $1.000000000e+00, v12;
	v17 =	vld.idx.msk [tilespmem:v7+s10+$0xFFFFFF40 ss:$0x1], $0xffff  }
0x2c4: {  	vm1 =	veq.s32 v13, v3;
	v13 =	vsub.f32 $1.000000000e+00, v9;
	v18 =	vld.idx.msk [tilespmem:v6+s10+$0xFFFFFF40 ss:$0x1], $0xffff  }
0x2c5: {  	vm3 =	veq.s32 v10, v3;
	v12 =	vsel vm1, v16, v12;
	v10 =	vsub.f32 $1.000000000e+00, v8;
	v16 =	vld.idx.msk [tilespmem:v7+s10+$0xFFFFFF50 ss:$0x1], $0xffff  }
0x2c6: {  	v12 =	vand.u32 $0x7FFFFFFF, v12;
	v9 =	vsel vm3, v13, v9;
	vm2 =	veq.s32 v11, v3;
	v11 =	vld.idx.msk [tilespmem:v6+s10+$0xFFFFFF50 ss:$0x1], $0xffff  }
0x2c7: {  	v12 =	vshrl.u32 v12, $0x10;
	v9 =	vand.u32 $0x7FFFFFFF, v9;
	v8 =	vsel vm2, v10, v8;
	v13 =	vld.idx.msk [tilespmem:v7+s10+$0xFFFFFF60 ss:$0x1], $0xffff  }
0x2c8: {  	v8 =	vand.u32 $0x7FFFFFFF, v8;
	vm0 =	veq.s32 v15, v3;
	v15 =	vsub.f32 $1.000000000e+00, v14;
	v19 =	vld.idx.msk [tilespmem:v6+s10+$0xFFFFFF60 ss:$0x1], $0xffff;
	(xrf1) =	vunique.msk.u32 $0xffff, v12  }
0x2c9: {  	v10 =	vshrl.u32 v9, $0x10;
	v9 =	vsub.f32 $1.000000000e+00, v17;
	v20 =	vld.idx.msk [tilespmem:v7+s10+$0xFFFFFF70 ss:$0x1], $0xffff;
	(xrf1) =	vunique.msk.u32 vm1, v12  }
0x2ca: {  	v14 =	vsel vm0, v15, v14;
	vm1 =	veq.s32 v18, v3;
	v15 =	vld.idx.msk [tilespmem:v6+s10+$0xFFFFFF70 ss:$0x1], $0xffff;
	(xrf1) =	vunique.msk.u32 $0xffff, v10  }
0x2cb: {  	v8 =	vshrl.u32 v8, $0x10;
	v9 =	vsel vm1, v9, v17;
	v17 =	vsub.f32 $1.000000000e+00, v16;
	v18 =	vld.idx.msk [tilespmem:v7+s10+$0x0 ss:$0x1], $0xffff;
	(xrf1) =	vunique.msk.u32 vm3, v10  }
0x2cc: {  	v14 =	vand.u32 $0x7FFFFFFF, v14;
	v21 =	vand.u32 $0x7FFFFFFF, v9;
	vm4 =	veq.s32 v11, v3;
	v22 =	vld.idx.msk [tilespmem:v6+s10+$0x0 ss:$0x1], $0xffff;
	(xrf1) =	vunique.msk.u32 $0xffff, v8  }
0x2cd: {  	v9 =	vshrl.u32 v14, $0x10;
	v11 =	vsel vm4, v17, v16;
	v14 =	vsub.f32 $1.000000000e+00, v13;
	v16 =	vld.idx.msk [tilespmem:v7+s10+$0x10 ss:$0x1], $0xffff;
	(xrf1) =	vunique.msk.u32 vm2, v8  }
0x2ce: {  	v17 =	vand.u32 $0x7FFFFFFF, v11;
	vm5 =	veq.s32 v19, v3;
	v19 =	vld.idx.msk [tilespmem:v6+s10+$0x10 ss:$0x1], $0xffff;
	(xrf1) =	vunique.msk.u32 $0xffff, v9  }
0x2cf: {  	v11 =	vshrl.u32 v21, $0x10;
	v13 =	vsel vm5, v14, v13;
	v14 =	vsub.f32 $1.000000000e+00, v20;
	v21 =	vld.idx.msk [tilespmem:v7+s10+$0x20 ss:$0x1], $0xffff;
	(xrf1) =	vunique.msk.u32 vm0, v9  }
0x2d0: {  	v13 =	vand.u32 $0x7FFFFFFF, v13;
	vm2 =	veq.s32 v15, v3;
	v15 =	vld.idx.msk [tilespmem:v6+s10+$0x20 ss:$0x1], $0xffff;
	(xrf1) =	vunique.msk.u32 $0xffff, v11  }
0x2d1: {  	v17 =	vshrl.u32 v17, $0x10;
	v14 =	vsel vm2, v14, v20;
	v20 =	vsub.f32 $1.000000000e+00, v18;
	v23 =	vld.idx.msk [tilespmem:v7+s10+$0x30 ss:$0x1], $0xffff;
	(xrf1) =	vunique.msk.u32 vm1, v11  }
0x2d2: {  	v14 =	vand.u32 $0x7FFFFFFF, v14;
	vm3 =	veq.s32 v22, v3;
	v22 =	vld.idx.msk [tilespmem:v6+s10+$0x30 ss:$0x1], $0xffff;
	(xrf1) =	vunique.msk.u32 $0xffff, v17  }
0x2d3: {  	v13 =	vshrl.u32 v13, $0x10;
	v18 =	vsel vm3, v20, v18;
	v20 =	vsub.f32 $1.000000000e+00, v16;
	v24 =	vld.idx.msk [tilespmem:v7+s10+$0x40 ss:$0x1], $0xffff;
	(xrf1) =	vunique.msk.u32 vm4, v17  }
0x2d4: {  	v18 =	vand.u32 $0x7FFFFFFF, v18;
	vm1 =	veq.s32 v19, v3;
	v19 =	vld.idx.msk [tilespmem:v6+s10+$0x40 ss:$0x1], $0xffff;
	(xrf1) =	vunique.msk.u32 $0xffff, v13  }
0x2d5: {  	v14 =	vshrl.u32 v14, $0x10;
	v16 =	vsel vm1, v20, v16;
	v20 =	vsub.f32 $1.000000000e+00, v21;
	v25 =	vld.idx.msk [tilespmem:v7+s10+$0x50 ss:$0x1], $0xffff;
	(xrf1) =	vunique.msk.u32 vm5, v13  }
0x2d6: {  	v16 =	vand.u32 $0x7FFFFFFF, v16;
	vm0 =	veq.s32 v15, v3;
	v15 =	vld.idx.msk [tilespmem:v6+s10+$0x50 ss:$0x1], $0xffff;
	_, v26, vm4 =	vpop (xrf1);
	(xrf1) =	vunique.msk.u32 $0xffff, v14  }
0x2d7: {  	v18 =	vshrl.u32 v18, $0x10;
	v20 =	vsel vm0, v20, v21;
	v21 =	vsub.f32 $1.000000000e+00, v23;
	v27 =	vld.idx.msk [tilespmem:v7+s10+$0x60 ss:$0x1], $0xffff;
	_, v28, vm5 =	vpop (xrf1);
	(xrf1) =	vunique.msk.u32 vm2, v14  }
0x2d8: {  	v20 =	vand.u32 $0x7FFFFFFF, v20;
	vm2 =	veq.s32 v22, v3;
	v22 =	vld.idx.msk [tilespmem:v6+s10+$0x60 ss:$0x1], $0xffff;
	_, v29, vm6 =	vpop (xrf1);
	(xrf1) =	vunique.msk.u32 $0xffff, v18  }
0x2d9: {  	v16 =	vshrl.u32 v16, $0x10;
	v21 =	vsel vm2, v21, v23;
	v23 =	vsub.f32 $1.000000000e+00, v24;
	v30 =	vld.idx.msk [tilespmem:v7+s10+$0x70 ss:$0x1], $0xffff;
	_, v31, vm7 =	vpop (xrf1);
	(xrf1) =	vunique.msk.u32 vm3, v18  }
0x2da: {  	v21 =	vand.u32 $0x7FFFFFFF, v21;
	vm3 =	veq.s32 v19, v3;
	v19 =	vld.idx.msk [tilespmem:v6+s10+$0x70 ss:$0x1], $0xffff;
	_, v32, vm8 =	vpop (xrf1);
	(xrf1) =	vunique.msk.u32 $0xffff, v16;
	s10 =	smov.u32 s2  }
0x2db: {  	v20 =	vshrl.u32 v20, $0x10;
	v23 =	vsel vm3, v23, v24;
	v24 =	vsub.f32 $1.000000000e+00, v25;
	_, v33, vm9 =	vpop (xrf1);
	(xrf1) =	vunique.msk.u32 vm1, v16  }
0x2dc: {  	v23 =	vand.u32 $0x7FFFFFFF, v23;
	vm1 =	veq.s32 v15, v3;
	[tilespmem:v12+s11+$0x0] =	vst.idx.add.s32.msk vm4, v26;
	_, v15, vm4 =	vpop (xrf1);
	(xrf1) =	vunique.msk.u32 $0xffff, v20  }
0x2dd: {  	v21 =	vshrl.u32 v21, $0x10;
	v24 =	vsel vm1, v24, v25;
	[tilespmem:v12+s29+$0x0] =	vst.idx.add.s32.msk vm5, v28;
	_, v12, vm5 =	vpop (xrf1);
	(xrf1) =	vunique.msk.u32 vm0, v20  }
0x2de: {  	v25 =	vsub.f32 $1.000000000e+00, v27;
	v24 =	vand.u32 $0x7FFFFFFF, v24;
	[tilespmem:v10+s11+$0x0] =	vst.idx.add.s32.msk vm6, v29;
	_, v26, vm6 =	vpop (xrf1);
	(xrf1) =	vunique.msk.u32 $0xffff, v21  }
0x2df: {  	v23 =	vshrl.u32 v23, $0x10;
	vm0 =	veq.s32 v22, v3;
	[tilespmem:v10+s29+$0x0] =	vst.idx.add.s32.msk vm7, v31;
	_, v10, vm7 =	vpop (xrf1);
	(xrf1) =	vunique.msk.u32 vm2, v21  }
0x2e0: {  	v22 =	vsel vm0, v25, v27;
	v25 =	vsub.f32 $1.000000000e+00, v30;
	[tilespmem:v8+s11+$0x0] =	vst.idx.add.s32.msk vm8, v32;
	_, v27, vm2 =	vpop (xrf1);
	(xrf1) =	vunique.msk.u32 $0xffff, v23  }
0x2e1: {  	v24 =	vshrl.u32 v24, $0x10;
	v28 =	vand.u32 $0x7FFFFFFF, v22;
	[tilespmem:v8+s29+$0x0] =	vst.idx.add.s32.msk vm9, v33;
	_, v8, vm8 =	vpop (xrf1);
	(xrf1) =	vunique.msk.u32 vm3, v23  }
0x2e2: {  	vm3 =	veq.s32 v19, v3;
	[tilespmem:v9+s11+$0x0] =	vst.idx.add.s32.msk vm4, v15;
	_, v15, vm4 =	vpop (xrf1);
	(xrf1) =	vunique.msk.u32 $0xffff, v24  }
0x2e3: {  	v19 =	vshrl.u32 v28, $0x10;
	v25 =	vsel vm3, v25, v30;
	[tilespmem:v9+s29+$0x0] =	vst.idx.add.s32.msk vm5, v12;
	_, v9, vm5 =	vpop (xrf1);
	(xrf1) =	vunique.msk.u32 vm1, v24  }
0x2e4: {  	v12 =	vand.u32 $0x7FFFFFFF, v25;
	[tilespmem:v11+s11+$0x0] =	vst.idx.add.s32.msk vm6, v26;
	_, v22, vm1 =	vpop (xrf1);
	(xrf1) =	vunique.msk.u32 $0xffff, v19  }
0x2e5: {  	v12 =	vshrl.u32 v12, $0x10;
	[tilespmem:v11+s29+$0x0] =	vst.idx.add.s32.msk vm7, v10;
	_, v10, vm6 =	vpop (xrf1);
	(xrf1) =	vunique.msk.u32 vm0, v19  }
0x2e6: {  	[tilespmem:v17+s11+$0x0] =	vst.idx.add.s32.msk vm2, v27;
	_, v11, vm0 =	vpop (xrf1);
	(xrf1) =	vunique.msk.u32 $0xffff, v12  }
0x2e7: {  	[tilespmem:v17+s29+$0x0] =	vst.idx.add.s32.msk vm8, v8;
	_, v8, vm2 =	vpop (xrf1);
	(xrf1) =	vunique.msk.u32 vm3, v12  }
0x2e8: {  	[tilespmem:v13+s11+$0x0] =	vst.idx.add.s32.msk vm4, v15;
	_, v15, vm3 =	vpop (xrf1)  }
0x2e9: {  	[tilespmem:v13+s29+$0x0] =	vst.idx.add.s32.msk vm5, v9;
	_, v9, vm4 =	vpop (xrf1)  }
0x2ea: {  	[tilespmem:v14+s11+$0x0] =	vst.idx.add.s32.msk vm1, v22;
	_, v13, vm1 =	vpop (xrf1)  }
0x2eb: {  	[tilespmem:v14+s29+$0x0] =	vst.idx.add.s32.msk vm6, v10;
	_, v10, vm5 =	vpop (xrf1)  }
0x2ec: {  	[tilespmem:v18+s11+$0x0] =	vst.idx.add.s32.msk vm0, v11;
	_, v11, vm0 =	vpop (xrf1)  }
0x2ed: {  	[tilespmem:v18+s29+$0x0] =	vst.idx.add.s32.msk vm2, v8;
	_, v8, vm2 =	vpop (xrf1)  }
0x2ee: {  	[tilespmem:v16+s11+$0x0] =	vst.idx.add.s32.msk vm3, v15;
	_, v14, vm3 =	vpop (xrf1)  }
0x2ef: {  	[tilespmem:v16+s29+$0x0] =	vst.idx.add.s32.msk vm4, v9;
	_, v9, vm4 =	vpop (xrf1)  }
0x2f0: {  	[tilespmem:v20+s11+$0x0] =	vst.idx.add.s32.msk vm1, v13;
	_, v13, vm1 =	vpop (xrf1)  }
0x2f1: {  	[tilespmem:v20+s29+$0x0] =	vst.idx.add.s32.msk vm5, v10;
	_, v10, vm5 =	vpop (xrf1)  }
0x2f2: {  	[tilespmem:v21+s11+$0x0] =	vst.idx.add.s32.msk vm0, v11;
	_, v11, vm0 =	vpop (xrf1)  }
0x2f3: {  	[tilespmem:v21+s29+$0x0] =	vst.idx.add.s32.msk vm2, v8;
	_, v8, vm2 =	vpop (xrf1)  }
0x2f4: {  	[tilespmem:v23+s11+$0x0] =	vst.idx.add.s32.msk vm3, v14;
	_, v14, vm3 =	vpop (xrf1)  }
0x2f5: {  	[tilespmem:v23+s29+$0x0] =	vst.idx.add.s32.msk vm4, v9;
	_, v9, vm4 =	vpop (xrf1)  }
0x2f6: {  	[tilespmem:v24+s11+$0x0] =	vst.idx.add.s32.msk vm1, v13  }
0x2f7: {  	[tilespmem:v24+s29+$0x0] =	vst.idx.add.s32.msk vm5, v10  }
0x2f8: {  	[tilespmem:v19+s11+$0x0] =	vst.idx.add.s32.msk vm0, v11  }
0x2f9: {  	[tilespmem:v19+s29+$0x0] =	vst.idx.add.s32.msk vm2, v8  }
0x2fa: {  	[tilespmem:v12+s11+$0x0] =	vst.idx.add.s32.msk vm3, v14  }
0x2fb: {  	[tilespmem:v12+s29+$0x0] =	vst.idx.add.s32.msk vm4, v9  }
0x2fc: {  	v13 =	vld.idx.msk [tilespmem:v6+s10+$0xFFFFFF00 ss:$0x1], $0xffff  }
.Ltmp32:
0x2fd: {  	v10 =	vld.idx.msk [tilespmem:v6+s10+$0xFFFFFF10 ss:$0x1], $0xffff;
	(pc) =	sbr.rel @!p3 .LBB2_67-.Ltmp32, $4  }
0x2fe: {  	v12 =	vld.idx.msk [tilespmem:v7+s10+$0xFFFFFF00 ss:$0x1], $0xffff  }
0x2ff: {  	v9 =	vld.idx.msk [tilespmem:v7+s10+$0xFFFFFF10 ss:$0x1], $0xffff  }
0x300: {  	v8 =	vld.idx.msk [tilespmem:v7+s10+$0xFFFFFF20 ss:$0x1], $0xffff  }
0x301: {  	v11 =	vld.idx.msk [tilespmem:v6+s10+$0xFFFFFF20 ss:$0x1], $0xffff  }
0x302: {  	_ =	sdelay $0x3  }
0x303: {  	v14 =	vld.idx.msk [tilespmem:v7+s10+$0xFFFFFF30 ss:$0x1], $0xffff  }
0x304: {  	v15 =	vld.idx.msk [tilespmem:v6+s10+$0xFFFFFF30 ss:$0x1], $0xffff  }
0x305: {  	v17 =	vld.idx.msk [tilespmem:v7+s10+$0xFFFFFF40 ss:$0x1], $0xffff;
	v16 =	vsub.f32 $1.000000000e+00, v12  }
0x306: {  	vm0 =	veq.s32 v13, v3;
	v18 =	vld.idx.msk [tilespmem:v6+s10+$0xFFFFFF40 ss:$0x1], $0xffff  }
0x307: {  	v27 =	vld.idx.msk [tilespmem:v7+s10+$0xFFFFFF50 ss:$0x1], $0xffff;
	v26 =	vsub.f32 $1.000000000e+00, v9;
	v12 =	vsel vm0, v16, v12  }
0x308: {  	vm1 =	veq.s32 v10, v3;
	v29 =	vld.idx.msk [tilespmem:v6+s10+$0xFFFFFF50 ss:$0x1], $0xffff;
	v12 =	vand.u32 $0x7FFFFFFF, v12  }
0x309: {  	v30 =	vld.idx.msk [tilespmem:v7+s10+$0xFFFFFF60 ss:$0x1], $0xffff;
	v28 =	vsub.f32 $1.000000000e+00, v8;
	v9 =	vsel vm1, v26, v9;
	v12 =	vshrl.u32 v12, $0x10  }
0x30a: {  	v19 =	vld.idx.msk [tilespmem:v6+s10+$0xFFFFFF60 ss:$0x1], $0xffff;
	vm2 =	veq.s32 v11, v3;
	v9 =	vand.u32 $0x7FFFFFFF, v9;
	(xrf1) =	vunique.msk.u32 $0xffff, v12  }
0x30b: {  	v32 =	vld.idx.msk [tilespmem:v7+s10+$0xFFFFFF70 ss:$0x1], $0xffff;
	v8 =	vsel vm2, v28, v8;
	v31 =	vsub.f32 $1.000000000e+00, v14;
	v9 =	vshrl.u32 v9, $0x10;
	(xrf1) =	vunique.msk.u32 vm0, v12  }
0x30c: {  	v33 =	vld.idx.msk [tilespmem:v6+s10+$0xFFFFFF70 ss:$0x1], $0xffff;
	vm10 =	veq.s32 v15, v3;
	v8 =	vand.u32 $0x7FFFFFFF, v8;
	(xrf1) =	vunique.msk.u32 $0xffff, v9  }
0x30d: {  	v34 =	vld.idx.msk [tilespmem:v7+s10+$0x0 ss:$0x1], $0xffff;
	v20 =	vsub.f32 $1.000000000e+00, v17;
	v14 =	vsel vm10, v31, v14;
	v8 =	vshrl.u32 v8, $0x10;
	(xrf1) =	vunique.msk.u32 vm1, v9  }
0x30e: {  	v21 =	vld.idx.msk [tilespmem:v6+s10+$0x0 ss:$0x1], $0xffff;
	vm11 =	veq.s32 v18, v3;
	v14 =	vand.u32 $0x7FFFFFFF, v14;
	(xrf1) =	vunique.msk.u32 $0xffff, v8  }
0x30f: {  	v36 =	vld.idx.msk [tilespmem:v7+s10+$0x10 ss:$0x1], $0xffff;
	v35 =	vsub.f32 $1.000000000e+00, v27;
	v17 =	vsel vm11, v20, v17;
	v14 =	vshrl.u32 v14, $0x10;
	(xrf1) =	vunique.msk.u32 vm2, v8  }
0x310: {  	v22 =	vld.idx.msk [tilespmem:v6+s10+$0x10 ss:$0x1], $0xffff;
	vm12 =	veq.s32 v29, v3;
	v17 =	vand.u32 $0x7FFFFFFF, v17;
	(xrf1) =	vunique.msk.u32 $0xffff, v14  }
0x311: {  	v38 =	vld.idx.msk [tilespmem:v7+s10+$0x20 ss:$0x1], $0xffff;
	v37 =	vsub.f32 $1.000000000e+00, v30;
	v10 =	vsel vm12, v35, v27;
	v17 =	vshrl.u32 v17, $0x10;
	(xrf1) =	vunique.msk.u32 vm10, v14  }
0x312: {  	v23 =	vld.idx.msk [tilespmem:v6+s10+$0x20 ss:$0x1], $0xffff;
	vm13 =	veq.s32 v19, v3;
	v10 =	vand.u32 $0x7FFFFFFF, v10;
	(xrf1) =	vunique.msk.u32 $0xffff, v17  }
0x313: {  	v40 =	vld.idx.msk [tilespmem:v7+s10+$0x30 ss:$0x1], $0xffff;
	v39 =	vsub.f32 $1.000000000e+00, v32;
	v11 =	vsel vm13, v37, v30;
	v10 =	vshrl.u32 v10, $0x10;
	(xrf1) =	vunique.msk.u32 vm11, v17  }
0x314: {  	v24 =	vld.idx.msk [tilespmem:v6+s10+$0x30 ss:$0x1], $0xffff;
	vm14 =	veq.s32 v33, v3;
	v11 =	vand.u32 $0x7FFFFFFF, v11;
	(xrf1) =	vunique.msk.u32 $0xffff, v10  }
0x315: {  	v42 =	vld.idx.msk [tilespmem:v7+s10+$0x40 ss:$0x1], $0xffff;
	v41 =	vsub.f32 $1.000000000e+00, v34;
	v15 =	vsel vm14, v39, v32;
	v11 =	vshrl.u32 v11, $0x10;
	(xrf1) =	vunique.msk.u32 vm12, v10  }
0x316: {  	v26 =	vld.idx.msk [tilespmem:v7+s10+$0x50 ss:$0x1], $0xffff;
	vm6 =	veq.s32 v21, v3;
	v15 =	vand.u32 $0x7FFFFFFF, v15;
	(xrf1) =	vunique.msk.u32 $0xffff, v11  }
0x317: {  	v43 =	vsub.f32 $1.000000000e+00, v36;
	v28 =	vld.idx.msk [tilespmem:v7+s10+$0x60 ss:$0x1], $0xffff;
	v18 =	vsel vm6, v41, v34;
	v15 =	vshrl.u32 v15, $0x10;
	(xrf1) =	vunique.msk.u32 vm13, v11  }
0x318: {  	vm3 =	veq.s32 v22, v3;
	v44 =	vsub.f32 $1.000000000e+00, v38;
	v7 =	vld.idx.msk [tilespmem:v7+s10+$0x70 ss:$0x1], $0xffff;
	v18 =	vand.u32 $0x7FFFFFFF, v18;
	_, v27, vm4 =	vpop (xrf1);
	(xrf1) =	vunique.msk.u32 $0xffff, v15  }
0x319: {  	v25 =	vld.idx.msk [tilespmem:v6+s10+$0x40 ss:$0x1], $0xffff;
	vm15 =	veq.s32 v23, v3;
	v13 =	vsel vm3, v43, v36;
	v18 =	vshrl.u32 v18, $0x10;
	_, v46, vm5 =	vpop (xrf1);
	(xrf1) =	vunique.msk.u32 vm14, v15  }
0x31a: {  	v47 =	vsub.f32 $1.000000000e+00, v40;
	v19 =	vsel vm15, v44, v38;
	v13 =	vand.u32 $0x7FFFFFFF, v13;
	_, v29, vm7 =	vpop (xrf1);
	(xrf1) =	vunique.msk.u32 $0xffff, v18  }
0x31b: {  	v45 =	vld.idx.msk [tilespmem:v6+s10+$0x50 ss:$0x1], $0xffff;
	v30 =	vsub.f32 $1.000000000e+00, v42;
	v19 =	vand.u32 $0x7FFFFFFF, v19;
	v13 =	vshrl.u32 v13, $0x10;
	_, v31, vm8 =	vpop (xrf1);
	(xrf1) =	vunique.msk.u32 vm6, v18  }
0x31c: {  	v48 =	vld.idx.msk [tilespmem:v6+s10+$0x60 ss:$0x1], $0xffff;
	v19 =	vshrl.u32 v19, $0x10;
	v51 =	vsub.f32 $1.000000000e+00, v26;
	vm12 =	veq.s32 v24, v3;
	_, v49, vm14 =	vpop (xrf1);
	(xrf1) =	vunique.msk.u32 $0xffff, v13  }
0x31d: {  	v6 =	vld.idx.msk [tilespmem:v6+s10+$0x70 ss:$0x1], $0xffff;
	v52 =	vsub.f32 $1.000000000e+00, v28;
	v55 =	vsub.f32 $1.000000000e+00, v7;
	v16 =	vsel vm12, v47, v40;
	_, v50, vm9 =	vpop (xrf1);
	(xrf1) =	vunique.msk.u32 vm3, v13  }
0x31e: {  	vm13 =	veq.s32 v25, v3;
	v16 =	vand.u32 $0x7FFFFFFF, v16;
	[tilespmem:v12+s11+$0x0] =	vst.idx.add.s32.msk vm4, v27;
	_, v27, vm4 =	vpop (xrf1);
	(xrf1) =	vunique.msk.u32 $0xffff, v19  }
0x31f: {  	v21 =	vsel vm13, v30, v42;
	v16 =	vshrl.u32 v16, $0x10;
	[tilespmem:v12+s29+$0x0] =	vst.idx.add.s32.msk vm5, v46;
	_, v12, vm5 =	vpop (xrf1);
	(xrf1) =	vunique.msk.u32 vm15, v19  }
0x320: {  	v21 =	vand.u32 $0x7FFFFFFF, v21;
	vm3 =	veq.s32 v45, v3;
	[tilespmem:v9+s11+$0x0] =	vst.idx.add.s32.msk vm7, v29;
	_, v53, vm15 =	vpop (xrf1);
	(xrf1) =	vunique.msk.u32 $0xffff, v16  }
0x321: {  	v21 =	vshrl.u32 v21, $0x10;
	v20 =	vsel vm3, v51, v26;
	[tilespmem:v9+s29+$0x0] =	vst.idx.add.s32.msk vm8, v31;
	_, v9, vm8 =	vpop (xrf1);
	(xrf1) =	vunique.msk.u32 vm12, v16  }
0x322: {  	v20 =	vand.u32 $0x7FFFFFFF, v20;
	vm7 =	veq.s32 v48, v3;
	[tilespmem:v8+s11+$0x0] =	vst.idx.add.s32.msk vm14, v49;
	_, v54, vm12 =	vpop (xrf1);
	(xrf1) =	vunique.msk.u32 $0xffff, v21  }
0x323: {  	v20 =	vshrl.u32 v20, $0x10;
	v23 =	vsel vm7, v52, v28;
	[tilespmem:v8+s29+$0x0] =	vst.idx.add.s32.msk vm9, v50;
	_, v56, vm6 =	vpop (xrf1);
	(xrf1) =	vunique.msk.u32 vm13, v21  }
0x324: {  	v23 =	vand.u32 $0x7FFFFFFF, v23;
	vm13 =	veq.s32 v6, v3;
	[tilespmem:v14+s11+$0x0] =	vst.idx.add.s32.msk vm4, v27;
	_, v6, vm14 =	vpop (xrf1);
	(xrf1) =	vunique.msk.u32 $0xffff, v20  }
0x325: {  	v23 =	vshrl.u32 v23, $0x10;
	v7 =	vsel vm13, v55, v7;
	[tilespmem:v14+s29+$0x0] =	vst.idx.add.s32.msk vm5, v12;
	_, v12, vm5 =	vpop (xrf1);
	(xrf1) =	vunique.msk.u32 vm3, v20  }
0x326: {  	v7 =	vand.u32 $0x7FFFFFFF, v7;
	[tilespmem:v17+s11+$0x0] =	vst.idx.add.s32.msk vm15, v53;
	_, v57, vm15 =	vpop (xrf1);
	(xrf1) =	vunique.msk.u32 $0xffff, v23  }
0x327: {  	v7 =	vshrl.u32 v7, $0x10;
	[tilespmem:v17+s29+$0x0] =	vst.idx.add.s32.msk vm8, v9;
	_, v58, vm9 =	vpop (xrf1);
	(xrf1) =	vunique.msk.u32 vm7, v23  }
0x328: {  	[tilespmem:v10+s11+$0x0] =	vst.idx.add.s32.msk vm12, v54;
	_, v59, vm10 =	vpop (xrf1);
	(xrf1) =	vunique.msk.u32 $0xffff, v7  }
0x329: {  	[tilespmem:v10+s29+$0x0] =	vst.idx.add.s32.msk vm6, v56;
	_, v8, vm6 =	vpop (xrf1);
	(xrf1) =	vunique.msk.u32 vm13, v7  }
0x32a: {  	[tilespmem:v11+s11+$0x0] =	vst.idx.add.s32.msk vm14, v6;
	_, v6, vm11 =	vpop (xrf1)  }
0x32b: {  	[tilespmem:v11+s29+$0x0] =	vst.idx.add.s32.msk vm5, v12;
	_, v60, vm12 =	vpop (xrf1)  }
0x32c: {  	[tilespmem:v15+s11+$0x0] =	vst.idx.add.s32.msk vm15, v57;
	_, v61, vm13 =	vpop (xrf1)  }
0x32d: {  	[tilespmem:v15+s29+$0x0] =	vst.idx.add.s32.msk vm9, v58;
	_, v9, vm3 =	vpop (xrf1)  }
0x32e: {  	[tilespmem:v18+s11+$0x0] =	vst.idx.add.s32.msk vm10, v59;
	_, v62, vm14 =	vpop (xrf1)  }
0x32f: {  	[tilespmem:v18+s29+$0x0] =	vst.idx.add.s32.msk vm6, v8;
	_, v63, vm15 =	vpop (xrf1)  }
0x330: {  	[tilespmem:v13+s11+$0x0] =	vst.idx.add.s32.msk vm11, v6;
	_, v6, vm1 =	vpop (xrf1)  }
0x331: {  	[tilespmem:v13+s29+$0x0] =	vst.idx.add.s32.msk vm12, v60;
	_, v10, vm4 =	vpop (xrf1)  }
0x332: {  	[tilespmem:v19+s11+$0x0] =	vst.idx.add.s32.msk vm13, v61;
	_, v11, vm0 =	vpop (xrf1)  }
0x333: {  	[tilespmem:v19+s29+$0x0] =	vst.idx.add.s32.msk vm3, v9;
	_, v9, vm3 =	vpop (xrf1)  }
0x334: {  	[tilespmem:v16+s11+$0x0] =	vst.idx.add.s32.msk vm14, v62;
	_, v12, vm2 =	vpop (xrf1)  }
0x335: {  	[tilespmem:v16+s29+$0x0] =	vst.idx.add.s32.msk vm15, v63;
	_, v8, vm5 =	vpop (xrf1)  }
0x336: {  	[tilespmem:v21+s11+$0x0] =	vst.idx.add.s32.msk vm1, v6;
	_, v6, vm1 =	vpop (xrf1)  }
0x337: {  	[tilespmem:v21+s29+$0x0] =	vst.idx.add.s32.msk vm4, v10;
	_, v10, vm4 =	vpop (xrf1)  }
0x338: {  	[tilespmem:v20+s11+$0x0] =	vst.idx.add.s32.msk vm0, v11  }
0x339: {  	[tilespmem:v20+s29+$0x0] =	vst.idx.add.s32.msk vm3, v9  }
0x33a: {  	[tilespmem:v23+s11+$0x0] =	vst.idx.add.s32.msk vm2, v12  }
0x33b: {  	[tilespmem:v23+s29+$0x0] =	vst.idx.add.s32.msk vm5, v8  }
0x33c: {  	[tilespmem:v7+s11+$0x0] =	vst.idx.add.s32.msk vm1, v6  }
0x33d: {  	[tilespmem:v7+s29+$0x0] =	vst.idx.add.s32.msk vm4, v10  }
0x33e: {  	p3 =	seq.s32 s9, $0x10  }
.Ltmp33:
0x33f: {  	_ = 	snop;
	(pc) =	sbr.rel @!p3 .LBB2_60-.Ltmp33, $2  }
0x340: {  	_ =	sdelay $0x2  }
0x341: {  	p1 =	por !p1, !p1;
	p2 =	por !p2, !p2;
	s1 =	smov.u32 s9  }
0x342: {  	s1 =	simm.s32 $0x0;
	s2 =	rddreg [dreg:$0x8]  }
0x343: {  	[hbm4b:s2+s30] =	stream.strided.scatter [tilespmem:s1], [sflag:$0x5], $0x8000, s31, s30, $0x38;
	[tilespmem:$0x18000] =	vst v63  }
0x344: {  	_ =	swait.ge [sflag:s21], $0x8000  }
0x345: {  	[sflag:s21] =	ssyncset.done $0x0  }
.Ltmp34:
0x346: {  	s28 =	rddreg [dreg:$0x9];
	[sflag:s21] =	ssyncadd.s32 $0xFFFF8000;
	(pc) =	sbr.rel @p0 .LBB2_88-.Ltmp34, $4  }
0x347: {  	[hbm4b:s28+s30] =	stream.strided.scatter [tilespmem:s29], [sflag:$0x5], $0x8000, s31, s30, $0x38;
	[tilespmem:$0x18000] =	vst v63  }
0x348: {  	_ =	swait.ge [sflag:s21], $0x8000  }
0x349: {  	[sflag:s21] =	ssyncset.done $0x0  }
0x34a: {  	[sflag:s21] =	ssyncadd.s32 $0xFFFF8000  }
0x34b: {  	s1 =	simm.s32 $0x40;
	s2 =	simm.s32 $0x0  }
.LBB2_71:
0x34c: {  	p1 =	sne.s32 s1, $0x1FFC0;
	[tilespmem:s2+$0x0] =	vst v5;
	s3 =	smov.u32 s1;
	s1 =	sadd.s32 $0x40, s1  }
.Ltmp35:
0x34d: {  	[tilespmem:s2+$0x8000] =	vst v5;
	(pc) =	sbr.rel @p1 .LBB2_71-.Ltmp35, $2  }
0x34e: {  	_ =	sdelay $0x2  }
0x34f: {  	s2 =	sshra.s32 s3, $0x2  }
0x350: {  	[tilespmem:s2+$0x0] =	vst v5  }
0x351: {  	[tilespmem:s2+$0x8000] =	vst v5;
	s2 =	simm.s32 $0x0;
	s1 =	simm.s32 $0x10000;
	s3 =	simm.s32 $0x0  }
.LBB2_73:
0x352: {  	p1 =	sne.s32 s3, $0x1F80  }
.Ltmp36:
0x353: {  	_ = 	snop;
	(pc) =	sbr.rel @p1 .LBB2_73-.Ltmp36, $4  }
0x354: {  	_ = 	snop  }
0x355: {  	s4 =	sadd.s32 s3, s17  }
0x356: {  	[tilespmem:s1], [sflag:$0x1] =	stream.linear.gather [hbm4b:s4+s2], $0x80, $0x38;
	[tilespmem:$0x18000] =	vst v63  }
0x357: {  	s3 =	sadd.s32 $0x80, s3;
	s1 =	sadd.s32 $0x100, s1  }
0x358: {  	s3 =	simm.s32 $0x14000  }
.LBB2_75:
0x359: {  	p1 =	seq.s32 s2, $0xFC0  }
.Ltmp37:
0x35a: {  	_ = 	snop;
	(pc) =	sbr.rel @!p1 .LBB2_75-.Ltmp37, $4  }
0x35b: {  	_ = 	snop  }
0x35c: {  	s4 =	sadd.s32 s2, s26;
	s1 =	simm.s32 $0x0  }
0x35d: {  	[tilespmem:s3], [sflag:$0x3] =	stream.linear.gather [hbm4b:s4+s1], $0x80, $0x38;
	[tilespmem:$0x18000] =	vst v63  }
0x35e: {  	s2 =	sadd.s32 $0x40, s2;
	s3 =	sadd.s32 $0x100, s3  }
0x35f: {  	p1 =	por $0x1, $0x1;
	p2 =	por $0x0, $0x0  }
.LBB2_78:
0x360: {  	p3 =	seq.s32 s1, $0xF  }
.Ltmp38:
0x361: {  	_ = 	snop;
	(pc) =	sbr.rel @p3 .LBB2_84-.Ltmp38, $2  }
0x362: {  	_ =	sdelay $0x2  }
0x363: {  	s9 =	sadd.s32 $0x1, s1  }
0x364: {  	s2 =	simm.s32 $0x1  }
0x365: {  	s3 =	sshll.u32 s9, $0xD;
	s10 =	sand.u32 $0x1, s9;
	s2 =	simm.s32 @!p1 $0x0  }
0x366: {  	s7 =	simm.s32 $0x80;
	s3 =	sadd.s32 s25, s3;
	s4 =	sshll.u32 s2, $0x7  }
0x367: {  	s6 =	sadd.s32 s23, s3;
	s2 =	sor.u32 $0x14000, s4;
	s5 =	sor.u32 $0x10000, s4  }
0x368: {  	s4 =	sadd.s32 $0x1, s10;
	s28 =	sadd.s32 $0x0, s6;
	s8 =	sadd.s32 $0x100, s5  }
.LBB2_80:
0x369: {  	[tilespmem:s5], [sflag:s4] =	stream.linear.gather [hbm4b:s28+s11], $0x80, $0x38;
	[tilespmem:$0x18000] =	vst v63  }
0x36a: {  	s28 =	smov.u32 s7;
	s5 =	smov.u32 s8;
	p3 =	sne.s32 s7, $0x1F80  }
.Ltmp39:
0x36b: {  	s7 =	sadd.s32 $0x80, s7;
	(pc) =	sbr.rel @p3 .LBB2_80-.Ltmp39, $2  }
0x36c: {  	_ =	sdelay $0x2  }
0x36d: {  	s8 =	sadd.s32 $0x100, s8;
	s28 =	sadd.s32 s28, s6  }
0x36e: {  	[tilespmem:s5], [sflag:s4] =	stream.linear.gather [hbm4b:s28+s11], $0x80, $0x38;
	[tilespmem:$0x18000] =	vst v63  }
0x36f: {  	s3 =	sshll.u32 s3, $0x2  }
0x370: {  	s3 =	sor.u32 s13, s3  }
0x371: {  	s28 =	sshrl.u32 s3, $0x3  }
0x372: {  	s5 =	simm.s32 $0x40;
	s4 =	sadd.s32 s24, s28  }
0x373: {  	s6 =	sadd.s32 $0x100, s2;
	s3 =	sadd.s32 $0x3, s10;
	s7 =	sadd.s32 $0x0, s4  }
.LBB2_82:
0x374: {  	[tilespmem:s2], [sflag:s3] =	stream.linear.gather [hbm4b:s7+s11], $0x80, $0x38;
	[tilespmem:$0x18000] =	vst v63  }
0x375: {  	s7 =	smov.u32 s5;
	s2 =	smov.u32 s6;
	p3 =	sne.s32 s5, $0xFC0  }
.Ltmp40:
0x376: {  	s5 =	sadd.s32 $0x40, s5;
	(pc) =	sbr.rel @p3 .LBB2_82-.Ltmp40, $2  }
0x377: {  	_ =	sdelay $0x2  }
0x378: {  	s6 =	sadd.s32 $0x100, s6;
	s7 =	sadd.s32 s7, s4  }
0x379: {  	[tilespmem:s2], [sflag:s3] =	stream.linear.gather [hbm4b:s7+s11], $0x80, $0x38;
	[tilespmem:$0x18000] =	vst v63  }
.LBB2_84:
0x37a: {  	s2 =	simm.s32 $0x1  }
0x37b: {  	s1 =	sand.u32 $0x1, s1;
	s2 =	simm.s32 @!p2 $0x0  }
0x37c: {  	s3 =	sadd.s32 $0x1, s1;
	s2 =	sshll.u32 s2, $0x7  }
0x37d: {  	_ =	swait.ge [sflag:s3], $0x2000;
	s4 =	sor.u32 $0x14100, s2  }
0x37e: {  	[sflag:s3] =	ssyncset.done $0x0;
	v6 =	vmov s4  }
0x37f: {  	s1 =	sadd.s32 $0x3, s1;
	s2 =	sor.u32 $0x10100, s2;
	[sflag:s3] =	ssyncadd.s32 $0xFFFFE000  }
0x380: {  	v7 =	vmov s2;
	_ =	swait.ge [sflag:s1], $0x2000  }
0x381: {  	[sflag:s1] =	ssyncset.done $0x0  }
0x382: {  	s10 =	simm.s32 $0x0;
	[sflag:s1] =	ssyncadd.s32 $0xFFFFE000  }
0x383: {  	v13 =	vld.idx.msk [tilespmem:v6+s10+$0xFFFFFF00 ss:$0x1], $0xffff  }
0x384: {  	v10 =	vld.idx.msk [tilespmem:v6+s10+$0xFFFFFF10 ss:$0x1], $0xffff  }
0x385: {  	v12 =	vld.idx.msk [tilespmem:v7+s10+$0xFFFFFF00 ss:$0x1], $0xffff  }
0x386: {  	v9 =	vld.idx.msk [tilespmem:v7+s10+$0xFFFFFF10 ss:$0x1], $0xffff  }
0x387: {  	v8 =	vld.idx.msk [tilespmem:v7+s10+$0xFFFFFF20 ss:$0x1], $0xffff  }
0x388: {  	s1 =	simm.s32 $0x800;
	v11 =	vld.idx.msk [tilespmem:v6+s10+$0xFFFFFF20 ss:$0x1], $0xffff  }
.LBB2_85:
0x389: {  	s2 =	sshra.s32 s1, $0x2;
	p3 =	seq.s32 s1, $0xF800;
	s1 =	sadd.s32 $0x800, s1;
	v14 =	vld.idx.msk [tilespmem:v7+s10+$0xFFFFFF30 ss:$0x1], $0xffff  }
0x38a: {  	v15 =	vld.idx.msk [tilespmem:v6+s10+$0xFFFFFF30 ss:$0x1], $0xffff  }
0x38b: {  	v16 =	vsub.f32 $1.000000000e+00, v12;
	v17 =	vld.idx.msk [tilespmem:v7+s10+$0xFFFFFF40 ss:$0x1], $0xffff  }
0x38c: {  	vm1 =	veq.s32 v13, v4;
	v13 =	vsub.f32 $1.000000000e+00, v9;
	v18 =	vld.idx.msk [tilespmem:v6+s10+$0xFFFFFF40 ss:$0x1], $0xffff  }
0x38d: {  	vm3 =	veq.s32 v10, v4;
	v12 =	vsel vm1, v16, v12;
	v10 =	vsub.f32 $1.000000000e+00, v8;
	v16 =	vld.idx.msk [tilespmem:v7+s10+$0xFFFFFF50 ss:$0x1], $0xffff  }
0x38e: {  	v12 =	vand.u32 $0x7FFFFFFF, v12;
	v9 =	vsel vm3, v13, v9;
	vm2 =	veq.s32 v11, v4;
	v11 =	vld.idx.msk [tilespmem:v6+s10+$0xFFFFFF50 ss:$0x1], $0xffff  }
0x38f: {  	v12 =	vshrl.u32 v12, $0x10;
	v9 =	vand.u32 $0x7FFFFFFF, v9;
	v8 =	vsel vm2, v10, v8;
	v13 =	vld.idx.msk [tilespmem:v7+s10+$0xFFFFFF60 ss:$0x1], $0xffff  }
0x390: {  	v8 =	vand.u32 $0x7FFFFFFF, v8;
	vm0 =	veq.s32 v15, v4;
	v15 =	vsub.f32 $1.000000000e+00, v14;
	v19 =	vld.idx.msk [tilespmem:v6+s10+$0xFFFFFF60 ss:$0x1], $0xffff;
	(xrf1) =	vunique.msk.u32 $0xffff, v12  }
0x391: {  	v10 =	vshrl.u32 v9, $0x10;
	v9 =	vsub.f32 $1.000000000e+00, v17;
	v20 =	vld.idx.msk [tilespmem:v7+s10+$0xFFFFFF70 ss:$0x1], $0xffff;
	(xrf1) =	vunique.msk.u32 vm1, v12  }
0x392: {  	v14 =	vsel vm0, v15, v14;
	vm1 =	veq.s32 v18, v4;
	v15 =	vld.idx.msk [tilespmem:v6+s10+$0xFFFFFF70 ss:$0x1], $0xffff;
	(xrf1) =	vunique.msk.u32 $0xffff, v10  }
0x393: {  	v8 =	vshrl.u32 v8, $0x10;
	v9 =	vsel vm1, v9, v17;
	v17 =	vsub.f32 $1.000000000e+00, v16;
	v18 =	vld.idx.msk [tilespmem:v7+s10+$0x0 ss:$0x1], $0xffff;
	(xrf1) =	vunique.msk.u32 vm3, v10  }
0x394: {  	v14 =	vand.u32 $0x7FFFFFFF, v14;
	v21 =	vand.u32 $0x7FFFFFFF, v9;
	vm4 =	veq.s32 v11, v4;
	v22 =	vld.idx.msk [tilespmem:v6+s10+$0x0 ss:$0x1], $0xffff;
	(xrf1) =	vunique.msk.u32 $0xffff, v8  }
0x395: {  	v9 =	vshrl.u32 v14, $0x10;
	v11 =	vsel vm4, v17, v16;
	v14 =	vsub.f32 $1.000000000e+00, v13;
	v16 =	vld.idx.msk [tilespmem:v7+s10+$0x10 ss:$0x1], $0xffff;
	(xrf1) =	vunique.msk.u32 vm2, v8  }
0x396: {  	v17 =	vand.u32 $0x7FFFFFFF, v11;
	vm5 =	veq.s32 v19, v4;
	v19 =	vld.idx.msk [tilespmem:v6+s10+$0x10 ss:$0x1], $0xffff;
	(xrf1) =	vunique.msk.u32 $0xffff, v9  }
0x397: {  	v11 =	vshrl.u32 v21, $0x10;
	v13 =	vsel vm5, v14, v13;
	v14 =	vsub.f32 $1.000000000e+00, v20;
	v21 =	vld.idx.msk [tilespmem:v7+s10+$0x20 ss:$0x1], $0xffff;
	(xrf1) =	vunique.msk.u32 vm0, v9  }
0x398: {  	v13 =	vand.u32 $0x7FFFFFFF, v13;
	vm2 =	veq.s32 v15, v4;
	v15 =	vld.idx.msk [tilespmem:v6+s10+$0x20 ss:$0x1], $0xffff;
	(xrf1) =	vunique.msk.u32 $0xffff, v11  }
0x399: {  	v17 =	vshrl.u32 v17, $0x10;
	v14 =	vsel vm2, v14, v20;
	v20 =	vsub.f32 $1.000000000e+00, v18;
	v23 =	vld.idx.msk [tilespmem:v7+s10+$0x30 ss:$0x1], $0xffff;
	(xrf1) =	vunique.msk.u32 vm1, v11  }
0x39a: {  	v14 =	vand.u32 $0x7FFFFFFF, v14;
	vm3 =	veq.s32 v22, v4;
	v22 =	vld.idx.msk [tilespmem:v6+s10+$0x30 ss:$0x1], $0xffff;
	(xrf1) =	vunique.msk.u32 $0xffff, v17  }
0x39b: {  	v13 =	vshrl.u32 v13, $0x10;
	v18 =	vsel vm3, v20, v18;
	v20 =	vsub.f32 $1.000000000e+00, v16;
	v24 =	vld.idx.msk [tilespmem:v7+s10+$0x40 ss:$0x1], $0xffff;
	(xrf1) =	vunique.msk.u32 vm4, v17  }
0x39c: {  	v18 =	vand.u32 $0x7FFFFFFF, v18;
	vm1 =	veq.s32 v19, v4;
	v19 =	vld.idx.msk [tilespmem:v6+s10+$0x40 ss:$0x1], $0xffff;
	(xrf1) =	vunique.msk.u32 $0xffff, v13  }
0x39d: {  	v14 =	vshrl.u32 v14, $0x10;
	v16 =	vsel vm1, v20, v16;
	v20 =	vsub.f32 $1.000000000e+00, v21;
	v25 =	vld.idx.msk [tilespmem:v7+s10+$0x50 ss:$0x1], $0xffff;
	(xrf1) =	vunique.msk.u32 vm5, v13  }
0x39e: {  	v16 =	vand.u32 $0x7FFFFFFF, v16;
	vm0 =	veq.s32 v15, v4;
	v15 =	vld.idx.msk [tilespmem:v6+s10+$0x50 ss:$0x1], $0xffff;
	_, v26, vm4 =	vpop (xrf1);
	(xrf1) =	vunique.msk.u32 $0xffff, v14  }
0x39f: {  	v18 =	vshrl.u32 v18, $0x10;
	v20 =	vsel vm0, v20, v21;
	v21 =	vsub.f32 $1.000000000e+00, v23;
	v27 =	vld.idx.msk [tilespmem:v7+s10+$0x60 ss:$0x1], $0xffff;
	_, v28, vm5 =	vpop (xrf1);
	(xrf1) =	vunique.msk.u32 vm2, v14  }
0x3a0: {  	v20 =	vand.u32 $0x7FFFFFFF, v20;
	vm2 =	veq.s32 v22, v4;
	v22 =	vld.idx.msk [tilespmem:v6+s10+$0x60 ss:$0x1], $0xffff;
	_, v29, vm6 =	vpop (xrf1);
	(xrf1) =	vunique.msk.u32 $0xffff, v18  }
0x3a1: {  	v16 =	vshrl.u32 v16, $0x10;
	v21 =	vsel vm2, v21, v23;
	v23 =	vsub.f32 $1.000000000e+00, v24;
	v30 =	vld.idx.msk [tilespmem:v7+s10+$0x70 ss:$0x1], $0xffff;
	_, v31, vm7 =	vpop (xrf1);
	(xrf1) =	vunique.msk.u32 vm3, v18  }
0x3a2: {  	v21 =	vand.u32 $0x7FFFFFFF, v21;
	vm3 =	veq.s32 v19, v4;
	v19 =	vld.idx.msk [tilespmem:v6+s10+$0x70 ss:$0x1], $0xffff;
	_, v32, vm8 =	vpop (xrf1);
	(xrf1) =	vunique.msk.u32 $0xffff, v16;
	s10 =	smov.u32 s2  }
0x3a3: {  	v20 =	vshrl.u32 v20, $0x10;
	v23 =	vsel vm3, v23, v24;
	v24 =	vsub.f32 $1.000000000e+00, v25;
	_, v33, vm9 =	vpop (xrf1);
	(xrf1) =	vunique.msk.u32 vm1, v16  }
0x3a4: {  	v23 =	vand.u32 $0x7FFFFFFF, v23;
	vm1 =	veq.s32 v15, v4;
	[tilespmem:v12+s11+$0x0] =	vst.idx.add.s32.msk vm4, v26;
	_, v15, vm4 =	vpop (xrf1);
	(xrf1) =	vunique.msk.u32 $0xffff, v20  }
0x3a5: {  	v21 =	vshrl.u32 v21, $0x10;
	v24 =	vsel vm1, v24, v25;
	[tilespmem:v12+s29+$0x0] =	vst.idx.add.s32.msk vm5, v28;
	_, v12, vm5 =	vpop (xrf1);
	(xrf1) =	vunique.msk.u32 vm0, v20  }
0x3a6: {  	v25 =	vsub.f32 $1.000000000e+00, v27;
	v24 =	vand.u32 $0x7FFFFFFF, v24;
	[tilespmem:v10+s11+$0x0] =	vst.idx.add.s32.msk vm6, v29;
	_, v26, vm6 =	vpop (xrf1);
	(xrf1) =	vunique.msk.u32 $0xffff, v21  }
0x3a7: {  	v23 =	vshrl.u32 v23, $0x10;
	vm0 =	veq.s32 v22, v4;
	[tilespmem:v10+s29+$0x0] =	vst.idx.add.s32.msk vm7, v31;
	_, v10, vm7 =	vpop (xrf1);
	(xrf1) =	vunique.msk.u32 vm2, v21  }
0x3a8: {  	v22 =	vsel vm0, v25, v27;
	v25 =	vsub.f32 $1.000000000e+00, v30;
	[tilespmem:v8+s11+$0x0] =	vst.idx.add.s32.msk vm8, v32;
	_, v27, vm2 =	vpop (xrf1);
	(xrf1) =	vunique.msk.u32 $0xffff, v23  }
0x3a9: {  	v24 =	vshrl.u32 v24, $0x10;
	v28 =	vand.u32 $0x7FFFFFFF, v22;
	[tilespmem:v8+s29+$0x0] =	vst.idx.add.s32.msk vm9, v33;
	_, v8, vm8 =	vpop (xrf1);
	(xrf1) =	vunique.msk.u32 vm3, v23  }
0x3aa: {  	vm3 =	veq.s32 v19, v4;
	[tilespmem:v9+s11+$0x0] =	vst.idx.add.s32.msk vm4, v15;
	_, v15, vm4 =	vpop (xrf1);
	(xrf1) =	vunique.msk.u32 $0xffff, v24  }
0x3ab: {  	v19 =	vshrl.u32 v28, $0x10;
	v25 =	vsel vm3, v25, v30;
	[tilespmem:v9+s29+$0x0] =	vst.idx.add.s32.msk vm5, v12;
	_, v9, vm5 =	vpop (xrf1);
	(xrf1) =	vunique.msk.u32 vm1, v24  }
0x3ac: {  	v12 =	vand.u32 $0x7FFFFFFF, v25;
	[tilespmem:v11+s11+$0x0] =	vst.idx.add.s32.msk vm6, v26;
	_, v22, vm1 =	vpop (xrf1);
	(xrf1) =	vunique.msk.u32 $0xffff, v19  }
0x3ad: {  	v12 =	vshrl.u32 v12, $0x10;
	[tilespmem:v11+s29+$0x0] =	vst.idx.add.s32.msk vm7, v10;
	_, v10, vm6 =	vpop (xrf1);
	(xrf1) =	vunique.msk.u32 vm0, v19  }
0x3ae: {  	[tilespmem:v17+s11+$0x0] =	vst.idx.add.s32.msk vm2, v27;
	_, v11, vm0 =	vpop (xrf1);
	(xrf1) =	vunique.msk.u32 $0xffff, v12  }
0x3af: {  	[tilespmem:v17+s29+$0x0] =	vst.idx.add.s32.msk vm8, v8;
	_, v8, vm2 =	vpop (xrf1);
	(xrf1) =	vunique.msk.u32 vm3, v12  }
0x3b0: {  	[tilespmem:v13+s11+$0x0] =	vst.idx.add.s32.msk vm4, v15;
	_, v15, vm3 =	vpop (xrf1)  }
0x3b1: {  	[tilespmem:v13+s29+$0x0] =	vst.idx.add.s32.msk vm5, v9;
	_, v9, vm4 =	vpop (xrf1)  }
0x3b2: {  	[tilespmem:v14+s11+$0x0] =	vst.idx.add.s32.msk vm1, v22;
	_, v13, vm1 =	vpop (xrf1)  }
0x3b3: {  	[tilespmem:v14+s29+$0x0] =	vst.idx.add.s32.msk vm6, v10;
	_, v10, vm5 =	vpop (xrf1)  }
0x3b4: {  	[tilespmem:v18+s11+$0x0] =	vst.idx.add.s32.msk vm0, v11;
	_, v11, vm0 =	vpop (xrf1)  }
0x3b5: {  	[tilespmem:v18+s29+$0x0] =	vst.idx.add.s32.msk vm2, v8;
	_, v8, vm2 =	vpop (xrf1)  }
0x3b6: {  	[tilespmem:v16+s11+$0x0] =	vst.idx.add.s32.msk vm3, v15;
	_, v14, vm3 =	vpop (xrf1)  }
0x3b7: {  	[tilespmem:v16+s29+$0x0] =	vst.idx.add.s32.msk vm4, v9;
	_, v9, vm4 =	vpop (xrf1)  }
0x3b8: {  	[tilespmem:v20+s11+$0x0] =	vst.idx.add.s32.msk vm1, v13;
	_, v13, vm1 =	vpop (xrf1)  }
0x3b9: {  	[tilespmem:v20+s29+$0x0] =	vst.idx.add.s32.msk vm5, v10;
	_, v10, vm5 =	vpop (xrf1)  }
0x3ba: {  	[tilespmem:v21+s11+$0x0] =	vst.idx.add.s32.msk vm0, v11;
	_, v11, vm0 =	vpop (xrf1)  }
0x3bb: {  	[tilespmem:v21+s29+$0x0] =	vst.idx.add.s32.msk vm2, v8;
	_, v8, vm2 =	vpop (xrf1)  }
0x3bc: {  	[tilespmem:v23+s11+$0x0] =	vst.idx.add.s32.msk vm3, v14;
	_, v14, vm3 =	vpop (xrf1)  }
0x3bd: {  	[tilespmem:v23+s29+$0x0] =	vst.idx.add.s32.msk vm4, v9;
	_, v9, vm4 =	vpop (xrf1)  }
0x3be: {  	[tilespmem:v24+s11+$0x0] =	vst.idx.add.s32.msk vm1, v13  }
0x3bf: {  	[tilespmem:v24+s29+$0x0] =	vst.idx.add.s32.msk vm5, v10  }
0x3c0: {  	[tilespmem:v19+s11+$0x0] =	vst.idx.add.s32.msk vm0, v11  }
0x3c1: {  	[tilespmem:v19+s29+$0x0] =	vst.idx.add.s32.msk vm2, v8  }
0x3c2: {  	[tilespmem:v12+s11+$0x0] =	vst.idx.add.s32.msk vm3, v14  }
0x3c3: {  	[tilespmem:v12+s29+$0x0] =	vst.idx.add.s32.msk vm4, v9  }
0x3c4: {  	v13 =	vld.idx.msk [tilespmem:v6+s10+$0xFFFFFF00 ss:$0x1], $0xffff  }
.Ltmp41:
0x3c5: {  	v10 =	vld.idx.msk [tilespmem:v6+s10+$0xFFFFFF10 ss:$0x1], $0xffff;
	(pc) =	sbr.rel @!p3 .LBB2_85-.Ltmp41, $4  }
0x3c6: {  	v12 =	vld.idx.msk [tilespmem:v7+s10+$0xFFFFFF00 ss:$0x1], $0xffff  }
0x3c7: {  	v9 =	vld.idx.msk [tilespmem:v7+s10+$0xFFFFFF10 ss:$0x1], $0xffff  }
0x3c8: {  	v8 =	vld.idx.msk [tilespmem:v7+s10+$0xFFFFFF20 ss:$0x1], $0xffff  }
0x3c9: {  	v11 =	vld.idx.msk [tilespmem:v6+s10+$0xFFFFFF20 ss:$0x1], $0xffff  }
0x3ca: {  	_ =	sdelay $0x3  }
0x3cb: {  	v14 =	vld.idx.msk [tilespmem:v7+s10+$0xFFFFFF30 ss:$0x1], $0xffff  }
0x3cc: {  	v15 =	vld.idx.msk [tilespmem:v6+s10+$0xFFFFFF30 ss:$0x1], $0xffff  }
0x3cd: {  	v17 =	vld.idx.msk [tilespmem:v7+s10+$0xFFFFFF40 ss:$0x1], $0xffff;
	v16 =	vsub.f32 $1.000000000e+00, v12  }
0x3ce: {  	vm0 =	veq.s32 v13, v4;
	v18 =	vld.idx.msk [tilespmem:v6+s10+$0xFFFFFF40 ss:$0x1], $0xffff  }
0x3cf: {  	v27 =	vld.idx.msk [tilespmem:v7+s10+$0xFFFFFF50 ss:$0x1], $0xffff;
	v26 =	vsub.f32 $1.000000000e+00, v9;
	v12 =	vsel vm0, v16, v12  }
0x3d0: {  	vm1 =	veq.s32 v10, v4;
	v29 =	vld.idx.msk [tilespmem:v6+s10+$0xFFFFFF50 ss:$0x1], $0xffff;
	v12 =	vand.u32 $0x7FFFFFFF, v12  }
0x3d1: {  	v30 =	vld.idx.msk [tilespmem:v7+s10+$0xFFFFFF60 ss:$0x1], $0xffff;
	v28 =	vsub.f32 $1.000000000e+00, v8;
	v9 =	vsel vm1, v26, v9;
	v12 =	vshrl.u32 v12, $0x10  }
0x3d2: {  	v19 =	vld.idx.msk [tilespmem:v6+s10+$0xFFFFFF60 ss:$0x1], $0xffff;
	vm2 =	veq.s32 v11, v4;
	v9 =	vand.u32 $0x7FFFFFFF, v9;
	(xrf1) =	vunique.msk.u32 $0xffff, v12  }
0x3d3: {  	v32 =	vld.idx.msk [tilespmem:v7+s10+$0xFFFFFF70 ss:$0x1], $0xffff;
	v8 =	vsel vm2, v28, v8;
	v31 =	vsub.f32 $1.000000000e+00, v14;
	v9 =	vshrl.u32 v9, $0x10;
	(xrf1) =	vunique.msk.u32 vm0, v12  }
0x3d4: {  	v33 =	vld.idx.msk [tilespmem:v6+s10+$0xFFFFFF70 ss:$0x1], $0xffff;
	vm10 =	veq.s32 v15, v4;
	v8 =	vand.u32 $0x7FFFFFFF, v8;
	(xrf1) =	vunique.msk.u32 $0xffff, v9  }
0x3d5: {  	v34 =	vld.idx.msk [tilespmem:v7+s10+$0x0 ss:$0x1], $0xffff;
	v20 =	vsub.f32 $1.000000000e+00, v17;
	v14 =	vsel vm10, v31, v14;
	v8 =	vshrl.u32 v8, $0x10;
	(xrf1) =	vunique.msk.u32 vm1, v9  }
0x3d6: {  	v21 =	vld.idx.msk [tilespmem:v6+s10+$0x0 ss:$0x1], $0xffff;
	vm11 =	veq.s32 v18, v4;
	v14 =	vand.u32 $0x7FFFFFFF, v14;
	(xrf1) =	vunique.msk.u32 $0xffff, v8  }
0x3d7: {  	v36 =	vld.idx.msk [tilespmem:v7+s10+$0x10 ss:$0x1], $0xffff;
	v35 =	vsub.f32 $1.000000000e+00, v27;
	v17 =	vsel vm11, v20, v17;
	v14 =	vshrl.u32 v14, $0x10;
	(xrf1) =	vunique.msk.u32 vm2, v8  }
0x3d8: {  	v22 =	vld.idx.msk [tilespmem:v6+s10+$0x10 ss:$0x1], $0xffff;
	vm12 =	veq.s32 v29, v4;
	v17 =	vand.u32 $0x7FFFFFFF, v17;
	(xrf1) =	vunique.msk.u32 $0xffff, v14  }
0x3d9: {  	v38 =	vld.idx.msk [tilespmem:v7+s10+$0x20 ss:$0x1], $0xffff;
	v37 =	vsub.f32 $1.000000000e+00, v30;
	v10 =	vsel vm12, v35, v27;
	v17 =	vshrl.u32 v17, $0x10;
	(xrf1) =	vunique.msk.u32 vm10, v14  }
0x3da: {  	v23 =	vld.idx.msk [tilespmem:v6+s10+$0x20 ss:$0x1], $0xffff;
	vm13 =	veq.s32 v19, v4;
	v10 =	vand.u32 $0x7FFFFFFF, v10;
	(xrf1) =	vunique.msk.u32 $0xffff, v17  }
0x3db: {  	v40 =	vld.idx.msk [tilespmem:v7+s10+$0x30 ss:$0x1], $0xffff;
	v39 =	vsub.f32 $1.000000000e+00, v32;
	v11 =	vsel vm13, v37, v30;
	v10 =	vshrl.u32 v10, $0x10;
	(xrf1) =	vunique.msk.u32 vm11, v17  }
0x3dc: {  	v24 =	vld.idx.msk [tilespmem:v6+s10+$0x30 ss:$0x1], $0xffff;
	vm14 =	veq.s32 v33, v4;
	v11 =	vand.u32 $0x7FFFFFFF, v11;
	(xrf1) =	vunique.msk.u32 $0xffff, v10  }
0x3dd: {  	v42 =	vld.idx.msk [tilespmem:v7+s10+$0x40 ss:$0x1], $0xffff;
	v41 =	vsub.f32 $1.000000000e+00, v34;
	v15 =	vsel vm14, v39, v32;
	v11 =	vshrl.u32 v11, $0x10;
	(xrf1) =	vunique.msk.u32 vm12, v10  }
0x3de: {  	v26 =	vld.idx.msk [tilespmem:v7+s10+$0x50 ss:$0x1], $0xffff;
	vm6 =	veq.s32 v21, v4;
	v15 =	vand.u32 $0x7FFFFFFF, v15;
	(xrf1) =	vunique.msk.u32 $0xffff, v11  }
0x3df: {  	v43 =	vsub.f32 $1.000000000e+00, v36;
	v28 =	vld.idx.msk [tilespmem:v7+s10+$0x60 ss:$0x1], $0xffff;
	v18 =	vsel vm6, v41, v34;
	v15 =	vshrl.u32 v15, $0x10;
	(xrf1) =	vunique.msk.u32 vm13, v11  }
0x3e0: {  	vm3 =	veq.s32 v22, v4;
	v44 =	vsub.f32 $1.000000000e+00, v38;
	v7 =	vld.idx.msk [tilespmem:v7+s10+$0x70 ss:$0x1], $0xffff;
	v18 =	vand.u32 $0x7FFFFFFF, v18;
	_, v27, vm4 =	vpop (xrf1);
	(xrf1) =	vunique.msk.u32 $0xffff, v15  }
0x3e1: {  	v25 =	vld.idx.msk [tilespmem:v6+s10+$0x40 ss:$0x1], $0xffff;
	vm15 =	veq.s32 v23, v4;
	v13 =	vsel vm3, v43, v36;
	v18 =	vshrl.u32 v18, $0x10;
	_, v46, vm5 =	vpop (xrf1);
	(xrf1) =	vunique.msk.u32 vm14, v15  }
0x3e2: {  	v47 =	vsub.f32 $1.000000000e+00, v40;
	v19 =	vsel vm15, v44, v38;
	v13 =	vand.u32 $0x7FFFFFFF, v13;
	_, v29, vm7 =	vpop (xrf1);
	(xrf1) =	vunique.msk.u32 $0xffff, v18  }
0x3e3: {  	v45 =	vld.idx.msk [tilespmem:v6+s10+$0x50 ss:$0x1], $0xffff;
	v30 =	vsub.f32 $1.000000000e+00, v42;
	v19 =	vand.u32 $0x7FFFFFFF, v19;
	v13 =	vshrl.u32 v13, $0x10;
	_, v31, vm8 =	vpop (xrf1);
	(xrf1) =	vunique.msk.u32 vm6, v18  }
0x3e4: {  	v48 =	vld.idx.msk [tilespmem:v6+s10+$0x60 ss:$0x1], $0xffff;
	v19 =	vshrl.u32 v19, $0x10;
	v51 =	vsub.f32 $1.000000000e+00, v26;
	vm12 =	veq.s32 v24, v4;
	_, v49, vm14 =	vpop (xrf1);
	(xrf1) =	vunique.msk.u32 $0xffff, v13  }
0x3e5: {  	v6 =	vld.idx.msk [tilespmem:v6+s10+$0x70 ss:$0x1], $0xffff;
	v52 =	vsub.f32 $1.000000000e+00, v28;
	v55 =	vsub.f32 $1.000000000e+00, v7;
	v16 =	vsel vm12, v47, v40;
	_, v50, vm9 =	vpop (xrf1);
	(xrf1) =	vunique.msk.u32 vm3, v13  }
0x3e6: {  	vm13 =	veq.s32 v25, v4;
	v16 =	vand.u32 $0x7FFFFFFF, v16;
	[tilespmem:v12+s11+$0x0] =	vst.idx.add.s32.msk vm4, v27;
	_, v27, vm4 =	vpop (xrf1);
	(xrf1) =	vunique.msk.u32 $0xffff, v19  }
0x3e7: {  	v21 =	vsel vm13, v30, v42;
	v16 =	vshrl.u32 v16, $0x10;
	[tilespmem:v12+s29+$0x0] =	vst.idx.add.s32.msk vm5, v46;
	_, v12, vm5 =	vpop (xrf1);
	(xrf1) =	vunique.msk.u32 vm15, v19  }
0x3e8: {  	v21 =	vand.u32 $0x7FFFFFFF, v21;
	vm3 =	veq.s32 v45, v4;
	[tilespmem:v9+s11+$0x0] =	vst.idx.add.s32.msk vm7, v29;
	_, v53, vm15 =	vpop (xrf1);
	(xrf1) =	vunique.msk.u32 $0xffff, v16  }
0x3e9: {  	v21 =	vshrl.u32 v21, $0x10;
	v20 =	vsel vm3, v51, v26;
	[tilespmem:v9+s29+$0x0] =	vst.idx.add.s32.msk vm8, v31;
	_, v9, vm8 =	vpop (xrf1);
	(xrf1) =	vunique.msk.u32 vm12, v16  }
0x3ea: {  	v20 =	vand.u32 $0x7FFFFFFF, v20;
	vm7 =	veq.s32 v48, v4;
	[tilespmem:v8+s11+$0x0] =	vst.idx.add.s32.msk vm14, v49;
	_, v54, vm12 =	vpop (xrf1);
	(xrf1) =	vunique.msk.u32 $0xffff, v21  }
0x3eb: {  	v20 =	vshrl.u32 v20, $0x10;
	v23 =	vsel vm7, v52, v28;
	[tilespmem:v8+s29+$0x0] =	vst.idx.add.s32.msk vm9, v50;
	_, v56, vm6 =	vpop (xrf1);
	(xrf1) =	vunique.msk.u32 vm13, v21  }
0x3ec: {  	v23 =	vand.u32 $0x7FFFFFFF, v23;
	vm13 =	veq.s32 v6, v4;
	[tilespmem:v14+s11+$0x0] =	vst.idx.add.s32.msk vm4, v27;
	_, v6, vm14 =	vpop (xrf1);
	(xrf1) =	vunique.msk.u32 $0xffff, v20  }
0x3ed: {  	v23 =	vshrl.u32 v23, $0x10;
	v7 =	vsel vm13, v55, v7;
	[tilespmem:v14+s29+$0x0] =	vst.idx.add.s32.msk vm5, v12;
	_, v12, vm5 =	vpop (xrf1);
	(xrf1) =	vunique.msk.u32 vm3, v20  }
0x3ee: {  	v7 =	vand.u32 $0x7FFFFFFF, v7;
	[tilespmem:v17+s11+$0x0] =	vst.idx.add.s32.msk vm15, v53;
	_, v57, vm15 =	vpop (xrf1);
	(xrf1) =	vunique.msk.u32 $0xffff, v23  }
0x3ef: {  	v7 =	vshrl.u32 v7, $0x10;
	[tilespmem:v17+s29+$0x0] =	vst.idx.add.s32.msk vm8, v9;
	_, v58, vm9 =	vpop (xrf1);
	(xrf1) =	vunique.msk.u32 vm7, v23  }
0x3f0: {  	[tilespmem:v10+s11+$0x0] =	vst.idx.add.s32.msk vm12, v54;
	_, v59, vm10 =	vpop (xrf1);
	(xrf1) =	vunique.msk.u32 $0xffff, v7  }
0x3f1: {  	[tilespmem:v10+s29+$0x0] =	vst.idx.add.s32.msk vm6, v56;
	_, v8, vm6 =	vpop (xrf1);
	(xrf1) =	vunique.msk.u32 vm13, v7  }
0x3f2: {  	[tilespmem:v11+s11+$0x0] =	vst.idx.add.s32.msk vm14, v6;
	_, v6, vm11 =	vpop (xrf1)  }
0x3f3: {  	[tilespmem:v11+s29+$0x0] =	vst.idx.add.s32.msk vm5, v12;
	_, v60, vm12 =	vpop (xrf1)  }
0x3f4: {  	[tilespmem:v15+s11+$0x0] =	vst.idx.add.s32.msk vm15, v57;
	_, v61, vm13 =	vpop (xrf1)  }
0x3f5: {  	[tilespmem:v15+s29+$0x0] =	vst.idx.add.s32.msk vm9, v58;
	_, v9, vm3 =	vpop (xrf1)  }
0x3f6: {  	[tilespmem:v18+s11+$0x0] =	vst.idx.add.s32.msk vm10, v59;
	_, v62, vm14 =	vpop (xrf1)  }
0x3f7: {  	[tilespmem:v18+s29+$0x0] =	vst.idx.add.s32.msk vm6, v8;
	_, v63, vm15 =	vpop (xrf1)  }
0x3f8: {  	[tilespmem:v13+s11+$0x0] =	vst.idx.add.s32.msk vm11, v6;
	_, v6, vm1 =	vpop (xrf1)  }
0x3f9: {  	[tilespmem:v13+s29+$0x0] =	vst.idx.add.s32.msk vm12, v60;
	_, v10, vm4 =	vpop (xrf1)  }
0x3fa: {  	[tilespmem:v19+s11+$0x0] =	vst.idx.add.s32.msk vm13, v61;
	_, v11, vm0 =	vpop (xrf1)  }
0x3fb: {  	[tilespmem:v19+s29+$0x0] =	vst.idx.add.s32.msk vm3, v9;
	_, v9, vm3 =	vpop (xrf1)  }
0x3fc: {  	[tilespmem:v16+s11+$0x0] =	vst.idx.add.s32.msk vm14, v62;
	_, v12, vm2 =	vpop (xrf1)  }
0x3fd: {  	[tilespmem:v16+s29+$0x0] =	vst.idx.add.s32.msk vm15, v63;
	_, v8, vm5 =	vpop (xrf1)  }
0x3fe: {  	[tilespmem:v21+s11+$0x0] =	vst.idx.add.s32.msk vm1, v6;
	_, v6, vm1 =	vpop (xrf1)  }
0x3ff: {  	[tilespmem:v21+s29+$0x0] =	vst.idx.add.s32.msk vm4, v10;
	_, v10, vm4 =	vpop (xrf1)  }
0x400: {  	[tilespmem:v20+s11+$0x0] =	vst.idx.add.s32.msk vm0, v11  }
0x401: {  	[tilespmem:v20+s29+$0x0] =	vst.idx.add.s32.msk vm3, v9  }
0x402: {  	[tilespmem:v23+s11+$0x0] =	vst.idx.add.s32.msk vm2, v12  }
0x403: {  	[tilespmem:v23+s29+$0x0] =	vst.idx.add.s32.msk vm5, v8  }
0x404: {  	[tilespmem:v7+s11+$0x0] =	vst.idx.add.s32.msk vm1, v6  }
0x405: {  	[tilespmem:v7+s29+$0x0] =	vst.idx.add.s32.msk vm4, v10  }
0x406: {  	p3 =	seq.s32 s9, $0x10  }
.Ltmp42:
0x407: {  	_ = 	snop;
	(pc) =	sbr.rel @!p3 .LBB2_78-.Ltmp42, $2  }
0x408: {  	_ =	sdelay $0x2  }
0x409: {  	p1 =	por !p1, !p1;
	p2 =	por !p2, !p2;
	s1 =	smov.u32 s9  }
0x40a: {  	s1 =	rddreg [dreg:$0xa]  }
0x40b: {  	[hbm4b:s1+s30] =	stream.strided.scatter [tilespmem:s11], [sflag:$0x5], $0x8000, s31, s30, $0x38;
	[tilespmem:$0x18000] =	vst v63  }
0x40c: {  	_ =	swait.ge [sflag:s21], $0x8000  }
0x40d: {  	[sflag:s21] =	ssyncset.done $0x0  }
.Ltmp43:
0x40e: {  	s28 =	rddreg [dreg:$0xb];
	[sflag:s21] =	ssyncadd.s32 $0xFFFF8000;
	(pc) =	sbr.rel .LBB2_88-.Ltmp43, $4  }
0x40f: {  	[hbm4b:s28+s30] =	stream.strided.scatter [tilespmem:s29], [sflag:$0x5], $0x8000, s31, s30, $0x38;
	[tilespmem:$0x18000] =	vst v63  }
0x410: {  	_ =	swait.ge [sflag:s21], $0x8000  }
0x411: {  	[sflag:s21] =	ssyncset.done $0x0  }
0x412: {  	[sflag:s21] =	ssyncadd.s32 $0xFFFF8000  }
.LBB2_89:
0x413: {  	_ =	sfence.sel $0x180000  }
0x414: {  	[bflag:$0x0] =	sbarrier.arrive $0xFFFF  }
0x415: {  	_ =	strace $0x90000047  }
0x416: {  	s0 =	stileid.u32;
	[bflag:$0x2] =	sbarrier.arrive $0xFFFF  }
0x417: {  	p0 =	sne.s32 s0, $0x0;
	s0 =	rddreg [dreg:$0x1]  }
0x418: {  	s0 =	sadd.s32 @!p0 $0x100000, s0  }
0x419: {  	[sflag:s0] =	ssyncadd.tile.s32 @!p0 $0x1;
	_ =	shalt  }
.Lfunc_end2:
_tile_overlayer_lowered:
.L_overlay_start_2:
0x41a: {  	(tag) =	ssettag $0x2  }
0x41b: {  	s0 =	rddreg [dreg:$0x0];
	s2 =	stileid.u32  }
0x41c: {  	s1 =	rddreg [dreg:$0x1];
	p0 =	sne.s32 s2, $0x0  }
0x41d: {  	s3 =	rddreg [dreg:$0x2];
	[bflag:$0x3] =	sbarrier.arrive $0xFFFF;
	s2 =	simm.s32 @!p0 $0x1C05  }
0x41e: {  	[timem:s3], [sflag:s2] =	dma.local @!p0 [hbm:s0], s1  }
0x41f: {  	s0 =	simm.s32 @!p0 $0x5  }
0x420: {  	_ =	swait.ge @!p0 [sflag:s0], s1  }
0x421: {  	s1 =	ssub.s32 @!p0 $0x0, s1;
	[sflag:s0] =	ssyncset.done @!p0 $0x0  }
0x422: {  	[sflag:s0] =	ssyncadd.s32 @!p0 s1  }
0x423: {  	[bflag:$0x3] =	sbarrier.arrive $0xFFFF  }
0x424: {  	_ =	shalt  }

</sc_bundles>
